<compile_context>
chip_gen: v7x
topology: tpu7x:2x2x1
jax: 0.10.2.dev20260603
libtpu: 0.0.44.dev20260713+nightly
codegen_flags: <defaults>
</compile_context>

<pallas_src>
import jax
import jax.numpy as jnp
import numpy as np
from jax import lax
from jax.experimental import pallas as pl
from jax.experimental.pallas import tpu as pltpu
from jax.experimental.pallas import tpu_sc as plsc

N = 100000
E = 1600000
D = 32
H = 32
G = 16
B = 128
T = 5

NPAD = 100352
EPAD = 1638400
EROWS = EPAD // 128
NPT = NPAD // 16
ERT = EROWS // 16
DRT = EROWS // 32

NP4 = NPAD // 4
BLK4 = 256
NBLK = NP4 // BLK4
NROW4 = N // 4

_mesh = plsc.VectorSubcoreMesh(
    core_axis_name="c", subcore_axis_name="s", num_cores=2, num_subcores=16)



def _deg_body(dstr_hbm, zinit_hbm, onesrow_hbm, out_hbm, idx_v, ones_v, acc_sh, sem):
    c = lax.axis_index("c")
    s = lax.axis_index("s")
    w = c * 16 + s
    nb = s * NPT
    pltpu.sync_copy(zinit_hbm.at[pl.ds(nb, NPT)], acc_sh.at[pl.ds(nb, NPT)])
    pltpu.sync_copy(onesrow_hbm, ones_v)
    plsc.subcore_barrier()

    def outer(i, _):
        pltpu.sync_copy(dstr_hbm.at[pl.ds(w * DRT + i * 16, 16)], idx_v)
        sd = [pltpu.async_copy(ones_v, acc_sh.at[idx_v.at[j]], sem, add=True)
              for j in range(16)]
        for d in sd:
            d.wait()
        return 0

    lax.fori_loop(0, DRT // 16, outer, 0)
    plsc.subcore_barrier()
    pltpu.sync_copy(acc_sh.at[pl.ds(nb, NPT)],
                    out_hbm.at[pl.ds(nb, NPT), c])


_deg_call = pl.kernel(
    _deg_body,
    out_type=jax.ShapeDtypeStruct((NPAD, 2, 16), jnp.float32),
    mesh=_mesh,
    scratch_types=[
        pltpu.VMEM((16, 128), jnp.int32),
        pltpu.VMEM((128, 16), jnp.float32),
        pltpu.VMEM_SHARED((NPAD, 16), jnp.float32),
        pltpu.SemaphoreType.DMA,
    ],
    compiler_params=pltpu.CompilerParams(use_tc_tiling_on_sc=False),
)


def _edge_body(hsg_hbm, zinit_hbm, srcr2_hbm, dstr_hbm, out_hbm, src_v, dst_v,
               rows_v, acc_sh, *sems):
    gsems, ssems = sems[:8], sems[8:]
    c = lax.axis_index("c")
    s = lax.axis_index("s")
    nb = s * NPT
    pltpu.sync_copy(zinit_hbm.at[pl.ds(nb, NPT)], acc_sh.at[pl.ds(nb, NPT)])
    plsc.subcore_barrier()
    er0 = s * ERT
    src_c = srcr2_hbm.at[c]

    def outer(i, _):
        pltpu.sync_copy(src_c.at[pl.ds(er0 + i * 32, 32)], src_v)
        pltpu.sync_copy(dstr_hbm.at[pl.ds(er0 + i * 32, 32)], dst_v)

        def sub(m, _):
            @pl.when(i * 4 + m > 0)
            def _():
                for k in range(8):
                    pltpu.make_async_copy(
                        rows_v.at[k], acc_sh.at[dst_v.at[m * 8 + k]],
                        ssems[k]).wait()

            gd = [pltpu.async_copy(hsg_hbm.at[src_v.at[m * 8 + k]],
                                   rows_v.at[k], gsems[k])
                  for k in range(8)]
            for k in range(8):
                gd[k].wait()
                pltpu.async_copy(rows_v.at[k], acc_sh.at[dst_v.at[m * 8 + k]],
                                 ssems[k], add=True)
            return 0

        lax.fori_loop(0, 4, sub, 0)
        return 0

    lax.fori_loop(0, ERT // 32, outer, 0)
    for k in range(8):
        pltpu.make_async_copy(rows_v.at[k], acc_sh.at[dst_v.at[31]],
                              ssems[k]).wait()
    plsc.subcore_barrier()
    pltpu.sync_copy(acc_sh.at[pl.ds(nb, NPT)],
                    out_hbm.at[pl.ds(nb, NPT), c])


_edge_call = pl.kernel(
    _edge_body,
    out_type=jax.ShapeDtypeStruct((NPAD, 2, 16), jnp.float32),
    mesh=_mesh,
    scratch_types=[
        pltpu.VMEM((32, 128), jnp.int32),
        pltpu.VMEM((32, 128), jnp.int32),
        pltpu.VMEM((8, 128, 16), jnp.float32),
        pltpu.VMEM_SHARED((NPAD, 16), jnp.float32),
    ] + [pltpu.SemaphoreType.DMA] * 16,
    compiler_params=pltpu.CompilerParams(use_tc_tiling_on_sc=False),
)



def _a_body(x_ref, cnt_ref, fc_ref, w14_ref, hs_ref, dq_ref):
    cnt = jnp.dot(jnp.maximum(cnt_ref[...], 0.0), fc_ref[...],
                  preferred_element_type=jnp.float32)
    dq = lax.rsqrt(1.0 + cnt)
    hs_ref[...] = jnp.dot(x_ref[...], w14_ref[...],
                          preferred_element_type=jnp.float32) * dq
    dq_ref[...] = dq


def _tc_a(xp, cntp, Fc, W14):
    return pl.pallas_call(
        _a_body,
        grid=(NBLK,),
        in_specs=[
            pl.BlockSpec((BLK4, 128), lambda i: (i, 0)),
            pl.BlockSpec((BLK4, 128), lambda i: (i, 0)),
            pl.BlockSpec((128, 128), lambda i: (0, 0)),
            pl.BlockSpec((128, 128), lambda i: (0, 0)),
        ],
        out_specs=[
            pl.BlockSpec((BLK4, 128), lambda i: (i, 0)),
            pl.BlockSpec((BLK4, 128), lambda i: (i, 0)),
        ],
        out_shape=[
            jax.ShapeDtypeStruct((NP4, 128), jnp.float32),
            jax.ShapeDtypeStruct((NP4, 128), jnp.float32),
        ],
    )(xp, cntp, Fc, W14)


def _layer_body(agg_ref, hs_ref, dq_ref, b_ref, g_ref, be_ref, f_ref, w_ref,
                out_ref, st_ref):
    ph = pl.program_id(0)
    i = pl.program_id(1)
    dq = dq_ref[...]
    t = (agg_ref[...] + hs_ref[...]) * dq + b_ref[...]

    @pl.when(ph == 0)
    def _():
        rows = lax.broadcasted_iota(jnp.int32, (BLK4, 1), 0) + i * BLK4
        tm = jnp.where(rows < NROW4, t, 0.0)
        s0 = jnp.sum(tm, axis=0)
        s1 = jnp.sum(tm * tm, axis=0)
        stacked = jnp.concatenate(
            [s0[None, :], s1[None, :], jnp.zeros((6, 128), jnp.float32)],
            axis=0)

        @pl.when(i == 0)
        def _():
            st_ref[...] = jnp.zeros((8, 128), jnp.float32)

        st_ref[...] += jnp.dot(stacked, f_ref[...],
                               preferred_element_type=jnp.float32)

    @pl.when(ph == 1)
    def _():
        m = st_ref[0:1, :] / N
        v = st_ref[1:2, :] / N - m * m
        sc = g_ref[...] * lax.rsqrt(v + 1e-5)
        hn = jnp.maximum((t - m) * sc + be_ref[...], 0.0)
        out_ref[...] = jnp.dot(hn, w_ref[...],
                               preferred_element_type=jnp.float32) * dq


def _tc_layer(agg, hs, dq, b4, g4, be4, F, W4):
    return pl.pallas_call(
        _layer_body,
        grid=(2, NBLK),
        in_specs=[
            pl.BlockSpec((BLK4, 128), lambda p, i: (i, 0)),
            pl.BlockSpec((BLK4, 128), lambda p, i: (i, 0)),
            pl.BlockSpec((BLK4, 128), lambda p, i: (i, 0)),
            pl.BlockSpec((1, 128), lambda p, i: (0, 0)),
            pl.BlockSpec((1, 128), lambda p, i: (0, 0)),
            pl.BlockSpec((1, 128), lambda p, i: (0, 0)),
            pl.BlockSpec((128, 128), lambda p, i: (0, 0)),
            pl.BlockSpec((128, 128), lambda p, i: (0, 0)),
        ],
        out_specs=pl.BlockSpec((BLK4, 128), lambda p, i: (i, 0)),
        out_shape=jax.ShapeDtypeStruct((NP4, 128), jnp.float32),
        scratch_shapes=[pltpu.VMEM((8, 128), jnp.float32)],
    )(agg, hs, dq, b4, g4, be4, F, W4)


def _tail_body(agg_ref, hs_ref, dq_ref, b_ref, bid_ref, gf_ref, gw_ref,
               gb_ref, pw1_ref, pb1_ref, pw2_ref, pb2_ref, out_ref,
               ps_ref, pc_ref):
    i = pl.program_id(0)

    @pl.when(i < NBLK)
    def _():
        t = (agg_ref[...] + hs_ref[...]) * dq_ref[...] + b_ref[...]
        rows = lax.broadcasted_iota(jnp.int32, (BLK4, 1), 0) + i * BLK4
        t = jnp.where(rows < NROW4, t, 0.0)

        @pl.when(i == 0)
        def _():
            ps_ref[...] = jnp.zeros((B, H), jnp.float32)
            pc_ref[...] = jnp.zeros((B, 1), jnp.float32)

        lane_b = lax.broadcasted_iota(jnp.int32, (BLK4, B), 1)
        psum = jnp.zeros((B, H), jnp.float32)
        cnt = jnp.zeros((B, 1), jnp.float32)
        for q in range(4):
            oh = (bid_ref[:, q:q + 1] == lane_b).astype(jnp.float32)
            psum += lax.dot_general(oh, t[:, 32 * q:32 * q + 32],
                                    (((0,), (0,)), ((), ())),
                                    preferred_element_type=jnp.float32)
            cnt += jnp.sum(oh, axis=0)[:, None]
        ps_ref[...] += psum
        pc_ref[...] += cnt

    @pl.when(i == NBLK)
    def _():
        pooled = ps_ref[...] / jnp.maximum(pc_ref[...], 1.0)
        grepr = jnp.maximum(
            jnp.dot(gf_ref[...], gw_ref[...],
                    preferred_element_type=jnp.float32) + gb_ref[...], 0.0)
        comb = jnp.concatenate([pooled, grepr], axis=1)
        hid = jnp.maximum(
            jnp.dot(comb, pw1_ref[...], preferred_element_type=jnp.float32)
            + pb1_ref[...], 0.0)
        out_ref[...] = (jnp.dot(hid, pw2_ref[...],
                                preferred_element_type=jnp.float32)
                        + pb2_ref[...])


def _tc_tail(agg, hs, dq, b4, bid4, gf, gW, gb, pW1, pb1, pW2, pb2):
    blk = lambda i: (jnp.minimum(i, NBLK - 1), 0)
    return pl.pallas_call(
        _tail_body,
        grid=(NBLK + 1,),
        in_specs=[
            pl.BlockSpec((BLK4, 128), blk),
            pl.BlockSpec((BLK4, 128), blk),
            pl.BlockSpec((BLK4, 128), blk),
            pl.BlockSpec((1, 128), lambda i: (0, 0)),
            pl.BlockSpec((BLK4, 4), blk),
            pl.BlockSpec((B, G), lambda i: (0, 0)),
            pl.BlockSpec((G, G), lambda i: (0, 0)),
            pl.BlockSpec((1, G), lambda i: (0, 0)),
            pl.BlockSpec((H + G, H), lambda i: (0, 0)),
            pl.BlockSpec((1, H), lambda i: (0, 0)),
            pl.BlockSpec((H, T), lambda i: (0, 0)),
            pl.BlockSpec((1, T), lambda i: (0, 0)),
        ],
        out_specs=pl.BlockSpec((B, T), lambda i: (0, 0)),
        out_shape=jax.ShapeDtypeStruct((B, T), jnp.float32),
        scratch_shapes=[
            pltpu.VMEM((B, H), jnp.float32),
            pltpu.VMEM((B, 1), jnp.float32),
        ],
    )(agg, hs, dq, b4, bid4, gf, gW, gb, pW1, pb1, pW2, pb2)



_F_FOLD = np.kron(np.ones((4, 4), np.float32), np.eye(32, dtype=np.float32))
_F_CNT = np.kron(np.eye(4, dtype=np.float32),
                 np.kron(np.ones((2, 2), np.float32),
                         np.eye(16, dtype=np.float32)))


def _kron4(W):
    return jnp.kron(jnp.asarray(np.eye(4, dtype=np.float32)), W)


def kernel(x, edge_index, batch, global_features, W1, b1, W2, b2, W3, b3,
           g1, be1, g2, be2, gW, gb, pW1, pb1, pW2, pb2):
    xp = jnp.pad(x, ((0, NPAD - N), (0, 0))).reshape(NP4, 128)
    src2 = 2 * jnp.pad(edge_index[0], (0, EPAD - E))
    srcr2 = jnp.stack([src2, src2 + 1]).reshape(2, EROWS, 128)
    dstr = jnp.pad(edge_index[1], (0, EPAD - E), constant_values=N).reshape(EROWS, 128)
    bid4 = jnp.pad(batch, (0, NPAD - N), constant_values=B).reshape(NP4, 4)
    zinit = jnp.zeros((NPAD, 16), jnp.float32)
    onesrow = jnp.ones((128, 16), jnp.float32)

    f_cnt = jnp.asarray(_F_CNT)
    f_fold = jnp.asarray(_F_FOLD)
    cntp = _deg_call(dstr, zinit, onesrow).reshape(NP4, 128)
    hs1, dq = _tc_a(xp, cntp, f_cnt, _kron4(W1))

    def edge(hs):
        out = _edge_call(hs.reshape(2 * NPAD, 16), zinit, srcr2, dstr)
        return out.reshape(NP4, 128)

    def tile4(v):
        return jnp.tile(v, 4).reshape(1, 128)

    agg1 = edge(hs1)
    hs2 = _tc_layer(agg1, hs1, dq, tile4(b1), tile4(g1), tile4(be1),
                    f_fold, _kron4(W2))
    agg2 = edge(hs2)
    hs3 = _tc_layer(agg2, hs2, dq, tile4(b2), tile4(g2), tile4(be2),
                    f_fold, _kron4(W3))
    agg3 = edge(hs3)
    return _tc_tail(agg3, hs3, dq, tile4(b3), bid4, global_features, gW,
                    gb.reshape(1, G), pW1, pb1.reshape(1, H), pW2,
                    pb2.reshape(1, T))

# --- scband reference (transcript-rebuilt; emitter-appended) ---
"""Pipeline reference for scband-simple-gcn-6640019440134 (READ-ONLY COPY).

The authoritative reference and input builder live on the scoring server;
editing this copy changes nothing except your own understanding.
"""

import jax, jax.numpy as jnp
import numpy as np

N = 100000
E = 1600000
D = 32
H = 32
G = 16
B = 128
T = 5


def setup_inputs(seed: int = 0) -> dict:
    key = jax.random.key(seed)
    ks = jax.random.split(key, 16)

    def w(i, shape, fan):
        return jax.random.normal(ks[i], shape, jnp.float32) / np.sqrt(fan)

    inp = {
        "x": jax.random.normal(ks[0], (N, D), jnp.float32),
        "edge_index": jax.random.randint(ks[1], (2, E), 0, N, jnp.int32),
        "batch": jnp.sort(jax.random.randint(ks[2], (N,), 0, B, jnp.int32)),
        "global_features": jax.random.normal(ks[3], (B, G), jnp.float32),
        "W1": w(4, (D, H), D), "b1": jnp.zeros((H,), jnp.float32),
        "W2": w(5, (H, H), H), "b2": jnp.zeros((H,), jnp.float32),
        "W3": w(6, (H, H), H), "b3": jnp.zeros((H,), jnp.float32),
        "g1": jnp.ones((H,), jnp.float32), "be1": jnp.zeros((H,), jnp.float32),
        "g2": jnp.ones((H,), jnp.float32), "be2": jnp.zeros((H,), jnp.float32),
        "gW": w(7, (G, H // 2), G), "gb": jnp.zeros((H // 2,), jnp.float32),
        "pW1": w(8, (H + H // 2, H), H + H // 2), "pb1": jnp.zeros((H,), jnp.float32),
        "pW2": w(9, (H, T), H), "pb2": jnp.zeros((T,), jnp.float32),
    }
    return inp


def _gcn(x, src, dst, deg_isqrt, W, b):
    h = x @ W
    norm = deg_isqrt[src] * deg_isqrt[dst]
    msg = h[src] * norm[:, None]
    out = jax.ops.segment_sum(msg, dst, num_segments=N)
    return out + b


def _bn(h, g, b):
    m = h.mean(axis=0)
    v = h.var(axis=0)
    return (h - m) / jnp.sqrt(v + 1e-5) * g + b


def reference(x, edge_index, batch, global_features, W1, b1, W2, b2, W3, b3,
              g1, be1, g2, be2, gW, gb, pW1, pb1, pW2, pb2):
    loop = jnp.arange(N, dtype=edge_index.dtype)
    src = jnp.concatenate([edge_index[0], loop])
    dst = jnp.concatenate([edge_index[1], loop])
    deg = jax.ops.segment_sum(jnp.ones_like(src, dtype=x.dtype), dst, num_segments=N)
    deg_isqrt = 1.0 / jnp.sqrt(jnp.maximum(deg, 1.0))

    h = jax.nn.relu(_bn(_gcn(x, src, dst, deg_isqrt, W1, b1), g1, be1))
    h = jax.nn.relu(_bn(_gcn(h, src, dst, deg_isqrt, W2, b2), g2, be2))
    h = _gcn(h, src, dst, deg_isqrt, W3, b3)

    sums = jax.ops.segment_sum(h, batch, num_segments=B)
    cnt = jax.ops.segment_sum(jnp.ones((N,), x.dtype), batch, num_segments=B)
    pooled = sums / jnp.maximum(cnt, 1.0)[:, None]

    grepr = jax.nn.relu(global_features @ gW + gb)
    comb = jnp.concatenate([pooled, grepr], axis=1)
    hid = jax.nn.relu(comb @ pW1 + pb1)
    return hid @ pW2 + pb2

if __name__ == "__main__":
    import jax
    _d = setup_inputs()
    print(jax.jit(kernel)(*tuple(_d.values())))

</pallas_src>

<mosaic_0001>
#map = affine_map<(d0, d1) -> (0, 0)>
#map1 = affine_map<(d0, d1) -> (0, 0, 0)>
module attributes {stable_mosaic.version = 14 : i64} {
  func.func @_edge_body(%arg0: i32, %arg1: i32, %arg2: memref<200704x16xf32, #tpu.memory_space<hbm>>, %arg3: memref<100352x16xf32, #tpu.memory_space<hbm>>, %arg4: memref<2x12800x128xi32, #tpu.memory_space<hbm>>, %arg5: memref<12800x128xi32, #tpu.memory_space<hbm>>, %arg6: memref<100352x2x16xf32, #tpu.memory_space<hbm>>, %arg7: memref<32x128xi32, #tpu.memory_space<vmem>>, %arg8: memref<32x128xi32, #tpu.memory_space<vmem>>, %arg9: memref<8x128x16xf32, #tpu.memory_space<vmem>>, %arg10: memref<100352x16xf32, #tpu.memory_space<vmem_shared>>, %arg11: memref<!tpu.dma_semaphore, #tpu.memory_space<semaphore_mem>>, %arg12: memref<!tpu.dma_semaphore, #tpu.memory_space<semaphore_mem>>, %arg13: memref<!tpu.dma_semaphore, #tpu.memory_space<semaphore_mem>>, %arg14: memref<!tpu.dma_semaphore, #tpu.memory_space<semaphore_mem>>, %arg15: memref<!tpu.dma_semaphore, #tpu.memory_space<semaphore_mem>>, %arg16: memref<!tpu.dma_semaphore, #tpu.memory_space<semaphore_mem>>, %arg17: memref<!tpu.dma_semaphore, #tpu.memory_space<semaphore_mem>>, %arg18: memref<!tpu.dma_semaphore, #tpu.memory_space<semaphore_mem>>, %arg19: memref<!tpu.dma_semaphore, #tpu.memory_space<semaphore_mem>>, %arg20: memref<!tpu.dma_semaphore, #tpu.memory_space<semaphore_mem>>, %arg21: memref<!tpu.dma_semaphore, #tpu.memory_space<semaphore_mem>>, %arg22: memref<!tpu.dma_semaphore, #tpu.memory_space<semaphore_mem>>, %arg23: memref<!tpu.dma_semaphore, #tpu.memory_space<semaphore_mem>>, %arg24: memref<!tpu.dma_semaphore, #tpu.memory_space<semaphore_mem>>, %arg25: memref<!tpu.dma_semaphore, #tpu.memory_space<semaphore_mem>>, %arg26: memref<!tpu.dma_semaphore, #tpu.memory_space<semaphore_mem>>) attributes {dimension_semantics = [#tpu.dimension_semantics<core_parallel>, #tpu.dimension_semantics<subcore_parallel>], iteration_bounds = array<i64: 2, 16>, scalar_prefetch = 0 : i64, scratch_operands = 20 : i64, tpu.core_type = #tpu.core_type<sc_vector_subcore>, window_params = [{transform_indices = #map}, {transform_indices = #map}, {transform_indices = #map1}, {transform_indices = #map}, {transform_indices = #map1}]} {
    %mul3A = arith.constant 6272 : i32
    %mul3A_0 = arith.muli %arg1, %mul3A : i32
    "tpu.region"() ({
      %run_scoped3A = tpu.sem_alloc : memref<!tpu.dma_semaphore, #tpu.memory_space<semaphore_mem>>
      %dma_start3A = arith.constant 0 : i32
      %dma_start3A_105 = tpu.memref_slice %arg10[%mul3A_0, %dma_start3A] : memref<100352x16xf32, #tpu.memory_space<vmem_shared>> -> memref<6272x16xf32, #tpu.memory_space<vmem_shared>>
      %dma_start3A_106 = arith.constant 0 : i32
      %dma_start3A_107 = tpu.memref_slice %arg3[%mul3A_0, %dma_start3A_106] : memref<100352x16xf32, #tpu.memory_space<hbm>> -> memref<6272x16xf32, #tpu.memory_space<hbm>>
      tpu.enqueue_dma source(%dma_start3A_107 : memref<6272x16xf32, #tpu.memory_space<hbm>>) target(%dma_start3A_105 : memref<6272x16xf32, #tpu.memory_space<vmem_shared>>) target_semaphore(%run_scoped3A : memref<!tpu.dma_semaphore, #tpu.memory_space<semaphore_mem>>)
      %dma_wait3A_108 = arith.constant 0 : i32
      %dma_wait3A_109 = tpu.memref_slice %arg10[%mul3A_0, %dma_wait3A_108] : memref<100352x16xf32, #tpu.memory_space<vmem_shared>> -> memref<6272x16xf32, #tpu.memory_space<vmem_shared>>
      %dma_wait3A_110 = arith.constant 0 : i32
      %dma_wait3A_111 = tpu.memref_slice %arg3[%mul3A_0, %dma_wait3A_110] : memref<100352x16xf32, #tpu.memory_space<hbm>> -> memref<6272x16xf32, #tpu.memory_space<hbm>>
      tpu.wait_dma2 semaphore(%run_scoped3A : memref<!tpu.dma_semaphore, #tpu.memory_space<semaphore_mem>>) src(%dma_wait3A_111 : memref<6272x16xf32, #tpu.memory_space<hbm>>) dst(%dma_wait3A_109 : memref<6272x16xf32, #tpu.memory_space<vmem_shared>>)
      tpu.yield
    }) : () -> ()
    %barrier3A = arith.constant 0 : index
    tpu.barrier barrier_id(%barrier3A)
    %mul3A_1 = arith.constant 800 : i32
    %mul3A_2 = arith.muli %arg1, %mul3A_1 : i32
    %scan3A = arith.constant 0 : i32
    %scan3A_3 = arith.constant 0 : i32
    %scan3A_4 = arith.constant 25 : i32
    %scan3A_5 = arith.addi %scan3A_3, %scan3A_4 : i32
    %scan3A_6 = arith.constant 1 : i32
    %scan3A_7 = scf.for %scan3A_105 = %scan3A_3 to %scan3A_5 step %scan3A_6 iter_args(%scan3A_106 = %scan3A) -> (i32)  : i32 {
      %mul3A_107 = arith.constant 32 : i32
      %mul3A_108 = arith.muli %scan3A_105, %mul3A_107 : i32
      %add3A = arith.addi %mul3A_2, %mul3A_108 : i32
      "tpu.region"() ({
        %run_scoped3A = tpu.sem_alloc : memref<!tpu.dma_semaphore, #tpu.memory_space<semaphore_mem>>
        %dma_start3A = arith.constant 0 : i32
        %dma_start3A_120 = arith.constant 0 : i32
        %dma_start3A_121 = tpu.memref_slice %arg4[%arg0, %dma_start3A, %dma_start3A_120] : memref<2x12800x128xi32, #tpu.memory_space<hbm>> -> memref<1x12800x128xi32, #tpu.memory_space<hbm>>
        %dma_start3A_122 = tpu.memref_squeeze %dma_start3A_121 : memref<1x12800x128xi32, #tpu.memory_space<hbm>> -> memref<12800x128xi32, #tpu.memory_space<hbm>>
        %dma_start3A_123 = arith.constant 0 : i32
        %dma_start3A_124 = tpu.memref_slice %dma_start3A_122[%add3A, %dma_start3A_123] : memref<12800x128xi32, #tpu.memory_space<hbm>> -> memref<32x128xi32, #tpu.memory_space<hbm>>
        %dma_start3A_125 = arith.constant 0 : i32
        %dma_start3A_126 = arith.constant 0 : i32
        %dma_start3A_127 = tpu.memref_slice %arg4[%arg0, %dma_start3A_125, %dma_start3A_126] : memref<2x12800x128xi32, #tpu.memory_space<hbm>> -> memref<1x12800x128xi32, #tpu.memory_space<hbm>>
        %dma_start3A_128 = tpu.memref_squeeze %dma_start3A_127 : memref<1x12800x128xi32, #tpu.memory_space<hbm>> -> memref<12800x128xi32, #tpu.memory_space<hbm>>
        %dma_start3A_129 = arith.constant 0 : i32
        %dma_start3A_130 = tpu.memref_slice %dma_start3A_128[%add3A, %dma_start3A_129] : memref<12800x128xi32, #tpu.memory_space<hbm>> -> memref<32x128xi32, #tpu.memory_space<hbm>>
        tpu.enqueue_dma source(%dma_start3A_130 : memref<32x128xi32, #tpu.memory_space<hbm>>) target(%arg7 : memref<32x128xi32, #tpu.memory_space<vmem>>) target_semaphore(%run_scoped3A : memref<!tpu.dma_semaphore, #tpu.memory_space<semaphore_mem>>)
        %dma_wait3A_131 = arith.constant 0 : i32
        %dma_wait3A_132 = arith.constant 0 : i32
        %dma_wait3A_133 = tpu.memref_slice %arg4[%arg0, %dma_wait3A_131, %dma_wait3A_132] : memref<2x12800x128xi32, #tpu.memory_space<hbm>> -> memref<1x12800x128xi32, #tpu.memory_space<hbm>>
        %dma_wait3A_134 = tpu.memref_squeeze %dma_wait3A_133 : memref<1x12800x128xi32, #tpu.memory_space<hbm>> -> memref<12800x128xi32, #tpu.memory_space<hbm>>
        %dma_wait3A_135 = arith.constant 0 : i32
        %dma_wait3A_136 = tpu.memref_slice %dma_wait3A_134[%add3A, %dma_wait3A_135] : memref<12800x128xi32, #tpu.memory_space<hbm>> -> memref<32x128xi32, #tpu.memory_space<hbm>>
        %dma_wait3A_137 = arith.constant 0 : i32
        %dma_wait3A_138 = arith.constant 0 : i32
        %dma_wait3A_139 = tpu.memref_slice %arg4[%arg0, %dma_wait3A_137, %dma_wait3A_138] : memref<2x12800x128xi32, #tpu.memory_space<hbm>> -> memref<1x12800x128xi32, #tpu.memory_space<hbm>>
        %dma_wait3A_140 = tpu.memref_squeeze %dma_wait3A_139 : memref<1x12800x128xi32, #tpu.memory_space<hbm>> -> memref<12800x128xi32, #tpu.memory_space<hbm>>
        %dma_wait3A_141 = arith.constant 0 : i32
        %dma_wait3A_142 = tpu.memref_slice %dma_wait3A_140[%add3A, %dma_wait3A_141] : memref<12800x128xi32, #tpu.memory_space<hbm>> -> memref<32x128xi32, #tpu.memory_space<hbm>>
        tpu.wait_dma2 semaphore(%run_scoped3A : memref<!tpu.dma_semaphore, #tpu.memory_space<semaphore_mem>>) src(%dma_wait3A_142 : memref<32x128xi32, #tpu.memory_space<hbm>>) dst(%arg7 : memref<32x128xi32, #tpu.memory_space<vmem>>)
        tpu.yield
      }) : () -> ()
      %mul3A_109 = arith.constant 32 : i32
      %mul3A_110 = arith.muli %scan3A_105, %mul3A_109 : i32
      %add3A_111 = arith.addi %mul3A_2, %mul3A_110 : i32
      "tpu.region"() ({
        %run_scoped3A = tpu.sem_alloc : memref<!tpu.dma_semaphore, #tpu.memory_space<semaphore_mem>>
        %dma_start3A = arith.constant 0 : i32
        %dma_start3A_120 = tpu.memref_slice %arg5[%add3A_111, %dma_start3A] : memref<12800x128xi32, #tpu.memory_space<hbm>> -> memref<32x128xi32, #tpu.memory_space<hbm>>
        %dma_start3A_121 = arith.constant 0 : i32
        %dma_start3A_122 = tpu.memref_slice %arg5[%add3A_111, %dma_start3A_121] : memref<12800x128xi32, #tpu.memory_space<hbm>> -> memref<32x128xi32, #tpu.memory_space<hbm>>
        tpu.enqueue_dma source(%dma_start3A_122 : memref<32x128xi32, #tpu.memory_space<hbm>>) target(%arg8 : memref<32x128xi32, #tpu.memory_space<vmem>>) target_semaphore(%run_scoped3A : memref<!tpu.dma_semaphore, #tpu.memory_space<semaphore_mem>>)
        %dma_wait3A_123 = arith.constant 0 : i32
        %dma_wait3A_124 = tpu.memref_slice %arg5[%add3A_111, %dma_wait3A_123] : memref<12800x128xi32, #tpu.memory_space<hbm>> -> memref<32x128xi32, #tpu.memory_space<hbm>>
        %dma_wait3A_125 = arith.constant 0 : i32
        %dma_wait3A_126 = tpu.memref_slice %arg5[%add3A_111, %dma_wait3A_125] : memref<12800x128xi32, #tpu.memory_space<hbm>> -> memref<32x128xi32, #tpu.memory_space<hbm>>
        tpu.wait_dma2 semaphore(%run_scoped3A : memref<!tpu.dma_semaphore, #tpu.memory_space<semaphore_mem>>) src(%dma_wait3A_126 : memref<32x128xi32, #tpu.memory_space<hbm>>) dst(%arg8 : memref<32x128xi32, #tpu.memory_space<vmem>>)
        tpu.yield
      }) : () -> ()
      %scan3A_112 = arith.constant 0 : i32
      %scan3A_113 = arith.constant 0 : i32
      %scan3A_114 = arith.constant 4 : i32
      %scan3A_115 = arith.addi %scan3A_113, %scan3A_114 : i32
      %scan3A_116 = arith.constant 1 : i32
      %scan3A_117 = scf.for %scan3A_120 = %scan3A_113 to %scan3A_115 step %scan3A_116 iter_args(%scan3A_121 = %scan3A_112) -> (i32)  : i32 {
        %mul3A_122 = arith.constant 4 : i32
        %mul3A_123 = arith.muli %scan3A_105, %mul3A_122 : i32
        %add3A_124 = arith.addi %mul3A_123, %scan3A_120 : i32
        %gt3A = arith.constant 0 : i32
        %gt3A_125 = arith.cmpi sgt, %add3A_124, %gt3A : i32
        %convert_element_type3A = arith.extui %gt3A_125 : i1 to i32
        %cond3A = arith.constant 0 : i32
        %cond3A_126 = arith.cmpi ne, %convert_element_type3A, %cond3A : i32
        scf.if %cond3A_126 {
          %mul3A_455 = arith.constant 8 : i32
          %mul3A_456 = arith.muli %scan3A_120, %mul3A_455 : i32
          %add3A_457 = arith.constant 0 : i32
          %add3A_458 = arith.addi %mul3A_456, %add3A_457 : i32
          %dma_wait3A_459 = arith.constant 0 : i32
          %dma_wait3A_460 = arith.constant 0 : i32
          %dma_wait3A_461 = arith.constant 0 : i32
          %dma_wait3A_462 = tpu.memref_slice %arg9[%dma_wait3A_459, %dma_wait3A_460, %dma_wait3A_461] : memref<8x128x16xf32, #tpu.memory_space<vmem>> -> memref<1x128x16xf32, #tpu.memory_space<vmem>>
          %dma_wait3A_463 = tpu.memref_squeeze %dma_wait3A_462 : memref<1x128x16xf32, #tpu.memory_space<vmem>> -> memref<128x16xf32, #tpu.memory_space<vmem>>
          %dma_wait3A_464 = arith.constant 0 : i32
          %dma_wait3A_465 = tpu.memref_slice %arg8[%add3A_458, %dma_wait3A_464] : memref<32x128xi32, #tpu.memory_space<vmem>> -> memref<1x128xi32, #tpu.memory_space<vmem>>
          %dma_wait3A_466 = tpu.memref_squeeze %dma_wait3A_465 : memref<1x128xi32, #tpu.memory_space<vmem>> -> memref<128xi32, #tpu.memory_space<vmem>>
          %dma_wait3A_467 = arith.constant 0 : i32
          %dma_wait3A_468 = arith.constant 0 : i32
          %dma_wait3A_469 = tpu.memref_slice %arg10[%dma_wait3A_467, %dma_wait3A_468] : memref<100352x16xf32, #tpu.memory_space<vmem_shared>> -> memref<100352x16xf32, #tpu.memory_space<vmem_shared>>
          tpu.wait_indirect_dma semaphore(%arg19 : memref<!tpu.dma_semaphore, #tpu.memory_space<semaphore_mem>>) src(%dma_wait3A_463 : memref<128x16xf32, #tpu.memory_space<vmem>>) dst(%dma_wait3A_469 : memref<100352x16xf32, #tpu.memory_space<vmem_shared>>)
          %mul3A_470 = arith.constant 8 : i32
          %mul3A_471 = arith.muli %scan3A_120, %mul3A_470 : i32
          %add3A_472 = arith.constant 1 : i32
          %add3A_473 = arith.addi %mul3A_471, %add3A_472 : i32
          %dma_wait3A_474 = arith.constant 1 : i32
          %dma_wait3A_475 = arith.constant 0 : i32
          %dma_wait3A_476 = arith.constant 0 : i32
          %dma_wait3A_477 = tpu.memref_slice %arg9[%dma_wait3A_474, %dma_wait3A_475, %dma_wait3A_476] : memref<8x128x16xf32, #tpu.memory_space<vmem>> -> memref<1x128x16xf32, #tpu.memory_space<vmem>>
          %dma_wait3A_478 = tpu.memref_squeeze %dma_wait3A_477 : memref<1x128x16xf32, #tpu.memory_space<vmem>> -> memref<128x16xf32, #tpu.memory_space<vmem>>
          %dma_wait3A_479 = arith.constant 0 : i32
          %dma_wait3A_480 = tpu.memref_slice %arg8[%add3A_473, %dma_wait3A_479] : memref<32x128xi32, #tpu.memory_space<vmem>> -> memref<1x128xi32, #tpu.memory_space<vmem>>
          %dma_wait3A_481 = tpu.memref_squeeze %dma_wait3A_480 : memref<1x128xi32, #tpu.memory_space<vmem>> -> memref<128xi32, #tpu.memory_space<vmem>>
          %dma_wait3A_482 = arith.constant 0 : i32
          %dma_wait3A_483 = arith.constant 0 : i32
          %dma_wait3A_484 = tpu.memref_slice %arg10[%dma_wait3A_482, %dma_wait3A_483] : memref<100352x16xf32, #tpu.memory_space<vmem_shared>> -> memref<100352x16xf32, #tpu.memory_space<vmem_shared>>
          tpu.wait_indirect_dma semaphore(%arg20 : memref<!tpu.dma_semaphore, #tpu.memory_space<semaphore_mem>>) src(%dma_wait3A_478 : memref<128x16xf32, #tpu.memory_space<vmem>>) dst(%dma_wait3A_484 : memref<100352x16xf32, #tpu.memory_space<vmem_shared>>)
          %mul3A_485 = arith.constant 8 : i32
          %mul3A_486 = arith.muli %scan3A_120, %mul3A_485 : i32
          %add3A_487 = arith.constant 2 : i32
          %add3A_488 = arith.addi %mul3A_486, %add3A_487 : i32
          %dma_wait3A_489 = arith.constant 2 : i32
          %dma_wait3A_490 = arith.constant 0 : i32
          %dma_wait3A_491 = arith.constant 0 : i32
          %dma_wait3A_492 = tpu.memref_slice %arg9[%dma_wait3A_489, %dma_wait3A_490, %dma_wait3A_491] : memref<8x128x16xf32, #tpu.memory_space<vmem>> -> memref<1x128x16xf32, #tpu.memory_space<vmem>>
          %dma_wait3A_493 = tpu.memref_squeeze %dma_wait3A_492 : memref<1x128x16xf32, #tpu.memory_space<vmem>> -> memref<128x16xf32, #tpu.memory_space<vmem>>
          %dma_wait3A_494 = arith.constant 0 : i32
          %dma_wait3A_495 = tpu.memref_slice %arg8[%add3A_488, %dma_wait3A_494] : memref<32x128xi32, #tpu.memory_space<vmem>> -> memref<1x128xi32, #tpu.memory_space<vmem>>
          %dma_wait3A_496 = tpu.memref_squeeze %dma_wait3A_495 : memref<1x128xi32, #tpu.memory_space<vmem>> -> memref<128xi32, #tpu.memory_space<vmem>>
          %dma_wait3A_497 = arith.constant 0 : i32
          %dma_wait3A_498 = arith.constant 0 : i32
          %dma_wait3A_499 = tpu.memref_slice %arg10[%dma_wait3A_497, %dma_wait3A_498] : memref<100352x16xf32, #tpu.memory_space<vmem_shared>> -> memref<100352x16xf32, #tpu.memory_space<vmem_shared>>
          tpu.wait_indirect_dma semaphore(%arg21 : memref<!tpu.dma_semaphore, #tpu.memory_space<semaphore_mem>>) src(%dma_wait3A_493 : memref<128x16xf32, #tpu.memory_space<vmem>>) dst(%dma_wait3A_499 : memref<100352x16xf32, #tpu.memory_space<vmem_shared>>)
          %mul3A_500 = arith.constant 8 : i32
          %mul3A_501 = arith.muli %scan3A_120, %mul3A_500 : i32
          %add3A_502 = arith.constant 3 : i32
          %add3A_503 = arith.addi %mul3A_501, %add3A_502 : i32
          %dma_wait3A_504 = arith.constant 3 : i32
          %dma_wait3A_505 = arith.constant 0 : i32
          %dma_wait3A_506 = arith.constant 0 : i32
          %dma_wait3A_507 = tpu.memref_slice %arg9[%dma_wait3A_504, %dma_wait3A_505, %dma_wait3A_506] : memref<8x128x16xf32, #tpu.memory_space<vmem>> -> memref<1x128x16xf32, #tpu.memory_space<vmem>>
          %dma_wait3A_508 = tpu.memref_squeeze %dma_wait3A_507 : memref<1x128x16xf32, #tpu.memory_space<vmem>> -> memref<128x16xf32, #tpu.memory_space<vmem>>
          %dma_wait3A_509 = arith.constant 0 : i32
          %dma_wait3A_510 = tpu.memref_slice %arg8[%add3A_503, %dma_wait3A_509] : memref<32x128xi32, #tpu.memory_space<vmem>> -> memref<1x128xi32, #tpu.memory_space<vmem>>
          %dma_wait3A_511 = tpu.memref_squeeze %dma_wait3A_510 : memref<1x128xi32, #tpu.memory_space<vmem>> -> memref<128xi32, #tpu.memory_space<vmem>>
          %dma_wait3A_512 = arith.constant 0 : i32
          %dma_wait3A_513 = arith.constant 0 : i32
          %dma_wait3A_514 = tpu.memref_slice %arg10[%dma_wait3A_512, %dma_wait3A_513] : memref<100352x16xf32, #tpu.memory_space<vmem_shared>> -> memref<100352x16xf32, #tpu.memory_space<vmem_shared>>
          tpu.wait_indirect_dma semaphore(%arg22 : memref<!tpu.dma_semaphore, #tpu.memory_space<semaphore_mem>>) src(%dma_wait3A_508 : memref<128x16xf32, #tpu.memory_space<vmem>>) dst(%dma_wait3A_514 : memref<100352x16xf32, #tpu.memory_space<vmem_shared>>)
          %mul3A_515 = arith.constant 8 : i32
          %mul3A_516 = arith.muli %scan3A_120, %mul3A_515 : i32
          %add3A_517 = arith.constant 4 : i32
          %add3A_518 = arith.addi %mul3A_516, %add3A_517 : i32
          %dma_wait3A_519 = arith.constant 4 : i32
          %dma_wait3A_520 = arith.constant 0 : i32
          %dma_wait3A_521 = arith.constant 0 : i32
          %dma_wait3A_522 = tpu.memref_slice %arg9[%dma_wait3A_519, %dma_wait3A_520, %dma_wait3A_521] : memref<8x128x16xf32, #tpu.memory_space<vmem>> -> memref<1x128x16xf32, #tpu.memory_space<vmem>>
          %dma_wait3A_523 = tpu.memref_squeeze %dma_wait3A_522 : memref<1x128x16xf32, #tpu.memory_space<vmem>> -> memref<128x16xf32, #tpu.memory_space<vmem>>
          %dma_wait3A_524 = arith.constant 0 : i32
          %dma_wait3A_525 = tpu.memref_slice %arg8[%add3A_518, %dma_wait3A_524] : memref<32x128xi32, #tpu.memory_space<vmem>> -> memref<1x128xi32, #tpu.memory_space<vmem>>
          %dma_wait3A_526 = tpu.memref_squeeze %dma_wait3A_525 : memref<1x128xi32, #tpu.memory_space<vmem>> -> memref<128xi32, #tpu.memory_space<vmem>>
          %dma_wait3A_527 = arith.constant 0 : i32
          %dma_wait3A_528 = arith.constant 0 : i32
          %dma_wait3A_529 = tpu.memref_slice %arg10[%dma_wait3A_527, %dma_wait3A_528] : memref<100352x16xf32, #tpu.memory_space<vmem_shared>> -> memref<100352x16xf32, #tpu.memory_space<vmem_shared>>
          tpu.wait_indirect_dma semaphore(%arg23 : memref<!tpu.dma_semaphore, #tpu.memory_space<semaphore_mem>>) src(%dma_wait3A_523 : memref<128x16xf32, #tpu.memory_space<vmem>>) dst(%dma_wait3A_529 : memref<100352x16xf32, #tpu.memory_space<vmem_shared>>)
          %mul3A_530 = arith.constant 8 : i32
          %mul3A_531 = arith.muli %scan3A_120, %mul3A_530 : i32
          %add3A_532 = arith.constant 5 : i32
          %add3A_533 = arith.addi %mul3A_531, %add3A_532 : i32
          %dma_wait3A_534 = arith.constant 5 : i32
          %dma_wait3A_535 = arith.constant 0 : i32
          %dma_wait3A_536 = arith.constant 0 : i32
          %dma_wait3A_537 = tpu.memref_slice %arg9[%dma_wait3A_534, %dma_wait3A_535, %dma_wait3A_536] : memref<8x128x16xf32, #tpu.memory_space<vmem>> -> memref<1x128x16xf32, #tpu.memory_space<vmem>>
          %dma_wait3A_538 = tpu.memref_squeeze %dma_wait3A_537 : memref<1x128x16xf32, #tpu.memory_space<vmem>> -> memref<128x16xf32, #tpu.memory_space<vmem>>
          %dma_wait3A_539 = arith.constant 0 : i32
          %dma_wait3A_540 = tpu.memref_slice %arg8[%add3A_533, %dma_wait3A_539] : memref<32x128xi32, #tpu.memory_space<vmem>> -> memref<1x128xi32, #tpu.memory_space<vmem>>
          %dma_wait3A_541 = tpu.memref_squeeze %dma_wait3A_540 : memref<1x128xi32, #tpu.memory_space<vmem>> -> memref<128xi32, #tpu.memory_space<vmem>>
          %dma_wait3A_542 = arith.constant 0 : i32
          %dma_wait3A_543 = arith.constant 0 : i32
          %dma_wait3A_544 = tpu.memref_slice %arg10[%dma_wait3A_542, %dma_wait3A_543] : memref<100352x16xf32, #tpu.memory_space<vmem_shared>> -> memref<100352x16xf32, #tpu.memory_space<vmem_shared>>
          tpu.wait_indirect_dma semaphore(%arg24 : memref<!tpu.dma_semaphore, #tpu.memory_space<semaphore_mem>>) src(%dma_wait3A_538 : memref<128x16xf32, #tpu.memory_space<vmem>>) dst(%dma_wait3A_544 : memref<100352x16xf32, #tpu.memory_space<vmem_shared>>)
          %mul3A_545 = arith.constant 8 : i32
          %mul3A_546 = arith.muli %scan3A_120, %mul3A_545 : i32
          %add3A_547 = arith.constant 6 : i32
          %add3A_548 = arith.addi %mul3A_546, %add3A_547 : i32
          %dma_wait3A_549 = arith.constant 6 : i32
          %dma_wait3A_550 = arith.constant 0 : i32
          %dma_wait3A_551 = arith.constant 0 : i32
          %dma_wait3A_552 = tpu.memref_slice %arg9[%dma_wait3A_549, %dma_wait3A_550, %dma_wait3A_551] : memref<8x128x16xf32, #tpu.memory_space<vmem>> -> memref<1x128x16xf32, #tpu.memory_space<vmem>>
          %dma_wait3A_553 = tpu.memref_squeeze %dma_wait3A_552 : memref<1x128x16xf32, #tpu.memory_space<vmem>> -> memref<128x16xf32, #tpu.memory_space<vmem>>
          %dma_wait3A_554 = arith.constant 0 : i32
          %dma_wait3A_555 = tpu.memref_slice %arg8[%add3A_548, %dma_wait3A_554] : memref<32x128xi32, #tpu.memory_space<vmem>> -> memref<1x128xi32, #tpu.memory_space<vmem>>
          %dma_wait3A_556 = tpu.memref_squeeze %dma_wait3A_555 : memref<1x128xi32, #tpu.memory_space<vmem>> -> memref<128xi32, #tpu.memory_space<vmem>>
          %dma_wait3A_557 = arith.constant 0 : i32
          %dma_wait3A_558 = arith.constant 0 : i32
          %dma_wait3A_559 = tpu.memref_slice %arg10[%dma_wait3A_557, %dma_wait3A_558] : memref<100352x16xf32, #tpu.memory_space<vmem_shared>> -> memref<100352x16xf32, #tpu.memory_space<vmem_shared>>
          tpu.wait_indirect_dma semaphore(%arg25 : memref<!tpu.dma_semaphore, #tpu.memory_space<semaphore_mem>>) src(%dma_wait3A_553 : memref<128x16xf32, #tpu.memory_space<vmem>>) dst(%dma_wait3A_559 : memref<100352x16xf32, #tpu.memory_space<vmem_shared>>)
          %mul3A_560 = arith.constant 8 : i32
          %mul3A_561 = arith.muli %scan3A_120, %mul3A_560 : i32
          %add3A_562 = arith.constant 7 : i32
          %add3A_563 = arith.addi %mul3A_561, %add3A_562 : i32
          %dma_wait3A_564 = arith.constant 7 : i32
          %dma_wait3A_565 = arith.constant 0 : i32
          %dma_wait3A_566 = arith.constant 0 : i32
          %dma_wait3A_567 = tpu.memref_slice %arg9[%dma_wait3A_564, %dma_wait3A_565, %dma_wait3A_566] : memref<8x128x16xf32, #tpu.memory_space<vmem>> -> memref<1x128x16xf32, #tpu.memory_space<vmem>>
          %dma_wait3A_568 = tpu.memref_squeeze %dma_wait3A_567 : memref<1x128x16xf32, #tpu.memory_space<vmem>> -> memref<128x16xf32, #tpu.memory_space<vmem>>
          %dma_wait3A_569 = arith.constant 0 : i32
          %dma_wait3A_570 = tpu.memref_slice %arg8[%add3A_563, %dma_wait3A_569] : memref<32x128xi32, #tpu.memory_space<vmem>> -> memref<1x128xi32, #tpu.memory_space<vmem>>
          %dma_wait3A_571 = tpu.memref_squeeze %dma_wait3A_570 : memref<1x128xi32, #tpu.memory_space<vmem>> -> memref<128xi32, #tpu.memory_space<vmem>>
          %dma_wait3A_572 = arith.constant 0 : i32
          %dma_wait3A_573 = arith.constant 0 : i32
          %dma_wait3A_574 = tpu.memref_slice %arg10[%dma_wait3A_572, %dma_wait3A_573] : memref<100352x16xf32, #tpu.memory_space<vmem_shared>> -> memref<100352x16xf32, #tpu.memory_space<vmem_shared>>
          tpu.wait_indirect_dma semaphore(%arg26 : memref<!tpu.dma_semaphore, #tpu.memory_space<semaphore_mem>>) src(%dma_wait3A_568 : memref<128x16xf32, #tpu.memory_space<vmem>>) dst(%dma_wait3A_574 : memref<100352x16xf32, #tpu.memory_space<vmem_shared>>)
        } else {
        }
        %mul3A_127 = arith.constant 8 : i32
        %mul3A_128 = arith.muli %scan3A_120, %mul3A_127 : i32
        %add3A_129 = arith.constant 0 : i32
        %add3A_130 = arith.addi %mul3A_128, %add3A_129 : i32
        %dma_start3A = arith.constant 0 : i32
        %dma_start3A_131 = arith.constant 0 : i32
        %dma_start3A_132 = arith.constant 0 : i32
        %dma_start3A_133 = tpu.memref_slice %arg9[%dma_start3A, %dma_start3A_131, %dma_start3A_132] : memref<8x128x16xf32, #tpu.memory_space<vmem>> -> memref<1x128x16xf32, #tpu.memory_space<vmem>>
        %dma_start3A_134 = tpu.memref_squeeze %dma_start3A_133 : memref<1x128x16xf32, #tpu.memory_space<vmem>> -> memref<128x16xf32, #tpu.memory_space<vmem>>
        %dma_start3A_135 = arith.constant 0 : i32
        %dma_start3A_136 = tpu.memref_slice %arg7[%add3A_130, %dma_start3A_135] : memref<32x128xi32, #tpu.memory_space<vmem>> -> memref<1x128xi32, #tpu.memory_space<vmem>>
        %dma_start3A_137 = tpu.memref_squeeze %dma_start3A_136 : memref<1x128xi32, #tpu.memory_space<vmem>> -> memref<128xi32, #tpu.memory_space<vmem>>
        %dma_start3A_138 = arith.constant 0 : i32
        %dma_start3A_139 = arith.constant 0 : i32
        %dma_start3A_140 = tpu.memref_slice %arg2[%dma_start3A_138, %dma_start3A_139] : memref<200704x16xf32, #tpu.memory_space<hbm>> -> memref<200704x16xf32, #tpu.memory_space<hbm>>
        tpu.enqueue_indirect_dma source(%dma_start3A_140 : memref<200704x16xf32, #tpu.memory_space<hbm>>) target(%dma_start3A_134 : memref<128x16xf32, #tpu.memory_space<vmem>>) offsets(%dma_start3A_137 : memref<128xi32, #tpu.memory_space<vmem>>) semaphore(%arg11 : memref<!tpu.dma_semaphore, #tpu.memory_space<semaphore_mem>>)
        %mul3A_141 = arith.constant 8 : i32
        %mul3A_142 = arith.muli %scan3A_120, %mul3A_141 : i32
        %add3A_143 = arith.constant 1 : i32
        %add3A_144 = arith.addi %mul3A_142, %add3A_143 : i32
        %dma_start3A_145 = arith.constant 1 : i32
        %dma_start3A_146 = arith.constant 0 : i32
        %dma_start3A_147 = arith.constant 0 : i32
        %dma_start3A_148 = tpu.memref_slice %arg9[%dma_start3A_145, %dma_start3A_146, %dma_start3A_147] : memref<8x128x16xf32, #tpu.memory_space<vmem>> -> memref<1x128x16xf32, #tpu.memory_space<vmem>>
        %dma_start3A_149 = tpu.memref_squeeze %dma_start3A_148 : memref<1x128x16xf32, #tpu.memory_space<vmem>> -> memref<128x16xf32, #tpu.memory_space<vmem>>
        %dma_start3A_150 = arith.constant 0 : i32
        %dma_start3A_151 = tpu.memref_slice %arg7[%add3A_144, %dma_start3A_150] : memref<32x128xi32, #tpu.memory_space<vmem>> -> memref<1x128xi32, #tpu.memory_space<vmem>>
        %dma_start3A_152 = tpu.memref_squeeze %dma_start3A_151 : memref<1x128xi32, #tpu.memory_space<vmem>> -> memref<128xi32, #tpu.memory_space<vmem>>
        %dma_start3A_153 = arith.constant 0 : i32
        %dma_start3A_154 = arith.constant 0 : i32
        %dma_start3A_155 = tpu.memref_slice %arg2[%dma_start3A_153, %dma_start3A_154] : memref<200704x16xf32, #tpu.memory_space<hbm>> -> memref<200704x16xf32, #tpu.memory_space<hbm>>
        tpu.enqueue_indirect_dma source(%dma_start3A_155 : memref<200704x16xf32, #tpu.memory_space<hbm>>) target(%dma_start3A_149 : memref<128x16xf32, #tpu.memory_space<vmem>>) offsets(%dma_start3A_152 : memref<128xi32, #tpu.memory_space<vmem>>) semaphore(%arg12 : memref<!tpu.dma_semaphore, #tpu.memory_space<semaphore_mem>>)
        %mul3A_156 = arith.constant 8 : i32
        %mul3A_157 = arith.muli %scan3A_120, %mul3A_156 : i32
        %add3A_158 = arith.constant 2 : i32
        %add3A_159 = arith.addi %mul3A_157, %add3A_158 : i32
        %dma_start3A_160 = arith.constant 2 : i32
        %dma_start3A_161 = arith.constant 0 : i32
        %dma_start3A_162 = arith.constant 0 : i32
        %dma_start3A_163 = tpu.memref_slice %arg9[%dma_start3A_160, %dma_start3A_161, %dma_start3A_162] : memref<8x128x16xf32, #tpu.memory_space<vmem>> -> memref<1x128x16xf32, #tpu.memory_space<vmem>>
        %dma_start3A_164 = tpu.memref_squeeze %dma_start3A_163 : memref<1x128x16xf32, #tpu.memory_space<vmem>> -> memref<128x16xf32, #tpu.memory_space<vmem>>
        %dma_start3A_165 = arith.constant 0 : i32
        %dma_start3A_166 = tpu.memref_slice %arg7[%add3A_159, %dma_start3A_165] : memref<32x128xi32, #tpu.memory_space<vmem>> -> memref<1x128xi32, #tpu.memory_space<vmem>>
        %dma_start3A_167 = tpu.memref_squeeze %dma_start3A_166 : memref<1x128xi32, #tpu.memory_space<vmem>> -> memref<128xi32, #tpu.memory_space<vmem>>
        %dma_start3A_168 = arith.constant 0 : i32
        %dma_start3A_169 = arith.constant 0 : i32
        %dma_start3A_170 = tpu.memref_slice %arg2[%dma_start3A_168, %dma_start3A_169] : memref<200704x16xf32, #tpu.memory_space<hbm>> -> memref<200704x16xf32, #tpu.memory_space<hbm>>
        tpu.enqueue_indirect_dma source(%dma_start3A_170 : memref<200704x16xf32, #tpu.memory_space<hbm>>) target(%dma_start3A_164 : memref<128x16xf32, #tpu.memory_space<vmem>>) offsets(%dma_start3A_167 : memref<128xi32, #tpu.memory_space<vmem>>) semaphore(%arg13 : memref<!tpu.dma_semaphore, #tpu.memory_space<semaphore_mem>>)
        %mul3A_171 = arith.constant 8 : i32
        %mul3A_172 = arith.muli %scan3A_120, %mul3A_171 : i32
        %add3A_173 = arith.constant 3 : i32
        %add3A_174 = arith.addi %mul3A_172, %add3A_173 : i32
        %dma_start3A_175 = arith.constant 3 : i32
        %dma_start3A_176 = arith.constant 0 : i32
        %dma_start3A_177 = arith.constant 0 : i32
        %dma_start3A_178 = tpu.memref_slice %arg9[%dma_start3A_175, %dma_start3A_176, %dma_start3A_177] : memref<8x128x16xf32, #tpu.memory_space<vmem>> -> memref<1x128x16xf32, #tpu.memory_space<vmem>>
        %dma_start3A_179 = tpu.memref_squeeze %dma_start3A_178 : memref<1x128x16xf32, #tpu.memory_space<vmem>> -> memref<128x16xf32, #tpu.memory_space<vmem>>
        %dma_start3A_180 = arith.constant 0 : i32
        %dma_start3A_181 = tpu.memref_slice %arg7[%add3A_174, %dma_start3A_180] : memref<32x128xi32, #tpu.memory_space<vmem>> -> memref<1x128xi32, #tpu.memory_space<vmem>>
        %dma_start3A_182 = tpu.memref_squeeze %dma_start3A_181 : memref<1x128xi32, #tpu.memory_space<vmem>> -> memref<128xi32, #tpu.memory_space<vmem>>
        %dma_start3A_183 = arith.constant 0 : i32
        %dma_start3A_184 = arith.constant 0 : i32
        %dma_start3A_185 = tpu.memref_slice %arg2[%dma_start3A_183, %dma_start3A_184] : memref<200704x16xf32, #tpu.memory_space<hbm>> -> memref<200704x16xf32, #tpu.memory_space<hbm>>
        tpu.enqueue_indirect_dma source(%dma_start3A_185 : memref<200704x16xf32, #tpu.memory_space<hbm>>) target(%dma_start3A_179 : memref<128x16xf32, #tpu.memory_space<vmem>>) offsets(%dma_start3A_182 : memref<128xi32, #tpu.memory_space<vmem>>) semaphore(%arg14 : memref<!tpu.dma_semaphore, #tpu.memory_space<semaphore_mem>>)
        %mul3A_186 = arith.constant 8 : i32
        %mul3A_187 = arith.muli %scan3A_120, %mul3A_186 : i32
        %add3A_188 = arith.constant 4 : i32
        %add3A_189 = arith.addi %mul3A_187, %add3A_188 : i32
        %dma_start3A_190 = arith.constant 4 : i32
        %dma_start3A_191 = arith.constant 0 : i32
        %dma_start3A_192 = arith.constant 0 : i32
        %dma_start3A_193 = tpu.memref_slice %arg9[%dma_start3A_190, %dma_start3A_191, %dma_start3A_192] : memref<8x128x16xf32, #tpu.memory_space<vmem>> -> memref<1x128x16xf32, #tpu.memory_space<vmem>>
        %dma_start3A_194 = tpu.memref_squeeze %dma_start3A_193 : memref<1x128x16xf32, #tpu.memory_space<vmem>> -> memref<128x16xf32, #tpu.memory_space<vmem>>
        %dma_start3A_195 = arith.constant 0 : i32
        %dma_start3A_196 = tpu.memref_slice %arg7[%add3A_189, %dma_start3A_195] : memref<32x128xi32, #tpu.memory_space<vmem>> -> memref<1x128xi32, #tpu.memory_space<vmem>>
        %dma_start3A_197 = tpu.memref_squeeze %dma_start3A_196 : memref<1x128xi32, #tpu.memory_space<vmem>> -> memref<128xi32, #tpu.memory_space<vmem>>
        %dma_start3A_198 = arith.constant 0 : i32
        %dma_start3A_199 = arith.constant 0 : i32
        %dma_start3A_200 = tpu.memref_slice %arg2[%dma_start3A_198, %dma_start3A_199] : memref<200704x16xf32, #tpu.memory_space<hbm>> -> memref<200704x16xf32, #tpu.memory_space<hbm>>
        tpu.enqueue_indirect_dma source(%dma_start3A_200 : memref<200704x16xf32, #tpu.memory_space<hbm>>) target(%dma_start3A_194 : memref<128x16xf32, #tpu.memory_space<vmem>>) offsets(%dma_start3A_197 : memref<128xi32, #tpu.memory_space<vmem>>) semaphore(%arg15 : memref<!tpu.dma_semaphore, #tpu.memory_space<semaphore_mem>>)
        %mul3A_201 = arith.constant 8 : i32
        %mul3A_202 = arith.muli %scan3A_120, %mul3A_201 : i32
        %add3A_203 = arith.constant 5 : i32
        %add3A_204 = arith.addi %mul3A_202, %add3A_203 : i32
        %dma_start3A_205 = arith.constant 5 : i32
        %dma_start3A_206 = arith.constant 0 : i32
        %dma_start3A_207 = arith.constant 0 : i32
        %dma_start3A_208 = tpu.memref_slice %arg9[%dma_start3A_205, %dma_start3A_206, %dma_start3A_207] : memref<8x128x16xf32, #tpu.memory_space<vmem>> -> memref<1x128x16xf32, #tpu.memory_space<vmem>>
        %dma_start3A_209 = tpu.memref_squeeze %dma_start3A_208 : memref<1x128x16xf32, #tpu.memory_space<vmem>> -> memref<128x16xf32, #tpu.memory_space<vmem>>
        %dma_start3A_210 = arith.constant 0 : i32
        %dma_start3A_211 = tpu.memref_slice %arg7[%add3A_204, %dma_start3A_210] : memref<32x128xi32, #tpu.memory_space<vmem>> -> memref<1x128xi32, #tpu.memory_space<vmem>>
        %dma_start3A_212 = tpu.memref_squeeze %dma_start3A_211 : memref<1x128xi32, #tpu.memory_space<vmem>> -> memref<128xi32, #tpu.memory_space<vmem>>
        %dma_start3A_213 = arith.constant 0 : i32
        %dma_start3A_214 = arith.constant 0 : i32
        %dma_start3A_215 = tpu.memref_slice %arg2[%dma_start3A_213, %dma_start3A_214] : memref<200704x16xf32, #tpu.memory_space<hbm>> -> memref<200704x16xf32, #tpu.memory_space<hbm>>
        tpu.enqueue_indirect_dma source(%dma_start3A_215 : memref<200704x16xf32, #tpu.memory_space<hbm>>) target(%dma_start3A_209 : memref<128x16xf32, #tpu.memory_space<vmem>>) offsets(%dma_start3A_212 : memref<128xi32, #tpu.memory_space<vmem>>) semaphore(%arg16 : memref<!tpu.dma_semaphore, #tpu.memory_space<semaphore_mem>>)
        %mul3A_216 = arith.constant 8 : i32
        %mul3A_217 = arith.muli %scan3A_120, %mul3A_216 : i32
        %add3A_218 = arith.constant 6 : i32
        %add3A_219 = arith.addi %mul3A_217, %add3A_218 : i32
        %dma_start3A_220 = arith.constant 6 : i32
        %dma_start3A_221 = arith.constant 0 : i32
        %dma_start3A_222 = arith.constant 0 : i32
        %dma_start3A_223 = tpu.memref_slice %arg9[%dma_start3A_220, %dma_start3A_221, %dma_start3A_222] : memref<8x128x16xf32, #tpu.memory_space<vmem>> -> memref<1x128x16xf32, #tpu.memory_space<vmem>>
        %dma_start3A_224 = tpu.memref_squeeze %dma_start3A_223 : memref<1x128x16xf32, #tpu.memory_space<vmem>> -> memref<128x16xf32, #tpu.memory_space<vmem>>
        %dma_start3A_225 = arith.constant 0 : i32
        %dma_start3A_226 = tpu.memref_slice %arg7[%add3A_219, %dma_start3A_225] : memref<32x128xi32, #tpu.memory_space<vmem>> -> memref<1x128xi32, #tpu.memory_space<vmem>>
        %dma_start3A_227 = tpu.memref_squeeze %dma_start3A_226 : memref<1x128xi32, #tpu.memory_space<vmem>> -> memref<128xi32, #tpu.memory_space<vmem>>
        %dma_start3A_228 = arith.constant 0 : i32
        %dma_start3A_229 = arith.constant 0 : i32
        %dma_start3A_230 = tpu.memref_slice %arg2[%dma_start3A_228, %dma_start3A_229] : memref<200704x16xf32, #tpu.memory_space<hbm>> -> memref<200704x16xf32, #tpu.memory_space<hbm>>
        tpu.enqueue_indirect_dma source(%dma_start3A_230 : memref<200704x16xf32, #tpu.memory_space<hbm>>) target(%dma_start3A_224 : memref<128x16xf32, #tpu.memory_space<vmem>>) offsets(%dma_start3A_227 : memref<128xi32, #tpu.memory_space<vmem>>) semaphore(%arg17 : memref<!tpu.dma_semaphore, #tpu.memory_space<semaphore_mem>>)
        %mul3A_231 = arith.constant 8 : i32
        %mul3A_232 = arith.muli %scan3A_120, %mul3A_231 : i32
        %add3A_233 = arith.constant 7 : i32
        %add3A_234 = arith.addi %mul3A_232, %add3A_233 : i32
        %dma_start3A_235 = arith.constant 7 : i32
        %dma_start3A_236 = arith.constant 0 : i32
        %dma_start3A_237 = arith.constant 0 : i32
        %dma_start3A_238 = tpu.memref_slice %arg9[%dma_start3A_235, %dma_start3A_236, %dma_start3A_237] : memref<8x128x16xf32, #tpu.memory_space<vmem>> -> memref<1x128x16xf32, #tpu.memory_space<vmem>>
        %dma_start3A_239 = tpu.memref_squeeze %dma_start3A_238 : memref<1x128x16xf32, #tpu.memory_space<vmem>> -> memref<128x16xf32, #tpu.memory_space<vmem>>
        %dma_start3A_240 = arith.constant 0 : i32
        %dma_start3A_241 = tpu.memref_slice %arg7[%add3A_234, %dma_start3A_240] : memref<32x128xi32, #tpu.memory_space<vmem>> -> memref<1x128xi32, #tpu.memory_space<vmem>>
        %dma_start3A_242 = tpu.memref_squeeze %dma_start3A_241 : memref<1x128xi32, #tpu.memory_space<vmem>> -> memref<128xi32, #tpu.memory_space<vmem>>
        %dma_start3A_243 = arith.constant 0 : i32
        %dma_start3A_244 = arith.constant 0 : i32
        %dma_start3A_245 = tpu.memref_slice %arg2[%dma_start3A_243, %dma_start3A_244] : memref<200704x16xf32, #tpu.memory_space<hbm>> -> memref<200704x16xf32, #tpu.memory_space<hbm>>
        tpu.enqueue_indirect_dma source(%dma_start3A_245 : memref<200704x16xf32, #tpu.memory_space<hbm>>) target(%dma_start3A_239 : memref<128x16xf32, #tpu.memory_space<vmem>>) offsets(%dma_start3A_242 : memref<128xi32, #tpu.memory_space<vmem>>) semaphore(%arg18 : memref<!tpu.dma_semaphore, #tpu.memory_space<semaphore_mem>>)
        %dma_wait3A_246 = arith.constant 0 : i32
        %dma_wait3A_247 = arith.constant 0 : i32
        %dma_wait3A_248 = arith.constant 0 : i32
        %dma_wait3A_249 = tpu.memref_slice %arg9[%dma_wait3A_246, %dma_wait3A_247, %dma_wait3A_248] : memref<8x128x16xf32, #tpu.memory_space<vmem>> -> memref<1x128x16xf32, #tpu.memory_space<vmem>>
        %dma_wait3A_250 = tpu.memref_squeeze %dma_wait3A_249 : memref<1x128x16xf32, #tpu.memory_space<vmem>> -> memref<128x16xf32, #tpu.memory_space<vmem>>
        %dma_wait3A_251 = arith.constant 0 : i32
        %dma_wait3A_252 = tpu.memref_slice %arg7[%add3A_130, %dma_wait3A_251] : memref<32x128xi32, #tpu.memory_space<vmem>> -> memref<1x128xi32, #tpu.memory_space<vmem>>
        %dma_wait3A_253 = tpu.memref_squeeze %dma_wait3A_252 : memref<1x128xi32, #tpu.memory_space<vmem>> -> memref<128xi32, #tpu.memory_space<vmem>>
        %dma_wait3A_254 = arith.constant 0 : i32
        %dma_wait3A_255 = arith.constant 0 : i32
        %dma_wait3A_256 = tpu.memref_slice %arg2[%dma_wait3A_254, %dma_wait3A_255] : memref<200704x16xf32, #tpu.memory_space<hbm>> -> memref<200704x16xf32, #tpu.memory_space<hbm>>
        tpu.wait_indirect_dma semaphore(%arg11 : memref<!tpu.dma_semaphore, #tpu.memory_space<semaphore_mem>>) src(%dma_wait3A_256 : memref<200704x16xf32, #tpu.memory_space<hbm>>) dst(%dma_wait3A_250 : memref<128x16xf32, #tpu.memory_space<vmem>>)
        %mul3A_257 = arith.constant 8 : i32
        %mul3A_258 = arith.muli %scan3A_120, %mul3A_257 : i32
        %add3A_259 = arith.constant 0 : i32
        %add3A_260 = arith.addi %mul3A_258, %add3A_259 : i32
        %dma_start3A_261 = arith.constant 0 : i32
        %dma_start3A_262 = arith.constant 0 : i32
        %dma_start3A_263 = arith.constant 0 : i32
        %dma_start3A_264 = tpu.memref_slice %arg9[%dma_start3A_261, %dma_start3A_262, %dma_start3A_263] : memref<8x128x16xf32, #tpu.memory_space<vmem>> -> memref<1x128x16xf32, #tpu.memory_space<vmem>>
        %dma_start3A_265 = tpu.memref_squeeze %dma_start3A_264 : memref<1x128x16xf32, #tpu.memory_space<vmem>> -> memref<128x16xf32, #tpu.memory_space<vmem>>
        %dma_start3A_266 = arith.constant 0 : i32
        %dma_start3A_267 = tpu.memref_slice %arg8[%add3A_260, %dma_start3A_266] : memref<32x128xi32, #tpu.memory_space<vmem>> -> memref<1x128xi32, #tpu.memory_space<vmem>>
        %dma_start3A_268 = tpu.memref_squeeze %dma_start3A_267 : memref<1x128xi32, #tpu.memory_space<vmem>> -> memref<128xi32, #tpu.memory_space<vmem>>
        %dma_start3A_269 = arith.constant 0 : i32
        %dma_start3A_270 = arith.constant 0 : i32
        %dma_start3A_271 = tpu.memref_slice %arg10[%dma_start3A_269, %dma_start3A_270] : memref<100352x16xf32, #tpu.memory_space<vmem_shared>> -> memref<100352x16xf32, #tpu.memory_space<vmem_shared>>
        tpu.enqueue_indirect_dma source(%dma_start3A_265 : memref<128x16xf32, #tpu.memory_space<vmem>>) target(%dma_start3A_271 : memref<100352x16xf32, #tpu.memory_space<vmem_shared>>) offsets(%dma_start3A_268 : memref<128xi32, #tpu.memory_space<vmem>>) semaphore(%arg19 : memref<!tpu.dma_semaphore, #tpu.memory_space<semaphore_mem>>) {add = true}
        %dma_wait3A_272 = arith.constant 1 : i32
        %dma_wait3A_273 = arith.constant 0 : i32
        %dma_wait3A_274 = arith.constant 0 : i32
        %dma_wait3A_275 = tpu.memref_slice %arg9[%dma_wait3A_272, %dma_wait3A_273, %dma_wait3A_274] : memref<8x128x16xf32, #tpu.memory_space<vmem>> -> memref<1x128x16xf32, #tpu.memory_space<vmem>>
        %dma_wait3A_276 = tpu.memref_squeeze %dma_wait3A_275 : memref<1x128x16xf32, #tpu.memory_space<vmem>> -> memref<128x16xf32, #tpu.memory_space<vmem>>
        %dma_wait3A_277 = arith.constant 0 : i32
        %dma_wait3A_278 = tpu.memref_slice %arg7[%add3A_144, %dma_wait3A_277] : memref<32x128xi32, #tpu.memory_space<vmem>> -> memref<1x128xi32, #tpu.memory_space<vmem>>
        %dma_wait3A_279 = tpu.memref_squeeze %dma_wait3A_278 : memref<1x128xi32, #tpu.memory_space<vmem>> -> memref<128xi32, #tpu.memory_space<vmem>>
        %dma_wait3A_280 = arith.constant 0 : i32
        %dma_wait3A_281 = arith.constant 0 : i32
        %dma_wait3A_282 = tpu.memref_slice %arg2[%dma_wait3A_280, %dma_wait3A_281] : memref<200704x16xf32, #tpu.memory_space<hbm>> -> memref<200704x16xf32, #tpu.memory_space<hbm>>
        tpu.wait_indirect_dma semaphore(%arg12 : memref<!tpu.dma_semaphore, #tpu.memory_space<semaphore_mem>>) src(%dma_wait3A_282 : memref<200704x16xf32, #tpu.memory_space<hbm>>) dst(%dma_wait3A_276 : memref<128x16xf32, #tpu.memory_space<vmem>>)
        %mul3A_283 = arith.constant 8 : i32
        %mul3A_284 = arith.muli %scan3A_120, %mul3A_283 : i32
        %add3A_285 = arith.constant 1 : i32
        %add3A_286 = arith.addi %mul3A_284, %add3A_285 : i32
        %dma_start3A_287 = arith.constant 1 : i32
        %dma_start3A_288 = arith.constant 0 : i32
        %dma_start3A_289 = arith.constant 0 : i32
        %dma_start3A_290 = tpu.memref_slice %arg9[%dma_start3A_287, %dma_start3A_288, %dma_start3A_289] : memref<8x128x16xf32, #tpu.memory_space<vmem>> -> memref<1x128x16xf32, #tpu.memory_space<vmem>>
        %dma_start3A_291 = tpu.memref_squeeze %dma_start3A_290 : memref<1x128x16xf32, #tpu.memory_space<vmem>> -> memref<128x16xf32, #tpu.memory_space<vmem>>
        %dma_start3A_292 = arith.constant 0 : i32
        %dma_start3A_293 = tpu.memref_slice %arg8[%add3A_286, %dma_start3A_292] : memref<32x128xi32, #tpu.memory_space<vmem>> -> memref<1x128xi32, #tpu.memory_space<vmem>>
        %dma_start3A_294 = tpu.memref_squeeze %dma_start3A_293 : memref<1x128xi32, #tpu.memory_space<vmem>> -> memref<128xi32, #tpu.memory_space<vmem>>
        %dma_start3A_295 = arith.constant 0 : i32
        %dma_start3A_296 = arith.constant 0 : i32
        %dma_start3A_297 = tpu.memref_slice %arg10[%dma_start3A_295, %dma_start3A_296] : memref<100352x16xf32, #tpu.memory_space<vmem_shared>> -> memref<100352x16xf32, #tpu.memory_space<vmem_shared>>
        tpu.enqueue_indirect_dma source(%dma_start3A_291 : memref<128x16xf32, #tpu.memory_space<vmem>>) target(%dma_start3A_297 : memref<100352x16xf32, #tpu.memory_space<vmem_shared>>) offsets(%dma_start3A_294 : memref<128xi32, #tpu.memory_space<vmem>>) semaphore(%arg20 : memref<!tpu.dma_semaphore, #tpu.memory_space<semaphore_mem>>) {add = true}
        %dma_wait3A_298 = arith.constant 2 : i32
        %dma_wait3A_299 = arith.constant 0 : i32
        %dma_wait3A_300 = arith.constant 0 : i32
        %dma_wait3A_301 = tpu.memref_slice %arg9[%dma_wait3A_298, %dma_wait3A_299, %dma_wait3A_300] : memref<8x128x16xf32, #tpu.memory_space<vmem>> -> memref<1x128x16xf32, #tpu.memory_space<vmem>>
        %dma_wait3A_302 = tpu.memref_squeeze %dma_wait3A_301 : memref<1x128x16xf32, #tpu.memory_space<vmem>> -> memref<128x16xf32, #tpu.memory_space<vmem>>
        %dma_wait3A_303 = arith.constant 0 : i32
        %dma_wait3A_304 = tpu.memref_slice %arg7[%add3A_159, %dma_wait3A_303] : memref<32x128xi32, #tpu.memory_space<vmem>> -> memref<1x128xi32, #tpu.memory_space<vmem>>
        %dma_wait3A_305 = tpu.memref_squeeze %dma_wait3A_304 : memref<1x128xi32, #tpu.memory_space<vmem>> -> memref<128xi32, #tpu.memory_space<vmem>>
        %dma_wait3A_306 = arith.constant 0 : i32
        %dma_wait3A_307 = arith.constant 0 : i32
        %dma_wait3A_308 = tpu.memref_slice %arg2[%dma_wait3A_306, %dma_wait3A_307] : memref<200704x16xf32, #tpu.memory_space<hbm>> -> memref<200704x16xf32, #tpu.memory_space<hbm>>
        tpu.wait_indirect_dma semaphore(%arg13 : memref<!tpu.dma_semaphore, #tpu.memory_space<semaphore_mem>>) src(%dma_wait3A_308 : memref<200704x16xf32, #tpu.memory_space<hbm>>) dst(%dma_wait3A_302 : memref<128x16xf32, #tpu.memory_space<vmem>>)
        %mul3A_309 = arith.constant 8 : i32
        %mul3A_310 = arith.muli %scan3A_120, %mul3A_309 : i32
        %add3A_311 = arith.constant 2 : i32
        %add3A_312 = arith.addi %mul3A_310, %add3A_311 : i32
        %dma_start3A_313 = arith.constant 2 : i32
        %dma_start3A_314 = arith.constant 0 : i32
        %dma_start3A_315 = arith.constant 0 : i32
        %dma_start3A_316 = tpu.memref_slice %arg9[%dma_start3A_313, %dma_start3A_314, %dma_start3A_315] : memref<8x128x16xf32, #tpu.memory_space<vmem>> -> memref<1x128x16xf32, #tpu.memory_space<vmem>>
        %dma_start3A_317 = tpu.memref_squeeze %dma_start3A_316 : memref<1x128x16xf32, #tpu.memory_space<vmem>> -> memref<128x16xf32, #tpu.memory_space<vmem>>
        %dma_start3A_318 = arith.constant 0 : i32
        %dma_start3A_319 = tpu.memref_slice %arg8[%add3A_312, %dma_start3A_318] : memref<32x128xi32, #tpu.memory_space<vmem>> -> memref<1x128xi32, #tpu.memory_space<vmem>>
        %dma_start3A_320 = tpu.memref_squeeze %dma_start3A_319 : memref<1x128xi32, #tpu.memory_space<vmem>> -> memref<128xi32, #tpu.memory_space<vmem>>
        %dma_start3A_321 = arith.constant 0 : i32
        %dma_start3A_322 = arith.constant 0 : i32
        %dma_start3A_323 = tpu.memref_slice %arg10[%dma_start3A_321, %dma_start3A_322] : memref<100352x16xf32, #tpu.memory_space<vmem_shared>> -> memref<100352x16xf32, #tpu.memory_space<vmem_shared>>
        tpu.enqueue_indirect_dma source(%dma_start3A_317 : memref<128x16xf32, #tpu.memory_space<vmem>>) target(%dma_start3A_323 : memref<100352x16xf32, #tpu.memory_space<vmem_shared>>) offsets(%dma_start3A_320 : memref<128xi32, #tpu.memory_space<vmem>>) semaphore(%arg21 : memref<!tpu.dma_semaphore, #tpu.memory_space<semaphore_mem>>) {add = true}
        %dma_wait3A_324 = arith.constant 3 : i32
        %dma_wait3A_325 = arith.constant 0 : i32
        %dma_wait3A_326 = arith.constant 0 : i32
        %dma_wait3A_327 = tpu.memref_slice %arg9[%dma_wait3A_324, %dma_wait3A_325, %dma_wait3A_326] : memref<8x128x16xf32, #tpu.memory_space<vmem>> -> memref<1x128x16xf32, #tpu.memory_space<vmem>>
        %dma_wait3A_328 = tpu.memref_squeeze %dma_wait3A_327 : memref<1x128x16xf32, #tpu.memory_space<vmem>> -> memref<128x16xf32, #tpu.memory_space<vmem>>
        %dma_wait3A_329 = arith.constant 0 : i32
        %dma_wait3A_330 = tpu.memref_slice %arg7[%add3A_174, %dma_wait3A_329] : memref<32x128xi32, #tpu.memory_space<vmem>> -> memref<1x128xi32, #tpu.memory_space<vmem>>
        %dma_wait3A_331 = tpu.memref_squeeze %dma_wait3A_330 : memref<1x128xi32, #tpu.memory_space<vmem>> -> memref<128xi32, #tpu.memory_space<vmem>>
        %dma_wait3A_332 = arith.constant 0 : i32
        %dma_wait3A_333 = arith.constant 0 : i32
        %dma_wait3A_334 = tpu.memref_slice %arg2[%dma_wait3A_332, %dma_wait3A_333] : memref<200704x16xf32, #tpu.memory_space<hbm>> -> memref<200704x16xf32, #tpu.memory_space<hbm>>
        tpu.wait_indirect_dma semaphore(%arg14 : memref<!tpu.dma_semaphore, #tpu.memory_space<semaphore_mem>>) src(%dma_wait3A_334 : memref<200704x16xf32, #tpu.memory_space<hbm>>) dst(%dma_wait3A_328 : memref<128x16xf32, #tpu.memory_space<vmem>>)
        %mul3A_335 = arith.constant 8 : i32
        %mul3A_336 = arith.muli %scan3A_120, %mul3A_335 : i32
        %add3A_337 = arith.constant 3 : i32
        %add3A_338 = arith.addi %mul3A_336, %add3A_337 : i32
        %dma_start3A_339 = arith.constant 3 : i32
        %dma_start3A_340 = arith.constant 0 : i32
        %dma_start3A_341 = arith.constant 0 : i32
        %dma_start3A_342 = tpu.memref_slice %arg9[%dma_start3A_339, %dma_start3A_340, %dma_start3A_341] : memref<8x128x16xf32, #tpu.memory_space<vmem>> -> memref<1x128x16xf32, #tpu.memory_space<vmem>>
        %dma_start3A_343 = tpu.memref_squeeze %dma_start3A_342 : memref<1x128x16xf32, #tpu.memory_space<vmem>> -> memref<128x16xf32, #tpu.memory_space<vmem>>
        %dma_start3A_344 = arith.constant 0 : i32
        %dma_start3A_345 = tpu.memref_slice %arg8[%add3A_338, %dma_start3A_344] : memref<32x128xi32, #tpu.memory_space<vmem>> -> memref<1x128xi32, #tpu.memory_space<vmem>>
        %dma_start3A_346 = tpu.memref_squeeze %dma_start3A_345 : memref<1x128xi32, #tpu.memory_space<vmem>> -> memref<128xi32, #tpu.memory_space<vmem>>
        %dma_start3A_347 = arith.constant 0 : i32
        %dma_start3A_348 = arith.constant 0 : i32
        %dma_start3A_349 = tpu.memref_slice %arg10[%dma_start3A_347, %dma_start3A_348] : memref<100352x16xf32, #tpu.memory_space<vmem_shared>> -> memref<100352x16xf32, #tpu.memory_space<vmem_shared>>
        tpu.enqueue_indirect_dma source(%dma_start3A_343 : memref<128x16xf32, #tpu.memory_space<vmem>>) target(%dma_start3A_349 : memref<100352x16xf32, #tpu.memory_space<vmem_shared>>) offsets(%dma_start3A_346 : memref<128xi32, #tpu.memory_space<vmem>>) semaphore(%arg22 : memref<!tpu.dma_semaphore, #tpu.memory_space<semaphore_mem>>) {add = true}
        %dma_wait3A_350 = arith.constant 4 : i32
        %dma_wait3A_351 = arith.constant 0 : i32
        %dma_wait3A_352 = arith.constant 0 : i32
        %dma_wait3A_353 = tpu.memref_slice %arg9[%dma_wait3A_350, %dma_wait3A_351, %dma_wait3A_352] : memref<8x128x16xf32, #tpu.memory_space<vmem>> -> memref<1x128x16xf32, #tpu.memory_space<vmem>>
        %dma_wait3A_354 = tpu.memref_squeeze %dma_wait3A_353 : memref<1x128x16xf32, #tpu.memory_space<vmem>> -> memref<128x16xf32, #tpu.memory_space<vmem>>
        %dma_wait3A_355 = arith.constant 0 : i32
        %dma_wait3A_356 = tpu.memref_slice %arg7[%add3A_189, %dma_wait3A_355] : memref<32x128xi32, #tpu.memory_space<vmem>> -> memref<1x128xi32, #tpu.memory_space<vmem>>
        %dma_wait3A_357 = tpu.memref_squeeze %dma_wait3A_356 : memref<1x128xi32, #tpu.memory_space<vmem>> -> memref<128xi32, #tpu.memory_space<vmem>>
        %dma_wait3A_358 = arith.constant 0 : i32
        %dma_wait3A_359 = arith.constant 0 : i32
        %dma_wait3A_360 = tpu.memref_slice %arg2[%dma_wait3A_358, %dma_wait3A_359] : memref<200704x16xf32, #tpu.memory_space<hbm>> -> memref<200704x16xf32, #tpu.memory_space<hbm>>
        tpu.wait_indirect_dma semaphore(%arg15 : memref<!tpu.dma_semaphore, #tpu.memory_space<semaphore_mem>>) src(%dma_wait3A_360 : memref<200704x16xf32, #tpu.memory_space<hbm>>) dst(%dma_wait3A_354 : memref<128x16xf32, #tpu.memory_space<vmem>>)
        %mul3A_361 = arith.constant 8 : i32
        %mul3A_362 = arith.muli %scan3A_120, %mul3A_361 : i32
        %add3A_363 = arith.constant 4 : i32
        %add3A_364 = arith.addi %mul3A_362, %add3A_363 : i32
        %dma_start3A_365 = arith.constant 4 : i32
        %dma_start3A_366 = arith.constant 0 : i32
        %dma_start3A_367 = arith.constant 0 : i32
        %dma_start3A_368 = tpu.memref_slice %arg9[%dma_start3A_365, %dma_start3A_366, %dma_start3A_367] : memref<8x128x16xf32, #tpu.memory_space<vmem>> -> memref<1x128x16xf32, #tpu.memory_space<vmem>>
        %dma_start3A_369 = tpu.memref_squeeze %dma_start3A_368 : memref<1x128x16xf32, #tpu.memory_space<vmem>> -> memref<128x16xf32, #tpu.memory_space<vmem>>
        %dma_start3A_370 = arith.constant 0 : i32
        %dma_start3A_371 = tpu.memref_slice %arg8[%add3A_364, %dma_start3A_370] : memref<32x128xi32, #tpu.memory_space<vmem>> -> memref<1x128xi32, #tpu.memory_space<vmem>>
        %dma_start3A_372 = tpu.memref_squeeze %dma_start3A_371 : memref<1x128xi32, #tpu.memory_space<vmem>> -> memref<128xi32, #tpu.memory_space<vmem>>
        %dma_start3A_373 = arith.constant 0 : i32
        %dma_start3A_374 = arith.constant 0 : i32
        %dma_start3A_375 = tpu.memref_slice %arg10[%dma_start3A_373, %dma_start3A_374] : memref<100352x16xf32, #tpu.memory_space<vmem_shared>> -> memref<100352x16xf32, #tpu.memory_space<vmem_shared>>
        tpu.enqueue_indirect_dma source(%dma_start3A_369 : memref<128x16xf32, #tpu.memory_space<vmem>>) target(%dma_start3A_375 : memref<100352x16xf32, #tpu.memory_space<vmem_shared>>) offsets(%dma_start3A_372 : memref<128xi32, #tpu.memory_space<vmem>>) semaphore(%arg23 : memref<!tpu.dma_semaphore, #tpu.memory_space<semaphore_mem>>) {add = true}
        %dma_wait3A_376 = arith.constant 5 : i32
        %dma_wait3A_377 = arith.constant 0 : i32
        %dma_wait3A_378 = arith.constant 0 : i32
        %dma_wait3A_379 = tpu.memref_slice %arg9[%dma_wait3A_376, %dma_wait3A_377, %dma_wait3A_378] : memref<8x128x16xf32, #tpu.memory_space<vmem>> -> memref<1x128x16xf32, #tpu.memory_space<vmem>>
        %dma_wait3A_380 = tpu.memref_squeeze %dma_wait3A_379 : memref<1x128x16xf32, #tpu.memory_space<vmem>> -> memref<128x16xf32, #tpu.memory_space<vmem>>
        %dma_wait3A_381 = arith.constant 0 : i32
        %dma_wait3A_382 = tpu.memref_slice %arg7[%add3A_204, %dma_wait3A_381] : memref<32x128xi32, #tpu.memory_space<vmem>> -> memref<1x128xi32, #tpu.memory_space<vmem>>
        %dma_wait3A_383 = tpu.memref_squeeze %dma_wait3A_382 : memref<1x128xi32, #tpu.memory_space<vmem>> -> memref<128xi32, #tpu.memory_space<vmem>>
        %dma_wait3A_384 = arith.constant 0 : i32
        %dma_wait3A_385 = arith.constant 0 : i32
        %dma_wait3A_386 = tpu.memref_slice %arg2[%dma_wait3A_384, %dma_wait3A_385] : memref<200704x16xf32, #tpu.memory_space<hbm>> -> memref<200704x16xf32, #tpu.memory_space<hbm>>
        tpu.wait_indirect_dma semaphore(%arg16 : memref<!tpu.dma_semaphore, #tpu.memory_space<semaphore_mem>>) src(%dma_wait3A_386 : memref<200704x16xf32, #tpu.memory_space<hbm>>) dst(%dma_wait3A_380 : memref<128x16xf32, #tpu.memory_space<vmem>>)
        %mul3A_387 = arith.constant 8 : i32
        %mul3A_388 = arith.muli %scan3A_120, %mul3A_387 : i32
        %add3A_389 = arith.constant 5 : i32
        %add3A_390 = arith.addi %mul3A_388, %add3A_389 : i32
        %dma_start3A_391 = arith.constant 5 : i32
        %dma_start3A_392 = arith.constant 0 : i32
        %dma_start3A_393 = arith.constant 0 : i32
        %dma_start3A_394 = tpu.memref_slice %arg9[%dma_start3A_391, %dma_start3A_392, %dma_start3A_393] : memref<8x128x16xf32, #tpu.memory_space<vmem>> -> memref<1x128x16xf32, #tpu.memory_space<vmem>>
        %dma_start3A_395 = tpu.memref_squeeze %dma_start3A_394 : memref<1x128x16xf32, #tpu.memory_space<vmem>> -> memref<128x16xf32, #tpu.memory_space<vmem>>
        %dma_start3A_396 = arith.constant 0 : i32
        %dma_start3A_397 = tpu.memref_slice %arg8[%add3A_390, %dma_start3A_396] : memref<32x128xi32, #tpu.memory_space<vmem>> -> memref<1x128xi32, #tpu.memory_space<vmem>>
        %dma_start3A_398 = tpu.memref_squeeze %dma_start3A_397 : memref<1x128xi32, #tpu.memory_space<vmem>> -> memref<128xi32, #tpu.memory_space<vmem>>
        %dma_start3A_399 = arith.constant 0 : i32
        %dma_start3A_400 = arith.constant 0 : i32
        %dma_start3A_401 = tpu.memref_slice %arg10[%dma_start3A_399, %dma_start3A_400] : memref<100352x16xf32, #tpu.memory_space<vmem_shared>> -> memref<100352x16xf32, #tpu.memory_space<vmem_shared>>
        tpu.enqueue_indirect_dma source(%dma_start3A_395 : memref<128x16xf32, #tpu.memory_space<vmem>>) target(%dma_start3A_401 : memref<100352x16xf32, #tpu.memory_space<vmem_shared>>) offsets(%dma_start3A_398 : memref<128xi32, #tpu.memory_space<vmem>>) semaphore(%arg24 : memref<!tpu.dma_semaphore, #tpu.memory_space<semaphore_mem>>) {add = true}
        %dma_wait3A_402 = arith.constant 6 : i32
        %dma_wait3A_403 = arith.constant 0 : i32
        %dma_wait3A_404 = arith.constant 0 : i32
        %dma_wait3A_405 = tpu.memref_slice %arg9[%dma_wait3A_402, %dma_wait3A_403, %dma_wait3A_404] : memref<8x128x16xf32, #tpu.memory_space<vmem>> -> memref<1x128x16xf32, #tpu.memory_space<vmem>>
        %dma_wait3A_406 = tpu.memref_squeeze %dma_wait3A_405 : memref<1x128x16xf32, #tpu.memory_space<vmem>> -> memref<128x16xf32, #tpu.memory_space<vmem>>
        %dma_wait3A_407 = arith.constant 0 : i32
        %dma_wait3A_408 = tpu.memref_slice %arg7[%add3A_219, %dma_wait3A_407] : memref<32x128xi32, #tpu.memory_space<vmem>> -> memref<1x128xi32, #tpu.memory_space<vmem>>
        %dma_wait3A_409 = tpu.memref_squeeze %dma_wait3A_408 : memref<1x128xi32, #tpu.memory_space<vmem>> -> memref<128xi32, #tpu.memory_space<vmem>>
        %dma_wait3A_410 = arith.constant 0 : i32
        %dma_wait3A_411 = arith.constant 0 : i32
        %dma_wait3A_412 = tpu.memref_slice %arg2[%dma_wait3A_410, %dma_wait3A_411] : memref<200704x16xf32, #tpu.memory_space<hbm>> -> memref<200704x16xf32, #tpu.memory_space<hbm>>
        tpu.wait_indirect_dma semaphore(%arg17 : memref<!tpu.dma_semaphore, #tpu.memory_space<semaphore_mem>>) src(%dma_wait3A_412 : memref<200704x16xf32, #tpu.memory_space<hbm>>) dst(%dma_wait3A_406 : memref<128x16xf32, #tpu.memory_space<vmem>>)
        %mul3A_413 = arith.constant 8 : i32
        %mul3A_414 = arith.muli %scan3A_120, %mul3A_413 : i32
        %add3A_415 = arith.constant 6 : i32
        %add3A_416 = arith.addi %mul3A_414, %add3A_415 : i32
        %dma_start3A_417 = arith.constant 6 : i32
        %dma_start3A_418 = arith.constant 0 : i32
        %dma_start3A_419 = arith.constant 0 : i32
        %dma_start3A_420 = tpu.memref_slice %arg9[%dma_start3A_417, %dma_start3A_418, %dma_start3A_419] : memref<8x128x16xf32, #tpu.memory_space<vmem>> -> memref<1x128x16xf32, #tpu.memory_space<vmem>>
        %dma_start3A_421 = tpu.memref_squeeze %dma_start3A_420 : memref<1x128x16xf32, #tpu.memory_space<vmem>> -> memref<128x16xf32, #tpu.memory_space<vmem>>
        %dma_start3A_422 = arith.constant 0 : i32
        %dma_start3A_423 = tpu.memref_slice %arg8[%add3A_416, %dma_start3A_422] : memref<32x128xi32, #tpu.memory_space<vmem>> -> memref<1x128xi32, #tpu.memory_space<vmem>>
        %dma_start3A_424 = tpu.memref_squeeze %dma_start3A_423 : memref<1x128xi32, #tpu.memory_space<vmem>> -> memref<128xi32, #tpu.memory_space<vmem>>
        %dma_start3A_425 = arith.constant 0 : i32
        %dma_start3A_426 = arith.constant 0 : i32
        %dma_start3A_427 = tpu.memref_slice %arg10[%dma_start3A_425, %dma_start3A_426] : memref<100352x16xf32, #tpu.memory_space<vmem_shared>> -> memref<100352x16xf32, #tpu.memory_space<vmem_shared>>
        tpu.enqueue_indirect_dma source(%dma_start3A_421 : memref<128x16xf32, #tpu.memory_space<vmem>>) target(%dma_start3A_427 : memref<100352x16xf32, #tpu.memory_space<vmem_shared>>) offsets(%dma_start3A_424 : memref<128xi32, #tpu.memory_space<vmem>>) semaphore(%arg25 : memref<!tpu.dma_semaphore, #tpu.memory_space<semaphore_mem>>) {add = true}
        %dma_wait3A_428 = arith.constant 7 : i32
        %dma_wait3A_429 = arith.constant 0 : i32
        %dma_wait3A_430 = arith.constant 0 : i32
        %dma_wait3A_431 = tpu.memref_slice %arg9[%dma_wait3A_428, %dma_wait3A_429, %dma_wait3A_430] : memref<8x128x16xf32, #tpu.memory_space<vmem>> -> memref<1x128x16xf32, #tpu.memory_space<vmem>>
        %dma_wait3A_432 = tpu.memref_squeeze %dma_wait3A_431 : memref<1x128x16xf32, #tpu.memory_space<vmem>> -> memref<128x16xf32, #tpu.memory_space<vmem>>
        %dma_wait3A_433 = arith.constant 0 : i32
        %dma_wait3A_434 = tpu.memref_slice %arg7[%add3A_234, %dma_wait3A_433] : memref<32x128xi32, #tpu.memory_space<vmem>> -> memref<1x128xi32, #tpu.memory_space<vmem>>
        %dma_wait3A_435 = tpu.memref_squeeze %dma_wait3A_434 : memref<1x128xi32, #tpu.memory_space<vmem>> -> memref<128xi32, #tpu.memory_space<vmem>>
        %dma_wait3A_436 = arith.constant 0 : i32
        %dma_wait3A_437 = arith.constant 0 : i32
        %dma_wait3A_438 = tpu.memref_slice %arg2[%dma_wait3A_436, %dma_wait3A_437] : memref<200704x16xf32, #tpu.memory_space<hbm>> -> memref<200704x16xf32, #tpu.memory_space<hbm>>
        tpu.wait_indirect_dma semaphore(%arg18 : memref<!tpu.dma_semaphore, #tpu.memory_space<semaphore_mem>>) src(%dma_wait3A_438 : memref<200704x16xf32, #tpu.memory_space<hbm>>) dst(%dma_wait3A_432 : memref<128x16xf32, #tpu.memory_space<vmem>>)
        %mul3A_439 = arith.constant 8 : i32
        %mul3A_440 = arith.muli %scan3A_120, %mul3A_439 : i32
        %add3A_441 = arith.constant 7 : i32
        %add3A_442 = arith.addi %mul3A_440, %add3A_441 : i32
        %dma_start3A_443 = arith.constant 7 : i32
        %dma_start3A_444 = arith.constant 0 : i32
        %dma_start3A_445 = arith.constant 0 : i32
        %dma_start3A_446 = tpu.memref_slice %arg9[%dma_start3A_443, %dma_start3A_444, %dma_start3A_445] : memref<8x128x16xf32, #tpu.memory_space<vmem>> -> memref<1x128x16xf32, #tpu.memory_space<vmem>>
        %dma_start3A_447 = tpu.memref_squeeze %dma_start3A_446 : memref<1x128x16xf32, #tpu.memory_space<vmem>> -> memref<128x16xf32, #tpu.memory_space<vmem>>
        %dma_start3A_448 = arith.constant 0 : i32
        %dma_start3A_449 = tpu.memref_slice %arg8[%add3A_442, %dma_start3A_448] : memref<32x128xi32, #tpu.memory_space<vmem>> -> memref<1x128xi32, #tpu.memory_space<vmem>>
        %dma_start3A_450 = tpu.memref_squeeze %dma_start3A_449 : memref<1x128xi32, #tpu.memory_space<vmem>> -> memref<128xi32, #tpu.memory_space<vmem>>
        %dma_start3A_451 = arith.constant 0 : i32
        %dma_start3A_452 = arith.constant 0 : i32
        %dma_start3A_453 = tpu.memref_slice %arg10[%dma_start3A_451, %dma_start3A_452] : memref<100352x16xf32, #tpu.memory_space<vmem_shared>> -> memref<100352x16xf32, #tpu.memory_space<vmem_shared>>
        tpu.enqueue_indirect_dma source(%dma_start3A_447 : memref<128x16xf32, #tpu.memory_space<vmem>>) target(%dma_start3A_453 : memref<100352x16xf32, #tpu.memory_space<vmem_shared>>) offsets(%dma_start3A_450 : memref<128xi32, #tpu.memory_space<vmem>>) semaphore(%arg26 : memref<!tpu.dma_semaphore, #tpu.memory_space<semaphore_mem>>) {add = true}
        %scan3A_454 = arith.constant 0 : i32
        scf.yield %scan3A_454 : i32
      }
      %scan3A_118 = arith.constant 4 : i32
      %scan3A_119 = arith.constant 0 : i32
      scf.yield %scan3A_119 : i32
    }
    %scan3A_8 = arith.constant 25 : i32
    %dma_wait3A = arith.constant 0 : i32
    %dma_wait3A_9 = arith.constant 31 : i32
    %dma_wait3A_10 = arith.constant 0 : i32
    %dma_wait3A_11 = arith.constant 0 : i32
    %dma_wait3A_12 = tpu.memref_slice %arg9[%dma_wait3A, %dma_wait3A_10, %dma_wait3A_11] : memref<8x128x16xf32, #tpu.memory_space<vmem>> -> memref<1x128x16xf32, #tpu.memory_space<vmem>>
    %dma_wait3A_13 = tpu.memref_squeeze %dma_wait3A_12 : memref<1x128x16xf32, #tpu.memory_space<vmem>> -> memref<128x16xf32, #tpu.memory_space<vmem>>
    %dma_wait3A_14 = arith.constant 0 : i32
    %dma_wait3A_15 = tpu.memref_slice %arg8[%dma_wait3A_9, %dma_wait3A_14] : memref<32x128xi32, #tpu.memory_space<vmem>> -> memref<1x128xi32, #tpu.memory_space<vmem>>
    %dma_wait3A_16 = tpu.memref_squeeze %dma_wait3A_15 : memref<1x128xi32, #tpu.memory_space<vmem>> -> memref<128xi32, #tpu.memory_space<vmem>>
    %dma_wait3A_17 = arith.constant 0 : i32
    %dma_wait3A_18 = arith.constant 0 : i32
    %dma_wait3A_19 = tpu.memref_slice %arg10[%dma_wait3A_17, %dma_wait3A_18] : memref<100352x16xf32, #tpu.memory_space<vmem_shared>> -> memref<100352x16xf32, #tpu.memory_space<vmem_shared>>
    tpu.wait_indirect_dma semaphore(%arg19 : memref<!tpu.dma_semaphore, #tpu.memory_space<semaphore_mem>>) src(%dma_wait3A_13 : memref<128x16xf32, #tpu.memory_space<vmem>>) dst(%dma_wait3A_19 : memref<100352x16xf32, #tpu.memory_space<vmem_shared>>)
    %dma_wait3A_20 = arith.constant 1 : i32
    %dma_wait3A_21 = arith.constant 31 : i32
    %dma_wait3A_22 = arith.constant 0 : i32
    %dma_wait3A_23 = arith.constant 0 : i32
    %dma_wait3A_24 = tpu.memref_slice %arg9[%dma_wait3A_20, %dma_wait3A_22, %dma_wait3A_23] : memref<8x128x16xf32, #tpu.memory_space<vmem>> -> memref<1x128x16xf32, #tpu.memory_space<vmem>>
    %dma_wait3A_25 = tpu.memref_squeeze %dma_wait3A_24 : memref<1x128x16xf32, #tpu.memory_space<vmem>> -> memref<128x16xf32, #tpu.memory_space<vmem>>
    %dma_wait3A_26 = arith.constant 0 : i32
    %dma_wait3A_27 = tpu.memref_slice %arg8[%dma_wait3A_21, %dma_wait3A_26] : memref<32x128xi32, #tpu.memory_space<vmem>> -> memref<1x128xi32, #tpu.memory_space<vmem>>
    %dma_wait3A_28 = tpu.memref_squeeze %dma_wait3A_27 : memref<1x128xi32, #tpu.memory_space<vmem>> -> memref<128xi32, #tpu.memory_space<vmem>>
    %dma_wait3A_29 = arith.constant 0 : i32
    %dma_wait3A_30 = arith.constant 0 : i32
    %dma_wait3A_31 = tpu.memref_slice %arg10[%dma_wait3A_29, %dma_wait3A_30] : memref<100352x16xf32, #tpu.memory_space<vmem_shared>> -> memref<100352x16xf32, #tpu.memory_space<vmem_shared>>
    tpu.wait_indirect_dma semaphore(%arg20 : memref<!tpu.dma_semaphore, #tpu.memory_space<semaphore_mem>>) src(%dma_wait3A_25 : memref<128x16xf32, #tpu.memory_space<vmem>>) dst(%dma_wait3A_31 : memref<100352x16xf32, #tpu.memory_space<vmem_shared>>)
    %dma_wait3A_32 = arith.constant 2 : i32
    %dma_wait3A_33 = arith.constant 31 : i32
    %dma_wait3A_34 = arith.constant 0 : i32
    %dma_wait3A_35 = arith.constant 0 : i32
    %dma_wait3A_36 = tpu.memref_slice %arg9[%dma_wait3A_32, %dma_wait3A_34, %dma_wait3A_35] : memref<8x128x16xf32, #tpu.memory_space<vmem>> -> memref<1x128x16xf32, #tpu.memory_space<vmem>>
    %dma_wait3A_37 = tpu.memref_squeeze %dma_wait3A_36 : memref<1x128x16xf32, #tpu.memory_space<vmem>> -> memref<128x16xf32, #tpu.memory_space<vmem>>
    %dma_wait3A_38 = arith.constant 0 : i32
    %dma_wait3A_39 = tpu.memref_slice %arg8[%dma_wait3A_33, %dma_wait3A_38] : memref<32x128xi32, #tpu.memory_space<vmem>> -> memref<1x128xi32, #tpu.memory_space<vmem>>
    %dma_wait3A_40 = tpu.memref_squeeze %dma_wait3A_39 : memref<1x128xi32, #tpu.memory_space<vmem>> -> memref<128xi32, #tpu.memory_space<vmem>>
    %dma_wait3A_41 = arith.constant 0 : i32
    %dma_wait3A_42 = arith.constant 0 : i32
    %dma_wait3A_43 = tpu.memref_slice %arg10[%dma_wait3A_41, %dma_wait3A_42] : memref<100352x16xf32, #tpu.memory_space<vmem_shared>> -> memref<100352x16xf32, #tpu.memory_space<vmem_shared>>
    tpu.wait_indirect_dma semaphore(%arg21 : memref<!tpu.dma_semaphore, #tpu.memory_space<semaphore_mem>>) src(%dma_wait3A_37 : memref<128x16xf32, #tpu.memory_space<vmem>>) dst(%dma_wait3A_43 : memref<100352x16xf32, #tpu.memory_space<vmem_shared>>)
    %dma_wait3A_44 = arith.constant 3 : i32
    %dma_wait3A_45 = arith.constant 31 : i32
    %dma_wait3A_46 = arith.constant 0 : i32
    %dma_wait3A_47 = arith.constant 0 : i32
    %dma_wait3A_48 = tpu.memref_slice %arg9[%dma_wait3A_44, %dma_wait3A_46, %dma_wait3A_47] : memref<8x128x16xf32, #tpu.memory_space<vmem>> -> memref<1x128x16xf32, #tpu.memory_space<vmem>>
    %dma_wait3A_49 = tpu.memref_squeeze %dma_wait3A_48 : memref<1x128x16xf32, #tpu.memory_space<vmem>> -> memref<128x16xf32, #tpu.memory_space<vmem>>
    %dma_wait3A_50 = arith.constant 0 : i32
    %dma_wait3A_51 = tpu.memref_slice %arg8[%dma_wait3A_45, %dma_wait3A_50] : memref<32x128xi32, #tpu.memory_space<vmem>> -> memref<1x128xi32, #tpu.memory_space<vmem>>
    %dma_wait3A_52 = tpu.memref_squeeze %dma_wait3A_51 : memref<1x128xi32, #tpu.memory_space<vmem>> -> memref<128xi32, #tpu.memory_space<vmem>>
    %dma_wait3A_53 = arith.constant 0 : i32
    %dma_wait3A_54 = arith.constant 0 : i32
    %dma_wait3A_55 = tpu.memref_slice %arg10[%dma_wait3A_53, %dma_wait3A_54] : memref<100352x16xf32, #tpu.memory_space<vmem_shared>> -> memref<100352x16xf32, #tpu.memory_space<vmem_shared>>
    tpu.wait_indirect_dma semaphore(%arg22 : memref<!tpu.dma_semaphore, #tpu.memory_space<semaphore_mem>>) src(%dma_wait3A_49 : memref<128x16xf32, #tpu.memory_space<vmem>>) dst(%dma_wait3A_55 : memref<100352x16xf32, #tpu.memory_space<vmem_shared>>)
    %dma_wait3A_56 = arith.constant 4 : i32
    %dma_wait3A_57 = arith.constant 31 : i32
    %dma_wait3A_58 = arith.constant 0 : i32
    %dma_wait3A_59 = arith.constant 0 : i32
    %dma_wait3A_60 = tpu.memref_slice %arg9[%dma_wait3A_56, %dma_wait3A_58, %dma_wait3A_59] : memref<8x128x16xf32, #tpu.memory_space<vmem>> -> memref<1x128x16xf32, #tpu.memory_space<vmem>>
    %dma_wait3A_61 = tpu.memref_squeeze %dma_wait3A_60 : memref<1x128x16xf32, #tpu.memory_space<vmem>> -> memref<128x16xf32, #tpu.memory_space<vmem>>
    %dma_wait3A_62 = arith.constant 0 : i32
    %dma_wait3A_63 = tpu.memref_slice %arg8[%dma_wait3A_57, %dma_wait3A_62] : memref<32x128xi32, #tpu.memory_space<vmem>> -> memref<1x128xi32, #tpu.memory_space<vmem>>
    %dma_wait3A_64 = tpu.memref_squeeze %dma_wait3A_63 : memref<1x128xi32, #tpu.memory_space<vmem>> -> memref<128xi32, #tpu.memory_space<vmem>>
    %dma_wait3A_65 = arith.constant 0 : i32
    %dma_wait3A_66 = arith.constant 0 : i32
    %dma_wait3A_67 = tpu.memref_slice %arg10[%dma_wait3A_65, %dma_wait3A_66] : memref<100352x16xf32, #tpu.memory_space<vmem_shared>> -> memref<100352x16xf32, #tpu.memory_space<vmem_shared>>
    tpu.wait_indirect_dma semaphore(%arg23 : memref<!tpu.dma_semaphore, #tpu.memory_space<semaphore_mem>>) src(%dma_wait3A_61 : memref<128x16xf32, #tpu.memory_space<vmem>>) dst(%dma_wait3A_67 : memref<100352x16xf32, #tpu.memory_space<vmem_shared>>)
    %dma_wait3A_68 = arith.constant 5 : i32
    %dma_wait3A_69 = arith.constant 31 : i32
    %dma_wait3A_70 = arith.constant 0 : i32
    %dma_wait3A_71 = arith.constant 0 : i32
    %dma_wait3A_72 = tpu.memref_slice %arg9[%dma_wait3A_68, %dma_wait3A_70, %dma_wait3A_71] : memref<8x128x16xf32, #tpu.memory_space<vmem>> -> memref<1x128x16xf32, #tpu.memory_space<vmem>>
    %dma_wait3A_73 = tpu.memref_squeeze %dma_wait3A_72 : memref<1x128x16xf32, #tpu.memory_space<vmem>> -> memref<128x16xf32, #tpu.memory_space<vmem>>
    %dma_wait3A_74 = arith.constant 0 : i32
    %dma_wait3A_75 = tpu.memref_slice %arg8[%dma_wait3A_69, %dma_wait3A_74] : memref<32x128xi32, #tpu.memory_space<vmem>> -> memref<1x128xi32, #tpu.memory_space<vmem>>
    %dma_wait3A_76 = tpu.memref_squeeze %dma_wait3A_75 : memref<1x128xi32, #tpu.memory_space<vmem>> -> memref<128xi32, #tpu.memory_space<vmem>>
    %dma_wait3A_77 = arith.constant 0 : i32
    %dma_wait3A_78 = arith.constant 0 : i32
    %dma_wait3A_79 = tpu.memref_slice %arg10[%dma_wait3A_77, %dma_wait3A_78] : memref<100352x16xf32, #tpu.memory_space<vmem_shared>> -> memref<100352x16xf32, #tpu.memory_space<vmem_shared>>
    tpu.wait_indirect_dma semaphore(%arg24 : memref<!tpu.dma_semaphore, #tpu.memory_space<semaphore_mem>>) src(%dma_wait3A_73 : memref<128x16xf32, #tpu.memory_space<vmem>>) dst(%dma_wait3A_79 : memref<100352x16xf32, #tpu.memory_space<vmem_shared>>)
    %dma_wait3A_80 = arith.constant 6 : i32
    %dma_wait3A_81 = arith.constant 31 : i32
    %dma_wait3A_82 = arith.constant 0 : i32
    %dma_wait3A_83 = arith.constant 0 : i32
    %dma_wait3A_84 = tpu.memref_slice %arg9[%dma_wait3A_80, %dma_wait3A_82, %dma_wait3A_83] : memref<8x128x16xf32, #tpu.memory_space<vmem>> -> memref<1x128x16xf32, #tpu.memory_space<vmem>>
    %dma_wait3A_85 = tpu.memref_squeeze %dma_wait3A_84 : memref<1x128x16xf32, #tpu.memory_space<vmem>> -> memref<128x16xf32, #tpu.memory_space<vmem>>
    %dma_wait3A_86 = arith.constant 0 : i32
    %dma_wait3A_87 = tpu.memref_slice %arg8[%dma_wait3A_81, %dma_wait3A_86] : memref<32x128xi32, #tpu.memory_space<vmem>> -> memref<1x128xi32, #tpu.memory_space<vmem>>
    %dma_wait3A_88 = tpu.memref_squeeze %dma_wait3A_87 : memref<1x128xi32, #tpu.memory_space<vmem>> -> memref<128xi32, #tpu.memory_space<vmem>>
    %dma_wait3A_89 = arith.constant 0 : i32
    %dma_wait3A_90 = arith.constant 0 : i32
    %dma_wait3A_91 = tpu.memref_slice %arg10[%dma_wait3A_89, %dma_wait3A_90] : memref<100352x16xf32, #tpu.memory_space<vmem_shared>> -> memref<100352x16xf32, #tpu.memory_space<vmem_shared>>
    tpu.wait_indirect_dma semaphore(%arg25 : memref<!tpu.dma_semaphore, #tpu.memory_space<semaphore_mem>>) src(%dma_wait3A_85 : memref<128x16xf32, #tpu.memory_space<vmem>>) dst(%dma_wait3A_91 : memref<100352x16xf32, #tpu.memory_space<vmem_shared>>)
    %dma_wait3A_92 = arith.constant 7 : i32
    %dma_wait3A_93 = arith.constant 31 : i32
    %dma_wait3A_94 = arith.constant 0 : i32
    %dma_wait3A_95 = arith.constant 0 : i32
    %dma_wait3A_96 = tpu.memref_slice %arg9[%dma_wait3A_92, %dma_wait3A_94, %dma_wait3A_95] : memref<8x128x16xf32, #tpu.memory_space<vmem>> -> memref<1x128x16xf32, #tpu.memory_space<vmem>>
    %dma_wait3A_97 = tpu.memref_squeeze %dma_wait3A_96 : memref<1x128x16xf32, #tpu.memory_space<vmem>> -> memref<128x16xf32, #tpu.memory_space<vmem>>
    %dma_wait3A_98 = arith.constant 0 : i32
    %dma_wait3A_99 = tpu.memref_slice %arg8[%dma_wait3A_93, %dma_wait3A_98] : memref<32x128xi32, #tpu.memory_space<vmem>> -> memref<1x128xi32, #tpu.memory_space<vmem>>
    %dma_wait3A_100 = tpu.memref_squeeze %dma_wait3A_99 : memref<1x128xi32, #tpu.memory_space<vmem>> -> memref<128xi32, #tpu.memory_space<vmem>>
    %dma_wait3A_101 = arith.constant 0 : i32
    %dma_wait3A_102 = arith.constant 0 : i32
    %dma_wait3A_103 = tpu.memref_slice %arg10[%dma_wait3A_101, %dma_wait3A_102] : memref<100352x16xf32, #tpu.memory_space<vmem_shared>> -> memref<100352x16xf32, #tpu.memory_space<vmem_shared>>
    tpu.wait_indirect_dma semaphore(%arg26 : memref<!tpu.dma_semaphore, #tpu.memory_space<semaphore_mem>>) src(%dma_wait3A_97 : memref<128x16xf32, #tpu.memory_space<vmem>>) dst(%dma_wait3A_103 : memref<100352x16xf32, #tpu.memory_space<vmem_shared>>)
    %barrier3A_104 = arith.constant 0 : index
    tpu.barrier barrier_id(%barrier3A_104)
    "tpu.region"() ({
      %run_scoped3A = tpu.sem_alloc : memref<!tpu.dma_semaphore, #tpu.memory_space<semaphore_mem>>
      %dma_start3A = arith.constant 0 : i32
      %dma_start3A_105 = tpu.memref_slice %arg6[%mul3A_0, %arg0, %dma_start3A] : memref<100352x2x16xf32, #tpu.memory_space<hbm>> -> memref<6272x1x16xf32, #tpu.memory_space<hbm>>
      %dma_start3A_106 = tpu.memref_squeeze %dma_start3A_105 : memref<6272x1x16xf32, #tpu.memory_space<hbm>> -> memref<6272x16xf32, #tpu.memory_space<hbm>>
      %dma_start3A_107 = arith.constant 0 : i32
      %dma_start3A_108 = tpu.memref_slice %arg10[%mul3A_0, %dma_start3A_107] : memref<100352x16xf32, #tpu.memory_space<vmem_shared>> -> memref<6272x16xf32, #tpu.memory_space<vmem_shared>>
      tpu.enqueue_dma source(%dma_start3A_108 : memref<6272x16xf32, #tpu.memory_space<vmem_shared>>) target(%dma_start3A_106 : memref<6272x16xf32, #tpu.memory_space<hbm>>) target_semaphore(%run_scoped3A : memref<!tpu.dma_semaphore, #tpu.memory_space<semaphore_mem>>)
      %dma_wait3A_109 = arith.constant 0 : i32
      %dma_wait3A_110 = tpu.memref_slice %arg6[%mul3A_0, %arg0, %dma_wait3A_109] : memref<100352x2x16xf32, #tpu.memory_space<hbm>> -> memref<6272x1x16xf32, #tpu.memory_space<hbm>>
      %dma_wait3A_111 = tpu.memref_squeeze %dma_wait3A_110 : memref<6272x1x16xf32, #tpu.memory_space<hbm>> -> memref<6272x16xf32, #tpu.memory_space<hbm>>
      %dma_wait3A_112 = arith.constant 0 : i32
      %dma_wait3A_113 = tpu.memref_slice %arg10[%mul3A_0, %dma_wait3A_112] : memref<100352x16xf32, #tpu.memory_space<vmem_shared>> -> memref<6272x16xf32, #tpu.memory_space<vmem_shared>>
      tpu.wait_dma2 semaphore(%run_scoped3A : memref<!tpu.dma_semaphore, #tpu.memory_space<semaphore_mem>>) src(%dma_wait3A_113 : memref<6272x16xf32, #tpu.memory_space<vmem_shared>>) dst(%dma_wait3A_111 : memref<6272x16xf32, #tpu.memory_space<hbm>>)
      tpu.yield
    }) : () -> ()
    return
  }
}

#map = affine_map<(d0, d1) -> (0, 0)>
#map1 = affine_map<(d0, d1) -> (0, 0, 0)>
module attributes {stable_mosaic.version = 14 : i64} {
  func.func @_edge_body(%arg0: i32, %arg1: i32, %arg2: memref<200704x16xf32, #tpu.memory_space<hbm>>, %arg3: memref<100352x16xf32, #tpu.memory_space<hbm>>, %arg4: memref<2x12800x128xi32, #tpu.memory_space<hbm>>, %arg5: memref<12800x128xi32, #tpu.memory_space<hbm>>, %arg6: memref<100352x2x16xf32, #tpu.memory_space<hbm>>, %arg7: memref<32x128xi32, #tpu.memory_space<vmem>>, %arg8: memref<32x128xi32, #tpu.memory_space<vmem>>, %arg9: memref<8x128x16xf32, #tpu.memory_space<vmem>>, %arg10: memref<100352x16xf32, #tpu.memory_space<vmem_shared>>, %arg11: memref<!tpu.dma_semaphore, #tpu.memory_space<semaphore_mem>>, %arg12: memref<!tpu.dma_semaphore, #tpu.memory_space<semaphore_mem>>, %arg13: memref<!tpu.dma_semaphore, #tpu.memory_space<semaphore_mem>>, %arg14: memref<!tpu.dma_semaphore, #tpu.memory_space<semaphore_mem>>, %arg15: memref<!tpu.dma_semaphore, #tpu.memory_space<semaphore_mem>>, %arg16: memref<!tpu.dma_semaphore, #tpu.memory_space<semaphore_mem>>, %arg17: memref<!tpu.dma_semaphore, #tpu.memory_space<semaphore_mem>>, %arg18: memref<!tpu.dma_semaphore, #tpu.memory_space<semaphore_mem>>, %arg19: memref<!tpu.dma_semaphore, #tpu.memory_space<semaphore_mem>>, %arg20: memref<!tpu.dma_semaphore, #tpu.memory_space<semaphore_mem>>, %arg21: memref<!tpu.dma_semaphore, #tpu.memory_space<semaphore_mem>>, %arg22: memref<!tpu.dma_semaphore, #tpu.memory_space<semaphore_mem>>, %arg23: memref<!tpu.dma_semaphore, #tpu.memory_space<semaphore_mem>>, %arg24: memref<!tpu.dma_semaphore, #tpu.memory_space<semaphore_mem>>, %arg25: memref<!tpu.dma_semaphore, #tpu.memory_space<semaphore_mem>>, %arg26: memref<!tpu.dma_semaphore, #tpu.memory_space<semaphore_mem>>) attributes {dimension_semantics = [#tpu.dimension_semantics<core_parallel>, #tpu.dimension_semantics<subcore_parallel>], iteration_bounds = array<i64: 2, 16>, scalar_prefetch = 0 : i64, scratch_operands = 20 : i64, tpu.core_type = #tpu.core_type<sc_vector_subcore>, window_params = [{transform_indices = #map}, {transform_indices = #map}, {transform_indices = #map1}, {transform_indices = #map}, {transform_indices = #map1}]} {
    %mul3A = arith.constant 6272 : i32
    %mul3A_0 = arith.muli %arg1, %mul3A : i32
    "tpu.region"() ({
      %run_scoped3A = tpu.sem_alloc : memref<!tpu.dma_semaphore, #tpu.memory_space<semaphore_mem>>
      %dma_start3A = arith.constant 0 : i32
      %dma_start3A_105 = tpu.memref_slice %arg10[%mul3A_0, %dma_start3A] : memref<100352x16xf32, #tpu.memory_space<vmem_shared>> -> memref<6272x16xf32, #tpu.memory_space<vmem_shared>>
      %dma_start3A_106 = arith.constant 0 : i32
      %dma_start3A_107 = tpu.memref_slice %arg3[%mul3A_0, %dma_start3A_106] : memref<100352x16xf32, #tpu.memory_space<hbm>> -> memref<6272x16xf32, #tpu.memory_space<hbm>>
      tpu.enqueue_dma source(%dma_start3A_107 : memref<6272x16xf32, #tpu.memory_space<hbm>>) target(%dma_start3A_105 : memref<6272x16xf32, #tpu.memory_space<vmem_shared>>) target_semaphore(%run_scoped3A : memref<!tpu.dma_semaphore, #tpu.memory_space<semaphore_mem>>)
      %dma_wait3A_108 = arith.constant 0 : i32
      %dma_wait3A_109 = tpu.memref_slice %arg10[%mul3A_0, %dma_wait3A_108] : memref<100352x16xf32, #tpu.memory_space<vmem_shared>> -> memref<6272x16xf32, #tpu.memory_space<vmem_shared>>
      %dma_wait3A_110 = arith.constant 0 : i32
      %dma_wait3A_111 = tpu.memref_slice %arg3[%mul3A_0, %dma_wait3A_110] : memref<100352x16xf32, #tpu.memory_space<hbm>> -> memref<6272x16xf32, #tpu.memory_space<hbm>>
      tpu.wait_dma2 semaphore(%run_scoped3A : memref<!tpu.dma_semaphore, #tpu.memory_space<semaphore_mem>>) src(%dma_wait3A_111 : memref<6272x16xf32, #tpu.memory_space<hbm>>) dst(%dma_wait3A_109 : memref<6272x16xf32, #tpu.memory_space<vmem_shared>>)
      tpu.yield
    }) : () -> ()
    %barrier3A = arith.constant 0 : index
    tpu.barrier barrier_id(%barrier3A)
    %mul3A_1 = arith.constant 800 : i32
    %mul3A_2 = arith.muli %arg1, %mul3A_1 : i32
    %scan3A = arith.constant 0 : i32
    %scan3A_3 = arith.constant 0 : i32
    %scan3A_4 = arith.constant 25 : i32
    %scan3A_5 = arith.addi %scan3A_3, %scan3A_4 : i32
    %scan3A_6 = arith.constant 1 : i32
    %scan3A_7 = scf.for %scan3A_105 = %scan3A_3 to %scan3A_5 step %scan3A_6 iter_args(%scan3A_106 = %scan3A) -> (i32)  : i32 {
      %mul3A_107 = arith.constant 32 : i32
      %mul3A_108 = arith.muli %scan3A_105, %mul3A_107 : i32
      %add3A = arith.addi %mul3A_2, %mul3A_108 : i32
      "tpu.region"() ({
        %run_scoped3A = tpu.sem_alloc : memref<!tpu.dma_semaphore, #tpu.memory_space<semaphore_mem>>
        %dma_start3A = arith.constant 0 : i32
        %dma_start3A_120 = arith.constant 0 : i32
        %dma_start3A_121 = tpu.memref_slice %arg4[%arg0, %dma_start3A, %dma_start3A_120] : memref<2x12800x128xi32, #tpu.memory_space<hbm>> -> memref<1x12800x128xi32, #tpu.memory_space<hbm>>
        %dma_start3A_122 = tpu.memref_squeeze %dma_start3A_121 : memref<1x12800x128xi32, #tpu.memory_space<hbm>> -> memref<12800x128xi32, #tpu.memory_space<hbm>>
        %dma_start3A_123 = arith.constant 0 : i32
        %dma_start3A_124 = tpu.memref_slice %dma_start3A_122[%add3A, %dma_start3A_123] : memref<12800x128xi32, #tpu.memory_space<hbm>> -> memref<32x128xi32, #tpu.memory_space<hbm>>
        %dma_start3A_125 = arith.constant 0 : i32
        %dma_start3A_126 = arith.constant 0 : i32
        %dma_start3A_127 = tpu.memref_slice %arg4[%arg0, %dma_start3A_125, %dma_start3A_126] : memref<2x12800x128xi32, #tpu.memory_space<hbm>> -> memref<1x12800x128xi32, #tpu.memory_space<hbm>>
        %dma_start3A_128 = tpu.memref_squeeze %dma_start3A_127 : memref<1x12800x128xi32, #tpu.memory_space<hbm>> -> memref<12800x128xi32, #tpu.memory_space<hbm>>
        %dma_start3A_129 = arith.constant 0 : i32
        %dma_start3A_130 = tpu.memref_slice %dma_start3A_128[%add3A, %dma_start3A_129] : memref<12800x128xi32, #tpu.memory_space<hbm>> -> memref<32x128xi32, #tpu.memory_space<hbm>>
        tpu.enqueue_dma source(%dma_start3A_130 : memref<32x128xi32, #tpu.memory_space<hbm>>) target(%arg7 : memref<32x128xi32, #tpu.memory_space<vmem>>) target_semaphore(%run_scoped3A : memref<!tpu.dma_semaphore, #tpu.memory_space<semaphore_mem>>)
        %dma_wait3A_131 = arith.constant 0 : i32
        %dma_wait3A_132 = arith.constant 0 : i32
        %dma_wait3A_133 = tpu.memref_slice %arg4[%arg0, %dma_wait3A_131, %dma_wait3A_132] : memref<2x12800x128xi32, #tpu.memory_space<hbm>> -> memref<1x12800x128xi32, #tpu.memory_space<hbm>>
        %dma_wait3A_134 = tpu.memref_squeeze %dma_wait3A_133 : memref<1x12800x128xi32, #tpu.memory_space<hbm>> -> memref<12800x128xi32, #tpu.memory_space<hbm>>
        %dma_wait3A_135 = arith.constant 0 : i32
        %dma_wait3A_136 = tpu.memref_slice %dma_wait3A_134[%add3A, %dma_wait3A_135] : memref<12800x128xi32, #tpu.memory_space<hbm>> -> memref<32x128xi32, #tpu.memory_space<hbm>>
        %dma_wait3A_137 = arith.constant 0 : i32
        %dma_wait3A_138 = arith.constant 0 : i32
        %dma_wait3A_139 = tpu.memref_slice %arg4[%arg0, %dma_wait3A_137, %dma_wait3A_138] : memref<2x12800x128xi32, #tpu.memory_space<hbm>> -> memref<1x12800x128xi32, #tpu.memory_space<hbm>>
        %dma_wait3A_140 = tpu.memref_squeeze %dma_wait3A_139 : memref<1x12800x128xi32, #tpu.memory_space<hbm>> -> memref<12800x128xi32, #tpu.memory_space<hbm>>
        %dma_wait3A_141 = arith.constant 0 : i32
        %dma_wait3A_142 = tpu.memref_slice %dma_wait3A_140[%add3A, %dma_wait3A_141] : memref<12800x128xi32, #tpu.memory_space<hbm>> -> memref<32x128xi32, #tpu.memory_space<hbm>>
        tpu.wait_dma2 semaphore(%run_scoped3A : memref<!tpu.dma_semaphore, #tpu.memory_space<semaphore_mem>>) src(%dma_wait3A_142 : memref<32x128xi32, #tpu.memory_space<hbm>>) dst(%arg7 : memref<32x128xi32, #tpu.memory_space<vmem>>)
        tpu.yield
      }) : () -> ()
      %mul3A_109 = arith.constant 32 : i32
      %mul3A_110 = arith.muli %scan3A_105, %mul3A_109 : i32
      %add3A_111 = arith.addi %mul3A_2, %mul3A_110 : i32
      "tpu.region"() ({
        %run_scoped3A = tpu.sem_alloc : memref<!tpu.dma_semaphore, #tpu.memory_space<semaphore_mem>>
        %dma_start3A = arith.constant 0 : i32
        %dma_start3A_120 = tpu.memref_slice %arg5[%add3A_111, %dma_start3A] : memref<12800x128xi32, #tpu.memory_space<hbm>> -> memref<32x128xi32, #tpu.memory_space<hbm>>
        %dma_start3A_121 = arith.constant 0 : i32
        %dma_start3A_122 = tpu.memref_slice %arg5[%add3A_111, %dma_start3A_121] : memref<12800x128xi32, #tpu.memory_space<hbm>> -> memref<32x128xi32, #tpu.memory_space<hbm>>
        tpu.enqueue_dma source(%dma_start3A_122 : memref<32x128xi32, #tpu.memory_space<hbm>>) target(%arg8 : memref<32x128xi32, #tpu.memory_space<vmem>>) target_semaphore(%run_scoped3A : memref<!tpu.dma_semaphore, #tpu.memory_space<semaphore_mem>>)
        %dma_wait3A_123 = arith.constant 0 : i32
        %dma_wait3A_124 = tpu.memref_slice %arg5[%add3A_111, %dma_wait3A_123] : memref<12800x128xi32, #tpu.memory_space<hbm>> -> memref<32x128xi32, #tpu.memory_space<hbm>>
        %dma_wait3A_125 = arith.constant 0 : i32
        %dma_wait3A_126 = tpu.memref_slice %arg5[%add3A_111, %dma_wait3A_125] : memref<12800x128xi32, #tpu.memory_space<hbm>> -> memref<32x128xi32, #tpu.memory_space<hbm>>
        tpu.wait_dma2 semaphore(%run_scoped3A : memref<!tpu.dma_semaphore, #tpu.memory_space<semaphore_mem>>) src(%dma_wait3A_126 : memref<32x128xi32, #tpu.memory_space<hbm>>) dst(%arg8 : memref<32x128xi32, #tpu.memory_space<vmem>>)
        tpu.yield
      }) : () -> ()
      %scan3A_112 = arith.constant 0 : i32
      %scan3A_113 = arith.constant 0 : i32
      %scan3A_114 = arith.constant 4 : i32
      %scan3A_115 = arith.addi %scan3A_113, %scan3A_114 : i32
      %scan3A_116 = arith.constant 1 : i32
      %scan3A_117 = scf.for %scan3A_120 = %scan3A_113 to %scan3A_115 step %scan3A_116 iter_args(%scan3A_121 = %scan3A_112) -> (i32)  : i32 {
        %mul3A_122 = arith.constant 4 : i32
        %mul3A_123 = arith.muli %scan3A_105, %mul3A_122 : i32
        %add3A_124 = arith.addi %mul3A_123, %scan3A_120 : i32
        %gt3A = arith.constant 0 : i32
        %gt3A_125 = arith.cmpi sgt, %add3A_124, %gt3A : i32
        %convert_element_type3A = arith.extui %gt3A_125 : i1 to i32
        %cond3A = arith.constant 0 : i32
        %cond3A_126 = arith.cmpi ne, %convert_element_type3A, %cond3A : i32
        scf.if %cond3A_126 {
          %mul3A_455 = arith.constant 8 : i32
          %mul3A_456 = arith.muli %scan3A_120, %mul3A_455 : i32
          %add3A_457 = arith.constant 0 : i32
          %add3A_458 = arith.addi %mul3A_456, %add3A_457 : i32
          %dma_wait3A_459 = arith.constant 0 : i32
          %dma_wait3A_460 = arith.constant 0 : i32
          %dma_wait3A_461 = arith.constant 0 : i32
          %dma_wait3A_462 = tpu.memref_slice %arg9[%dma_wait3A_459, %dma_wait3A_460, %dma_wait3A_461] : memref<8x128x16xf32, #tpu.memory_space<vmem>> -> memref<1x128x16xf32, #tpu.memory_space<vmem>>
          %dma_wait3A_463 = tpu.memref_squeeze %dma_wait3A_462 : memref<1x128x16xf32, #tpu.memory_space<vmem>> -> memref<128x16xf32, #tpu.memory_space<vmem>>
          %dma_wait3A_464 = arith.constant 0 : i32
          %dma_wait3A_465 = tpu.memref_slice %arg8[%add3A_458, %dma_wait3A_464] : memref<32x128xi32, #tpu.memory_space<vmem>> -> memref<1x128xi32, #tpu.memory_space<vmem>>
          %dma_wait3A_466 = tpu.memref_squeeze %dma_wait3A_465 : memref<1x128xi32, #tpu.memory_space<vmem>> -> memref<128xi32, #tpu.memory_space<vmem>>
          %dma_wait3A_467 = arith.constant 0 : i32
          %dma_wait3A_468 = arith.constant 0 : i32
          %dma_wait3A_469 = tpu.memref_slice %arg10[%dma_wait3A_467, %dma_wait3A_468] : memref<100352x16xf32, #tpu.memory_space<vmem_shared>> -> memref<100352x16xf32, #tpu.memory_space<vmem_shared>>
          tpu.wait_indirect_dma semaphore(%arg19 : memref<!tpu.dma_semaphore, #tpu.memory_space<semaphore_mem>>) src(%dma_wait3A_463 : memref<128x16xf32, #tpu.memory_space<vmem>>) dst(%dma_wait3A_469 : memref<100352x16xf32, #tpu.memory_space<vmem_shared>>)
          %mul3A_470 = arith.constant 8 : i32
          %mul3A_471 = arith.muli %scan3A_120, %mul3A_470 : i32
          %add3A_472 = arith.constant 1 : i32
          %add3A_473 = arith.addi %mul3A_471, %add3A_472 : i32
          %dma_wait3A_474 = arith.constant 1 : i32
          %dma_wait3A_475 = arith.constant 0 : i32
          %dma_wait3A_476 = arith.constant 0 : i32
          %dma_wait3A_477 = tpu.memref_slice %arg9[%dma_wait3A_474, %dma_wait3A_475, %dma_wait3A_476] : memref<8x128x16xf32, #tpu.memory_space<vmem>> -> memref<1x128x16xf32, #tpu.memory_space<vmem>>
          %dma_wait3A_478 = tpu.memref_squeeze %dma_wait3A_477 : memref<1x128x16xf32, #tpu.memory_space<vmem>> -> memref<128x16xf32, #tpu.memory_space<vmem>>
          %dma_wait3A_479 = arith.constant 0 : i32
          %dma_wait3A_480 = tpu.memref_slice %arg8[%add3A_473, %dma_wait3A_479] : memref<32x128xi32, #tpu.memory_space<vmem>> -> memref<1x128xi32, #tpu.memory_space<vmem>>
          %dma_wait3A_481 = tpu.memref_squeeze %dma_wait3A_480 : memref<1x128xi32, #tpu.memory_space<vmem>> -> memref<128xi32, #tpu.memory_space<vmem>>
          %dma_wait3A_482 = arith.constant 0 : i32
          %dma_wait3A_483 = arith.constant 0 : i32
          %dma_wait3A_484 = tpu.memref_slice %arg10[%dma_wait3A_482, %dma_wait3A_483] : memref<100352x16xf32, #tpu.memory_space<vmem_shared>> -> memref<100352x16xf32, #tpu.memory_space<vmem_shared>>
          tpu.wait_indirect_dma semaphore(%arg20 : memref<!tpu.dma_semaphore, #tpu.memory_space<semaphore_mem>>) src(%dma_wait3A_478 : memref<128x16xf32, #tpu.memory_space<vmem>>) dst(%dma_wait3A_484 : memref<100352x16xf32, #tpu.memory_space<vmem_shared>>)
          %mul3A_485 = arith.constant 8 : i32
          %mul3A_486 = arith.muli %scan3A_120, %mul3A_485 : i32
          %add3A_487 = arith.constant 2 : i32
          %add3A_488 = arith.addi %mul3A_486, %add3A_487 : i32
          %dma_wait3A_489 = arith.constant 2 : i32
          %dma_wait3A_490 = arith.constant 0 : i32
          %dma_wait3A_491 = arith.constant 0 : i32
          %dma_wait3A_492 = tpu.memref_slice %arg9[%dma_wait3A_489, %dma_wait3A_490, %dma_wait3A_491] : memref<8x128x16xf32, #tpu.memory_space<vmem>> -> memref<1x128x16xf32, #tpu.memory_space<vmem>>
          %dma_wait3A_493 = tpu.memref_squeeze %dma_wait3A_492 : memref<1x128x16xf32, #tpu.memory_space<vmem>> -> memref<128x16xf32, #tpu.memory_space<vmem>>
          %dma_wait3A_494 = arith.constant 0 : i32
          %dma_wait3A_495 = tpu.memref_slice %arg8[%add3A_488, %dma_wait3A_494] : memref<32x128xi32, #tpu.memory_space<vmem>> -> memref<1x128xi32, #tpu.memory_space<vmem>>
          %dma_wait3A_496 = tpu.memref_squeeze %dma_wait3A_495 : memref<1x128xi32, #tpu.memory_space<vmem>> -> memref<128xi32, #tpu.memory_space<vmem>>
          %dma_wait3A_497 = arith.constant 0 : i32
          %dma_wait3A_498 = arith.constant 0 : i32
          %dma_wait3A_499 = tpu.memref_slice %arg10[%dma_wait3A_497, %dma_wait3A_498] : memref<100352x16xf32, #tpu.memory_space<vmem_shared>> -> memref<100352x16xf32, #tpu.memory_space<vmem_shared>>
          tpu.wait_indirect_dma semaphore(%arg21 : memref<!tpu.dma_semaphore, #tpu.memory_space<semaphore_mem>>) src(%dma_wait3A_493 : memref<128x16xf32, #tpu.memory_space<vmem>>) dst(%dma_wait3A_499 : memref<100352x16xf32, #tpu.memory_space<vmem_shared>>)
          %mul3A_500 = arith.constant 8 : i32
          %mul3A_501 = arith.muli %scan3A_120, %mul3A_500 : i32
          %add3A_502 = arith.constant 3 : i32
          %add3A_503 = arith.addi %mul3A_501, %add3A_502 : i32
          %dma_wait3A_504 = arith.constant 3 : i32
          %dma_wait3A_505 = arith.constant 0 : i32
          %dma_wait3A_506 = arith.constant 0 : i32
          %dma_wait3A_507 = tpu.memref_slice %arg9[%dma_wait3A_504, %dma_wait3A_505, %dma_wait3A_506] : memref<8x128x16xf32, #tpu.memory_space<vmem>> -> memref<1x128x16xf32, #tpu.memory_space<vmem>>
          %dma_wait3A_508 = tpu.memref_squeeze %dma_wait3A_507 : memref<1x128x16xf32, #tpu.memory_space<vmem>> -> memref<128x16xf32, #tpu.memory_space<vmem>>
          %dma_wait3A_509 = arith.constant 0 : i32
          %dma_wait3A_510 = tpu.memref_slice %arg8[%add3A_503, %dma_wait3A_509] : memref<32x128xi32, #tpu.memory_space<vmem>> -> memref<1x128xi32, #tpu.memory_space<vmem>>
          %dma_wait3A_511 = tpu.memref_squeeze %dma_wait3A_510 : memref<1x128xi32, #tpu.memory_space<vmem>> -> memref<128xi32, #tpu.memory_space<vmem>>
          %dma_wait3A_512 = arith.constant 0 : i32
          %dma_wait3A_513 = arith.constant 0 : i32
          %dma_wait3A_514 = tpu.memref_slice %arg10[%dma_wait3A_512, %dma_wait3A_513] : memref<100352x16xf32, #tpu.memory_space<vmem_shared>> -> memref<100352x16xf32, #tpu.memory_space<vmem_shared>>
          tpu.wait_indirect_dma semaphore(%arg22 : memref<!tpu.dma_semaphore, #tpu.memory_space<semaphore_mem>>) src(%dma_wait3A_508 : memref<128x16xf32, #tpu.memory_space<vmem>>) dst(%dma_wait3A_514 : memref<100352x16xf32, #tpu.memory_space<vmem_shared>>)
          %mul3A_515 = arith.constant 8 : i32
          %mul3A_516 = arith.muli %scan3A_120, %mul3A_515 : i32
          %add3A_517 = arith.constant 4 : i32
          %add3A_518 = arith.addi %mul3A_516, %add3A_517 : i32
          %dma_wait3A_519 = arith.constant 4 : i32
          %dma_wait3A_520 = arith.constant 0 : i32
          %dma_wait3A_521 = arith.constant 0 : i32
          %dma_wait3A_522 = tpu.memref_slice %arg9[%dma_wait3A_519, %dma_wait3A_520, %dma_wait3A_521] : memref<8x128x16xf32, #tpu.memory_space<vmem>> -> memref<1x128x16xf32, #tpu.memory_space<vmem>>
          %dma_wait3A_523 = tpu.memref_squeeze %dma_wait3A_522 : memref<1x128x16xf32, #tpu.memory_space<vmem>> -> memref<128x16xf32, #tpu.memory_space<vmem>>
          %dma_wait3A_524 = arith.constant 0 : i32
          %dma_wait3A_525 = tpu.memref_slice %arg8[%add3A_518, %dma_wait3A_524] : memref<32x128xi32, #tpu.memory_space<vmem>> -> memref<1x128xi32, #tpu.memory_space<vmem>>
          %dma_wait3A_526 = tpu.memref_squeeze %dma_wait3A_525 : memref<1x128xi32, #tpu.memory_space<vmem>> -> memref<128xi32, #tpu.memory_space<vmem>>
          %dma_wait3A_527 = arith.constant 0 : i32
          %dma_wait3A_528 = arith.constant 0 : i32
          %dma_wait3A_529 = tpu.memref_slice %arg10[%dma_wait3A_527, %dma_wait3A_528] : memref<100352x16xf32, #tpu.memory_space<vmem_shared>> -> memref<100352x16xf32, #tpu.memory_space<vmem_shared>>
          tpu.wait_indirect_dma semaphore(%arg23 : memref<!tpu.dma_semaphore, #tpu.memory_space<semaphore_mem>>) src(%dma_wait3A_523 : memref<128x16xf32, #tpu.memory_space<vmem>>) dst(%dma_wait3A_529 : memref<100352x16xf32, #tpu.memory_space<vmem_shared>>)
          %mul3A_530 = arith.constant 8 : i32
          %mul3A_531 = arith.muli %scan3A_120, %mul3A_530 : i32
          %add3A_532 = arith.constant 5 : i32
          %add3A_533 = arith.addi %mul3A_531, %add3A_532 : i32
          %dma_wait3A_534 = arith.constant 5 : i32
          %dma_wait3A_535 = arith.constant 0 : i32
          %dma_wait3A_536 = arith.constant 0 : i32
          %dma_wait3A_537 = tpu.memref_slice %arg9[%dma_wait3A_534, %dma_wait3A_535, %dma_wait3A_536] : memref<8x128x16xf32, #tpu.memory_space<vmem>> -> memref<1x128x16xf32, #tpu.memory_space<vmem>>
          %dma_wait3A_538 = tpu.memref_squeeze %dma_wait3A_537 : memref<1x128x16xf32, #tpu.memory_space<vmem>> -> memref<128x16xf32, #tpu.memory_space<vmem>>
          %dma_wait3A_539 = arith.constant 0 : i32
          %dma_wait3A_540 = tpu.memref_slice %arg8[%add3A_533, %dma_wait3A_539] : memref<32x128xi32, #tpu.memory_space<vmem>> -> memref<1x128xi32, #tpu.memory_space<vmem>>
          %dma_wait3A_541 = tpu.memref_squeeze %dma_wait3A_540 : memref<1x128xi32, #tpu.memory_space<vmem>> -> memref<128xi32, #tpu.memory_space<vmem>>
          %dma_wait3A_542 = arith.constant 0 : i32
          %dma_wait3A_543 = arith.constant 0 : i32
          %dma_wait3A_544 = tpu.memref_slice %arg10[%dma_wait3A_542, %dma_wait3A_543] : memref<100352x16xf32, #tpu.memory_space<vmem_shared>> -> memref<100352x16xf32, #tpu.memory_space<vmem_shared>>
          tpu.wait_indirect_dma semaphore(%arg24 : memref<!tpu.dma_semaphore, #tpu.memory_space<semaphore_mem>>) src(%dma_wait3A_538 : memref<128x16xf32, #tpu.memory_space<vmem>>) dst(%dma_wait3A_544 : memref<100352x16xf32, #tpu.memory_space<vmem_shared>>)
          %mul3A_545 = arith.constant 8 : i32
          %mul3A_546 = arith.muli %scan3A_120, %mul3A_545 : i32
          %add3A_547 = arith.constant 6 : i32
          %add3A_548 = arith.addi %mul3A_546, %add3A_547 : i32
          %dma_wait3A_549 = arith.constant 6 : i32
          %dma_wait3A_550 = arith.constant 0 : i32
          %dma_wait3A_551 = arith.constant 0 : i32
          %dma_wait3A_552 = tpu.memref_slice %arg9[%dma_wait3A_549, %dma_wait3A_550, %dma_wait3A_551] : memref<8x128x16xf32, #tpu.memory_space<vmem>> -> memref<1x128x16xf32, #tpu.memory_space<vmem>>
          %dma_wait3A_553 = tpu.memref_squeeze %dma_wait3A_552 : memref<1x128x16xf32, #tpu.memory_space<vmem>> -> memref<128x16xf32, #tpu.memory_space<vmem>>
          %dma_wait3A_554 = arith.constant 0 : i32
          %dma_wait3A_555 = tpu.memref_slice %arg8[%add3A_548, %dma_wait3A_554] : memref<32x128xi32, #tpu.memory_space<vmem>> -> memref<1x128xi32, #tpu.memory_space<vmem>>
          %dma_wait3A_556 = tpu.memref_squeeze %dma_wait3A_555 : memref<1x128xi32, #tpu.memory_space<vmem>> -> memref<128xi32, #tpu.memory_space<vmem>>
          %dma_wait3A_557 = arith.constant 0 : i32
          %dma_wait3A_558 = arith.constant 0 : i32
          %dma_wait3A_559 = tpu.memref_slice %arg10[%dma_wait3A_557, %dma_wait3A_558] : memref<100352x16xf32, #tpu.memory_space<vmem_shared>> -> memref<100352x16xf32, #tpu.memory_space<vmem_shared>>
          tpu.wait_indirect_dma semaphore(%arg25 : memref<!tpu.dma_semaphore, #tpu.memory_space<semaphore_mem>>) src(%dma_wait3A_553 : memref<128x16xf32, #tpu.memory_space<vmem>>) dst(%dma_wait3A_559 : memref<100352x16xf32, #tpu.memory_space<vmem_shared>>)
          %mul3A_560 = arith.constant 8 : i32
          %mul3A_561 = arith.muli %scan3A_120, %mul3A_560 : i32
          %add3A_562 = arith.constant 7 : i32
          %add3A_563 = arith.addi %mul3A_561, %add3A_562 : i32
          %dma_wait3A_564 = arith.constant 7 : i32
          %dma_wait3A_565 = arith.constant 0 : i32
          %dma_wait3A_566 = arith.constant 0 : i32
          %dma_wait3A_567 = tpu.memref_slice %arg9[%dma_wait3A_564, %dma_wait3A_565, %dma_wait3A_566] : memref<8x128x16xf32, #tpu.memory_space<vmem>> -> memref<1x128x16xf32, #tpu.memory_space<vmem>>
          %dma_wait3A_568 = tpu.memref_squeeze %dma_wait3A_567 : memref<1x128x16xf32, #tpu.memory_space<vmem>> -> memref<128x16xf32, #tpu.memory_space<vmem>>
          %dma_wait3A_569 = arith.constant 0 : i32
          %dma_wait3A_570 = tpu.memref_slice %arg8[%add3A_563, %dma_wait3A_569] : memref<32x128xi32, #tpu.memory_space<vmem>> -> memref<1x128xi32, #tpu.memory_space<vmem>>
          %dma_wait3A_571 = tpu.memref_squeeze %dma_wait3A_570 : memref<1x128xi32, #tpu.memory_space<vmem>> -> memref<128xi32, #tpu.memory_space<vmem>>
          %dma_wait3A_572 = arith.constant 0 : i32
          %dma_wait3A_573 = arith.constant 0 : i32
          %dma_wait3A_574 = tpu.memref_slice %arg10[%dma_wait3A_572, %dma_wait3A_573] : memref<100352x16xf32, #tpu.memory_space<vmem_shared>> -> memref<100352x16xf32, #tpu.memory_space<vmem_shared>>
          tpu.wait_indirect_dma semaphore(%arg26 : memref<!tpu.dma_semaphore, #tpu.memory_space<semaphore_mem>>) src(%dma_wait3A_568 : memref<128x16xf32, #tpu.memory_space<vmem>>) dst(%dma_wait3A_574 : memref<100352x16xf32, #tpu.memory_space<vmem_shared>>)
        } else {
        }
        %mul3A_127 = arith.constant 8 : i32
        %mul3A_128 = arith.muli %scan3A_120, %mul3A_127 : i32
        %add3A_129 = arith.constant 0 : i32
        %add3A_130 = arith.addi %mul3A_128, %add3A_129 : i32
        %dma_start3A = arith.constant 0 : i32
        %dma_start3A_131 = arith.constant 0 : i32
        %dma_start3A_132 = arith.constant 0 : i32
        %dma_start3A_133 = tpu.memref_slice %arg9[%dma_start3A, %dma_start3A_131, %dma_start3A_132] : memref<8x128x16xf32, #tpu.memory_space<vmem>> -> memref<1x128x16xf32, #tpu.memory_space<vmem>>
        %dma_start3A_134 = tpu.memref_squeeze %dma_start3A_133 : memref<1x128x16xf32, #tpu.memory_space<vmem>> -> memref<128x16xf32, #tpu.memory_space<vmem>>
        %dma_start3A_135 = arith.constant 0 : i32
        %dma_start3A_136 = tpu.memref_slice %arg7[%add3A_130, %dma_start3A_135] : memref<32x128xi32, #tpu.memory_space<vmem>> -> memref<1x128xi32, #tpu.memory_space<vmem>>
        %dma_start3A_137 = tpu.memref_squeeze %dma_start3A_136 : memref<1x128xi32, #tpu.memory_space<vmem>> -> memref<128xi32, #tpu.memory_space<vmem>>
        %dma_start3A_138 = arith.constant 0 : i32
        %dma_start3A_139 = arith.constant 0 : i32
        %dma_start3A_140 = tpu.memref_slice %arg2[%dma_start3A_138, %dma_start3A_139] : memref<200704x16xf32, #tpu.memory_space<hbm>> -> memref<200704x16xf32, #tpu.memory_space<hbm>>
        tpu.enqueue_indirect_dma source(%dma_start3A_140 : memref<200704x16xf32, #tpu.memory_space<hbm>>) target(%dma_start3A_134 : memref<128x16xf32, #tpu.memory_space<vmem>>) offsets(%dma_start3A_137 : memref<128xi32, #tpu.memory_space<vmem>>) semaphore(%arg11 : memref<!tpu.dma_semaphore, #tpu.memory_space<semaphore_mem>>)
        %mul3A_141 = arith.constant 8 : i32
        %mul3A_142 = arith.muli %scan3A_120, %mul3A_141 : i32
        %add3A_143 = arith.constant 1 : i32
        %add3A_144 = arith.addi %mul3A_142, %add3A_143 : i32
        %dma_start3A_145 = arith.constant 1 : i32
        %dma_start3A_146 = arith.constant 0 : i32
        %dma_start3A_147 = arith.constant 0 : i32
        %dma_start3A_148 = tpu.memref_slice %arg9[%dma_start3A_145, %dma_start3A_146, %dma_start3A_147] : memref<8x128x16xf32, #tpu.memory_space<vmem>> -> memref<1x128x16xf32, #tpu.memory_space<vmem>>
        %dma_start3A_149 = tpu.memref_squeeze %dma_start3A_148 : memref<1x128x16xf32, #tpu.memory_space<vmem>> -> memref<128x16xf32, #tpu.memory_space<vmem>>
        %dma_start3A_150 = arith.constant 0 : i32
        %dma_start3A_151 = tpu.memref_slice %arg7[%add3A_144, %dma_start3A_150] : memref<32x128xi32, #tpu.memory_space<vmem>> -> memref<1x128xi32, #tpu.memory_space<vmem>>
        %dma_start3A_152 = tpu.memref_squeeze %dma_start3A_151 : memref<1x128xi32, #tpu.memory_space<vmem>> -> memref<128xi32, #tpu.memory_space<vmem>>
        %dma_start3A_153 = arith.constant 0 : i32
        %dma_start3A_154 = arith.constant 0 : i32
        %dma_start3A_155 = tpu.memref_slice %arg2[%dma_start3A_153, %dma_start3A_154] : memref<200704x16xf32, #tpu.memory_space<hbm>> -> memref<200704x16xf32, #tpu.memory_space<hbm>>
        tpu.enqueue_indirect_dma source(%dma_start3A_155 : memref<200704x16xf32, #tpu.memory_space<hbm>>) target(%dma_start3A_149 : memref<128x16xf32, #tpu.memory_space<vmem>>) offsets(%dma_start3A_152 : memref<128xi32, #tpu.memory_space<vmem>>) semaphore(%arg12 : memref<!tpu.dma_semaphore, #tpu.memory_space<semaphore_mem>>)
        %mul3A_156 = arith.constant 8 : i32
        %mul3A_157 = arith.muli %scan3A_120, %mul3A_156 : i32
        %add3A_158 = arith.constant 2 : i32
        %add3A_159 = arith.addi %mul3A_157, %add3A_158 : i32
        %dma_start3A_160 = arith.constant 2 : i32
        %dma_start3A_161 = arith.constant 0 : i32
        %dma_start3A_162 = arith.constant 0 : i32
        %dma_start3A_163 = tpu.memref_slice %arg9[%dma_start3A_160, %dma_start3A_161, %dma_start3A_162] : memref<8x128x16xf32, #tpu.memory_space<vmem>> -> memref<1x128x16xf32, #tpu.memory_space<vmem>>
        %dma_start3A_164 = tpu.memref_squeeze %dma_start3A_163 : memref<1x128x16xf32, #tpu.memory_space<vmem>> -> memref<128x16xf32, #tpu.memory_space<vmem>>
        %dma_start3A_165 = arith.constant 0 : i32
        %dma_start3A_166 = tpu.memref_slice %arg7[%add3A_159, %dma_start3A_165] : memref<32x128xi32, #tpu.memory_space<vmem>> -> memref<1x128xi32, #tpu.memory_space<vmem>>
        %dma_start3A_167 = tpu.memref_squeeze %dma_start3A_166 : memref<1x128xi32, #tpu.memory_space<vmem>> -> memref<128xi32, #tpu.memory_space<vmem>>
        %dma_start3A_168 = arith.constant 0 : i32
        %dma_start3A_169 = arith.constant 0 : i32
        %dma_start3A_170 = tpu.memref_slice %arg2[%dma_start3A_168, %dma_start3A_169] : memref<200704x16xf32, #tpu.memory_space<hbm>> -> memref<200704x16xf32, #tpu.memory_space<hbm>>
        tpu.enqueue_indirect_dma source(%dma_start3A_170 : memref<200704x16xf32, #tpu.memory_space<hbm>>) target(%dma_start3A_164 : memref<128x16xf32, #tpu.memory_space<vmem>>) offsets(%dma_start3A_167 : memref<128xi32, #tpu.memory_space<vmem>>) semaphore(%arg13 : memref<!tpu.dma_semaphore, #tpu.memory_space<semaphore_mem>>)
        %mul3A_171 = arith.constant 8 : i32
        %mul3A_172 = arith.muli %scan3A_120, %mul3A_171 : i32
        %add3A_173 = arith.constant 3 : i32
        %add3A_174 = arith.addi %mul3A_172, %add3A_173 : i32
        %dma_start3A_175 = arith.constant 3 : i32
        %dma_start3A_176 = arith.constant 0 : i32
        %dma_start3A_177 = arith.constant 0 : i32
        %dma_start3A_178 = tpu.memref_slice %arg9[%dma_start3A_175, %dma_start3A_176, %dma_start3A_177] : memref<8x128x16xf32, #tpu.memory_space<vmem>> -> memref<1x128x16xf32, #tpu.memory_space<vmem>>
        %dma_start3A_179 = tpu.memref_squeeze %dma_start3A_178 : memref<1x128x16xf32, #tpu.memory_space<vmem>> -> memref<128x16xf32, #tpu.memory_space<vmem>>
        %dma_start3A_180 = arith.constant 0 : i32
        %dma_start3A_181 = tpu.memref_slice %arg7[%add3A_174, %dma_start3A_180] : memref<32x128xi32, #tpu.memory_space<vmem>> -> memref<1x128xi32, #tpu.memory_space<vmem>>
        %dma_start3A_182 = tpu.memref_squeeze %dma_start3A_181 : memref<1x128xi32, #tpu.memory_space<vmem>> -> memref<128xi32, #tpu.memory_space<vmem>>
        %dma_start3A_183 = arith.constant 0 : i32
        %dma_start3A_184 = arith.constant 0 : i32
        %dma_start3A_185 = tpu.memref_slice %arg2[%dma_start3A_183, %dma_start3A_184] : memref<200704x16xf32, #tpu.memory_space<hbm>> -> memref<200704x16xf32, #tpu.memory_space<hbm>>
        tpu.enqueue_indirect_dma source(%dma_start3A_185 : memref<200704x16xf32, #tpu.memory_space<hbm>>) target(%dma_start3A_179 : memref<128x16xf32, #tpu.memory_space<vmem>>) offsets(%dma_start3A_182 : memref<128xi32, #tpu.memory_space<vmem>>) semaphore(%arg14 : memref<!tpu.dma_semaphore, #tpu.memory_space<semaphore_mem>>)
        %mul3A_186 = arith.constant 8 : i32
        %mul3A_187 = arith.muli %scan3A_120, %mul3A_186 : i32
        %add3A_188 = arith.constant 4 : i32
        %add3A_189 = arith.addi %mul3A_187, %add3A_188 : i32
        %dma_start3A_190 = arith.constant 4 : i32
        %dma_start3A_191 = arith.constant 0 : i32
        %dma_start3A_192 = arith.constant 0 : i32
        %dma_start3A_193 = tpu.memref_slice %arg9[%dma_start3A_190, %dma_start3A_191, %dma_start3A_192] : memref<8x128x16xf32, #tpu.memory_space<vmem>> -> memref<1x128x16xf32, #tpu.memory_space<vmem>>
        %dma_start3A_194 = tpu.memref_squeeze %dma_start3A_193 : memref<1x128x16xf32, #tpu.memory_space<vmem>> -> memref<128x16xf32, #tpu.memory_space<vmem>>
        %dma_start3A_195 = arith.constant 0 : i32
        %dma_start3A_196 = tpu.memref_slice %arg7[%add3A_189, %dma_start3A_195] : memref<32x128xi32, #tpu.memory_space<vmem>> -> memref<1x128xi32, #tpu.memory_space<vmem>>
        %dma_start3A_197 = tpu.memref_squeeze %dma_start3A_196 : memref<1x128xi32, #tpu.memory_space<vmem>> -> memref<128xi32, #tpu.memory_space<vmem>>
        %dma_start3A_198 = arith.constant 0 : i32
        %dma_start3A_199 = arith.constant 0 : i32
        %dma_start3A_200 = tpu.memref_slice %arg2[%dma_start3A_198, %dma_start3A_199] : memref<200704x16xf32, #tpu.memory_space<hbm>> -> memref<200704x16xf32, #tpu.memory_space<hbm>>
        tpu.enqueue_indirect_dma source(%dma_start3A_200 : memref<200704x16xf32, #tpu.memory_space<hbm>>) target(%dma_start3A_194 : memref<128x16xf32, #tpu.memory_space<vmem>>) offsets(%dma_start3A_197 : memref<128xi32, #tpu.memory_space<vmem>>) semaphore(%arg15 : memref<!tpu.dma_semaphore, #tpu.memory_space<semaphore_mem>>)
        %mul3A_201 = arith.constant 8 : i32
        %mul3A_202 = arith.muli %scan3A_120, %mul3A_201 : i32
        %add3A_203 = arith.constant 5 : i32
        %add3A_204 = arith.addi %mul3A_202, %add3A_203 : i32
        %dma_start3A_205 = arith.constant 5 : i32
        %dma_start3A_206 = arith.constant 0 : i32
        %dma_start3A_207 = arith.constant 0 : i32
        %dma_start3A_208 = tpu.memref_slice %arg9[%dma_start3A_205, %dma_start3A_206, %dma_start3A_207] : memref<8x128x16xf32, #tpu.memory_space<vmem>> -> memref<1x128x16xf32, #tpu.memory_space<vmem>>
        %dma_start3A_209 = tpu.memref_squeeze %dma_start3A_208 : memref<1x128x16xf32, #tpu.memory_space<vmem>> -> memref<128x16xf32, #tpu.memory_space<vmem>>
        %dma_start3A_210 = arith.constant 0 : i32
        %dma_start3A_211 = tpu.memref_slice %arg7[%add3A_204, %dma_start3A_210] : memref<32x128xi32, #tpu.memory_space<vmem>> -> memref<1x128xi32, #tpu.memory_space<vmem>>
        %dma_start3A_212 = tpu.memref_squeeze %dma_start3A_211 : memref<1x128xi32, #tpu.memory_space<vmem>> -> memref<128xi32, #tpu.memory_space<vmem>>
        %dma_start3A_213 = arith.constant 0 : i32
        %dma_start3A_214 = arith.constant 0 : i32
        %dma_start3A_215 = tpu.memref_slice %arg2[%dma_start3A_213, %dma_start3A_214] : memref<200704x16xf32, #tpu.memory_space<hbm>> -> memref<200704x16xf32, #tpu.memory_space<hbm>>
        tpu.enqueue_indirect_dma source(%dma_start3A_215 : memref<200704x16xf32, #tpu.memory_space<hbm>>) target(%dma_start3A_209 : memref<128x16xf32, #tpu.memory_space<vmem>>) offsets(%dma_start3A_212 : memref<128xi32, #tpu.memory_space<vmem>>) semaphore(%arg16 : memref<!tpu.dma_semaphore, #tpu.memory_space<semaphore_mem>>)
        %mul3A_216 = arith.constant 8 : i32
        %mul3A_217 = arith.muli %scan3A_120, %mul3A_216 : i32
        %add3A_218 = arith.constant 6 : i32
        %add3A_219 = arith.addi %mul3A_217, %add3A_218 : i32
        %dma_start3A_220 = arith.constant 6 : i32
        %dma_start3A_221 = arith.constant 0 : i32
        %dma_start3A_222 = arith.constant 0 : i32
        %dma_start3A_223 = tpu.memref_slice %arg9[%dma_start3A_220, %dma_start3A_221, %dma_start3A_222] : memref<8x128x16xf32, #tpu.memory_space<vmem>> -> memref<1x128x16xf32, #tpu.memory_space<vmem>>
        %dma_start3A_224 = tpu.memref_squeeze %dma_start3A_223 : memref<1x128x16xf32, #tpu.memory_space<vmem>> -> memref<128x16xf32, #tpu.memory_space<vmem>>
        %dma_start3A_225 = arith.constant 0 : i32
        %dma_start3A_226 = tpu.memref_slice %arg7[%add3A_219, %dma_start3A_225] : memref<32x128xi32, #tpu.memory_space<vmem>> -> memref<1x128xi32, #tpu.memory_space<vmem>>
        %dma_start3A_227 = tpu.memref_squeeze %dma_start3A_226 : memref<1x128xi32, #tpu.memory_space<vmem>> -> memref<128xi32, #tpu.memory_space<vmem>>
        %dma_start3A_228 = arith.constant 0 : i32
        %dma_start3A_229 = arith.constant 0 : i32
        %dma_start3A_230 = tpu.memref_slice %arg2[%dma_start3A_228, %dma_start3A_229] : memref<200704x16xf32, #tpu.memory_space<hbm>> -> memref<200704x16xf32, #tpu.memory_space<hbm>>
        tpu.enqueue_indirect_dma source(%dma_start3A_230 : memref<200704x16xf32, #tpu.memory_space<hbm>>) target(%dma_start3A_224 : memref<128x16xf32, #tpu.memory_space<vmem>>) offsets(%dma_start3A_227 : memref<128xi32, #tpu.memory_space<vmem>>) semaphore(%arg17 : memref<!tpu.dma_semaphore, #tpu.memory_space<semaphore_mem>>)
        %mul3A_231 = arith.constant 8 : i32
        %mul3A_232 = arith.muli %scan3A_120, %mul3A_231 : i32
        %add3A_233 = arith.constant 7 : i32
        %add3A_234 = arith.addi %mul3A_232, %add3A_233 : i32
        %dma_start3A_235 = arith.constant 7 : i32
        %dma_start3A_236 = arith.constant 0 : i32
        %dma_start3A_237 = arith.constant 0 : i32
        %dma_start3A_238 = tpu.memref_slice %arg9[%dma_start3A_235, %dma_start3A_236, %dma_start3A_237] : memref<8x128x16xf32, #tpu.memory_space<vmem>> -> memref<1x128x16xf32, #tpu.memory_space<vmem>>
        %dma_start3A_239 = tpu.memref_squeeze %dma_start3A_238 : memref<1x128x16xf32, #tpu.memory_space<vmem>> -> memref<128x16xf32, #tpu.memory_space<vmem>>
        %dma_start3A_240 = arith.constant 0 : i32
        %dma_start3A_241 = tpu.memref_slice %arg7[%add3A_234, %dma_start3A_240] : memref<32x128xi32, #tpu.memory_space<vmem>> -> memref<1x128xi32, #tpu.memory_space<vmem>>
        %dma_start3A_242 = tpu.memref_squeeze %dma_start3A_241 : memref<1x128xi32, #tpu.memory_space<vmem>> -> memref<128xi32, #tpu.memory_space<vmem>>
        %dma_start3A_243 = arith.constant 0 : i32
        %dma_start3A_244 = arith.constant 0 : i32
        %dma_start3A_245 = tpu.memref_slice %arg2[%dma_start3A_243, %dma_start3A_244] : memref<200704x16xf32, #tpu.memory_space<hbm>> -> memref<200704x16xf32, #tpu.memory_space<hbm>>
        tpu.enqueue_indirect_dma source(%dma_start3A_245 : memref<200704x16xf32, #tpu.memory_space<hbm>>) target(%dma_start3A_239 : memref<128x16xf32, #tpu.memory_space<vmem>>) offsets(%dma_start3A_242 : memref<128xi32, #tpu.memory_space<vmem>>) semaphore(%arg18 : memref<!tpu.dma_semaphore, #tpu.memory_space<semaphore_mem>>)
        %dma_wait3A_246 = arith.constant 0 : i32
        %dma_wait3A_247 = arith.constant 0 : i32
        %dma_wait3A_248 = arith.constant 0 : i32
        %dma_wait3A_249 = tpu.memref_slice %arg9[%dma_wait3A_246, %dma_wait3A_247, %dma_wait3A_248] : memref<8x128x16xf32, #tpu.memory_space<vmem>> -> memref<1x128x16xf32, #tpu.memory_space<vmem>>
        %dma_wait3A_250 = tpu.memref_squeeze %dma_wait3A_249 : memref<1x128x16xf32, #tpu.memory_space<vmem>> -> memref<128x16xf32, #tpu.memory_space<vmem>>
        %dma_wait3A_251 = arith.constant 0 : i32
        %dma_wait3A_252 = tpu.memref_slice %arg7[%add3A_130, %dma_wait3A_251] : memref<32x128xi32, #tpu.memory_space<vmem>> -> memref<1x128xi32, #tpu.memory_space<vmem>>
        %dma_wait3A_253 = tpu.memref_squeeze %dma_wait3A_252 : memref<1x128xi32, #tpu.memory_space<vmem>> -> memref<128xi32, #tpu.memory_space<vmem>>
        %dma_wait3A_254 = arith.constant 0 : i32
        %dma_wait3A_255 = arith.constant 0 : i32
        %dma_wait3A_256 = tpu.memref_slice %arg2[%dma_wait3A_254, %dma_wait3A_255] : memref<200704x16xf32, #tpu.memory_space<hbm>> -> memref<200704x16xf32, #tpu.memory_space<hbm>>
        tpu.wait_indirect_dma semaphore(%arg11 : memref<!tpu.dma_semaphore, #tpu.memory_space<semaphore_mem>>) src(%dma_wait3A_256 : memref<200704x16xf32, #tpu.memory_space<hbm>>) dst(%dma_wait3A_250 : memref<128x16xf32, #tpu.memory_space<vmem>>)
        %mul3A_257 = arith.constant 8 : i32
        %mul3A_258 = arith.muli %scan3A_120, %mul3A_257 : i32
        %add3A_259 = arith.constant 0 : i32
        %add3A_260 = arith.addi %mul3A_258, %add3A_259 : i32
        %dma_start3A_261 = arith.constant 0 : i32
        %dma_start3A_262 = arith.constant 0 : i32
        %dma_start3A_263 = arith.constant 0 : i32
        %dma_start3A_264 = tpu.memref_slice %arg9[%dma_start3A_261, %dma_start3A_262, %dma_start3A_263] : memref<8x128x16xf32, #tpu.memory_space<vmem>> -> memref<1x128x16xf32, #tpu.memory_space<vmem>>
        %dma_start3A_265 = tpu.memref_squeeze %dma_start3A_264 : memref<1x128x16xf32, #tpu.memory_space<vmem>> -> memref<128x16xf32, #tpu.memory_space<vmem>>
        %dma_start3A_266 = arith.constant 0 : i32
        %dma_start3A_267 = tpu.memref_slice %arg8[%add3A_260, %dma_start3A_266] : memref<32x128xi32, #tpu.memory_space<vmem>> -> memref<1x128xi32, #tpu.memory_space<vmem>>
        %dma_start3A_268 = tpu.memref_squeeze %dma_start3A_267 : memref<1x128xi32, #tpu.memory_space<vmem>> -> memref<128xi32, #tpu.memory_space<vmem>>
        %dma_start3A_269 = arith.constant 0 : i32
        %dma_start3A_270 = arith.constant 0 : i32
        %dma_start3A_271 = tpu.memref_slice %arg10[%dma_start3A_269, %dma_start3A_270] : memref<100352x16xf32, #tpu.memory_space<vmem_shared>> -> memref<100352x16xf32, #tpu.memory_space<vmem_shared>>
        tpu.enqueue_indirect_dma source(%dma_start3A_265 : memref<128x16xf32, #tpu.memory_space<vmem>>) target(%dma_start3A_271 : memref<100352x16xf32, #tpu.memory_space<vmem_shared>>) offsets(%dma_start3A_268 : memref<128xi32, #tpu.memory_space<vmem>>) semaphore(%arg19 : memref<!tpu.dma_semaphore, #tpu.memory_space<semaphore_mem>>) {add = true}
        %dma_wait3A_272 = arith.constant 1 : i32
        %dma_wait3A_273 = arith.constant 0 : i32
        %dma_wait3A_274 = arith.constant 0 : i32
        %dma_wait3A_275 = tpu.memref_slice %arg9[%dma_wait3A_272, %dma_wait3A_273, %dma_wait3A_274] : memref<8x128x16xf32, #tpu.memory_space<vmem>> -> memref<1x128x16xf32, #tpu.memory_space<vmem>>
        %dma_wait3A_276 = tpu.memref_squeeze %dma_wait3A_275 : memref<1x128x16xf32, #tpu.memory_space<vmem>> -> memref<128x16xf32, #tpu.memory_space<vmem>>
        %dma_wait3A_277 = arith.constant 0 : i32
        %dma_wait3A_278 = tpu.memref_slice %arg7[%add3A_144, %dma_wait3A_277] : memref<32x128xi32, #tpu.memory_space<vmem>> -> memref<1x128xi32, #tpu.memory_space<vmem>>
        %dma_wait3A_279 = tpu.memref_squeeze %dma_wait3A_278 : memref<1x128xi32, #tpu.memory_space<vmem>> -> memref<128xi32, #tpu.memory_space<vmem>>
        %dma_wait3A_280 = arith.constant 0 : i32
        %dma_wait3A_281 = arith.constant 0 : i32
        %dma_wait3A_282 = tpu.memref_slice %arg2[%dma_wait3A_280, %dma_wait3A_281] : memref<200704x16xf32, #tpu.memory_space<hbm>> -> memref<200704x16xf32, #tpu.memory_space<hbm>>
        tpu.wait_indirect_dma semaphore(%arg12 : memref<!tpu.dma_semaphore, #tpu.memory_space<semaphore_mem>>) src(%dma_wait3A_282 : memref<200704x16xf32, #tpu.memory_space<hbm>>) dst(%dma_wait3A_276 : memref<128x16xf32, #tpu.memory_space<vmem>>)
        %mul3A_283 = arith.constant 8 : i32
        %mul3A_284 = arith.muli %scan3A_120, %mul3A_283 : i32
        %add3A_285 = arith.constant 1 : i32
        %add3A_286 = arith.addi %mul3A_284, %add3A_285 : i32
        %dma_start3A_287 = arith.constant 1 : i32
        %dma_start3A_288 = arith.constant 0 : i32
        %dma_start3A_289 = arith.constant 0 : i32
        %dma_start3A_290 = tpu.memref_slice %arg9[%dma_start3A_287, %dma_start3A_288, %dma_start3A_289] : memref<8x128x16xf32, #tpu.memory_space<vmem>> -> memref<1x128x16xf32, #tpu.memory_space<vmem>>
        %dma_start3A_291 = tpu.memref_squeeze %dma_start3A_290 : memref<1x128x16xf32, #tpu.memory_space<vmem>> -> memref<128x16xf32, #tpu.memory_space<vmem>>
        %dma_start3A_292 = arith.constant 0 : i32
        %dma_start3A_293 = tpu.memref_slice %arg8[%add3A_286, %dma_start3A_292] : memref<32x128xi32, #tpu.memory_space<vmem>> -> memref<1x128xi32, #tpu.memory_space<vmem>>
        %dma_start3A_294 = tpu.memref_squeeze %dma_start3A_293 : memref<1x128xi32, #tpu.memory_space<vmem>> -> memref<128xi32, #tpu.memory_space<vmem>>
        %dma_start3A_295 = arith.constant 0 : i32
        %dma_start3A_296 = arith.constant 0 : i32
        %dma_start3A_297 = tpu.memref_slice %arg10[%dma_start3A_295, %dma_start3A_296] : memref<100352x16xf32, #tpu.memory_space<vmem_shared>> -> memref<100352x16xf32, #tpu.memory_space<vmem_shared>>
        tpu.enqueue_indirect_dma source(%dma_start3A_291 : memref<128x16xf32, #tpu.memory_space<vmem>>) target(%dma_start3A_297 : memref<100352x16xf32, #tpu.memory_space<vmem_shared>>) offsets(%dma_start3A_294 : memref<128xi32, #tpu.memory_space<vmem>>) semaphore(%arg20 : memref<!tpu.dma_semaphore, #tpu.memory_space<semaphore_mem>>) {add = true}
        %dma_wait3A_298 = arith.constant 2 : i32
        %dma_wait3A_299 = arith.constant 0 : i32
        %dma_wait3A_300 = arith.constant 0 : i32
        %dma_wait3A_301 = tpu.memref_slice %arg9[%dma_wait3A_298, %dma_wait3A_299, %dma_wait3A_300] : memref<8x128x16xf32, #tpu.memory_space<vmem>> -> memref<1x128x16xf32, #tpu.memory_space<vmem>>
        %dma_wait3A_302 = tpu.memref_squeeze %dma_wait3A_301 : memref<1x128x16xf32, #tpu.memory_space<vmem>> -> memref<128x16xf32, #tpu.memory_space<vmem>>
        %dma_wait3A_303 = arith.constant 0 : i32
        %dma_wait3A_304 = tpu.memref_slice %arg7[%add3A_159, %dma_wait3A_303] : memref<32x128xi32, #tpu.memory_space<vmem>> -> memref<1x128xi32, #tpu.memory_space<vmem>>
        %dma_wait3A_305 = tpu.memref_squeeze %dma_wait3A_304 : memref<1x128xi32, #tpu.memory_space<vmem>> -> memref<128xi32, #tpu.memory_space<vmem>>
        %dma_wait3A_306 = arith.constant 0 : i32
        %dma_wait3A_307 = arith.constant 0 : i32
        %dma_wait3A_308 = tpu.memref_slice %arg2[%dma_wait3A_306, %dma_wait3A_307] : memref<200704x16xf32, #tpu.memory_space<hbm>> -> memref<200704x16xf32, #tpu.memory_space<hbm>>
        tpu.wait_indirect_dma semaphore(%arg13 : memref<!tpu.dma_semaphore, #tpu.memory_space<semaphore_mem>>) src(%dma_wait3A_308 : memref<200704x16xf32, #tpu.memory_space<hbm>>) dst(%dma_wait3A_302 : memref<128x16xf32, #tpu.memory_space<vmem>>)
        %mul3A_309 = arith.constant 8 : i32
        %mul3A_310 = arith.muli %scan3A_120, %mul3A_309 : i32
        %add3A_311 = arith.constant 2 : i32
        %add3A_312 = arith.addi %mul3A_310, %add3A_311 : i32
        %dma_start3A_313 = arith.constant 2 : i32
        %dma_start3A_314 = arith.constant 0 : i32
        %dma_start3A_315 = arith.constant 0 : i32
        %dma_start3A_316 = tpu.memref_slice %arg9[%dma_start3A_313, %dma_start3A_314, %dma_start3A_315] : memref<8x128x16xf32, #tpu.memory_space<vmem>> -> memref<1x128x16xf32, #tpu.memory_space<vmem>>
        %dma_start3A_317 = tpu.memref_squeeze %dma_start3A_316 : memref<1x128x16xf32, #tpu.memory_space<vmem>> -> memref<128x16xf32, #tpu.memory_space<vmem>>
        %dma_start3A_318 = arith.constant 0 : i32
        %dma_start3A_319 = tpu.memref_slice %arg8[%add3A_312, %dma_start3A_318] : memref<32x128xi32, #tpu.memory_space<vmem>> -> memref<1x128xi32, #tpu.memory_space<vmem>>
        %dma_start3A_320 = tpu.memref_squeeze %dma_start3A_319 : memref<1x128xi32, #tpu.memory_space<vmem>> -> memref<128xi32, #tpu.memory_space<vmem>>
        %dma_start3A_321 = arith.constant 0 : i32
        %dma_start3A_322 = arith.constant 0 : i32
        %dma_start3A_323 = tpu.memref_slice %arg10[%dma_start3A_321, %dma_start3A_322] : memref<100352x16xf32, #tpu.memory_space<vmem_shared>> -> memref<100352x16xf32, #tpu.memory_space<vmem_shared>>
        tpu.enqueue_indirect_dma source(%dma_start3A_317 : memref<128x16xf32, #tpu.memory_space<vmem>>) target(%dma_start3A_323 : memref<100352x16xf32, #tpu.memory_space<vmem_shared>>) offsets(%dma_start3A_320 : memref<128xi32, #tpu.memory_space<vmem>>) semaphore(%arg21 : memref<!tpu.dma_semaphore, #tpu.memory_space<semaphore_mem>>) {add = true}
        %dma_wait3A_324 = arith.constant 3 : i32
        %dma_wait3A_325 = arith.constant 0 : i32
        %dma_wait3A_326 = arith.constant 0 : i32
        %dma_wait3A_327 = tpu.memref_slice %arg9[%dma_wait3A_324, %dma_wait3A_325, %dma_wait3A_326] : memref<8x128x16xf32, #tpu.memory_space<vmem>> -> memref<1x128x16xf32, #tpu.memory_space<vmem>>
        %dma_wait3A_328 = tpu.memref_squeeze %dma_wait3A_327 : memref<1x128x16xf32, #tpu.memory_space<vmem>> -> memref<128x16xf32, #tpu.memory_space<vmem>>
        %dma_wait3A_329 = arith.constant 0 : i32
        %dma_wait3A_330 = tpu.memref_slice %arg7[%add3A_174, %dma_wait3A_329] : memref<32x128xi32, #tpu.memory_space<vmem>> -> memref<1x128xi32, #tpu.memory_space<vmem>>
        %dma_wait3A_331 = tpu.memref_squeeze %dma_wait3A_330 : memref<1x128xi32, #tpu.memory_space<vmem>> -> memref<128xi32, #tpu.memory_space<vmem>>
        %dma_wait3A_332 = arith.constant 0 : i32
        %dma_wait3A_333 = arith.constant 0 : i32
        %dma_wait3A_334 = tpu.memref_slice %arg2[%dma_wait3A_332, %dma_wait3A_333] : memref<200704x16xf32, #tpu.memory_space<hbm>> -> memref<200704x16xf32, #tpu.memory_space<hbm>>
        tpu.wait_indirect_dma semaphore(%arg14 : memref<!tpu.dma_semaphore, #tpu.memory_space<semaphore_mem>>) src(%dma_wait3A_334 : memref<200704x16xf32, #tpu.memory_space<hbm>>) dst(%dma_wait3A_328 : memref<128x16xf32, #tpu.memory_space<vmem>>)
        %mul3A_335 = arith.constant 8 : i32
        %mul3A_336 = arith.muli %scan3A_120, %mul3A_335 : i32
        %add3A_337 = arith.constant 3 : i32
        %add3A_338 = arith.addi %mul3A_336, %add3A_337 : i32
        %dma_start3A_339 = arith.constant 3 : i32
        %dma_start3A_340 = arith.constant 0 : i32
        %dma_start3A_341 = arith.constant 0 : i32
        %dma_start3A_342 = tpu.memref_slice %arg9[%dma_start3A_339, %dma_start3A_340, %dma_start3A_341] : memref<8x128x16xf32, #tpu.memory_space<vmem>> -> memref<1x128x16xf32, #tpu.memory_space<vmem>>
        %dma_start3A_343 = tpu.memref_squeeze %dma_start3A_342 : memref<1x128x16xf32, #tpu.memory_space<vmem>> -> memref<128x16xf32, #tpu.memory_space<vmem>>
        %dma_start3A_344 = arith.constant 0 : i32
        %dma_start3A_345 = tpu.memref_slice %arg8[%add3A_338, %dma_start3A_344] : memref<32x128xi32, #tpu.memory_space<vmem>> -> memref<1x128xi32, #tpu.memory_space<vmem>>
        %dma_start3A_346 = tpu.memref_squeeze %dma_start3A_345 : memref<1x128xi32, #tpu.memory_space<vmem>> -> memref<128xi32, #tpu.memory_space<vmem>>
        %dma_start3A_347 = arith.constant 0 : i32
        %dma_start3A_348 = arith.constant 0 : i32
        %dma_start3A_349 = tpu.memref_slice %arg10[%dma_start3A_347, %dma_start3A_348] : memref<100352x16xf32, #tpu.memory_space<vmem_shared>> -> memref<100352x16xf32, #tpu.memory_space<vmem_shared>>
        tpu.enqueue_indirect_dma source(%dma_start3A_343 : memref<128x16xf32, #tpu.memory_space<vmem>>) target(%dma_start3A_349 : memref<100352x16xf32, #tpu.memory_space<vmem_shared>>) offsets(%dma_start3A_346 : memref<128xi32, #tpu.memory_space<vmem>>) semaphore(%arg22 : memref<!tpu.dma_semaphore, #tpu.memory_space<semaphore_mem>>) {add = true}
        %dma_wait3A_350 = arith.constant 4 : i32
        %dma_wait3A_351 = arith.constant 0 : i32
        %dma_wait3A_352 = arith.constant 0 : i32
        %dma_wait3A_353 = tpu.memref_slice %arg9[%dma_wait3A_350, %dma_wait3A_351, %dma_wait3A_352] : memref<8x128x16xf32, #tpu.memory_space<vmem>> -> memref<1x128x16xf32, #tpu.memory_space<vmem>>
        %dma_wait3A_354 = tpu.memref_squeeze %dma_wait3A_353 : memref<1x128x16xf32, #tpu.memory_space<vmem>> -> memref<128x16xf32, #tpu.memory_space<vmem>>
        %dma_wait3A_355 = arith.constant 0 : i32
        %dma_wait3A_356 = tpu.memref_slice %arg7[%add3A_189, %dma_wait3A_355] : memref<32x128xi32, #tpu.memory_space<vmem>> -> memref<1x128xi32, #tpu.memory_space<vmem>>
        %dma_wait3A_357 = tpu.memref_squeeze %dma_wait3A_356 : memref<1x128xi32, #tpu.memory_space<vmem>> -> memref<128xi32, #tpu.memory_space<vmem>>
        %dma_wait3A_358 = arith.constant 0 : i32
        %dma_wait3A_359 = arith.constant 0 : i32
        %dma_wait3A_360 = tpu.memref_slice %arg2[%dma_wait3A_358, %dma_wait3A_359] : memref<200704x16xf32, #tpu.memory_space<hbm>> -> memref<200704x16xf32, #tpu.memory_space<hbm>>
        tpu.wait_indirect_dma semaphore(%arg15 : memref<!tpu.dma_semaphore, #tpu.memory_space<semaphore_mem>>) src(%dma_wait3A_360 : memref<200704x16xf32, #tpu.memory_space<hbm>>) dst(%dma_wait3A_354 : memref<128x16xf32, #tpu.memory_space<vmem>>)
        %mul3A_361 = arith.constant 8 : i32
        %mul3A_362 = arith.muli %scan3A_120, %mul3A_361 : i32
        %add3A_363 = arith.constant 4 : i32
        %add3A_364 = arith.addi %mul3A_362, %add3A_363 : i32
        %dma_start3A_365 = arith.constant 4 : i32
        %dma_start3A_366 = arith.constant 0 : i32
        %dma_start3A_367 = arith.constant 0 : i32
        %dma_start3A_368 = tpu.memref_slice %arg9[%dma_start3A_365, %dma_start3A_366, %dma_start3A_367] : memref<8x128x16xf32, #tpu.memory_space<vmem>> -> memref<1x128x16xf32, #tpu.memory_space<vmem>>
        %dma_start3A_369 = tpu.memref_squeeze %dma_start3A_368 : memref<1x128x16xf32, #tpu.memory_space<vmem>> -> memref<128x16xf32, #tpu.memory_space<vmem>>
        %dma_start3A_370 = arith.constant 0 : i32
        %dma_start3A_371 = tpu.memref_slice %arg8[%add3A_364, %dma_start3A_370] : memref<32x128xi32, #tpu.memory_space<vmem>> -> memref<1x128xi32, #tpu.memory_space<vmem>>
        %dma_start3A_372 = tpu.memref_squeeze %dma_start3A_371 : memref<1x128xi32, #tpu.memory_space<vmem>> -> memref<128xi32, #tpu.memory_space<vmem>>
        %dma_start3A_373 = arith.constant 0 : i32
        %dma_start3A_374 = arith.constant 0 : i32
        %dma_start3A_375 = tpu.memref_slice %arg10[%dma_start3A_373, %dma_start3A_374] : memref<100352x16xf32, #tpu.memory_space<vmem_shared>> -> memref<100352x16xf32, #tpu.memory_space<vmem_shared>>
        tpu.enqueue_indirect_dma source(%dma_start3A_369 : memref<128x16xf32, #tpu.memory_space<vmem>>) target(%dma_start3A_375 : memref<100352x16xf32, #tpu.memory_space<vmem_shared>>) offsets(%dma_start3A_372 : memref<128xi32, #tpu.memory_space<vmem>>) semaphore(%arg23 : memref<!tpu.dma_semaphore, #tpu.memory_space<semaphore_mem>>) {add = true}
        %dma_wait3A_376 = arith.constant 5 : i32
        %dma_wait3A_377 = arith.constant 0 : i32
        %dma_wait3A_378 = arith.constant 0 : i32
        %dma_wait3A_379 = tpu.memref_slice %arg9[%dma_wait3A_376, %dma_wait3A_377, %dma_wait3A_378] : memref<8x128x16xf32, #tpu.memory_space<vmem>> -> memref<1x128x16xf32, #tpu.memory_space<vmem>>
        %dma_wait3A_380 = tpu.memref_squeeze %dma_wait3A_379 : memref<1x128x16xf32, #tpu.memory_space<vmem>> -> memref<128x16xf32, #tpu.memory_space<vmem>>
        %dma_wait3A_381 = arith.constant 0 : i32
        %dma_wait3A_382 = tpu.memref_slice %arg7[%add3A_204, %dma_wait3A_381] : memref<32x128xi32, #tpu.memory_space<vmem>> -> memref<1x128xi32, #tpu.memory_space<vmem>>
        %dma_wait3A_383 = tpu.memref_squeeze %dma_wait3A_382 : memref<1x128xi32, #tpu.memory_space<vmem>> -> memref<128xi32, #tpu.memory_space<vmem>>
        %dma_wait3A_384 = arith.constant 0 : i32
        %dma_wait3A_385 = arith.constant 0 : i32
        %dma_wait3A_386 = tpu.memref_slice %arg2[%dma_wait3A_384, %dma_wait3A_385] : memref<200704x16xf32, #tpu.memory_space<hbm>> -> memref<200704x16xf32, #tpu.memory_space<hbm>>
        tpu.wait_indirect_dma semaphore(%arg16 : memref<!tpu.dma_semaphore, #tpu.memory_space<semaphore_mem>>) src(%dma_wait3A_386 : memref<200704x16xf32, #tpu.memory_space<hbm>>) dst(%dma_wait3A_380 : memref<128x16xf32, #tpu.memory_space<vmem>>)
        %mul3A_387 = arith.constant 8 : i32
        %mul3A_388 = arith.muli %scan3A_120, %mul3A_387 : i32
        %add3A_389 = arith.constant 5 : i32
        %add3A_390 = arith.addi %mul3A_388, %add3A_389 : i32
        %dma_start3A_391 = arith.constant 5 : i32
        %dma_start3A_392 = arith.constant 0 : i32
        %dma_start3A_393 = arith.constant 0 : i32
        %dma_start3A_394 = tpu.memref_slice %arg9[%dma_start3A_391, %dma_start3A_392, %dma_start3A_393] : memref<8x128x16xf32, #tpu.memory_space<vmem>> -> memref<1x128x16xf32, #tpu.memory_space<vmem>>
        %dma_start3A_395 = tpu.memref_squeeze %dma_start3A_394 : memref<1x128x16xf32, #tpu.memory_space<vmem>> -> memref<128x16xf32, #tpu.memory_space<vmem>>
        %dma_start3A_396 = arith.constant 0 : i32
        %dma_start3A_397 = tpu.memref_slice %arg8[%add3A_390, %dma_start3A_396] : memref<32x128xi32, #tpu.memory_space<vmem>> -> memref<1x128xi32, #tpu.memory_space<vmem>>
        %dma_start3A_398 = tpu.memref_squeeze %dma_start3A_397 : memref<1x128xi32, #tpu.memory_space<vmem>> -> memref<128xi32, #tpu.memory_space<vmem>>
        %dma_start3A_399 = arith.constant 0 : i32
        %dma_start3A_400 = arith.constant 0 : i32
        %dma_start3A_401 = tpu.memref_slice %arg10[%dma_start3A_399, %dma_start3A_400] : memref<100352x16xf32, #tpu.memory_space<vmem_shared>> -> memref<100352x16xf32, #tpu.memory_space<vmem_shared>>
        tpu.enqueue_indirect_dma source(%dma_start3A_395 : memref<128x16xf32, #tpu.memory_space<vmem>>) target(%dma_start3A_401 : memref<100352x16xf32, #tpu.memory_space<vmem_shared>>) offsets(%dma_start3A_398 : memref<128xi32, #tpu.memory_space<vmem>>) semaphore(%arg24 : memref<!tpu.dma_semaphore, #tpu.memory_space<semaphore_mem>>) {add = true}
        %dma_wait3A_402 = arith.constant 6 : i32
        %dma_wait3A_403 = arith.constant 0 : i32
        %dma_wait3A_404 = arith.constant 0 : i32
        %dma_wait3A_405 = tpu.memref_slice %arg9[%dma_wait3A_402, %dma_wait3A_403, %dma_wait3A_404] : memref<8x128x16xf32, #tpu.memory_space<vmem>> -> memref<1x128x16xf32, #tpu.memory_space<vmem>>
        %dma_wait3A_406 = tpu.memref_squeeze %dma_wait3A_405 : memref<1x128x16xf32, #tpu.memory_space<vmem>> -> memref<128x16xf32, #tpu.memory_space<vmem>>
        %dma_wait3A_407 = arith.constant 0 : i32
        %dma_wait3A_408 = tpu.memref_slice %arg7[%add3A_219, %dma_wait3A_407] : memref<32x128xi32, #tpu.memory_space<vmem>> -> memref<1x128xi32, #tpu.memory_space<vmem>>
        %dma_wait3A_409 = tpu.memref_squeeze %dma_wait3A_408 : memref<1x128xi32, #tpu.memory_space<vmem>> -> memref<128xi32, #tpu.memory_space<vmem>>
        %dma_wait3A_410 = arith.constant 0 : i32
        %dma_wait3A_411 = arith.constant 0 : i32
        %dma_wait3A_412 = tpu.memref_slice %arg2[%dma_wait3A_410, %dma_wait3A_411] : memref<200704x16xf32, #tpu.memory_space<hbm>> -> memref<200704x16xf32, #tpu.memory_space<hbm>>
        tpu.wait_indirect_dma semaphore(%arg17 : memref<!tpu.dma_semaphore, #tpu.memory_space<semaphore_mem>>) src(%dma_wait3A_412 : memref<200704x16xf32, #tpu.memory_space<hbm>>) dst(%dma_wait3A_406 : memref<128x16xf32, #tpu.memory_space<vmem>>)
        %mul3A_413 = arith.constant 8 : i32
        %mul3A_414 = arith.muli %scan3A_120, %mul3A_413 : i32
        %add3A_415 = arith.constant 6 : i32
        %add3A_416 = arith.addi %mul3A_414, %add3A_415 : i32
        %dma_start3A_417 = arith.constant 6 : i32
        %dma_start3A_418 = arith.constant 0 : i32
        %dma_start3A_419 = arith.constant 0 : i32
        %dma_start3A_420 = tpu.memref_slice %arg9[%dma_start3A_417, %dma_start3A_418, %dma_start3A_419] : memref<8x128x16xf32, #tpu.memory_space<vmem>> -> memref<1x128x16xf32, #tpu.memory_space<vmem>>
        %dma_start3A_421 = tpu.memref_squeeze %dma_start3A_420 : memref<1x128x16xf32, #tpu.memory_space<vmem>> -> memref<128x16xf32, #tpu.memory_space<vmem>>
        %dma_start3A_422 = arith.constant 0 : i32
        %dma_start3A_423 = tpu.memref_slice %arg8[%add3A_416, %dma_start3A_422] : memref<32x128xi32, #tpu.memory_space<vmem>> -> memref<1x128xi32, #tpu.memory_space<vmem>>
        %dma_start3A_424 = tpu.memref_squeeze %dma_start3A_423 : memref<1x128xi32, #tpu.memory_space<vmem>> -> memref<128xi32, #tpu.memory_space<vmem>>
        %dma_start3A_425 = arith.constant 0 : i32
        %dma_start3A_426 = arith.constant 0 : i32
        %dma_start3A_427 = tpu.memref_slice %arg10[%dma_start3A_425, %dma_start3A_426] : memref<100352x16xf32, #tpu.memory_space<vmem_shared>> -> memref<100352x16xf32, #tpu.memory_space<vmem_shared>>
        tpu.enqueue_indirect_dma source(%dma_start3A_421 : memref<128x16xf32, #tpu.memory_space<vmem>>) target(%dma_start3A_427 : memref<100352x16xf32, #tpu.memory_space<vmem_shared>>) offsets(%dma_start3A_424 : memref<128xi32, #tpu.memory_space<vmem>>) semaphore(%arg25 : memref<!tpu.dma_semaphore, #tpu.memory_space<semaphore_mem>>) {add = true}
        %dma_wait3A_428 = arith.constant 7 : i32
        %dma_wait3A_429 = arith.constant 0 : i32
        %dma_wait3A_430 = arith.constant 0 : i32
        %dma_wait3A_431 = tpu.memref_slice %arg9[%dma_wait3A_428, %dma_wait3A_429, %dma_wait3A_430] : memref<8x128x16xf32, #tpu.memory_space<vmem>> -> memref<1x128x16xf32, #tpu.memory_space<vmem>>
        %dma_wait3A_432 = tpu.memref_squeeze %dma_wait3A_431 : memref<1x128x16xf32, #tpu.memory_space<vmem>> -> memref<128x16xf32, #tpu.memory_space<vmem>>
        %dma_wait3A_433 = arith.constant 0 : i32
        %dma_wait3A_434 = tpu.memref_slice %arg7[%add3A_234, %dma_wait3A_433] : memref<32x128xi32, #tpu.memory_space<vmem>> -> memref<1x128xi32, #tpu.memory_space<vmem>>
        %dma_wait3A_435 = tpu.memref_squeeze %dma_wait3A_434 : memref<1x128xi32, #tpu.memory_space<vmem>> -> memref<128xi32, #tpu.memory_space<vmem>>
        %dma_wait3A_436 = arith.constant 0 : i32
        %dma_wait3A_437 = arith.constant 0 : i32
        %dma_wait3A_438 = tpu.memref_slice %arg2[%dma_wait3A_436, %dma_wait3A_437] : memref<200704x16xf32, #tpu.memory_space<hbm>> -> memref<200704x16xf32, #tpu.memory_space<hbm>>
        tpu.wait_indirect_dma semaphore(%arg18 : memref<!tpu.dma_semaphore, #tpu.memory_space<semaphore_mem>>) src(%dma_wait3A_438 : memref<200704x16xf32, #tpu.memory_space<hbm>>) dst(%dma_wait3A_432 : memref<128x16xf32, #tpu.memory_space<vmem>>)
        %mul3A_439 = arith.constant 8 : i32
        %mul3A_440 = arith.muli %scan3A_120, %mul3A_439 : i32
        %add3A_441 = arith.constant 7 : i32
        %add3A_442 = arith.addi %mul3A_440, %add3A_441 : i32
        %dma_start3A_443 = arith.constant 7 : i32
        %dma_start3A_444 = arith.constant 0 : i32
        %dma_start3A_445 = arith.constant 0 : i32
        %dma_start3A_446 = tpu.memref_slice %arg9[%dma_start3A_443, %dma_start3A_444, %dma_start3A_445] : memref<8x128x16xf32, #tpu.memory_space<vmem>> -> memref<1x128x16xf32, #tpu.memory_space<vmem>>
        %dma_start3A_447 = tpu.memref_squeeze %dma_start3A_446 : memref<1x128x16xf32, #tpu.memory_space<vmem>> -> memref<128x16xf32, #tpu.memory_space<vmem>>
        %dma_start3A_448 = arith.constant 0 : i32
        %dma_start3A_449 = tpu.memref_slice %arg8[%add3A_442, %dma_start3A_448] : memref<32x128xi32, #tpu.memory_space<vmem>> -> memref<1x128xi32, #tpu.memory_space<vmem>>
        %dma_start3A_450 = tpu.memref_squeeze %dma_start3A_449 : memref<1x128xi32, #tpu.memory_space<vmem>> -> memref<128xi32, #tpu.memory_space<vmem>>
        %dma_start3A_451 = arith.constant 0 : i32
        %dma_start3A_452 = arith.constant 0 : i32
        %dma_start3A_453 = tpu.memref_slice %arg10[%dma_start3A_451, %dma_start3A_452] : memref<100352x16xf32, #tpu.memory_space<vmem_shared>> -> memref<100352x16xf32, #tpu.memory_space<vmem_shared>>
        tpu.enqueue_indirect_dma source(%dma_start3A_447 : memref<128x16xf32, #tpu.memory_space<vmem>>) target(%dma_start3A_453 : memref<100352x16xf32, #tpu.memory_space<vmem_shared>>) offsets(%dma_start3A_450 : memref<128xi32, #tpu.memory_space<vmem>>) semaphore(%arg26 : memref<!tpu.dma_semaphore, #tpu.memory_space<semaphore_mem>>) {add = true}
        %scan3A_454 = arith.constant 0 : i32
        scf.yield %scan3A_454 : i32
      }
      %scan3A_118 = arith.constant 4 : i32
      %scan3A_119 = arith.constant 0 : i32
      scf.yield %scan3A_119 : i32
    }
    %scan3A_8 = arith.constant 25 : i32
    %dma_wait3A = arith.constant 0 : i32
    %dma_wait3A_9 = arith.constant 31 : i32
    %dma_wait3A_10 = arith.constant 0 : i32
    %dma_wait3A_11 = arith.constant 0 : i32
    %dma_wait3A_12 = tpu.memref_slice %arg9[%dma_wait3A, %dma_wait3A_10, %dma_wait3A_11] : memref<8x128x16xf32, #tpu.memory_space<vmem>> -> memref<1x128x16xf32, #tpu.memory_space<vmem>>
    %dma_wait3A_13 = tpu.memref_squeeze %dma_wait3A_12 : memref<1x128x16xf32, #tpu.memory_space<vmem>> -> memref<128x16xf32, #tpu.memory_space<vmem>>
    %dma_wait3A_14 = arith.constant 0 : i32
    %dma_wait3A_15 = tpu.memref_slice %arg8[%dma_wait3A_9, %dma_wait3A_14] : memref<32x128xi32, #tpu.memory_space<vmem>> -> memref<1x128xi32, #tpu.memory_space<vmem>>
    %dma_wait3A_16 = tpu.memref_squeeze %dma_wait3A_15 : memref<1x128xi32, #tpu.memory_space<vmem>> -> memref<128xi32, #tpu.memory_space<vmem>>
    %dma_wait3A_17 = arith.constant 0 : i32
    %dma_wait3A_18 = arith.constant 0 : i32
    %dma_wait3A_19 = tpu.memref_slice %arg10[%dma_wait3A_17, %dma_wait3A_18] : memref<100352x16xf32, #tpu.memory_space<vmem_shared>> -> memref<100352x16xf32, #tpu.memory_space<vmem_shared>>
    tpu.wait_indirect_dma semaphore(%arg19 : memref<!tpu.dma_semaphore, #tpu.memory_space<semaphore_mem>>) src(%dma_wait3A_13 : memref<128x16xf32, #tpu.memory_space<vmem>>) dst(%dma_wait3A_19 : memref<100352x16xf32, #tpu.memory_space<vmem_shared>>)
    %dma_wait3A_20 = arith.constant 1 : i32
    %dma_wait3A_21 = arith.constant 31 : i32
    %dma_wait3A_22 = arith.constant 0 : i32
    %dma_wait3A_23 = arith.constant 0 : i32
    %dma_wait3A_24 = tpu.memref_slice %arg9[%dma_wait3A_20, %dma_wait3A_22, %dma_wait3A_23] : memref<8x128x16xf32, #tpu.memory_space<vmem>> -> memref<1x128x16xf32, #tpu.memory_space<vmem>>
    %dma_wait3A_25 = tpu.memref_squeeze %dma_wait3A_24 : memref<1x128x16xf32, #tpu.memory_space<vmem>> -> memref<128x16xf32, #tpu.memory_space<vmem>>
    %dma_wait3A_26 = arith.constant 0 : i32
    %dma_wait3A_27 = tpu.memref_slice %arg8[%dma_wait3A_21, %dma_wait3A_26] : memref<32x128xi32, #tpu.memory_space<vmem>> -> memref<1x128xi32, #tpu.memory_space<vmem>>
    %dma_wait3A_28 = tpu.memref_squeeze %dma_wait3A_27 : memref<1x128xi32, #tpu.memory_space<vmem>> -> memref<128xi32, #tpu.memory_space<vmem>>
    %dma_wait3A_29 = arith.constant 0 : i32
    %dma_wait3A_30 = arith.constant 0 : i32
    %dma_wait3A_31 = tpu.memref_slice %arg10[%dma_wait3A_29, %dma_wait3A_30] : memref<100352x16xf32, #tpu.memory_space<vmem_shared>> -> memref<100352x16xf32, #tpu.memory_space<vmem_shared>>
    tpu.wait_indirect_dma semaphore(%arg20 : memref<!tpu.dma_semaphore, #tpu.memory_space<semaphore_mem>>) src(%dma_wait3A_25 : memref<128x16xf32, #tpu.memory_space<vmem>>) dst(%dma_wait3A_31 : memref<100352x16xf32, #tpu.memory_space<vmem_shared>>)
    %dma_wait3A_32 = arith.constant 2 : i32
    %dma_wait3A_33 = arith.constant 31 : i32
    %dma_wait3A_34 = arith.constant 0 : i32
    %dma_wait3A_35 = arith.constant 0 : i32
    %dma_wait3A_36 = tpu.memref_slice %arg9[%dma_wait3A_32, %dma_wait3A_34, %dma_wait3A_35] : memref<8x128x16xf32, #tpu.memory_space<vmem>> -> memref<1x128x16xf32, #tpu.memory_space<vmem>>
    %dma_wait3A_37 = tpu.memref_squeeze %dma_wait3A_36 : memref<1x128x16xf32, #tpu.memory_space<vmem>> -> memref<128x16xf32, #tpu.memory_space<vmem>>
    %dma_wait3A_38 = arith.constant 0 : i32
    %dma_wait3A_39 = tpu.memref_slice %arg8[%dma_wait3A_33, %dma_wait3A_38] : memref<32x128xi32, #tpu.memory_space<vmem>> -> memref<1x128xi32, #tpu.memory_space<vmem>>
    %dma_wait3A_40 = tpu.memref_squeeze %dma_wait3A_39 : memref<1x128xi32, #tpu.memory_space<vmem>> -> memref<128xi32, #tpu.memory_space<vmem>>
    %dma_wait3A_41 = arith.constant 0 : i32
    %dma_wait3A_42 = arith.constant 0 : i32
    %dma_wait3A_43 = tpu.memref_slice %arg10[%dma_wait3A_41, %dma_wait3A_42] : memref<100352x16xf32, #tpu.memory_space<vmem_shared>> -> memref<100352x16xf32, #tpu.memory_space<vmem_shared>>
    tpu.wait_indirect_dma semaphore(%arg21 : memref<!tpu.dma_semaphore, #tpu.memory_space<semaphore_mem>>) src(%dma_wait3A_37 : memref<128x16xf32, #tpu.memory_space<vmem>>) dst(%dma_wait3A_43 : memref<100352x16xf32, #tpu.memory_space<vmem_shared>>)
    %dma_wait3A_44 = arith.constant 3 : i32
    %dma_wait3A_45 = arith.constant 31 : i32
    %dma_wait3A_46 = arith.constant 0 : i32
    %dma_wait3A_47 = arith.constant 0 : i32
    %dma_wait3A_48 = tpu.memref_slice %arg9[%dma_wait3A_44, %dma_wait3A_46, %dma_wait3A_47] : memref<8x128x16xf32, #tpu.memory_space<vmem>> -> memref<1x128x16xf32, #tpu.memory_space<vmem>>
    %dma_wait3A_49 = tpu.memref_squeeze %dma_wait3A_48 : memref<1x128x16xf32, #tpu.memory_space<vmem>> -> memref<128x16xf32, #tpu.memory_space<vmem>>
    %dma_wait3A_50 = arith.constant 0 : i32
    %dma_wait3A_51 = tpu.memref_slice %arg8[%dma_wait3A_45, %dma_wait3A_50] : memref<32x128xi32, #tpu.memory_space<vmem>> -> memref<1x128xi32, #tpu.memory_space<vmem>>
    %dma_wait3A_52 = tpu.memref_squeeze %dma_wait3A_51 : memref<1x128xi32, #tpu.memory_space<vmem>> -> memref<128xi32, #tpu.memory_space<vmem>>
    %dma_wait3A_53 = arith.constant 0 : i32
    %dma_wait3A_54 = arith.constant 0 : i32
    %dma_wait3A_55 = tpu.memref_slice %arg10[%dma_wait3A_53, %dma_wait3A_54] : memref<100352x16xf32, #tpu.memory_space<vmem_shared>> -> memref<100352x16xf32, #tpu.memory_space<vmem_shared>>
    tpu.wait_indirect_dma semaphore(%arg22 : memref<!tpu.dma_semaphore, #tpu.memory_space<semaphore_mem>>) src(%dma_wait3A_49 : memref<128x16xf32, #tpu.memory_space<vmem>>) dst(%dma_wait3A_55 : memref<100352x16xf32, #tpu.memory_space<vmem_shared>>)
    %dma_wait3A_56 = arith.constant 4 : i32
    %dma_wait3A_57 = arith.constant 31 : i32
    %dma_wait3A_58 = arith.constant 0 : i32
    %dma_wait3A_59 = arith.constant 0 : i32
    %dma_wait3A_60 = tpu.memref_slice %arg9[%dma_wait3A_56, %dma_wait3A_58, %dma_wait3A_59] : memref<8x128x16xf32, #tpu.memory_space<vmem>> -> memref<1x128x16xf32, #tpu.memory_space<vmem>>
    %dma_wait3A_61 = tpu.memref_squeeze %dma_wait3A_60 : memref<1x128x16xf32, #tpu.memory_space<vmem>> -> memref<128x16xf32, #tpu.memory_space<vmem>>
    %dma_wait3A_62 = arith.constant 0 : i32
    %dma_wait3A_63 = tpu.memref_slice %arg8[%dma_wait3A_57, %dma_wait3A_62] : memref<32x128xi32, #tpu.memory_space<vmem>> -> memref<1x128xi32, #tpu.memory_space<vmem>>
    %dma_wait3A_64 = tpu.memref_squeeze %dma_wait3A_63 : memref<1x128xi32, #tpu.memory_space<vmem>> -> memref<128xi32, #tpu.memory_space<vmem>>
    %dma_wait3A_65 = arith.constant 0 : i32
    %dma_wait3A_66 = arith.constant 0 : i32
    %dma_wait3A_67 = tpu.memref_slice %arg10[%dma_wait3A_65, %dma_wait3A_66] : memref<100352x16xf32, #tpu.memory_space<vmem_shared>> -> memref<100352x16xf32, #tpu.memory_space<vmem_shared>>
    tpu.wait_indirect_dma semaphore(%arg23 : memref<!tpu.dma_semaphore, #tpu.memory_space<semaphore_mem>>) src(%dma_wait3A_61 : memref<128x16xf32, #tpu.memory_space<vmem>>) dst(%dma_wait3A_67 : memref<100352x16xf32, #tpu.memory_space<vmem_shared>>)
    %dma_wait3A_68 = arith.constant 5 : i32
    %dma_wait3A_69 = arith.constant 31 : i32
    %dma_wait3A_70 = arith.constant 0 : i32
    %dma_wait3A_71 = arith.constant 0 : i32
    %dma_wait3A_72 = tpu.memref_slice %arg9[%dma_wait3A_68, %dma_wait3A_70, %dma_wait3A_71] : memref<8x128x16xf32, #tpu.memory_space<vmem>> -> memref<1x128x16xf32, #tpu.memory_space<vmem>>
    %dma_wait3A_73 = tpu.memref_squeeze %dma_wait3A_72 : memref<1x128x16xf32, #tpu.memory_space<vmem>> -> memref<128x16xf32, #tpu.memory_space<vmem>>
    %dma_wait3A_74 = arith.constant 0 : i32
    %dma_wait3A_75 = tpu.memref_slice %arg8[%dma_wait3A_69, %dma_wait3A_74] : memref<32x128xi32, #tpu.memory_space<vmem>> -> memref<1x128xi32, #tpu.memory_space<vmem>>
    %dma_wait3A_76 = tpu.memref_squeeze %dma_wait3A_75 : memref<1x128xi32, #tpu.memory_space<vmem>> -> memref<128xi32, #tpu.memory_space<vmem>>
    %dma_wait3A_77 = arith.constant 0 : i32
    %dma_wait3A_78 = arith.constant 0 : i32
    %dma_wait3A_79 = tpu.memref_slice %arg10[%dma_wait3A_77, %dma_wait3A_78] : memref<100352x16xf32, #tpu.memory_space<vmem_shared>> -> memref<100352x16xf32, #tpu.memory_space<vmem_shared>>
    tpu.wait_indirect_dma semaphore(%arg24 : memref<!tpu.dma_semaphore, #tpu.memory_space<semaphore_mem>>) src(%dma_wait3A_73 : memref<128x16xf32, #tpu.memory_space<vmem>>) dst(%dma_wait3A_79 : memref<100352x16xf32, #tpu.memory_space<vmem_shared>>)
    %dma_wait3A_80 = arith.constant 6 : i32
    %dma_wait3A_81 = arith.constant 31 : i32
    %dma_wait3A_82 = arith.constant 0 : i32
    %dma_wait3A_83 = arith.constant 0 : i32
    %dma_wait3A_84 = tpu.memref_slice %arg9[%dma_wait3A_80, %dma_wait3A_82, %dma_wait3A_83] : memref<8x128x16xf32, #tpu.memory_space<vmem>> -> memref<1x128x16xf32, #tpu.memory_space<vmem>>
    %dma_wait3A_85 = tpu.memref_squeeze %dma_wait3A_84 : memref<1x128x16xf32, #tpu.memory_space<vmem>> -> memref<128x16xf32, #tpu.memory_space<vmem>>
    %dma_wait3A_86 = arith.constant 0 : i32
    %dma_wait3A_87 = tpu.memref_slice %arg8[%dma_wait3A_81, %dma_wait3A_86] : memref<32x128xi32, #tpu.memory_space<vmem>> -> memref<1x128xi32, #tpu.memory_space<vmem>>
    %dma_wait3A_88 = tpu.memref_squeeze %dma_wait3A_87 : memref<1x128xi32, #tpu.memory_space<vmem>> -> memref<128xi32, #tpu.memory_space<vmem>>
    %dma_wait3A_89 = arith.constant 0 : i32
    %dma_wait3A_90 = arith.constant 0 : i32
    %dma_wait3A_91 = tpu.memref_slice %arg10[%dma_wait3A_89, %dma_wait3A_90] : memref<100352x16xf32, #tpu.memory_space<vmem_shared>> -> memref<100352x16xf32, #tpu.memory_space<vmem_shared>>
    tpu.wait_indirect_dma semaphore(%arg25 : memref<!tpu.dma_semaphore, #tpu.memory_space<semaphore_mem>>) src(%dma_wait3A_85 : memref<128x16xf32, #tpu.memory_space<vmem>>) dst(%dma_wait3A_91 : memref<100352x16xf32, #tpu.memory_space<vmem_shared>>)
    %dma_wait3A_92 = arith.constant 7 : i32
    %dma_wait3A_93 = arith.constant 31 : i32
    %dma_wait3A_94 = arith.constant 0 : i32
    %dma_wait3A_95 = arith.constant 0 : i32
    %dma_wait3A_96 = tpu.memref_slice %arg9[%dma_wait3A_92, %dma_wait3A_94, %dma_wait3A_95] : memref<8x128x16xf32, #tpu.memory_space<vmem>> -> memref<1x128x16xf32, #tpu.memory_space<vmem>>
    %dma_wait3A_97 = tpu.memref_squeeze %dma_wait3A_96 : memref<1x128x16xf32, #tpu.memory_space<vmem>> -> memref<128x16xf32, #tpu.memory_space<vmem>>
    %dma_wait3A_98 = arith.constant 0 : i32
    %dma_wait3A_99 = tpu.memref_slice %arg8[%dma_wait3A_93, %dma_wait3A_98] : memref<32x128xi32, #tpu.memory_space<vmem>> -> memref<1x128xi32, #tpu.memory_space<vmem>>
    %dma_wait3A_100 = tpu.memref_squeeze %dma_wait3A_99 : memref<1x128xi32, #tpu.memory_space<vmem>> -> memref<128xi32, #tpu.memory_space<vmem>>
    %dma_wait3A_101 = arith.constant 0 : i32
    %dma_wait3A_102 = arith.constant 0 : i32
    %dma_wait3A_103 = tpu.memref_slice %arg10[%dma_wait3A_101, %dma_wait3A_102] : memref<100352x16xf32, #tpu.memory_space<vmem_shared>> -> memref<100352x16xf32, #tpu.memory_space<vmem_shared>>
    tpu.wait_indirect_dma semaphore(%arg26 : memref<!tpu.dma_semaphore, #tpu.memory_space<semaphore_mem>>) src(%dma_wait3A_97 : memref<128x16xf32, #tpu.memory_space<vmem>>) dst(%dma_wait3A_103 : memref<100352x16xf32, #tpu.memory_space<vmem_shared>>)
    %barrier3A_104 = arith.constant 0 : index
    tpu.barrier barrier_id(%barrier3A_104)
    "tpu.region"() ({
      %run_scoped3A = tpu.sem_alloc : memref<!tpu.dma_semaphore, #tpu.memory_space<semaphore_mem>>
      %dma_start3A = arith.constant 0 : i32
      %dma_start3A_105 = tpu.memref_slice %arg6[%mul3A_0, %arg0, %dma_start3A] : memref<100352x2x16xf32, #tpu.memory_space<hbm>> -> memref<6272x1x16xf32, #tpu.memory_space<hbm>>
      %dma_start3A_106 = tpu.memref_squeeze %dma_start3A_105 : memref<6272x1x16xf32, #tpu.memory_space<hbm>> -> memref<6272x16xf32, #tpu.memory_space<hbm>>
      %dma_start3A_107 = arith.constant 0 : i32
      %dma_start3A_108 = tpu.memref_slice %arg10[%mul3A_0, %dma_start3A_107] : memref<100352x16xf32, #tpu.memory_space<vmem_shared>> -> memref<6272x16xf32, #tpu.memory_space<vmem_shared>>
      tpu.enqueue_dma source(%dma_start3A_108 : memref<6272x16xf32, #tpu.memory_space<vmem_shared>>) target(%dma_start3A_106 : memref<6272x16xf32, #tpu.memory_space<hbm>>) target_semaphore(%run_scoped3A : memref<!tpu.dma_semaphore, #tpu.memory_space<semaphore_mem>>)
      %dma_wait3A_109 = arith.constant 0 : i32
      %dma_wait3A_110 = tpu.memref_slice %arg6[%mul3A_0, %arg0, %dma_wait3A_109] : memref<100352x2x16xf32, #tpu.memory_space<hbm>> -> memref<6272x1x16xf32, #tpu.memory_space<hbm>>
      %dma_wait3A_111 = tpu.memref_squeeze %dma_wait3A_110 : memref<6272x1x16xf32, #tpu.memory_space<hbm>> -> memref<6272x16xf32, #tpu.memory_space<hbm>>
      %dma_wait3A_112 = arith.constant 0 : i32
      %dma_wait3A_113 = tpu.memref_slice %arg10[%mul3A_0, %dma_wait3A_112] : memref<100352x16xf32, #tpu.memory_space<vmem_shared>> -> memref<6272x16xf32, #tpu.memory_space<vmem_shared>>
      tpu.wait_dma2 semaphore(%run_scoped3A : memref<!tpu.dma_semaphore, #tpu.memory_space<semaphore_mem>>) src(%dma_wait3A_113 : memref<6272x16xf32, #tpu.memory_space<vmem_shared>>) dst(%dma_wait3A_111 : memref<6272x16xf32, #tpu.memory_space<hbm>>)
      tpu.yield
    }) : () -> ()
    return
  }
}

#map = affine_map<(d0, d1) -> (0, 0)>
#map1 = affine_map<(d0, d1) -> (0, 0, 0)>
module attributes {stable_mosaic.version = 14 : i64} {
  func.func @_deg_body(%arg0: i32, %arg1: i32, %arg2: memref<12800x128xi32, #tpu.memory_space<hbm>>, %arg3: memref<100352x16xf32, #tpu.memory_space<hbm>>, %arg4: memref<128x16xf32, #tpu.memory_space<hbm>>, %arg5: memref<100352x2x16xf32, #tpu.memory_space<hbm>>, %arg6: memref<16x128xi32, #tpu.memory_space<vmem>>, %arg7: memref<128x16xf32, #tpu.memory_space<vmem>>, %arg8: memref<100352x16xf32, #tpu.memory_space<vmem_shared>>, %arg9: memref<!tpu.dma_semaphore, #tpu.memory_space<semaphore_mem>>) attributes {dimension_semantics = [#tpu.dimension_semantics<core_parallel>, #tpu.dimension_semantics<subcore_parallel>], iteration_bounds = array<i64: 2, 16>, scalar_prefetch = 0 : i64, scratch_operands = 4 : i64, tpu.core_type = #tpu.core_type<sc_vector_subcore>, window_params = [{transform_indices = #map}, {transform_indices = #map}, {transform_indices = #map}, {transform_indices = #map1}]} {
    %mul3A = arith.constant 16 : i32
    %mul3A_0 = arith.muli %arg0, %mul3A : i32
    %add3A = arith.addi %mul3A_0, %arg1 : i32
    %mul3A_1 = arith.constant 6272 : i32
    %mul3A_2 = arith.muli %arg1, %mul3A_1 : i32
    "tpu.region"() ({
      %run_scoped3A = tpu.sem_alloc : memref<!tpu.dma_semaphore, #tpu.memory_space<semaphore_mem>>
      %dma_start3A = arith.constant 0 : i32
      %dma_start3A_10 = tpu.memref_slice %arg8[%mul3A_2, %dma_start3A] : memref<100352x16xf32, #tpu.memory_space<vmem_shared>> -> memref<6272x16xf32, #tpu.memory_space<vmem_shared>>
      %dma_start3A_11 = arith.constant 0 : i32
      %dma_start3A_12 = tpu.memref_slice %arg3[%mul3A_2, %dma_start3A_11] : memref<100352x16xf32, #tpu.memory_space<hbm>> -> memref<6272x16xf32, #tpu.memory_space<hbm>>
      tpu.enqueue_dma source(%dma_start3A_12 : memref<6272x16xf32, #tpu.memory_space<hbm>>) target(%dma_start3A_10 : memref<6272x16xf32, #tpu.memory_space<vmem_shared>>) target_semaphore(%run_scoped3A : memref<!tpu.dma_semaphore, #tpu.memory_space<semaphore_mem>>)
      %dma_wait3A = arith.constant 0 : i32
      %dma_wait3A_13 = tpu.memref_slice %arg8[%mul3A_2, %dma_wait3A] : memref<100352x16xf32, #tpu.memory_space<vmem_shared>> -> memref<6272x16xf32, #tpu.memory_space<vmem_shared>>
      %dma_wait3A_14 = arith.constant 0 : i32
      %dma_wait3A_15 = tpu.memref_slice %arg3[%mul3A_2, %dma_wait3A_14] : memref<100352x16xf32, #tpu.memory_space<hbm>> -> memref<6272x16xf32, #tpu.memory_space<hbm>>
      tpu.wait_dma2 semaphore(%run_scoped3A : memref<!tpu.dma_semaphore, #tpu.memory_space<semaphore_mem>>) src(%dma_wait3A_15 : memref<6272x16xf32, #tpu.memory_space<hbm>>) dst(%dma_wait3A_13 : memref<6272x16xf32, #tpu.memory_space<vmem_shared>>)
      tpu.yield
    }) : () -> ()
    "tpu.region"() ({
      %run_scoped3A = tpu.sem_alloc : memref<!tpu.dma_semaphore, #tpu.memory_space<semaphore_mem>>
      tpu.enqueue_dma source(%arg4 : memref<128x16xf32, #tpu.memory_space<hbm>>) target(%arg7 : memref<128x16xf32, #tpu.memory_space<vmem>>) target_semaphore(%run_scoped3A : memref<!tpu.dma_semaphore, #tpu.memory_space<semaphore_mem>>)
      tpu.wait_dma2 semaphore(%run_scoped3A : memref<!tpu.dma_semaphore, #tpu.memory_space<semaphore_mem>>) src(%arg4 : memref<128x16xf32, #tpu.memory_space<hbm>>) dst(%arg7 : memref<128x16xf32, #tpu.memory_space<vmem>>)
      tpu.yield
    }) : () -> ()
    %barrier3A = arith.constant 0 : index
    tpu.barrier barrier_id(%barrier3A)
    %scan3A = arith.constant 0 : i32
    %scan3A_3 = arith.constant 0 : i32
    %scan3A_4 = arith.constant 25 : i32
    %scan3A_5 = arith.addi %scan3A_3, %scan3A_4 : i32
    %scan3A_6 = arith.constant 1 : i32
    %scan3A_7 = scf.for %scan3A_10 = %scan3A_3 to %scan3A_5 step %scan3A_6 iter_args(%scan3A_11 = %scan3A) -> (i32)  : i32 {
      %mul3A_12 = arith.constant 400 : i32
      %mul3A_13 = arith.muli %add3A, %mul3A_12 : i32
      %mul3A_14 = arith.constant 16 : i32
      %mul3A_15 = arith.muli %scan3A_10, %mul3A_14 : i32
      %add3A_16 = arith.addi %mul3A_13, %mul3A_15 : i32
      "tpu.region"() ({
        %run_scoped3A = tpu.sem_alloc : memref<!tpu.dma_semaphore, #tpu.memory_space<semaphore_mem>>
        %dma_start3A_240 = arith.constant 0 : i32
        %dma_start3A_241 = tpu.memref_slice %arg2[%add3A_16, %dma_start3A_240] : memref<12800x128xi32, #tpu.memory_space<hbm>> -> memref<16x128xi32, #tpu.memory_space<hbm>>
        %dma_start3A_242 = arith.constant 0 : i32
        %dma_start3A_243 = tpu.memref_slice %arg2[%add3A_16, %dma_start3A_242] : memref<12800x128xi32, #tpu.memory_space<hbm>> -> memref<16x128xi32, #tpu.memory_space<hbm>>
        tpu.enqueue_dma source(%dma_start3A_243 : memref<16x128xi32, #tpu.memory_space<hbm>>) target(%arg6 : memref<16x128xi32, #tpu.memory_space<vmem>>) target_semaphore(%run_scoped3A : memref<!tpu.dma_semaphore, #tpu.memory_space<semaphore_mem>>)
        %dma_wait3A_244 = arith.constant 0 : i32
        %dma_wait3A_245 = tpu.memref_slice %arg2[%add3A_16, %dma_wait3A_244] : memref<12800x128xi32, #tpu.memory_space<hbm>> -> memref<16x128xi32, #tpu.memory_space<hbm>>
        %dma_wait3A_246 = arith.constant 0 : i32
        %dma_wait3A_247 = tpu.memref_slice %arg2[%add3A_16, %dma_wait3A_246] : memref<12800x128xi32, #tpu.memory_space<hbm>> -> memref<16x128xi32, #tpu.memory_space<hbm>>
        tpu.wait_dma2 semaphore(%run_scoped3A : memref<!tpu.dma_semaphore, #tpu.memory_space<semaphore_mem>>) src(%dma_wait3A_247 : memref<16x128xi32, #tpu.memory_space<hbm>>) dst(%arg6 : memref<16x128xi32, #tpu.memory_space<vmem>>)
        tpu.yield
      }) : () -> ()
      %dma_start3A = arith.constant 0 : i32
      %dma_start3A_17 = arith.constant 0 : i32
      %dma_start3A_18 = tpu.memref_slice %arg6[%dma_start3A, %dma_start3A_17] : memref<16x128xi32, #tpu.memory_space<vmem>> -> memref<1x128xi32, #tpu.memory_space<vmem>>
      %dma_start3A_19 = tpu.memref_squeeze %dma_start3A_18 : memref<1x128xi32, #tpu.memory_space<vmem>> -> memref<128xi32, #tpu.memory_space<vmem>>
      %dma_start3A_20 = arith.constant 0 : i32
      %dma_start3A_21 = arith.constant 0 : i32
      %dma_start3A_22 = tpu.memref_slice %arg8[%dma_start3A_20, %dma_start3A_21] : memref<100352x16xf32, #tpu.memory_space<vmem_shared>> -> memref<100352x16xf32, #tpu.memory_space<vmem_shared>>
      tpu.enqueue_indirect_dma source(%arg7 : memref<128x16xf32, #tpu.memory_space<vmem>>) target(%dma_start3A_22 : memref<100352x16xf32, #tpu.memory_space<vmem_shared>>) offsets(%dma_start3A_19 : memref<128xi32, #tpu.memory_space<vmem>>) semaphore(%arg9 : memref<!tpu.dma_semaphore, #tpu.memory_space<semaphore_mem>>) {add = true}
      %dma_start3A_23 = arith.constant 1 : i32
      %dma_start3A_24 = arith.constant 0 : i32
      %dma_start3A_25 = tpu.memref_slice %arg6[%dma_start3A_23, %dma_start3A_24] : memref<16x128xi32, #tpu.memory_space<vmem>> -> memref<1x128xi32, #tpu.memory_space<vmem>>
      %dma_start3A_26 = tpu.memref_squeeze %dma_start3A_25 : memref<1x128xi32, #tpu.memory_space<vmem>> -> memref<128xi32, #tpu.memory_space<vmem>>
      %dma_start3A_27 = arith.constant 0 : i32
      %dma_start3A_28 = arith.constant 0 : i32
      %dma_start3A_29 = tpu.memref_slice %arg8[%dma_start3A_27, %dma_start3A_28] : memref<100352x16xf32, #tpu.memory_space<vmem_shared>> -> memref<100352x16xf32, #tpu.memory_space<vmem_shared>>
      tpu.enqueue_indirect_dma source(%arg7 : memref<128x16xf32, #tpu.memory_space<vmem>>) target(%dma_start3A_29 : memref<100352x16xf32, #tpu.memory_space<vmem_shared>>) offsets(%dma_start3A_26 : memref<128xi32, #tpu.memory_space<vmem>>) semaphore(%arg9 : memref<!tpu.dma_semaphore, #tpu.memory_space<semaphore_mem>>) {add = true}
      %dma_start3A_30 = arith.constant 2 : i32
      %dma_start3A_31 = arith.constant 0 : i32
      %dma_start3A_32 = tpu.memref_slice %arg6[%dma_start3A_30, %dma_start3A_31] : memref<16x128xi32, #tpu.memory_space<vmem>> -> memref<1x128xi32, #tpu.memory_space<vmem>>
      %dma_start3A_33 = tpu.memref_squeeze %dma_start3A_32 : memref<1x128xi32, #tpu.memory_space<vmem>> -> memref<128xi32, #tpu.memory_space<vmem>>
      %dma_start3A_34 = arith.constant 0 : i32
      %dma_start3A_35 = arith.constant 0 : i32
      %dma_start3A_36 = tpu.memref_slice %arg8[%dma_start3A_34, %dma_start3A_35] : memref<100352x16xf32, #tpu.memory_space<vmem_shared>> -> memref<100352x16xf32, #tpu.memory_space<vmem_shared>>
      tpu.enqueue_indirect_dma source(%arg7 : memref<128x16xf32, #tpu.memory_space<vmem>>) target(%dma_start3A_36 : memref<100352x16xf32, #tpu.memory_space<vmem_shared>>) offsets(%dma_start3A_33 : memref<128xi32, #tpu.memory_space<vmem>>) semaphore(%arg9 : memref<!tpu.dma_semaphore, #tpu.memory_space<semaphore_mem>>) {add = true}
      %dma_start3A_37 = arith.constant 3 : i32
      %dma_start3A_38 = arith.constant 0 : i32
      %dma_start3A_39 = tpu.memref_slice %arg6[%dma_start3A_37, %dma_start3A_38] : memref<16x128xi32, #tpu.memory_space<vmem>> -> memref<1x128xi32, #tpu.memory_space<vmem>>
      %dma_start3A_40 = tpu.memref_squeeze %dma_start3A_39 : memref<1x128xi32, #tpu.memory_space<vmem>> -> memref<128xi32, #tpu.memory_space<vmem>>
      %dma_start3A_41 = arith.constant 0 : i32
      %dma_start3A_42 = arith.constant 0 : i32
      %dma_start3A_43 = tpu.memref_slice %arg8[%dma_start3A_41, %dma_start3A_42] : memref<100352x16xf32, #tpu.memory_space<vmem_shared>> -> memref<100352x16xf32, #tpu.memory_space<vmem_shared>>
      tpu.enqueue_indirect_dma source(%arg7 : memref<128x16xf32, #tpu.memory_space<vmem>>) target(%dma_start3A_43 : memref<100352x16xf32, #tpu.memory_space<vmem_shared>>) offsets(%dma_start3A_40 : memref<128xi32, #tpu.memory_space<vmem>>) semaphore(%arg9 : memref<!tpu.dma_semaphore, #tpu.memory_space<semaphore_mem>>) {add = true}
      %dma_start3A_44 = arith.constant 4 : i32
      %dma_start3A_45 = arith.constant 0 : i32
      %dma_start3A_46 = tpu.memref_slice %arg6[%dma_start3A_44, %dma_start3A_45] : memref<16x128xi32, #tpu.memory_space<vmem>> -> memref<1x128xi32, #tpu.memory_space<vmem>>
      %dma_start3A_47 = tpu.memref_squeeze %dma_start3A_46 : memref<1x128xi32, #tpu.memory_space<vmem>> -> memref<128xi32, #tpu.memory_space<vmem>>
      %dma_start3A_48 = arith.constant 0 : i32
      %dma_start3A_49 = arith.constant 0 : i32
      %dma_start3A_50 = tpu.memref_slice %arg8[%dma_start3A_48, %dma_start3A_49] : memref<100352x16xf32, #tpu.memory_space<vmem_shared>> -> memref<100352x16xf32, #tpu.memory_space<vmem_shared>>
      tpu.enqueue_indirect_dma source(%arg7 : memref<128x16xf32, #tpu.memory_space<vmem>>) target(%dma_start3A_50 : memref<100352x16xf32, #tpu.memory_space<vmem_shared>>) offsets(%dma_start3A_47 : memref<128xi32, #tpu.memory_space<vmem>>) semaphore(%arg9 : memref<!tpu.dma_semaphore, #tpu.memory_space<semaphore_mem>>) {add = true}
      %dma_start3A_51 = arith.constant 5 : i32
      %dma_start3A_52 = arith.constant 0 : i32
      %dma_start3A_53 = tpu.memref_slice %arg6[%dma_start3A_51, %dma_start3A_52] : memref<16x128xi32, #tpu.memory_space<vmem>> -> memref<1x128xi32, #tpu.memory_space<vmem>>
      %dma_start3A_54 = tpu.memref_squeeze %dma_start3A_53 : memref<1x128xi32, #tpu.memory_space<vmem>> -> memref<128xi32, #tpu.memory_space<vmem>>
      %dma_start3A_55 = arith.constant 0 : i32
      %dma_start3A_56 = arith.constant 0 : i32
      %dma_start3A_57 = tpu.memref_slice %arg8[%dma_start3A_55, %dma_start3A_56] : memref<100352x16xf32, #tpu.memory_space<vmem_shared>> -> memref<100352x16xf32, #tpu.memory_space<vmem_shared>>
      tpu.enqueue_indirect_dma source(%arg7 : memref<128x16xf32, #tpu.memory_space<vmem>>) target(%dma_start3A_57 : memref<100352x16xf32, #tpu.memory_space<vmem_shared>>) offsets(%dma_start3A_54 : memref<128xi32, #tpu.memory_space<vmem>>) semaphore(%arg9 : memref<!tpu.dma_semaphore, #tpu.memory_space<semaphore_mem>>) {add = true}
      %dma_start3A_58 = arith.constant 6 : i32
      %dma_start3A_59 = arith.constant 0 : i32
      %dma_start3A_60 = tpu.memref_slice %arg6[%dma_start3A_58, %dma_start3A_59] : memref<16x128xi32, #tpu.memory_space<vmem>> -> memref<1x128xi32, #tpu.memory_space<vmem>>
      %dma_start3A_61 = tpu.memref_squeeze %dma_start3A_60 : memref<1x128xi32, #tpu.memory_space<vmem>> -> memref<128xi32, #tpu.memory_space<vmem>>
      %dma_start3A_62 = arith.constant 0 : i32
      %dma_start3A_63 = arith.constant 0 : i32
      %dma_start3A_64 = tpu.memref_slice %arg8[%dma_start3A_62, %dma_start3A_63] : memref<100352x16xf32, #tpu.memory_space<vmem_shared>> -> memref<100352x16xf32, #tpu.memory_space<vmem_shared>>
      tpu.enqueue_indirect_dma source(%arg7 : memref<128x16xf32, #tpu.memory_space<vmem>>) target(%dma_start3A_64 : memref<100352x16xf32, #tpu.memory_space<vmem_shared>>) offsets(%dma_start3A_61 : memref<128xi32, #tpu.memory_space<vmem>>) semaphore(%arg9 : memref<!tpu.dma_semaphore, #tpu.memory_space<semaphore_mem>>) {add = true}
      %dma_start3A_65 = arith.constant 7 : i32
      %dma_start3A_66 = arith.constant 0 : i32
      %dma_start3A_67 = tpu.memref_slice %arg6[%dma_start3A_65, %dma_start3A_66] : memref<16x128xi32, #tpu.memory_space<vmem>> -> memref<1x128xi32, #tpu.memory_space<vmem>>
      %dma_start3A_68 = tpu.memref_squeeze %dma_start3A_67 : memref<1x128xi32, #tpu.memory_space<vmem>> -> memref<128xi32, #tpu.memory_space<vmem>>
      %dma_start3A_69 = arith.constant 0 : i32
      %dma_start3A_70 = arith.constant 0 : i32
      %dma_start3A_71 = tpu.memref_slice %arg8[%dma_start3A_69, %dma_start3A_70] : memref<100352x16xf32, #tpu.memory_space<vmem_shared>> -> memref<100352x16xf32, #tpu.memory_space<vmem_shared>>
      tpu.enqueue_indirect_dma source(%arg7 : memref<128x16xf32, #tpu.memory_space<vmem>>) target(%dma_start3A_71 : memref<100352x16xf32, #tpu.memory_space<vmem_shared>>) offsets(%dma_start3A_68 : memref<128xi32, #tpu.memory_space<vmem>>) semaphore(%arg9 : memref<!tpu.dma_semaphore, #tpu.memory_space<semaphore_mem>>) {add = true}
      %dma_start3A_72 = arith.constant 8 : i32
      %dma_start3A_73 = arith.constant 0 : i32
      %dma_start3A_74 = tpu.memref_slice %arg6[%dma_start3A_72, %dma_start3A_73] : memref<16x128xi32, #tpu.memory_space<vmem>> -> memref<1x128xi32, #tpu.memory_space<vmem>>
      %dma_start3A_75 = tpu.memref_squeeze %dma_start3A_74 : memref<1x128xi32, #tpu.memory_space<vmem>> -> memref<128xi32, #tpu.memory_space<vmem>>
      %dma_start3A_76 = arith.constant 0 : i32
      %dma_start3A_77 = arith.constant 0 : i32
      %dma_start3A_78 = tpu.memref_slice %arg8[%dma_start3A_76, %dma_start3A_77] : memref<100352x16xf32, #tpu.memory_space<vmem_shared>> -> memref<100352x16xf32, #tpu.memory_space<vmem_shared>>
      tpu.enqueue_indirect_dma source(%arg7 : memref<128x16xf32, #tpu.memory_space<vmem>>) target(%dma_start3A_78 : memref<100352x16xf32, #tpu.memory_space<vmem_shared>>) offsets(%dma_start3A_75 : memref<128xi32, #tpu.memory_space<vmem>>) semaphore(%arg9 : memref<!tpu.dma_semaphore, #tpu.memory_space<semaphore_mem>>) {add = true}
      %dma_start3A_79 = arith.constant 9 : i32
      %dma_start3A_80 = arith.constant 0 : i32
      %dma_start3A_81 = tpu.memref_slice %arg6[%dma_start3A_79, %dma_start3A_80] : memref<16x128xi32, #tpu.memory_space<vmem>> -> memref<1x128xi32, #tpu.memory_space<vmem>>
      %dma_start3A_82 = tpu.memref_squeeze %dma_start3A_81 : memref<1x128xi32, #tpu.memory_space<vmem>> -> memref<128xi32, #tpu.memory_space<vmem>>
      %dma_start3A_83 = arith.constant 0 : i32
      %dma_start3A_84 = arith.constant 0 : i32
      %dma_start3A_85 = tpu.memref_slice %arg8[%dma_start3A_83, %dma_start3A_84] : memref<100352x16xf32, #tpu.memory_space<vmem_shared>> -> memref<100352x16xf32, #tpu.memory_space<vmem_shared>>
      tpu.enqueue_indirect_dma source(%arg7 : memref<128x16xf32, #tpu.memory_space<vmem>>) target(%dma_start3A_85 : memref<100352x16xf32, #tpu.memory_space<vmem_shared>>) offsets(%dma_start3A_82 : memref<128xi32, #tpu.memory_space<vmem>>) semaphore(%arg9 : memref<!tpu.dma_semaphore, #tpu.memory_space<semaphore_mem>>) {add = true}
      %dma_start3A_86 = arith.constant 10 : i32
      %dma_start3A_87 = arith.constant 0 : i32
      %dma_start3A_88 = tpu.memref_slice %arg6[%dma_start3A_86, %dma_start3A_87] : memref<16x128xi32, #tpu.memory_space<vmem>> -> memref<1x128xi32, #tpu.memory_space<vmem>>
      %dma_start3A_89 = tpu.memref_squeeze %dma_start3A_88 : memref<1x128xi32, #tpu.memory_space<vmem>> -> memref<128xi32, #tpu.memory_space<vmem>>
      %dma_start3A_90 = arith.constant 0 : i32
      %dma_start3A_91 = arith.constant 0 : i32
      %dma_start3A_92 = tpu.memref_slice %arg8[%dma_start3A_90, %dma_start3A_91] : memref<100352x16xf32, #tpu.memory_space<vmem_shared>> -> memref<100352x16xf32, #tpu.memory_space<vmem_shared>>
      tpu.enqueue_indirect_dma source(%arg7 : memref<128x16xf32, #tpu.memory_space<vmem>>) target(%dma_start3A_92 : memref<100352x16xf32, #tpu.memory_space<vmem_shared>>) offsets(%dma_start3A_89 : memref<128xi32, #tpu.memory_space<vmem>>) semaphore(%arg9 : memref<!tpu.dma_semaphore, #tpu.memory_space<semaphore_mem>>) {add = true}
      %dma_start3A_93 = arith.constant 11 : i32
      %dma_start3A_94 = arith.constant 0 : i32
      %dma_start3A_95 = tpu.memref_slice %arg6[%dma_start3A_93, %dma_start3A_94] : memref<16x128xi32, #tpu.memory_space<vmem>> -> memref<1x128xi32, #tpu.memory_space<vmem>>
      %dma_start3A_96 = tpu.memref_squeeze %dma_start3A_95 : memref<1x128xi32, #tpu.memory_space<vmem>> -> memref<128xi32, #tpu.memory_space<vmem>>
      %dma_start3A_97 = arith.constant 0 : i32
      %dma_start3A_98 = arith.constant 0 : i32
      %dma_start3A_99 = tpu.memref_slice %arg8[%dma_start3A_97, %dma_start3A_98] : memref<100352x16xf32, #tpu.memory_space<vmem_shared>> -> memref<100352x16xf32, #tpu.memory_space<vmem_shared>>
      tpu.enqueue_indirect_dma source(%arg7 : memref<128x16xf32, #tpu.memory_space<vmem>>) target(%dma_start3A_99 : memref<100352x16xf32, #tpu.memory_space<vmem_shared>>) offsets(%dma_start3A_96 : memref<128xi32, #tpu.memory_space<vmem>>) semaphore(%arg9 : memref<!tpu.dma_semaphore, #tpu.memory_space<semaphore_mem>>) {add = true}
      %dma_start3A_100 = arith.constant 12 : i32
      %dma_start3A_101 = arith.constant 0 : i32
      %dma_start3A_102 = tpu.memref_slice %arg6[%dma_start3A_100, %dma_start3A_101] : memref<16x128xi32, #tpu.memory_space<vmem>> -> memref<1x128xi32, #tpu.memory_space<vmem>>
      %dma_start3A_103 = tpu.memref_squeeze %dma_start3A_102 : memref<1x128xi32, #tpu.memory_space<vmem>> -> memref<128xi32, #tpu.memory_space<vmem>>
      %dma_start3A_104 = arith.constant 0 : i32
      %dma_start3A_105 = arith.constant 0 : i32
      %dma_start3A_106 = tpu.memref_slice %arg8[%dma_start3A_104, %dma_start3A_105] : memref<100352x16xf32, #tpu.memory_space<vmem_shared>> -> memref<100352x16xf32, #tpu.memory_space<vmem_shared>>
      tpu.enqueue_indirect_dma source(%arg7 : memref<128x16xf32, #tpu.memory_space<vmem>>) target(%dma_start3A_106 : memref<100352x16xf32, #tpu.memory_space<vmem_shared>>) offsets(%dma_start3A_103 : memref<128xi32, #tpu.memory_space<vmem>>) semaphore(%arg9 : memref<!tpu.dma_semaphore, #tpu.memory_space<semaphore_mem>>) {add = true}
      %dma_start3A_107 = arith.constant 13 : i32
      %dma_start3A_108 = arith.constant 0 : i32
      %dma_start3A_109 = tpu.memref_slice %arg6[%dma_start3A_107, %dma_start3A_108] : memref<16x128xi32, #tpu.memory_space<vmem>> -> memref<1x128xi32, #tpu.memory_space<vmem>>
      %dma_start3A_110 = tpu.memref_squeeze %dma_start3A_109 : memref<1x128xi32, #tpu.memory_space<vmem>> -> memref<128xi32, #tpu.memory_space<vmem>>
      %dma_start3A_111 = arith.constant 0 : i32
      %dma_start3A_112 = arith.constant 0 : i32
      %dma_start3A_113 = tpu.memref_slice %arg8[%dma_start3A_111, %dma_start3A_112] : memref<100352x16xf32, #tpu.memory_space<vmem_shared>> -> memref<100352x16xf32, #tpu.memory_space<vmem_shared>>
      tpu.enqueue_indirect_dma source(%arg7 : memref<128x16xf32, #tpu.memory_space<vmem>>) target(%dma_start3A_113 : memref<100352x16xf32, #tpu.memory_space<vmem_shared>>) offsets(%dma_start3A_110 : memref<128xi32, #tpu.memory_space<vmem>>) semaphore(%arg9 : memref<!tpu.dma_semaphore, #tpu.memory_space<semaphore_mem>>) {add = true}
      %dma_start3A_114 = arith.constant 14 : i32
      %dma_start3A_115 = arith.constant 0 : i32
      %dma_start3A_116 = tpu.memref_slice %arg6[%dma_start3A_114, %dma_start3A_115] : memref<16x128xi32, #tpu.memory_space<vmem>> -> memref<1x128xi32, #tpu.memory_space<vmem>>
      %dma_start3A_117 = tpu.memref_squeeze %dma_start3A_116 : memref<1x128xi32, #tpu.memory_space<vmem>> -> memref<128xi32, #tpu.memory_space<vmem>>
      %dma_start3A_118 = arith.constant 0 : i32
      %dma_start3A_119 = arith.constant 0 : i32
      %dma_start3A_120 = tpu.memref_slice %arg8[%dma_start3A_118, %dma_start3A_119] : memref<100352x16xf32, #tpu.memory_space<vmem_shared>> -> memref<100352x16xf32, #tpu.memory_space<vmem_shared>>
      tpu.enqueue_indirect_dma source(%arg7 : memref<128x16xf32, #tpu.memory_space<vmem>>) target(%dma_start3A_120 : memref<100352x16xf32, #tpu.memory_space<vmem_shared>>) offsets(%dma_start3A_117 : memref<128xi32, #tpu.memory_space<vmem>>) semaphore(%arg9 : memref<!tpu.dma_semaphore, #tpu.memory_space<semaphore_mem>>) {add = true}
      %dma_start3A_121 = arith.constant 15 : i32
      %dma_start3A_122 = arith.constant 0 : i32
      %dma_start3A_123 = tpu.memref_slice %arg6[%dma_start3A_121, %dma_start3A_122] : memref<16x128xi32, #tpu.memory_space<vmem>> -> memref<1x128xi32, #tpu.memory_space<vmem>>
      %dma_start3A_124 = tpu.memref_squeeze %dma_start3A_123 : memref<1x128xi32, #tpu.memory_space<vmem>> -> memref<128xi32, #tpu.memory_space<vmem>>
      %dma_start3A_125 = arith.constant 0 : i32
      %dma_start3A_126 = arith.constant 0 : i32
      %dma_start3A_127 = tpu.memref_slice %arg8[%dma_start3A_125, %dma_start3A_126] : memref<100352x16xf32, #tpu.memory_space<vmem_shared>> -> memref<100352x16xf32, #tpu.memory_space<vmem_shared>>
      tpu.enqueue_indirect_dma source(%arg7 : memref<128x16xf32, #tpu.memory_space<vmem>>) target(%dma_start3A_127 : memref<100352x16xf32, #tpu.memory_space<vmem_shared>>) offsets(%dma_start3A_124 : memref<128xi32, #tpu.memory_space<vmem>>) semaphore(%arg9 : memref<!tpu.dma_semaphore, #tpu.memory_space<semaphore_mem>>) {add = true}
      %dma_wait3A = arith.constant 0 : i32
      %dma_wait3A_128 = arith.constant 0 : i32
      %dma_wait3A_129 = tpu.memref_slice %arg6[%dma_wait3A, %dma_wait3A_128] : memref<16x128xi32, #tpu.memory_space<vmem>> -> memref<1x128xi32, #tpu.memory_space<vmem>>
      %dma_wait3A_130 = tpu.memref_squeeze %dma_wait3A_129 : memref<1x128xi32, #tpu.memory_space<vmem>> -> memref<128xi32, #tpu.memory_space<vmem>>
      %dma_wait3A_131 = arith.constant 0 : i32
      %dma_wait3A_132 = arith.constant 0 : i32
      %dma_wait3A_133 = tpu.memref_slice %arg8[%dma_wait3A_131, %dma_wait3A_132] : memref<100352x16xf32, #tpu.memory_space<vmem_shared>> -> memref<100352x16xf32, #tpu.memory_space<vmem_shared>>
      tpu.wait_indirect_dma semaphore(%arg9 : memref<!tpu.dma_semaphore, #tpu.memory_space<semaphore_mem>>) src(%arg7 : memref<128x16xf32, #tpu.memory_space<vmem>>) dst(%dma_wait3A_133 : memref<100352x16xf32, #tpu.memory_space<vmem_shared>>)
      %dma_wait3A_134 = arith.constant 1 : i32
      %dma_wait3A_135 = arith.constant 0 : i32
      %dma_wait3A_136 = tpu.memref_slice %arg6[%dma_wait3A_134, %dma_wait3A_135] : memref<16x128xi32, #tpu.memory_space<vmem>> -> memref<1x128xi32, #tpu.memory_space<vmem>>
      %dma_wait3A_137 = tpu.memref_squeeze %dma_wait3A_136 : memref<1x128xi32, #tpu.memory_space<vmem>> -> memref<128xi32, #tpu.memory_space<vmem>>
      %dma_wait3A_138 = arith.constant 0 : i32
      %dma_wait3A_139 = arith.constant 0 : i32
      %dma_wait3A_140 = tpu.memref_slice %arg8[%dma_wait3A_138, %dma_wait3A_139] : memref<100352x16xf32, #tpu.memory_space<vmem_shared>> -> memref<100352x16xf32, #tpu.memory_space<vmem_shared>>
      tpu.wait_indirect_dma semaphore(%arg9 : memref<!tpu.dma_semaphore, #tpu.memory_space<semaphore_mem>>) src(%arg7 : memref<128x16xf32, #tpu.memory_space<vmem>>) dst(%dma_wait3A_140 : memref<100352x16xf32, #tpu.memory_space<vmem_shared>>)
      %dma_wait3A_141 = arith.constant 2 : i32
      %dma_wait3A_142 = arith.constant 0 : i32
      %dma_wait3A_143 = tpu.memref_slice %arg6[%dma_wait3A_141, %dma_wait3A_142] : memref<16x128xi32, #tpu.memory_space<vmem>> -> memref<1x128xi32, #tpu.memory_space<vmem>>
      %dma_wait3A_144 = tpu.memref_squeeze %dma_wait3A_143 : memref<1x128xi32, #tpu.memory_space<vmem>> -> memref<128xi32, #tpu.memory_space<vmem>>
      %dma_wait3A_145 = arith.constant 0 : i32
      %dma_wait3A_146 = arith.constant 0 : i32
      %dma_wait3A_147 = tpu.memref_slice %arg8[%dma_wait3A_145, %dma_wait3A_146] : memref<100352x16xf32, #tpu.memory_space<vmem_shared>> -> memref<100352x16xf32, #tpu.memory_space<vmem_shared>>
      tpu.wait_indirect_dma semaphore(%arg9 : memref<!tpu.dma_semaphore, #tpu.memory_space<semaphore_mem>>) src(%arg7 : memref<128x16xf32, #tpu.memory_space<vmem>>) dst(%dma_wait3A_147 : memref<100352x16xf32, #tpu.memory_space<vmem_shared>>)
      %dma_wait3A_148 = arith.constant 3 : i32
      %dma_wait3A_149 = arith.constant 0 : i32
      %dma_wait3A_150 = tpu.memref_slice %arg6[%dma_wait3A_148, %dma_wait3A_149] : memref<16x128xi32, #tpu.memory_space<vmem>> -> memref<1x128xi32, #tpu.memory_space<vmem>>
      %dma_wait3A_151 = tpu.memref_squeeze %dma_wait3A_150 : memref<1x128xi32, #tpu.memory_space<vmem>> -> memref<128xi32, #tpu.memory_space<vmem>>
      %dma_wait3A_152 = arith.constant 0 : i32
      %dma_wait3A_153 = arith.constant 0 : i32
      %dma_wait3A_154 = tpu.memref_slice %arg8[%dma_wait3A_152, %dma_wait3A_153] : memref<100352x16xf32, #tpu.memory_space<vmem_shared>> -> memref<100352x16xf32, #tpu.memory_space<vmem_shared>>
      tpu.wait_indirect_dma semaphore(%arg9 : memref<!tpu.dma_semaphore, #tpu.memory_space<semaphore_mem>>) src(%arg7 : memref<128x16xf32, #tpu.memory_space<vmem>>) dst(%dma_wait3A_154 : memref<100352x16xf32, #tpu.memory_space<vmem_shared>>)
      %dma_wait3A_155 = arith.constant 4 : i32
      %dma_wait3A_156 = arith.constant 0 : i32
      %dma_wait3A_157 = tpu.memref_slice %arg6[%dma_wait3A_155, %dma_wait3A_156] : memref<16x128xi32, #tpu.memory_space<vmem>> -> memref<1x128xi32, #tpu.memory_space<vmem>>
      %dma_wait3A_158 = tpu.memref_squeeze %dma_wait3A_157 : memref<1x128xi32, #tpu.memory_space<vmem>> -> memref<128xi32, #tpu.memory_space<vmem>>
      %dma_wait3A_159 = arith.constant 0 : i32
      %dma_wait3A_160 = arith.constant 0 : i32
      %dma_wait3A_161 = tpu.memref_slice %arg8[%dma_wait3A_159, %dma_wait3A_160] : memref<100352x16xf32, #tpu.memory_space<vmem_shared>> -> memref<100352x16xf32, #tpu.memory_space<vmem_shared>>
      tpu.wait_indirect_dma semaphore(%arg9 : memref<!tpu.dma_semaphore, #tpu.memory_space<semaphore_mem>>) src(%arg7 : memref<128x16xf32, #tpu.memory_space<vmem>>) dst(%dma_wait3A_161 : memref<100352x16xf32, #tpu.memory_space<vmem_shared>>)
      %dma_wait3A_162 = arith.constant 5 : i32
      %dma_wait3A_163 = arith.constant 0 : i32
      %dma_wait3A_164 = tpu.memref_slice %arg6[%dma_wait3A_162, %dma_wait3A_163] : memref<16x128xi32, #tpu.memory_space<vmem>> -> memref<1x128xi32, #tpu.memory_space<vmem>>
      %dma_wait3A_165 = tpu.memref_squeeze %dma_wait3A_164 : memref<1x128xi32, #tpu.memory_space<vmem>> -> memref<128xi32, #tpu.memory_space<vmem>>
      %dma_wait3A_166 = arith.constant 0 : i32
      %dma_wait3A_167 = arith.constant 0 : i32
      %dma_wait3A_168 = tpu.memref_slice %arg8[%dma_wait3A_166, %dma_wait3A_167] : memref<100352x16xf32, #tpu.memory_space<vmem_shared>> -> memref<100352x16xf32, #tpu.memory_space<vmem_shared>>
      tpu.wait_indirect_dma semaphore(%arg9 : memref<!tpu.dma_semaphore, #tpu.memory_space<semaphore_mem>>) src(%arg7 : memref<128x16xf32, #tpu.memory_space<vmem>>) dst(%dma_wait3A_168 : memref<100352x16xf32, #tpu.memory_space<vmem_shared>>)
      %dma_wait3A_169 = arith.constant 6 : i32
      %dma_wait3A_170 = arith.constant 0 : i32
      %dma_wait3A_171 = tpu.memref_slice %arg6[%dma_wait3A_169, %dma_wait3A_170] : memref<16x128xi32, #tpu.memory_space<vmem>> -> memref<1x128xi32, #tpu.memory_space<vmem>>
      %dma_wait3A_172 = tpu.memref_squeeze %dma_wait3A_171 : memref<1x128xi32, #tpu.memory_space<vmem>> -> memref<128xi32, #tpu.memory_space<vmem>>
      %dma_wait3A_173 = arith.constant 0 : i32
      %dma_wait3A_174 = arith.constant 0 : i32
      %dma_wait3A_175 = tpu.memref_slice %arg8[%dma_wait3A_173, %dma_wait3A_174] : memref<100352x16xf32, #tpu.memory_space<vmem_shared>> -> memref<100352x16xf32, #tpu.memory_space<vmem_shared>>
      tpu.wait_indirect_dma semaphore(%arg9 : memref<!tpu.dma_semaphore, #tpu.memory_space<semaphore_mem>>) src(%arg7 : memref<128x16xf32, #tpu.memory_space<vmem>>) dst(%dma_wait3A_175 : memref<100352x16xf32, #tpu.memory_space<vmem_shared>>)
      %dma_wait3A_176 = arith.constant 7 : i32
      %dma_wait3A_177 = arith.constant 0 : i32
      %dma_wait3A_178 = tpu.memref_slice %arg6[%dma_wait3A_176, %dma_wait3A_177] : memref<16x128xi32, #tpu.memory_space<vmem>> -> memref<1x128xi32, #tpu.memory_space<vmem>>
      %dma_wait3A_179 = tpu.memref_squeeze %dma_wait3A_178 : memref<1x128xi32, #tpu.memory_space<vmem>> -> memref<128xi32, #tpu.memory_space<vmem>>
      %dma_wait3A_180 = arith.constant 0 : i32
      %dma_wait3A_181 = arith.constant 0 : i32
      %dma_wait3A_182 = tpu.memref_slice %arg8[%dma_wait3A_180, %dma_wait3A_181] : memref<100352x16xf32, #tpu.memory_space<vmem_shared>> -> memref<100352x16xf32, #tpu.memory_space<vmem_shared>>
      tpu.wait_indirect_dma semaphore(%arg9 : memref<!tpu.dma_semaphore, #tpu.memory_space<semaphore_mem>>) src(%arg7 : memref<128x16xf32, #tpu.memory_space<vmem>>) dst(%dma_wait3A_182 : memref<100352x16xf32, #tpu.memory_space<vmem_shared>>)
      %dma_wait3A_183 = arith.constant 8 : i32
      %dma_wait3A_184 = arith.constant 0 : i32
      %dma_wait3A_185 = tpu.memref_slice %arg6[%dma_wait3A_183, %dma_wait3A_184] : memref<16x128xi32, #tpu.memory_space<vmem>> -> memref<1x128xi32, #tpu.memory_space<vmem>>
      %dma_wait3A_186 = tpu.memref_squeeze %dma_wait3A_185 : memref<1x128xi32, #tpu.memory_space<vmem>> -> memref<128xi32, #tpu.memory_space<vmem>>
      %dma_wait3A_187 = arith.constant 0 : i32
      %dma_wait3A_188 = arith.constant 0 : i32
      %dma_wait3A_189 = tpu.memref_slice %arg8[%dma_wait3A_187, %dma_wait3A_188] : memref<100352x16xf32, #tpu.memory_space<vmem_shared>> -> memref<100352x16xf32, #tpu.memory_space<vmem_shared>>
      tpu.wait_indirect_dma semaphore(%arg9 : memref<!tpu.dma_semaphore, #tpu.memory_space<semaphore_mem>>) src(%arg7 : memref<128x16xf32, #tpu.memory_space<vmem>>) dst(%dma_wait3A_189 : memref<100352x16xf32, #tpu.memory_space<vmem_shared>>)
      %dma_wait3A_190 = arith.constant 9 : i32
      %dma_wait3A_191 = arith.constant 0 : i32
      %dma_wait3A_192 = tpu.memref_slice %arg6[%dma_wait3A_190, %dma_wait3A_191] : memref<16x128xi32, #tpu.memory_space<vmem>> -> memref<1x128xi32, #tpu.memory_space<vmem>>
      %dma_wait3A_193 = tpu.memref_squeeze %dma_wait3A_192 : memref<1x128xi32, #tpu.memory_space<vmem>> -> memref<128xi32, #tpu.memory_space<vmem>>
      %dma_wait3A_194 = arith.constant 0 : i32
      %dma_wait3A_195 = arith.constant 0 : i32
      %dma_wait3A_196 = tpu.memref_slice %arg8[%dma_wait3A_194, %dma_wait3A_195] : memref<100352x16xf32, #tpu.memory_space<vmem_shared>> -> memref<100352x16xf32, #tpu.memory_space<vmem_shared>>
      tpu.wait_indirect_dma semaphore(%arg9 : memref<!tpu.dma_semaphore, #tpu.memory_space<semaphore_mem>>) src(%arg7 : memref<128x16xf32, #tpu.memory_space<vmem>>) dst(%dma_wait3A_196 : memref<100352x16xf32, #tpu.memory_space<vmem_shared>>)
      %dma_wait3A_197 = arith.constant 10 : i32
      %dma_wait3A_198 = arith.constant 0 : i32
      %dma_wait3A_199 = tpu.memref_slice %arg6[%dma_wait3A_197, %dma_wait3A_198] : memref<16x128xi32, #tpu.memory_space<vmem>> -> memref<1x128xi32, #tpu.memory_space<vmem>>
      %dma_wait3A_200 = tpu.memref_squeeze %dma_wait3A_199 : memref<1x128xi32, #tpu.memory_space<vmem>> -> memref<128xi32, #tpu.memory_space<vmem>>
      %dma_wait3A_201 = arith.constant 0 : i32
      %dma_wait3A_202 = arith.constant 0 : i32
      %dma_wait3A_203 = tpu.memref_slice %arg8[%dma_wait3A_201, %dma_wait3A_202] : memref<100352x16xf32, #tpu.memory_space<vmem_shared>> -> memref<100352x16xf32, #tpu.memory_space<vmem_shared>>
      tpu.wait_indirect_dma semaphore(%arg9 : memref<!tpu.dma_semaphore, #tpu.memory_space<semaphore_mem>>) src(%arg7 : memref<128x16xf32, #tpu.memory_space<vmem>>) dst(%dma_wait3A_203 : memref<100352x16xf32, #tpu.memory_space<vmem_shared>>)
      %dma_wait3A_204 = arith.constant 11 : i32
      %dma_wait3A_205 = arith.constant 0 : i32
      %dma_wait3A_206 = tpu.memref_slice %arg6[%dma_wait3A_204, %dma_wait3A_205] : memref<16x128xi32, #tpu.memory_space<vmem>> -> memref<1x128xi32, #tpu.memory_space<vmem>>
      %dma_wait3A_207 = tpu.memref_squeeze %dma_wait3A_206 : memref<1x128xi32, #tpu.memory_space<vmem>> -> memref<128xi32, #tpu.memory_space<vmem>>
      %dma_wait3A_208 = arith.constant 0 : i32
      %dma_wait3A_209 = arith.constant 0 : i32
      %dma_wait3A_210 = tpu.memref_slice %arg8[%dma_wait3A_208, %dma_wait3A_209] : memref<100352x16xf32, #tpu.memory_space<vmem_shared>> -> memref<100352x16xf32, #tpu.memory_space<vmem_shared>>
      tpu.wait_indirect_dma semaphore(%arg9 : memref<!tpu.dma_semaphore, #tpu.memory_space<semaphore_mem>>) src(%arg7 : memref<128x16xf32, #tpu.memory_space<vmem>>) dst(%dma_wait3A_210 : memref<100352x16xf32, #tpu.memory_space<vmem_shared>>)
      %dma_wait3A_211 = arith.constant 12 : i32
      %dma_wait3A_212 = arith.constant 0 : i32
      %dma_wait3A_213 = tpu.memref_slice %arg6[%dma_wait3A_211, %dma_wait3A_212] : memref<16x128xi32, #tpu.memory_space<vmem>> -> memref<1x128xi32, #tpu.memory_space<vmem>>
      %dma_wait3A_214 = tpu.memref_squeeze %dma_wait3A_213 : memref<1x128xi32, #tpu.memory_space<vmem>> -> memref<128xi32, #tpu.memory_space<vmem>>
      %dma_wait3A_215 = arith.constant 0 : i32
      %dma_wait3A_216 = arith.constant 0 : i32
      %dma_wait3A_217 = tpu.memref_slice %arg8[%dma_wait3A_215, %dma_wait3A_216] : memref<100352x16xf32, #tpu.memory_space<vmem_shared>> -> memref<100352x16xf32, #tpu.memory_space<vmem_shared>>
      tpu.wait_indirect_dma semaphore(%arg9 : memref<!tpu.dma_semaphore, #tpu.memory_space<semaphore_mem>>) src(%arg7 : memref<128x16xf32, #tpu.memory_space<vmem>>) dst(%dma_wait3A_217 : memref<100352x16xf32, #tpu.memory_space<vmem_shared>>)
      %dma_wait3A_218 = arith.constant 13 : i32
      %dma_wait3A_219 = arith.constant 0 : i32
      %dma_wait3A_220 = tpu.memref_slice %arg6[%dma_wait3A_218, %dma_wait3A_219] : memref<16x128xi32, #tpu.memory_space<vmem>> -> memref<1x128xi32, #tpu.memory_space<vmem>>
      %dma_wait3A_221 = tpu.memref_squeeze %dma_wait3A_220 : memref<1x128xi32, #tpu.memory_space<vmem>> -> memref<128xi32, #tpu.memory_space<vmem>>
      %dma_wait3A_222 = arith.constant 0 : i32
      %dma_wait3A_223 = arith.constant 0 : i32
      %dma_wait3A_224 = tpu.memref_slice %arg8[%dma_wait3A_222, %dma_wait3A_223] : memref<100352x16xf32, #tpu.memory_space<vmem_shared>> -> memref<100352x16xf32, #tpu.memory_space<vmem_shared>>
      tpu.wait_indirect_dma semaphore(%arg9 : memref<!tpu.dma_semaphore, #tpu.memory_space<semaphore_mem>>) src(%arg7 : memref<128x16xf32, #tpu.memory_space<vmem>>) dst(%dma_wait3A_224 : memref<100352x16xf32, #tpu.memory_space<vmem_shared>>)
      %dma_wait3A_225 = arith.constant 14 : i32
      %dma_wait3A_226 = arith.constant 0 : i32
      %dma_wait3A_227 = tpu.memref_slice %arg6[%dma_wait3A_225, %dma_wait3A_226] : memref<16x128xi32, #tpu.memory_space<vmem>> -> memref<1x128xi32, #tpu.memory_space<vmem>>
      %dma_wait3A_228 = tpu.memref_squeeze %dma_wait3A_227 : memref<1x128xi32, #tpu.memory_space<vmem>> -> memref<128xi32, #tpu.memory_space<vmem>>
      %dma_wait3A_229 = arith.constant 0 : i32
      %dma_wait3A_230 = arith.constant 0 : i32
      %dma_wait3A_231 = tpu.memref_slice %arg8[%dma_wait3A_229, %dma_wait3A_230] : memref<100352x16xf32, #tpu.memory_space<vmem_shared>> -> memref<100352x16xf32, #tpu.memory_space<vmem_shared>>
      tpu.wait_indirect_dma semaphore(%arg9 : memref<!tpu.dma_semaphore, #tpu.memory_space<semaphore_mem>>) src(%arg7 : memref<128x16xf32, #tpu.memory_space<vmem>>) dst(%dma_wait3A_231 : memref<100352x16xf32, #tpu.memory_space<vmem_shared>>)
      %dma_wait3A_232 = arith.constant 15 : i32
      %dma_wait3A_233 = arith.constant 0 : i32
      %dma_wait3A_234 = tpu.memref_slice %arg6[%dma_wait3A_232, %dma_wait3A_233] : memref<16x128xi32, #tpu.memory_space<vmem>> -> memref<1x128xi32, #tpu.memory_space<vmem>>
      %dma_wait3A_235 = tpu.memref_squeeze %dma_wait3A_234 : memref<1x128xi32, #tpu.memory_space<vmem>> -> memref<128xi32, #tpu.memory_space<vmem>>
      %dma_wait3A_236 = arith.constant 0 : i32
      %dma_wait3A_237 = arith.constant 0 : i32
      %dma_wait3A_238 = tpu.memref_slice %arg8[%dma_wait3A_236, %dma_wait3A_237] : memref<100352x16xf32, #tpu.memory_space<vmem_shared>> -> memref<100352x16xf32, #tpu.memory_space<vmem_shared>>
      tpu.wait_indirect_dma semaphore(%arg9 : memref<!tpu.dma_semaphore, #tpu.memory_space<semaphore_mem>>) src(%arg7 : memref<128x16xf32, #tpu.memory_space<vmem>>) dst(%dma_wait3A_238 : memref<100352x16xf32, #tpu.memory_space<vmem_shared>>)
      %scan3A_239 = arith.constant 0 : i32
      scf.yield %scan3A_239 : i32
    }
    %scan3A_8 = arith.constant 25 : i32
    %barrier3A_9 = arith.constant 0 : index
    tpu.barrier barrier_id(%barrier3A_9)
    "tpu.region"() ({
      %run_scoped3A = tpu.sem_alloc : memref<!tpu.dma_semaphore, #tpu.memory_space<semaphore_mem>>
      %dma_start3A = arith.constant 0 : i32
      %dma_start3A_10 = tpu.memref_slice %arg5[%mul3A_2, %arg0, %dma_start3A] : memref<100352x2x16xf32, #tpu.memory_space<hbm>> -> memref<6272x1x16xf32, #tpu.memory_space<hbm>>
      %dma_start3A_11 = tpu.memref_squeeze %dma_start3A_10 : memref<6272x1x16xf32, #tpu.memory_space<hbm>> -> memref<6272x16xf32, #tpu.memory_space<hbm>>
      %dma_start3A_12 = arith.constant 0 : i32
      %dma_start3A_13 = tpu.memref_slice %arg8[%mul3A_2, %dma_start3A_12] : memref<100352x16xf32, #tpu.memory_space<vmem_shared>> -> memref<6272x16xf32, #tpu.memory_space<vmem_shared>>
      tpu.enqueue_dma source(%dma_start3A_13 : memref<6272x16xf32, #tpu.memory_space<vmem_shared>>) target(%dma_start3A_11 : memref<6272x16xf32, #tpu.memory_space<hbm>>) target_semaphore(%run_scoped3A : memref<!tpu.dma_semaphore, #tpu.memory_space<semaphore_mem>>)
      %dma_wait3A = arith.constant 0 : i32
      %dma_wait3A_14 = tpu.memref_slice %arg5[%mul3A_2, %arg0, %dma_wait3A] : memref<100352x2x16xf32, #tpu.memory_space<hbm>> -> memref<6272x1x16xf32, #tpu.memory_space<hbm>>
      %dma_wait3A_15 = tpu.memref_squeeze %dma_wait3A_14 : memref<6272x1x16xf32, #tpu.memory_space<hbm>> -> memref<6272x16xf32, #tpu.memory_space<hbm>>
      %dma_wait3A_16 = arith.constant 0 : i32
      %dma_wait3A_17 = tpu.memref_slice %arg8[%mul3A_2, %dma_wait3A_16] : memref<100352x16xf32, #tpu.memory_space<vmem_shared>> -> memref<6272x16xf32, #tpu.memory_space<vmem_shared>>
      tpu.wait_dma2 semaphore(%run_scoped3A : memref<!tpu.dma_semaphore, #tpu.memory_space<semaphore_mem>>) src(%dma_wait3A_17 : memref<6272x16xf32, #tpu.memory_space<vmem_shared>>) dst(%dma_wait3A_15 : memref<6272x16xf32, #tpu.memory_space<hbm>>)
      tpu.yield
    }) : () -> ()
    return
  }
}

#map = affine_map<(d0, d1) -> (0, 0)>
#map1 = affine_map<(d0, d1) -> (0, 0, 0)>
module attributes {stable_mosaic.version = 14 : i64} {
  func.func @_edge_body(%arg0: i32, %arg1: i32, %arg2: memref<200704x16xf32, #tpu.memory_space<hbm>>, %arg3: memref<100352x16xf32, #tpu.memory_space<hbm>>, %arg4: memref<2x12800x128xi32, #tpu.memory_space<hbm>>, %arg5: memref<12800x128xi32, #tpu.memory_space<hbm>>, %arg6: memref<100352x2x16xf32, #tpu.memory_space<hbm>>, %arg7: memref<32x128xi32, #tpu.memory_space<vmem>>, %arg8: memref<32x128xi32, #tpu.memory_space<vmem>>, %arg9: memref<8x128x16xf32, #tpu.memory_space<vmem>>, %arg10: memref<100352x16xf32, #tpu.memory_space<vmem_shared>>, %arg11: memref<!tpu.dma_semaphore, #tpu.memory_space<semaphore_mem>>, %arg12: memref<!tpu.dma_semaphore, #tpu.memory_space<semaphore_mem>>, %arg13: memref<!tpu.dma_semaphore, #tpu.memory_space<semaphore_mem>>, %arg14: memref<!tpu.dma_semaphore, #tpu.memory_space<semaphore_mem>>, %arg15: memref<!tpu.dma_semaphore, #tpu.memory_space<semaphore_mem>>, %arg16: memref<!tpu.dma_semaphore, #tpu.memory_space<semaphore_mem>>, %arg17: memref<!tpu.dma_semaphore, #tpu.memory_space<semaphore_mem>>, %arg18: memref<!tpu.dma_semaphore, #tpu.memory_space<semaphore_mem>>, %arg19: memref<!tpu.dma_semaphore, #tpu.memory_space<semaphore_mem>>, %arg20: memref<!tpu.dma_semaphore, #tpu.memory_space<semaphore_mem>>, %arg21: memref<!tpu.dma_semaphore, #tpu.memory_space<semaphore_mem>>, %arg22: memref<!tpu.dma_semaphore, #tpu.memory_space<semaphore_mem>>, %arg23: memref<!tpu.dma_semaphore, #tpu.memory_space<semaphore_mem>>, %arg24: memref<!tpu.dma_semaphore, #tpu.memory_space<semaphore_mem>>, %arg25: memref<!tpu.dma_semaphore, #tpu.memory_space<semaphore_mem>>, %arg26: memref<!tpu.dma_semaphore, #tpu.memory_space<semaphore_mem>>) attributes {dimension_semantics = [#tpu.dimension_semantics<core_parallel>, #tpu.dimension_semantics<subcore_parallel>], iteration_bounds = array<i64: 2, 16>, scalar_prefetch = 0 : i64, scratch_operands = 20 : i64, tpu.core_type = #tpu.core_type<sc_vector_subcore>, window_params = [{transform_indices = #map}, {transform_indices = #map}, {transform_indices = #map1}, {transform_indices = #map}, {transform_indices = #map1}]} {
    %mul3A = arith.constant 6272 : i32
    %mul3A_0 = arith.muli %arg1, %mul3A : i32
    "tpu.region"() ({
      %run_scoped3A = tpu.sem_alloc : memref<!tpu.dma_semaphore, #tpu.memory_space<semaphore_mem>>
      %dma_start3A = arith.constant 0 : i32
      %dma_start3A_105 = tpu.memref_slice %arg10[%mul3A_0, %dma_start3A] : memref<100352x16xf32, #tpu.memory_space<vmem_shared>> -> memref<6272x16xf32, #tpu.memory_space<vmem_shared>>
      %dma_start3A_106 = arith.constant 0 : i32
      %dma_start3A_107 = tpu.memref_slice %arg3[%mul3A_0, %dma_start3A_106] : memref<100352x16xf32, #tpu.memory_space<hbm>> -> memref<6272x16xf32, #tpu.memory_space<hbm>>
      tpu.enqueue_dma source(%dma_start3A_107 : memref<6272x16xf32, #tpu.memory_space<hbm>>) target(%dma_start3A_105 : memref<6272x16xf32, #tpu.memory_space<vmem_shared>>) target_semaphore(%run_scoped3A : memref<!tpu.dma_semaphore, #tpu.memory_space<semaphore_mem>>)
      %dma_wait3A_108 = arith.constant 0 : i32
      %dma_wait3A_109 = tpu.memref_slice %arg10[%mul3A_0, %dma_wait3A_108] : memref<100352x16xf32, #tpu.memory_space<vmem_shared>> -> memref<6272x16xf32, #tpu.memory_space<vmem_shared>>
      %dma_wait3A_110 = arith.constant 0 : i32
      %dma_wait3A_111 = tpu.memref_slice %arg3[%mul3A_0, %dma_wait3A_110] : memref<100352x16xf32, #tpu.memory_space<hbm>> -> memref<6272x16xf32, #tpu.memory_space<hbm>>
      tpu.wait_dma2 semaphore(%run_scoped3A : memref<!tpu.dma_semaphore, #tpu.memory_space<semaphore_mem>>) src(%dma_wait3A_111 : memref<6272x16xf32, #tpu.memory_space<hbm>>) dst(%dma_wait3A_109 : memref<6272x16xf32, #tpu.memory_space<vmem_shared>>)
      tpu.yield
    }) : () -> ()
    %barrier3A = arith.constant 0 : index
    tpu.barrier barrier_id(%barrier3A)
    %mul3A_1 = arith.constant 800 : i32
    %mul3A_2 = arith.muli %arg1, %mul3A_1 : i32
    %scan3A = arith.constant 0 : i32
    %scan3A_3 = arith.constant 0 : i32
    %scan3A_4 = arith.constant 25 : i32
    %scan3A_5 = arith.addi %scan3A_3, %scan3A_4 : i32
    %scan3A_6 = arith.constant 1 : i32
    %scan3A_7 = scf.for %scan3A_105 = %scan3A_3 to %scan3A_5 step %scan3A_6 iter_args(%scan3A_106 = %scan3A) -> (i32)  : i32 {
      %mul3A_107 = arith.constant 32 : i32
      %mul3A_108 = arith.muli %scan3A_105, %mul3A_107 : i32
      %add3A = arith.addi %mul3A_2, %mul3A_108 : i32
      "tpu.region"() ({
        %run_scoped3A = tpu.sem_alloc : memref<!tpu.dma_semaphore, #tpu.memory_space<semaphore_mem>>
        %dma_start3A = arith.constant 0 : i32
        %dma_start3A_120 = arith.constant 0 : i32
        %dma_start3A_121 = tpu.memref_slice %arg4[%arg0, %dma_start3A, %dma_start3A_120] : memref<2x12800x128xi32, #tpu.memory_space<hbm>> -> memref<1x12800x128xi32, #tpu.memory_space<hbm>>
        %dma_start3A_122 = tpu.memref_squeeze %dma_start3A_121 : memref<1x12800x128xi32, #tpu.memory_space<hbm>> -> memref<12800x128xi32, #tpu.memory_space<hbm>>
        %dma_start3A_123 = arith.constant 0 : i32
        %dma_start3A_124 = tpu.memref_slice %dma_start3A_122[%add3A, %dma_start3A_123] : memref<12800x128xi32, #tpu.memory_space<hbm>> -> memref<32x128xi32, #tpu.memory_space<hbm>>
        %dma_start3A_125 = arith.constant 0 : i32
        %dma_start3A_126 = arith.constant 0 : i32
        %dma_start3A_127 = tpu.memref_slice %arg4[%arg0, %dma_start3A_125, %dma_start3A_126] : memref<2x12800x128xi32, #tpu.memory_space<hbm>> -> memref<1x12800x128xi32, #tpu.memory_space<hbm>>
        %dma_start3A_128 = tpu.memref_squeeze %dma_start3A_127 : memref<1x12800x128xi32, #tpu.memory_space<hbm>> -> memref<12800x128xi32, #tpu.memory_space<hbm>>
        %dma_start3A_129 = arith.constant 0 : i32
        %dma_start3A_130 = tpu.memref_slice %dma_start3A_128[%add3A, %dma_start3A_129] : memref<12800x128xi32, #tpu.memory_space<hbm>> -> memref<32x128xi32, #tpu.memory_space<hbm>>
        tpu.enqueue_dma source(%dma_start3A_130 : memref<32x128xi32, #tpu.memory_space<hbm>>) target(%arg7 : memref<32x128xi32, #tpu.memory_space<vmem>>) target_semaphore(%run_scoped3A : memref<!tpu.dma_semaphore, #tpu.memory_space<semaphore_mem>>)
        %dma_wait3A_131 = arith.constant 0 : i32
        %dma_wait3A_132 = arith.constant 0 : i32
        %dma_wait3A_133 = tpu.memref_slice %arg4[%arg0, %dma_wait3A_131, %dma_wait3A_132] : memref<2x12800x128xi32, #tpu.memory_space<hbm>> -> memref<1x12800x128xi32, #tpu.memory_space<hbm>>
        %dma_wait3A_134 = tpu.memref_squeeze %dma_wait3A_133 : memref<1x12800x128xi32, #tpu.memory_space<hbm>> -> memref<12800x128xi32, #tpu.memory_space<hbm>>
        %dma_wait3A_135 = arith.constant 0 : i32
        %dma_wait3A_136 = tpu.memref_slice %dma_wait3A_134[%add3A, %dma_wait3A_135] : memref<12800x128xi32, #tpu.memory_space<hbm>> -> memref<32x128xi32, #tpu.memory_space<hbm>>
        %dma_wait3A_137 = arith.constant 0 : i32
        %dma_wait3A_138 = arith.constant 0 : i32
        %dma_wait3A_139 = tpu.memref_slice %arg4[%arg0, %dma_wait3A_137, %dma_wait3A_138] : memref<2x12800x128xi32, #tpu.memory_space<hbm>> -> memref<1x12800x128xi32, #tpu.memory_space<hbm>>
        %dma_wait3A_140 = tpu.memref_squeeze %dma_wait3A_139 : memref<1x12800x128xi32, #tpu.memory_space<hbm>> -> memref<12800x128xi32, #tpu.memory_space<hbm>>
        %dma_wait3A_141 = arith.constant 0 : i32
        %dma_wait3A_142 = tpu.memref_slice %dma_wait3A_140[%add3A, %dma_wait3A_141] : memref<12800x128xi32, #tpu.memory_space<hbm>> -> memref<32x128xi32, #tpu.memory_space<hbm>>
        tpu.wait_dma2 semaphore(%run_scoped3A : memref<!tpu.dma_semaphore, #tpu.memory_space<semaphore_mem>>) src(%dma_wait3A_142 : memref<32x128xi32, #tpu.memory_space<hbm>>) dst(%arg7 : memref<32x128xi32, #tpu.memory_space<vmem>>)
        tpu.yield
      }) : () -> ()
      %mul3A_109 = arith.constant 32 : i32
      %mul3A_110 = arith.muli %scan3A_105, %mul3A_109 : i32
      %add3A_111 = arith.addi %mul3A_2, %mul3A_110 : i32
      "tpu.region"() ({
        %run_scoped3A = tpu.sem_alloc : memref<!tpu.dma_semaphore, #tpu.memory_space<semaphore_mem>>
        %dma_start3A = arith.constant 0 : i32
        %dma_start3A_120 = tpu.memref_slice %arg5[%add3A_111, %dma_start3A] : memref<12800x128xi32, #tpu.memory_space<hbm>> -> memref<32x128xi32, #tpu.memory_space<hbm>>
        %dma_start3A_121 = arith.constant 0 : i32
        %dma_start3A_122 = tpu.memref_slice %arg5[%add3A_111, %dma_start3A_121] : memref<12800x128xi32, #tpu.memory_space<hbm>> -> memref<32x128xi32, #tpu.memory_space<hbm>>
        tpu.enqueue_dma source(%dma_start3A_122 : memref<32x128xi32, #tpu.memory_space<hbm>>) target(%arg8 : memref<32x128xi32, #tpu.memory_space<vmem>>) target_semaphore(%run_scoped3A : memref<!tpu.dma_semaphore, #tpu.memory_space<semaphore_mem>>)
        %dma_wait3A_123 = arith.constant 0 : i32
        %dma_wait3A_124 = tpu.memref_slice %arg5[%add3A_111, %dma_wait3A_123] : memref<12800x128xi32, #tpu.memory_space<hbm>> -> memref<32x128xi32, #tpu.memory_space<hbm>>
        %dma_wait3A_125 = arith.constant 0 : i32
        %dma_wait3A_126 = tpu.memref_slice %arg5[%add3A_111, %dma_wait3A_125] : memref<12800x128xi32, #tpu.memory_space<hbm>> -> memref<32x128xi32, #tpu.memory_space<hbm>>
        tpu.wait_dma2 semaphore(%run_scoped3A : memref<!tpu.dma_semaphore, #tpu.memory_space<semaphore_mem>>) src(%dma_wait3A_126 : memref<32x128xi32, #tpu.memory_space<hbm>>) dst(%arg8 : memref<32x128xi32, #tpu.memory_space<vmem>>)
        tpu.yield
      }) : () -> ()
      %scan3A_112 = arith.constant 0 : i32
      %scan3A_113 = arith.constant 0 : i32
      %scan3A_114 = arith.constant 4 : i32
      %scan3A_115 = arith.addi %scan3A_113, %scan3A_114 : i32
      %scan3A_116 = arith.constant 1 : i32
      %scan3A_117 = scf.for %scan3A_120 = %scan3A_113 to %scan3A_115 step %scan3A_116 iter_args(%scan3A_121 = %scan3A_112) -> (i32)  : i32 {
        %mul3A_122 = arith.constant 4 : i32
        %mul3A_123 = arith.muli %scan3A_105, %mul3A_122 : i32
        %add3A_124 = arith.addi %mul3A_123, %scan3A_120 : i32
        %gt3A = arith.constant 0 : i32
        %gt3A_125 = arith.cmpi sgt, %add3A_124, %gt3A : i32
        %convert_element_type3A = arith.extui %gt3A_125 : i1 to i32
        %cond3A = arith.constant 0 : i32
        %cond3A_126 = arith.cmpi ne, %convert_element_type3A, %cond3A : i32
        scf.if %cond3A_126 {
          %mul3A_455 = arith.constant 8 : i32
          %mul3A_456 = arith.muli %scan3A_120, %mul3A_455 : i32
          %add3A_457 = arith.constant 0 : i32
          %add3A_458 = arith.addi %mul3A_456, %add3A_457 : i32
          %dma_wait3A_459 = arith.constant 0 : i32
          %dma_wait3A_460 = arith.constant 0 : i32
          %dma_wait3A_461 = arith.constant 0 : i32
          %dma_wait3A_462 = tpu.memref_slice %arg9[%dma_wait3A_459, %dma_wait3A_460, %dma_wait3A_461] : memref<8x128x16xf32, #tpu.memory_space<vmem>> -> memref<1x128x16xf32, #tpu.memory_space<vmem>>
          %dma_wait3A_463 = tpu.memref_squeeze %dma_wait3A_462 : memref<1x128x16xf32, #tpu.memory_space<vmem>> -> memref<128x16xf32, #tpu.memory_space<vmem>>
          %dma_wait3A_464 = arith.constant 0 : i32
          %dma_wait3A_465 = tpu.memref_slice %arg8[%add3A_458, %dma_wait3A_464] : memref<32x128xi32, #tpu.memory_space<vmem>> -> memref<1x128xi32, #tpu.memory_space<vmem>>
          %dma_wait3A_466 = tpu.memref_squeeze %dma_wait3A_465 : memref<1x128xi32, #tpu.memory_space<vmem>> -> memref<128xi32, #tpu.memory_space<vmem>>
          %dma_wait3A_467 = arith.constant 0 : i32
          %dma_wait3A_468 = arith.constant 0 : i32
          %dma_wait3A_469 = tpu.memref_slice %arg10[%dma_wait3A_467, %dma_wait3A_468] : memref<100352x16xf32, #tpu.memory_space<vmem_shared>> -> memref<100352x16xf32, #tpu.memory_space<vmem_shared>>
          tpu.wait_indirect_dma semaphore(%arg19 : memref<!tpu.dma_semaphore, #tpu.memory_space<semaphore_mem>>) src(%dma_wait3A_463 : memref<128x16xf32, #tpu.memory_space<vmem>>) dst(%dma_wait3A_469 : memref<100352x16xf32, #tpu.memory_space<vmem_shared>>)
          %mul3A_470 = arith.constant 8 : i32
          %mul3A_471 = arith.muli %scan3A_120, %mul3A_470 : i32
          %add3A_472 = arith.constant 1 : i32
          %add3A_473 = arith.addi %mul3A_471, %add3A_472 : i32
          %dma_wait3A_474 = arith.constant 1 : i32
          %dma_wait3A_475 = arith.constant 0 : i32
          %dma_wait3A_476 = arith.constant 0 : i32
          %dma_wait3A_477 = tpu.memref_slice %arg9[%dma_wait3A_474, %dma_wait3A_475, %dma_wait3A_476] : memref<8x128x16xf32, #tpu.memory_space<vmem>> -> memref<1x128x16xf32, #tpu.memory_space<vmem>>
          %dma_wait3A_478 = tpu.memref_squeeze %dma_wait3A_477 : memref<1x128x16xf32, #tpu.memory_space<vmem>> -> memref<128x16xf32, #tpu.memory_space<vmem>>
          %dma_wait3A_479 = arith.constant 0 : i32
          %dma_wait3A_480 = tpu.memref_slice %arg8[%add3A_473, %dma_wait3A_479] : memref<32x128xi32, #tpu.memory_space<vmem>> -> memref<1x128xi32, #tpu.memory_space<vmem>>
          %dma_wait3A_481 = tpu.memref_squeeze %dma_wait3A_480 : memref<1x128xi32, #tpu.memory_space<vmem>> -> memref<128xi32, #tpu.memory_space<vmem>>
          %dma_wait3A_482 = arith.constant 0 : i32
          %dma_wait3A_483 = arith.constant 0 : i32
          %dma_wait3A_484 = tpu.memref_slice %arg10[%dma_wait3A_482, %dma_wait3A_483] : memref<100352x16xf32, #tpu.memory_space<vmem_shared>> -> memref<100352x16xf32, #tpu.memory_space<vmem_shared>>
          tpu.wait_indirect_dma semaphore(%arg20 : memref<!tpu.dma_semaphore, #tpu.memory_space<semaphore_mem>>) src(%dma_wait3A_478 : memref<128x16xf32, #tpu.memory_space<vmem>>) dst(%dma_wait3A_484 : memref<100352x16xf32, #tpu.memory_space<vmem_shared>>)
          %mul3A_485 = arith.constant 8 : i32
          %mul3A_486 = arith.muli %scan3A_120, %mul3A_485 : i32
          %add3A_487 = arith.constant 2 : i32
          %add3A_488 = arith.addi %mul3A_486, %add3A_487 : i32
          %dma_wait3A_489 = arith.constant 2 : i32
          %dma_wait3A_490 = arith.constant 0 : i32
          %dma_wait3A_491 = arith.constant 0 : i32
          %dma_wait3A_492 = tpu.memref_slice %arg9[%dma_wait3A_489, %dma_wait3A_490, %dma_wait3A_491] : memref<8x128x16xf32, #tpu.memory_space<vmem>> -> memref<1x128x16xf32, #tpu.memory_space<vmem>>
          %dma_wait3A_493 = tpu.memref_squeeze %dma_wait3A_492 : memref<1x128x16xf32, #tpu.memory_space<vmem>> -> memref<128x16xf32, #tpu.memory_space<vmem>>
          %dma_wait3A_494 = arith.constant 0 : i32
          %dma_wait3A_495 = tpu.memref_slice %arg8[%add3A_488, %dma_wait3A_494] : memref<32x128xi32, #tpu.memory_space<vmem>> -> memref<1x128xi32, #tpu.memory_space<vmem>>
          %dma_wait3A_496 = tpu.memref_squeeze %dma_wait3A_495 : memref<1x128xi32, #tpu.memory_space<vmem>> -> memref<128xi32, #tpu.memory_space<vmem>>
          %dma_wait3A_497 = arith.constant 0 : i32
          %dma_wait3A_498 = arith.constant 0 : i32
          %dma_wait3A_499 = tpu.memref_slice %arg10[%dma_wait3A_497, %dma_wait3A_498] : memref<100352x16xf32, #tpu.memory_space<vmem_shared>> -> memref<100352x16xf32, #tpu.memory_space<vmem_shared>>
          tpu.wait_indirect_dma semaphore(%arg21 : memref<!tpu.dma_semaphore, #tpu.memory_space<semaphore_mem>>) src(%dma_wait3A_493 : memref<128x16xf32, #tpu.memory_space<vmem>>) dst(%dma_wait3A_499 : memref<100352x16xf32, #tpu.memory_space<vmem_shared>>)
          %mul3A_500 = arith.constant 8 : i32
          %mul3A_501 = arith.muli %scan3A_120, %mul3A_500 : i32
          %add3A_502 = arith.constant 3 : i32
          %add3A_503 = arith.addi %mul3A_501, %add3A_502 : i32
          %dma_wait3A_504 = arith.constant 3 : i32
          %dma_wait3A_505 = arith.constant 0 : i32
          %dma_wait3A_506 = arith.constant 0 : i32
          %dma_wait3A_507 = tpu.memref_slice %arg9[%dma_wait3A_504, %dma_wait3A_505, %dma_wait3A_506] : memref<8x128x16xf32, #tpu.memory_space<vmem>> -> memref<1x128x16xf32, #tpu.memory_space<vmem>>
          %dma_wait3A_508 = tpu.memref_squeeze %dma_wait3A_507 : memref<1x128x16xf32, #tpu.memory_space<vmem>> -> memref<128x16xf32, #tpu.memory_space<vmem>>
          %dma_wait3A_509 = arith.constant 0 : i32
          %dma_wait3A_510 = tpu.memref_slice %arg8[%add3A_503, %dma_wait3A_509] : memref<32x128xi32, #tpu.memory_space<vmem>> -> memref<1x128xi32, #tpu.memory_space<vmem>>
          %dma_wait3A_511 = tpu.memref_squeeze %dma_wait3A_510 : memref<1x128xi32, #tpu.memory_space<vmem>> -> memref<128xi32, #tpu.memory_space<vmem>>
          %dma_wait3A_512 = arith.constant 0 : i32
          %dma_wait3A_513 = arith.constant 0 : i32
          %dma_wait3A_514 = tpu.memref_slice %arg10[%dma_wait3A_512, %dma_wait3A_513] : memref<100352x16xf32, #tpu.memory_space<vmem_shared>> -> memref<100352x16xf32, #tpu.memory_space<vmem_shared>>
          tpu.wait_indirect_dma semaphore(%arg22 : memref<!tpu.dma_semaphore, #tpu.memory_space<semaphore_mem>>) src(%dma_wait3A_508 : memref<128x16xf32, #tpu.memory_space<vmem>>) dst(%dma_wait3A_514 : memref<100352x16xf32, #tpu.memory_space<vmem_shared>>)
          %mul3A_515 = arith.constant 8 : i32
          %mul3A_516 = arith.muli %scan3A_120, %mul3A_515 : i32
          %add3A_517 = arith.constant 4 : i32
          %add3A_518 = arith.addi %mul3A_516, %add3A_517 : i32
          %dma_wait3A_519 = arith.constant 4 : i32
          %dma_wait3A_520 = arith.constant 0 : i32
          %dma_wait3A_521 = arith.constant 0 : i32
          %dma_wait3A_522 = tpu.memref_slice %arg9[%dma_wait3A_519, %dma_wait3A_520, %dma_wait3A_521] : memref<8x128x16xf32, #tpu.memory_space<vmem>> -> memref<1x128x16xf32, #tpu.memory_space<vmem>>
          %dma_wait3A_523 = tpu.memref_squeeze %dma_wait3A_522 : memref<1x128x16xf32, #tpu.memory_space<vmem>> -> memref<128x16xf32, #tpu.memory_space<vmem>>
          %dma_wait3A_524 = arith.constant 0 : i32
          %dma_wait3A_525 = tpu.memref_slice %arg8[%add3A_518, %dma_wait3A_524] : memref<32x128xi32, #tpu.memory_space<vmem>> -> memref<1x128xi32, #tpu.memory_space<vmem>>
          %dma_wait3A_526 = tpu.memref_squeeze %dma_wait3A_525 : memref<1x128xi32, #tpu.memory_space<vmem>> -> memref<128xi32, #tpu.memory_space<vmem>>
          %dma_wait3A_527 = arith.constant 0 : i32
          %dma_wait3A_528 = arith.constant 0 : i32
          %dma_wait3A_529 = tpu.memref_slice %arg10[%dma_wait3A_527, %dma_wait3A_528] : memref<100352x16xf32, #tpu.memory_space<vmem_shared>> -> memref<100352x16xf32, #tpu.memory_space<vmem_shared>>
          tpu.wait_indirect_dma semaphore(%arg23 : memref<!tpu.dma_semaphore, #tpu.memory_space<semaphore_mem>>) src(%dma_wait3A_523 : memref<128x16xf32, #tpu.memory_space<vmem>>) dst(%dma_wait3A_529 : memref<100352x16xf32, #tpu.memory_space<vmem_shared>>)
          %mul3A_530 = arith.constant 8 : i32
          %mul3A_531 = arith.muli %scan3A_120, %mul3A_530 : i32
          %add3A_532 = arith.constant 5 : i32
          %add3A_533 = arith.addi %mul3A_531, %add3A_532 : i32
          %dma_wait3A_534 = arith.constant 5 : i32
          %dma_wait3A_535 = arith.constant 0 : i32
          %dma_wait3A_536 = arith.constant 0 : i32
          %dma_wait3A_537 = tpu.memref_slice %arg9[%dma_wait3A_534, %dma_wait3A_535, %dma_wait3A_536] : memref<8x128x16xf32, #tpu.memory_space<vmem>> -> memref<1x128x16xf32, #tpu.memory_space<vmem>>
          %dma_wait3A_538 = tpu.memref_squeeze %dma_wait3A_537 : memref<1x128x16xf32, #tpu.memory_space<vmem>> -> memref<128x16xf32, #tpu.memory_space<vmem>>
          %dma_wait3A_539 = arith.constant 0 : i32
          %dma_wait3A_540 = tpu.memref_slice %arg8[%add3A_533, %dma_wait3A_539] : memref<32x128xi32, #tpu.memory_space<vmem>> -> memref<1x128xi32, #tpu.memory_space<vmem>>
          %dma_wait3A_541 = tpu.memref_squeeze %dma_wait3A_540 : memref<1x128xi32, #tpu.memory_space<vmem>> -> memref<128xi32, #tpu.memory_space<vmem>>
          %dma_wait3A_542 = arith.constant 0 : i32
          %dma_wait3A_543 = arith.constant 0 : i32
          %dma_wait3A_544 = tpu.memref_slice %arg10[%dma_wait3A_542, %dma_wait3A_543] : memref<100352x16xf32, #tpu.memory_space<vmem_shared>> -> memref<100352x16xf32, #tpu.memory_space<vmem_shared>>
          tpu.wait_indirect_dma semaphore(%arg24 : memref<!tpu.dma_semaphore, #tpu.memory_space<semaphore_mem>>) src(%dma_wait3A_538 : memref<128x16xf32, #tpu.memory_space<vmem>>) dst(%dma_wait3A_544 : memref<100352x16xf32, #tpu.memory_space<vmem_shared>>)
          %mul3A_545 = arith.constant 8 : i32
          %mul3A_546 = arith.muli %scan3A_120, %mul3A_545 : i32
          %add3A_547 = arith.constant 6 : i32
          %add3A_548 = arith.addi %mul3A_546, %add3A_547 : i32
          %dma_wait3A_549 = arith.constant 6 : i32
          %dma_wait3A_550 = arith.constant 0 : i32
          %dma_wait3A_551 = arith.constant 0 : i32
          %dma_wait3A_552 = tpu.memref_slice %arg9[%dma_wait3A_549, %dma_wait3A_550, %dma_wait3A_551] : memref<8x128x16xf32, #tpu.memory_space<vmem>> -> memref<1x128x16xf32, #tpu.memory_space<vmem>>
          %dma_wait3A_553 = tpu.memref_squeeze %dma_wait3A_552 : memref<1x128x16xf32, #tpu.memory_space<vmem>> -> memref<128x16xf32, #tpu.memory_space<vmem>>
          %dma_wait3A_554 = arith.constant 0 : i32
          %dma_wait3A_555 = tpu.memref_slice %arg8[%add3A_548, %dma_wait3A_554] : memref<32x128xi32, #tpu.memory_space<vmem>> -> memref<1x128xi32, #tpu.memory_space<vmem>>
          %dma_wait3A_556 = tpu.memref_squeeze %dma_wait3A_555 : memref<1x128xi32, #tpu.memory_space<vmem>> -> memref<128xi32, #tpu.memory_space<vmem>>
          %dma_wait3A_557 = arith.constant 0 : i32
          %dma_wait3A_558 = arith.constant 0 : i32
          %dma_wait3A_559 = tpu.memref_slice %arg10[%dma_wait3A_557, %dma_wait3A_558] : memref<100352x16xf32, #tpu.memory_space<vmem_shared>> -> memref<100352x16xf32, #tpu.memory_space<vmem_shared>>
          tpu.wait_indirect_dma semaphore(%arg25 : memref<!tpu.dma_semaphore, #tpu.memory_space<semaphore_mem>>) src(%dma_wait3A_553 : memref<128x16xf32, #tpu.memory_space<vmem>>) dst(%dma_wait3A_559 : memref<100352x16xf32, #tpu.memory_space<vmem_shared>>)
          %mul3A_560 = arith.constant 8 : i32
          %mul3A_561 = arith.muli %scan3A_120, %mul3A_560 : i32
          %add3A_562 = arith.constant 7 : i32
          %add3A_563 = arith.addi %mul3A_561, %add3A_562 : i32
          %dma_wait3A_564 = arith.constant 7 : i32
          %dma_wait3A_565 = arith.constant 0 : i32
          %dma_wait3A_566 = arith.constant 0 : i32
          %dma_wait3A_567 = tpu.memref_slice %arg9[%dma_wait3A_564, %dma_wait3A_565, %dma_wait3A_566] : memref<8x128x16xf32, #tpu.memory_space<vmem>> -> memref<1x128x16xf32, #tpu.memory_space<vmem>>
          %dma_wait3A_568 = tpu.memref_squeeze %dma_wait3A_567 : memref<1x128x16xf32, #tpu.memory_space<vmem>> -> memref<128x16xf32, #tpu.memory_space<vmem>>
          %dma_wait3A_569 = arith.constant 0 : i32
          %dma_wait3A_570 = tpu.memref_slice %arg8[%add3A_563, %dma_wait3A_569] : memref<32x128xi32, #tpu.memory_space<vmem>> -> memref<1x128xi32, #tpu.memory_space<vmem>>
          %dma_wait3A_571 = tpu.memref_squeeze %dma_wait3A_570 : memref<1x128xi32, #tpu.memory_space<vmem>> -> memref<128xi32, #tpu.memory_space<vmem>>
          %dma_wait3A_572 = arith.constant 0 : i32
          %dma_wait3A_573 = arith.constant 0 : i32
          %dma_wait3A_574 = tpu.memref_slice %arg10[%dma_wait3A_572, %dma_wait3A_573] : memref<100352x16xf32, #tpu.memory_space<vmem_shared>> -> memref<100352x16xf32, #tpu.memory_space<vmem_shared>>
          tpu.wait_indirect_dma semaphore(%arg26 : memref<!tpu.dma_semaphore, #tpu.memory_space<semaphore_mem>>) src(%dma_wait3A_568 : memref<128x16xf32, #tpu.memory_space<vmem>>) dst(%dma_wait3A_574 : memref<100352x16xf32, #tpu.memory_space<vmem_shared>>)
        } else {
        }
        %mul3A_127 = arith.constant 8 : i32
        %mul3A_128 = arith.muli %scan3A_120, %mul3A_127 : i32
        %add3A_129 = arith.constant 0 : i32
        %add3A_130 = arith.addi %mul3A_128, %add3A_129 : i32
        %dma_start3A = arith.constant 0 : i32
        %dma_start3A_131 = arith.constant 0 : i32
        %dma_start3A_132 = arith.constant 0 : i32
        %dma_start3A_133 = tpu.memref_slice %arg9[%dma_start3A, %dma_start3A_131, %dma_start3A_132] : memref<8x128x16xf32, #tpu.memory_space<vmem>> -> memref<1x128x16xf32, #tpu.memory_space<vmem>>
        %dma_start3A_134 = tpu.memref_squeeze %dma_start3A_133 : memref<1x128x16xf32, #tpu.memory_space<vmem>> -> memref<128x16xf32, #tpu.memory_space<vmem>>
        %dma_start3A_135 = arith.constant 0 : i32
        %dma_start3A_136 = tpu.memref_slice %arg7[%add3A_130, %dma_start3A_135] : memref<32x128xi32, #tpu.memory_space<vmem>> -> memref<1x128xi32, #tpu.memory_space<vmem>>
        %dma_start3A_137 = tpu.memref_squeeze %dma_start3A_136 : memref<1x128xi32, #tpu.memory_space<vmem>> -> memref<128xi32, #tpu.memory_space<vmem>>
        %dma_start3A_138 = arith.constant 0 : i32
        %dma_start3A_139 = arith.constant 0 : i32
        %dma_start3A_140 = tpu.memref_slice %arg2[%dma_start3A_138, %dma_start3A_139] : memref<200704x16xf32, #tpu.memory_space<hbm>> -> memref<200704x16xf32, #tpu.memory_space<hbm>>
        tpu.enqueue_indirect_dma source(%dma_start3A_140 : memref<200704x16xf32, #tpu.memory_space<hbm>>) target(%dma_start3A_134 : memref<128x16xf32, #tpu.memory_space<vmem>>) offsets(%dma_start3A_137 : memref<128xi32, #tpu.memory_space<vmem>>) semaphore(%arg11 : memref<!tpu.dma_semaphore, #tpu.memory_space<semaphore_mem>>)
        %mul3A_141 = arith.constant 8 : i32
        %mul3A_142 = arith.muli %scan3A_120, %mul3A_141 : i32
        %add3A_143 = arith.constant 1 : i32
        %add3A_144 = arith.addi %mul3A_142, %add3A_143 : i32
        %dma_start3A_145 = arith.constant 1 : i32
        %dma_start3A_146 = arith.constant 0 : i32
        %dma_start3A_147 = arith.constant 0 : i32
        %dma_start3A_148 = tpu.memref_slice %arg9[%dma_start3A_145, %dma_start3A_146, %dma_start3A_147] : memref<8x128x16xf32, #tpu.memory_space<vmem>> -> memref<1x128x16xf32, #tpu.memory_space<vmem>>
        %dma_start3A_149 = tpu.memref_squeeze %dma_start3A_148 : memref<1x128x16xf32, #tpu.memory_space<vmem>> -> memref<128x16xf32, #tpu.memory_space<vmem>>
        %dma_start3A_150 = arith.constant 0 : i32
        %dma_start3A_151 = tpu.memref_slice %arg7[%add3A_144, %dma_start3A_150] : memref<32x128xi32, #tpu.memory_space<vmem>> -> memref<1x128xi32, #tpu.memory_space<vmem>>
        %dma_start3A_152 = tpu.memref_squeeze %dma_start3A_151 : memref<1x128xi32, #tpu.memory_space<vmem>> -> memref<128xi32, #tpu.memory_space<vmem>>
        %dma_start3A_153 = arith.constant 0 : i32
        %dma_start3A_154 = arith.constant 0 : i32
        %dma_start3A_155 = tpu.memref_slice %arg2[%dma_start3A_153, %dma_start3A_154] : memref<200704x16xf32, #tpu.memory_space<hbm>> -> memref<200704x16xf32, #tpu.memory_space<hbm>>
        tpu.enqueue_indirect_dma source(%dma_start3A_155 : memref<200704x16xf32, #tpu.memory_space<hbm>>) target(%dma_start3A_149 : memref<128x16xf32, #tpu.memory_space<vmem>>) offsets(%dma_start3A_152 : memref<128xi32, #tpu.memory_space<vmem>>) semaphore(%arg12 : memref<!tpu.dma_semaphore, #tpu.memory_space<semaphore_mem>>)
        %mul3A_156 = arith.constant 8 : i32
        %mul3A_157 = arith.muli %scan3A_120, %mul3A_156 : i32
        %add3A_158 = arith.constant 2 : i32
        %add3A_159 = arith.addi %mul3A_157, %add3A_158 : i32
        %dma_start3A_160 = arith.constant 2 : i32
        %dma_start3A_161 = arith.constant 0 : i32
        %dma_start3A_162 = arith.constant 0 : i32
        %dma_start3A_163 = tpu.memref_slice %arg9[%dma_start3A_160, %dma_start3A_161, %dma_start3A_162] : memref<8x128x16xf32, #tpu.memory_space<vmem>> -> memref<1x128x16xf32, #tpu.memory_space<vmem>>
        %dma_start3A_164 = tpu.memref_squeeze %dma_start3A_163 : memref<1x128x16xf32, #tpu.memory_space<vmem>> -> memref<128x16xf32, #tpu.memory_space<vmem>>
        %dma_start3A_165 = arith.constant 0 : i32
        %dma_start3A_166 = tpu.memref_slice %arg7[%add3A_159, %dma_start3A_165] : memref<32x128xi32, #tpu.memory_space<vmem>> -> memref<1x128xi32, #tpu.memory_space<vmem>>
        %dma_start3A_167 = tpu.memref_squeeze %dma_start3A_166 : memref<1x128xi32, #tpu.memory_space<vmem>> -> memref<128xi32, #tpu.memory_space<vmem>>
        %dma_start3A_168 = arith.constant 0 : i32
        %dma_start3A_169 = arith.constant 0 : i32
        %dma_start3A_170 = tpu.memref_slice %arg2[%dma_start3A_168, %dma_start3A_169] : memref<200704x16xf32, #tpu.memory_space<hbm>> -> memref<200704x16xf32, #tpu.memory_space<hbm>>
        tpu.enqueue_indirect_dma source(%dma_start3A_170 : memref<200704x16xf32, #tpu.memory_space<hbm>>) target(%dma_start3A_164 : memref<128x16xf32, #tpu.memory_space<vmem>>) offsets(%dma_start3A_167 : memref<128xi32, #tpu.memory_space<vmem>>) semaphore(%arg13 : memref<!tpu.dma_semaphore, #tpu.memory_space<semaphore_mem>>)
        %mul3A_171 = arith.constant 8 : i32
        %mul3A_172 = arith.muli %scan3A_120, %mul3A_171 : i32
        %add3A_173 = arith.constant 3 : i32
        %add3A_174 = arith.addi %mul3A_172, %add3A_173 : i32
        %dma_start3A_175 = arith.constant 3 : i32
        %dma_start3A_176 = arith.constant 0 : i32
        %dma_start3A_177 = arith.constant 0 : i32
        %dma_start3A_178 = tpu.memref_slice %arg9[%dma_start3A_175, %dma_start3A_176, %dma_start3A_177] : memref<8x128x16xf32, #tpu.memory_space<vmem>> -> memref<1x128x16xf32, #tpu.memory_space<vmem>>
        %dma_start3A_179 = tpu.memref_squeeze %dma_start3A_178 : memref<1x128x16xf32, #tpu.memory_space<vmem>> -> memref<128x16xf32, #tpu.memory_space<vmem>>
        %dma_start3A_180 = arith.constant 0 : i32
        %dma_start3A_181 = tpu.memref_slice %arg7[%add3A_174, %dma_start3A_180] : memref<32x128xi32, #tpu.memory_space<vmem>> -> memref<1x128xi32, #tpu.memory_space<vmem>>
        %dma_start3A_182 = tpu.memref_squeeze %dma_start3A_181 : memref<1x128xi32, #tpu.memory_space<vmem>> -> memref<128xi32, #tpu.memory_space<vmem>>
        %dma_start3A_183 = arith.constant 0 : i32
        %dma_start3A_184 = arith.constant 0 : i32
        %dma_start3A_185 = tpu.memref_slice %arg2[%dma_start3A_183, %dma_start3A_184] : memref<200704x16xf32, #tpu.memory_space<hbm>> -> memref<200704x16xf32, #tpu.memory_space<hbm>>
        tpu.enqueue_indirect_dma source(%dma_start3A_185 : memref<200704x16xf32, #tpu.memory_space<hbm>>) target(%dma_start3A_179 : memref<128x16xf32, #tpu.memory_space<vmem>>) offsets(%dma_start3A_182 : memref<128xi32, #tpu.memory_space<vmem>>) semaphore(%arg14 : memref<!tpu.dma_semaphore, #tpu.memory_space<semaphore_mem>>)
        %mul3A_186 = arith.constant 8 : i32
        %mul3A_187 = arith.muli %scan3A_120, %mul3A_186 : i32
        %add3A_188 = arith.constant 4 : i32
        %add3A_189 = arith.addi %mul3A_187, %add3A_188 : i32
        %dma_start3A_190 = arith.constant 4 : i32
        %dma_start3A_191 = arith.constant 0 : i32
        %dma_start3A_192 = arith.constant 0 : i32
        %dma_start3A_193 = tpu.memref_slice %arg9[%dma_start3A_190, %dma_start3A_191, %dma_start3A_192] : memref<8x128x16xf32, #tpu.memory_space<vmem>> -> memref<1x128x16xf32, #tpu.memory_space<vmem>>
        %dma_start3A_194 = tpu.memref_squeeze %dma_start3A_193 : memref<1x128x16xf32, #tpu.memory_space<vmem>> -> memref<128x16xf32, #tpu.memory_space<vmem>>
        %dma_start3A_195 = arith.constant 0 : i32
        %dma_start3A_196 = tpu.memref_slice %arg7[%add3A_189, %dma_start3A_195] : memref<32x128xi32, #tpu.memory_space<vmem>> -> memref<1x128xi32, #tpu.memory_space<vmem>>
        %dma_start3A_197 = tpu.memref_squeeze %dma_start3A_196 : memref<1x128xi32, #tpu.memory_space<vmem>> -> memref<128xi32, #tpu.memory_space<vmem>>
        %dma_start3A_198 = arith.constant 0 : i32
        %dma_start3A_199 = arith.constant 0 : i32
        %dma_start3A_200 = tpu.memref_slice %arg2[%dma_start3A_198, %dma_start3A_199] : memref<200704x16xf32, #tpu.memory_space<hbm>> -> memref<200704x16xf32, #tpu.memory_space<hbm>>
        tpu.enqueue_indirect_dma source(%dma_start3A_200 : memref<200704x16xf32, #tpu.memory_space<hbm>>) target(%dma_start3A_194 : memref<128x16xf32, #tpu.memory_space<vmem>>) offsets(%dma_start3A_197 : memref<128xi32, #tpu.memory_space<vmem>>) semaphore(%arg15 : memref<!tpu.dma_semaphore, #tpu.memory_space<semaphore_mem>>)
        %mul3A_201 = arith.constant 8 : i32
        %mul3A_202 = arith.muli %scan3A_120, %mul3A_201 : i32
        %add3A_203 = arith.constant 5 : i32
        %add3A_204 = arith.addi %mul3A_202, %add3A_203 : i32
        %dma_start3A_205 = arith.constant 5 : i32
        %dma_start3A_206 = arith.constant 0 : i32
        %dma_start3A_207 = arith.constant 0 : i32
        %dma_start3A_208 = tpu.memref_slice %arg9[%dma_start3A_205, %dma_start3A_206, %dma_start3A_207] : memref<8x128x16xf32, #tpu.memory_space<vmem>> -> memref<1x128x16xf32, #tpu.memory_space<vmem>>
        %dma_start3A_209 = tpu.memref_squeeze %dma_start3A_208 : memref<1x128x16xf32, #tpu.memory_space<vmem>> -> memref<128x16xf32, #tpu.memory_space<vmem>>
        %dma_start3A_210 = arith.constant 0 : i32
        %dma_start3A_211 = tpu.memref_slice %arg7[%add3A_204, %dma_start3A_210] : memref<32x128xi32, #tpu.memory_space<vmem>> -> memref<1x128xi32, #tpu.memory_space<vmem>>
        %dma_start3A_212 = tpu.memref_squeeze %dma_start3A_211 : memref<1x128xi32, #tpu.memory_space<vmem>> -> memref<128xi32, #tpu.memory_space<vmem>>
        %dma_start3A_213 = arith.constant 0 : i32
        %dma_start3A_214 = arith.constant 0 : i32
        %dma_start3A_215 = tpu.memref_slice %arg2[%dma_start3A_213, %dma_start3A_214] : memref<200704x16xf32, #tpu.memory_space<hbm>> -> memref<200704x16xf32, #tpu.memory_space<hbm>>
        tpu.enqueue_indirect_dma source(%dma_start3A_215 : memref<200704x16xf32, #tpu.memory_space<hbm>>) target(%dma_start3A_209 : memref<128x16xf32, #tpu.memory_space<vmem>>) offsets(%dma_start3A_212 : memref<128xi32, #tpu.memory_space<vmem>>) semaphore(%arg16 : memref<!tpu.dma_semaphore, #tpu.memory_space<semaphore_mem>>)
        %mul3A_216 = arith.constant 8 : i32
        %mul3A_217 = arith.muli %scan3A_120, %mul3A_216 : i32
        %add3A_218 = arith.constant 6 : i32
        %add3A_219 = arith.addi %mul3A_217, %add3A_218 : i32
        %dma_start3A_220 = arith.constant 6 : i32
        %dma_start3A_221 = arith.constant 0 : i32
        %dma_start3A_222 = arith.constant 0 : i32
        %dma_start3A_223 = tpu.memref_slice %arg9[%dma_start3A_220, %dma_start3A_221, %dma_start3A_222] : memref<8x128x16xf32, #tpu.memory_space<vmem>> -> memref<1x128x16xf32, #tpu.memory_space<vmem>>
        %dma_start3A_224 = tpu.memref_squeeze %dma_start3A_223 : memref<1x128x16xf32, #tpu.memory_space<vmem>> -> memref<128x16xf32, #tpu.memory_space<vmem>>
        %dma_start3A_225 = arith.constant 0 : i32
        %dma_start3A_226 = tpu.memref_slice %arg7[%add3A_219, %dma_start3A_225] : memref<32x128xi32, #tpu.memory_space<vmem>> -> memref<1x128xi32, #tpu.memory_space<vmem>>
        %dma_start3A_227 = tpu.memref_squeeze %dma_start3A_226 : memref<1x128xi32, #tpu.memory_space<vmem>> -> memref<128xi32, #tpu.memory_space<vmem>>
        %dma_start3A_228 = arith.constant 0 : i32
        %dma_start3A_229 = arith.constant 0 : i32
        %dma_start3A_230 = tpu.memref_slice %arg2[%dma_start3A_228, %dma_start3A_229] : memref<200704x16xf32, #tpu.memory_space<hbm>> -> memref<200704x16xf32, #tpu.memory_space<hbm>>
        tpu.enqueue_indirect_dma source(%dma_start3A_230 : memref<200704x16xf32, #tpu.memory_space<hbm>>) target(%dma_start3A_224 : memref<128x16xf32, #tpu.memory_space<vmem>>) offsets(%dma_start3A_227 : memref<128xi32, #tpu.memory_space<vmem>>) semaphore(%arg17 : memref<!tpu.dma_semaphore, #tpu.memory_space<semaphore_mem>>)
        %mul3A_231 = arith.constant 8 : i32
        %mul3A_232 = arith.muli %scan3A_120, %mul3A_231 : i32
        %add3A_233 = arith.constant 7 : i32
        %add3A_234 = arith.addi %mul3A_232, %add3A_233 : i32
        %dma_start3A_235 = arith.constant 7 : i32
        %dma_start3A_236 = arith.constant 0 : i32
        %dma_start3A_237 = arith.constant 0 : i32
        %dma_start3A_238 = tpu.memref_slice %arg9[%dma_start3A_235, %dma_start3A_236, %dma_start3A_237] : memref<8x128x16xf32, #tpu.memory_space<vmem>> -> memref<1x128x16xf32, #tpu.memory_space<vmem>>
        %dma_start3A_239 = tpu.memref_squeeze %dma_start3A_238 : memref<1x128x16xf32, #tpu.memory_space<vmem>> -> memref<128x16xf32, #tpu.memory_space<vmem>>
        %dma_start3A_240 = arith.constant 0 : i32
        %dma_start3A_241 = tpu.memref_slice %arg7[%add3A_234, %dma_start3A_240] : memref<32x128xi32, #tpu.memory_space<vmem>> -> memref<1x128xi32, #tpu.memory_space<vmem>>
        %dma_start3A_242 = tpu.memref_squeeze %dma_start3A_241 : memref<1x128xi32, #tpu.memory_space<vmem>> -> memref<128xi32, #tpu.memory_space<vmem>>
        %dma_start3A_243 = arith.constant 0 : i32
        %dma_start3A_244 = arith.constant 0 : i32
        %dma_start3A_245 = tpu.memref_slice %arg2[%dma_start3A_243, %dma_start3A_244] : memref<200704x16xf32, #tpu.memory_space<hbm>> -> memref<200704x16xf32, #tpu.memory_space<hbm>>
        tpu.enqueue_indirect_dma source(%dma_start3A_245 : memref<200704x16xf32, #tpu.memory_space<hbm>>) target(%dma_start3A_239 : memref<128x16xf32, #tpu.memory_space<vmem>>) offsets(%dma_start3A_242 : memref<128xi32, #tpu.memory_space<vmem>>) semaphore(%arg18 : memref<!tpu.dma_semaphore, #tpu.memory_space<semaphore_mem>>)
        %dma_wait3A_246 = arith.constant 0 : i32
        %dma_wait3A_247 = arith.constant 0 : i32
        %dma_wait3A_248 = arith.constant 0 : i32
        %dma_wait3A_249 = tpu.memref_slice %arg9[%dma_wait3A_246, %dma_wait3A_247, %dma_wait3A_248] : memref<8x128x16xf32, #tpu.memory_space<vmem>> -> memref<1x128x16xf32, #tpu.memory_space<vmem>>
        %dma_wait3A_250 = tpu.memref_squeeze %dma_wait3A_249 : memref<1x128x16xf32, #tpu.memory_space<vmem>> -> memref<128x16xf32, #tpu.memory_space<vmem>>
        %dma_wait3A_251 = arith.constant 0 : i32
        %dma_wait3A_252 = tpu.memref_slice %arg7[%add3A_130, %dma_wait3A_251] : memref<32x128xi32, #tpu.memory_space<vmem>> -> memref<1x128xi32, #tpu.memory_space<vmem>>
        %dma_wait3A_253 = tpu.memref_squeeze %dma_wait3A_252 : memref<1x128xi32, #tpu.memory_space<vmem>> -> memref<128xi32, #tpu.memory_space<vmem>>
        %dma_wait3A_254 = arith.constant 0 : i32
        %dma_wait3A_255 = arith.constant 0 : i32
        %dma_wait3A_256 = tpu.memref_slice %arg2[%dma_wait3A_254, %dma_wait3A_255] : memref<200704x16xf32, #tpu.memory_space<hbm>> -> memref<200704x16xf32, #tpu.memory_space<hbm>>
        tpu.wait_indirect_dma semaphore(%arg11 : memref<!tpu.dma_semaphore, #tpu.memory_space<semaphore_mem>>) src(%dma_wait3A_256 : memref<200704x16xf32, #tpu.memory_space<hbm>>) dst(%dma_wait3A_250 : memref<128x16xf32, #tpu.memory_space<vmem>>)
        %mul3A_257 = arith.constant 8 : i32
        %mul3A_258 = arith.muli %scan3A_120, %mul3A_257 : i32
        %add3A_259 = arith.constant 0 : i32
        %add3A_260 = arith.addi %mul3A_258, %add3A_259 : i32
        %dma_start3A_261 = arith.constant 0 : i32
        %dma_start3A_262 = arith.constant 0 : i32
        %dma_start3A_263 = arith.constant 0 : i32
        %dma_start3A_264 = tpu.memref_slice %arg9[%dma_start3A_261, %dma_start3A_262, %dma_start3A_263] : memref<8x128x16xf32, #tpu.memory_space<vmem>> -> memref<1x128x16xf32, #tpu.memory_space<vmem>>
        %dma_start3A_265 = tpu.memref_squeeze %dma_start3A_264 : memref<1x128x16xf32, #tpu.memory_space<vmem>> -> memref<128x16xf32, #tpu.memory_space<vmem>>
        %dma_start3A_266 = arith.constant 0 : i32
        %dma_start3A_267 = tpu.memref_slice %arg8[%add3A_260, %dma_start3A_266] : memref<32x128xi32, #tpu.memory_space<vmem>> -> memref<1x128xi32, #tpu.memory_space<vmem>>
        %dma_start3A_268 = tpu.memref_squeeze %dma_start3A_267 : memref<1x128xi32, #tpu.memory_space<vmem>> -> memref<128xi32, #tpu.memory_space<vmem>>
        %dma_start3A_269 = arith.constant 0 : i32
        %dma_start3A_270 = arith.constant 0 : i32
        %dma_start3A_271 = tpu.memref_slice %arg10[%dma_start3A_269, %dma_start3A_270] : memref<100352x16xf32, #tpu.memory_space<vmem_shared>> -> memref<100352x16xf32, #tpu.memory_space<vmem_shared>>
        tpu.enqueue_indirect_dma source(%dma_start3A_265 : memref<128x16xf32, #tpu.memory_space<vmem>>) target(%dma_start3A_271 : memref<100352x16xf32, #tpu.memory_space<vmem_shared>>) offsets(%dma_start3A_268 : memref<128xi32, #tpu.memory_space<vmem>>) semaphore(%arg19 : memref<!tpu.dma_semaphore, #tpu.memory_space<semaphore_mem>>) {add = true}
        %dma_wait3A_272 = arith.constant 1 : i32
        %dma_wait3A_273 = arith.constant 0 : i32
        %dma_wait3A_274 = arith.constant 0 : i32
        %dma_wait3A_275 = tpu.memref_slice %arg9[%dma_wait3A_272, %dma_wait3A_273, %dma_wait3A_274] : memref<8x128x16xf32, #tpu.memory_space<vmem>> -> memref<1x128x16xf32, #tpu.memory_space<vmem>>
        %dma_wait3A_276 = tpu.memref_squeeze %dma_wait3A_275 : memref<1x128x16xf32, #tpu.memory_space<vmem>> -> memref<128x16xf32, #tpu.memory_space<vmem>>
        %dma_wait3A_277 = arith.constant 0 : i32
        %dma_wait3A_278 = tpu.memref_slice %arg7[%add3A_144, %dma_wait3A_277] : memref<32x128xi32, #tpu.memory_space<vmem>> -> memref<1x128xi32, #tpu.memory_space<vmem>>
        %dma_wait3A_279 = tpu.memref_squeeze %dma_wait3A_278 : memref<1x128xi32, #tpu.memory_space<vmem>> -> memref<128xi32, #tpu.memory_space<vmem>>
        %dma_wait3A_280 = arith.constant 0 : i32
        %dma_wait3A_281 = arith.constant 0 : i32
        %dma_wait3A_282 = tpu.memref_slice %arg2[%dma_wait3A_280, %dma_wait3A_281] : memref<200704x16xf32, #tpu.memory_space<hbm>> -> memref<200704x16xf32, #tpu.memory_space<hbm>>
        tpu.wait_indirect_dma semaphore(%arg12 : memref<!tpu.dma_semaphore, #tpu.memory_space<semaphore_mem>>) src(%dma_wait3A_282 : memref<200704x16xf32, #tpu.memory_space<hbm>>) dst(%dma_wait3A_276 : memref<128x16xf32, #tpu.memory_space<vmem>>)
        %mul3A_283 = arith.constant 8 : i32
        %mul3A_284 = arith.muli %scan3A_120, %mul3A_283 : i32
        %add3A_285 = arith.constant 1 : i32
        %add3A_286 = arith.addi %mul3A_284, %add3A_285 : i32
        %dma_start3A_287 = arith.constant 1 : i32
        %dma_start3A_288 = arith.constant 0 : i32
        %dma_start3A_289 = arith.constant 0 : i32
        %dma_start3A_290 = tpu.memref_slice %arg9[%dma_start3A_287, %dma_start3A_288, %dma_start3A_289] : memref<8x128x16xf32, #tpu.memory_space<vmem>> -> memref<1x128x16xf32, #tpu.memory_space<vmem>>
        %dma_start3A_291 = tpu.memref_squeeze %dma_start3A_290 : memref<1x128x16xf32, #tpu.memory_space<vmem>> -> memref<128x16xf32, #tpu.memory_space<vmem>>
        %dma_start3A_292 = arith.constant 0 : i32
        %dma_start3A_293 = tpu.memref_slice %arg8[%add3A_286, %dma_start3A_292] : memref<32x128xi32, #tpu.memory_space<vmem>> -> memref<1x128xi32, #tpu.memory_space<vmem>>
        %dma_start3A_294 = tpu.memref_squeeze %dma_start3A_293 : memref<1x128xi32, #tpu.memory_space<vmem>> -> memref<128xi32, #tpu.memory_space<vmem>>
        %dma_start3A_295 = arith.constant 0 : i32
        %dma_start3A_296 = arith.constant 0 : i32
        %dma_start3A_297 = tpu.memref_slice %arg10[%dma_start3A_295, %dma_start3A_296] : memref<100352x16xf32, #tpu.memory_space<vmem_shared>> -> memref<100352x16xf32, #tpu.memory_space<vmem_shared>>
        tpu.enqueue_indirect_dma source(%dma_start3A_291 : memref<128x16xf32, #tpu.memory_space<vmem>>) target(%dma_start3A_297 : memref<100352x16xf32, #tpu.memory_space<vmem_shared>>) offsets(%dma_start3A_294 : memref<128xi32, #tpu.memory_space<vmem>>) semaphore(%arg20 : memref<!tpu.dma_semaphore, #tpu.memory_space<semaphore_mem>>) {add = true}
        %dma_wait3A_298 = arith.constant 2 : i32
        %dma_wait3A_299 = arith.constant 0 : i32
        %dma_wait3A_300 = arith.constant 0 : i32
        %dma_wait3A_301 = tpu.memref_slice %arg9[%dma_wait3A_298, %dma_wait3A_299, %dma_wait3A_300] : memref<8x128x16xf32, #tpu.memory_space<vmem>> -> memref<1x128x16xf32, #tpu.memory_space<vmem>>
        %dma_wait3A_302 = tpu.memref_squeeze %dma_wait3A_301 : memref<1x128x16xf32, #tpu.memory_space<vmem>> -> memref<128x16xf32, #tpu.memory_space<vmem>>
        %dma_wait3A_303 = arith.constant 0 : i32
        %dma_wait3A_304 = tpu.memref_slice %arg7[%add3A_159, %dma_wait3A_303] : memref<32x128xi32, #tpu.memory_space<vmem>> -> memref<1x128xi32, #tpu.memory_space<vmem>>
        %dma_wait3A_305 = tpu.memref_squeeze %dma_wait3A_304 : memref<1x128xi32, #tpu.memory_space<vmem>> -> memref<128xi32, #tpu.memory_space<vmem>>
        %dma_wait3A_306 = arith.constant 0 : i32
        %dma_wait3A_307 = arith.constant 0 : i32
        %dma_wait3A_308 = tpu.memref_slice %arg2[%dma_wait3A_306, %dma_wait3A_307] : memref<200704x16xf32, #tpu.memory_space<hbm>> -> memref<200704x16xf32, #tpu.memory_space<hbm>>
        tpu.wait_indirect_dma semaphore(%arg13 : memref<!tpu.dma_semaphore, #tpu.memory_space<semaphore_mem>>) src(%dma_wait3A_308 : memref<200704x16xf32, #tpu.memory_space<hbm>>) dst(%dma_wait3A_302 : memref<128x16xf32, #tpu.memory_space<vmem>>)
        %mul3A_309 = arith.constant 8 : i32
        %mul3A_310 = arith.muli %scan3A_120, %mul3A_309 : i32
        %add3A_311 = arith.constant 2 : i32
        %add3A_312 = arith.addi %mul3A_310, %add3A_311 : i32
        %dma_start3A_313 = arith.constant 2 : i32
        %dma_start3A_314 = arith.constant 0 : i32
        %dma_start3A_315 = arith.constant 0 : i32
        %dma_start3A_316 = tpu.memref_slice %arg9[%dma_start3A_313, %dma_start3A_314, %dma_start3A_315] : memref<8x128x16xf32, #tpu.memory_space<vmem>> -> memref<1x128x16xf32, #tpu.memory_space<vmem>>
        %dma_start3A_317 = tpu.memref_squeeze %dma_start3A_316 : memref<1x128x16xf32, #tpu.memory_space<vmem>> -> memref<128x16xf32, #tpu.memory_space<vmem>>
        %dma_start3A_318 = arith.constant 0 : i32
        %dma_start3A_319 = tpu.memref_slice %arg8[%add3A_312, %dma_start3A_318] : memref<32x128xi32, #tpu.memory_space<vmem>> -> memref<1x128xi32, #tpu.memory_space<vmem>>
        %dma_start3A_320 = tpu.memref_squeeze %dma_start3A_319 : memref<1x128xi32, #tpu.memory_space<vmem>> -> memref<128xi32, #tpu.memory_space<vmem>>
        %dma_start3A_321 = arith.constant 0 : i32
        %dma_start3A_322 = arith.constant 0 : i32
        %dma_start3A_323 = tpu.memref_slice %arg10[%dma_start3A_321, %dma_start3A_322] : memref<100352x16xf32, #tpu.memory_space<vmem_shared>> -> memref<100352x16xf32, #tpu.memory_space<vmem_shared>>
        tpu.enqueue_indirect_dma source(%dma_start3A_317 : memref<128x16xf32, #tpu.memory_space<vmem>>) target(%dma_start3A_323 : memref<100352x16xf32, #tpu.memory_space<vmem_shared>>) offsets(%dma_start3A_320 : memref<128xi32, #tpu.memory_space<vmem>>) semaphore(%arg21 : memref<!tpu.dma_semaphore, #tpu.memory_space<semaphore_mem>>) {add = true}
        %dma_wait3A_324 = arith.constant 3 : i32
        %dma_wait3A_325 = arith.constant 0 : i32
        %dma_wait3A_326 = arith.constant 0 : i32
        %dma_wait3A_327 = tpu.memref_slice %arg9[%dma_wait3A_324, %dma_wait3A_325, %dma_wait3A_326] : memref<8x128x16xf32, #tpu.memory_space<vmem>> -> memref<1x128x16xf32, #tpu.memory_space<vmem>>
        %dma_wait3A_328 = tpu.memref_squeeze %dma_wait3A_327 : memref<1x128x16xf32, #tpu.memory_space<vmem>> -> memref<128x16xf32, #tpu.memory_space<vmem>>
        %dma_wait3A_329 = arith.constant 0 : i32
        %dma_wait3A_330 = tpu.memref_slice %arg7[%add3A_174, %dma_wait3A_329] : memref<32x128xi32, #tpu.memory_space<vmem>> -> memref<1x128xi32, #tpu.memory_space<vmem>>
        %dma_wait3A_331 = tpu.memref_squeeze %dma_wait3A_330 : memref<1x128xi32, #tpu.memory_space<vmem>> -> memref<128xi32, #tpu.memory_space<vmem>>
        %dma_wait3A_332 = arith.constant 0 : i32
        %dma_wait3A_333 = arith.constant 0 : i32
        %dma_wait3A_334 = tpu.memref_slice %arg2[%dma_wait3A_332, %dma_wait3A_333] : memref<200704x16xf32, #tpu.memory_space<hbm>> -> memref<200704x16xf32, #tpu.memory_space<hbm>>
        tpu.wait_indirect_dma semaphore(%arg14 : memref<!tpu.dma_semaphore, #tpu.memory_space<semaphore_mem>>) src(%dma_wait3A_334 : memref<200704x16xf32, #tpu.memory_space<hbm>>) dst(%dma_wait3A_328 : memref<128x16xf32, #tpu.memory_space<vmem>>)
        %mul3A_335 = arith.constant 8 : i32
        %mul3A_336 = arith.muli %scan3A_120, %mul3A_335 : i32
        %add3A_337 = arith.constant 3 : i32
        %add3A_338 = arith.addi %mul3A_336, %add3A_337 : i32
        %dma_start3A_339 = arith.constant 3 : i32
        %dma_start3A_340 = arith.constant 0 : i32
        %dma_start3A_341 = arith.constant 0 : i32
        %dma_start3A_342 = tpu.memref_slice %arg9[%dma_start3A_339, %dma_start3A_340, %dma_start3A_341] : memref<8x128x16xf32, #tpu.memory_space<vmem>> -> memref<1x128x16xf32, #tpu.memory_space<vmem>>
        %dma_start3A_343 = tpu.memref_squeeze %dma_start3A_342 : memref<1x128x16xf32, #tpu.memory_space<vmem>> -> memref<128x16xf32, #tpu.memory_space<vmem>>
        %dma_start3A_344 = arith.constant 0 : i32
        %dma_start3A_345 = tpu.memref_slice %arg8[%add3A_338, %dma_start3A_344] : memref<32x128xi32, #tpu.memory_space<vmem>> -> memref<1x128xi32, #tpu.memory_space<vmem>>
        %dma_start3A_346 = tpu.memref_squeeze %dma_start3A_345 : memref<1x128xi32, #tpu.memory_space<vmem>> -> memref<128xi32, #tpu.memory_space<vmem>>
        %dma_start3A_347 = arith.constant 0 : i32
        %dma_start3A_348 = arith.constant 0 : i32
        %dma_start3A_349 = tpu.memref_slice %arg10[%dma_start3A_347, %dma_start3A_348] : memref<100352x16xf32, #tpu.memory_space<vmem_shared>> -> memref<100352x16xf32, #tpu.memory_space<vmem_shared>>
        tpu.enqueue_indirect_dma source(%dma_start3A_343 : memref<128x16xf32, #tpu.memory_space<vmem>>) target(%dma_start3A_349 : memref<100352x16xf32, #tpu.memory_space<vmem_shared>>) offsets(%dma_start3A_346 : memref<128xi32, #tpu.memory_space<vmem>>) semaphore(%arg22 : memref<!tpu.dma_semaphore, #tpu.memory_space<semaphore_mem>>) {add = true}
        %dma_wait3A_350 = arith.constant 4 : i32
        %dma_wait3A_351 = arith.constant 0 : i32
        %dma_wait3A_352 = arith.constant 0 : i32
        %dma_wait3A_353 = tpu.memref_slice %arg9[%dma_wait3A_350, %dma_wait3A_351, %dma_wait3A_352] : memref<8x128x16xf32, #tpu.memory_space<vmem>> -> memref<1x128x16xf32, #tpu.memory_space<vmem>>
        %dma_wait3A_354 = tpu.memref_squeeze %dma_wait3A_353 : memref<1x128x16xf32, #tpu.memory_space<vmem>> -> memref<128x16xf32, #tpu.memory_space<vmem>>
        %dma_wait3A_355 = arith.constant 0 : i32
        %dma_wait3A_356 = tpu.memref_slice %arg7[%add3A_189, %dma_wait3A_355] : memref<32x128xi32, #tpu.memory_space<vmem>> -> memref<1x128xi32, #tpu.memory_space<vmem>>
        %dma_wait3A_357 = tpu.memref_squeeze %dma_wait3A_356 : memref<1x128xi32, #tpu.memory_space<vmem>> -> memref<128xi32, #tpu.memory_space<vmem>>
        %dma_wait3A_358 = arith.constant 0 : i32
        %dma_wait3A_359 = arith.constant 0 : i32
        %dma_wait3A_360 = tpu.memref_slice %arg2[%dma_wait3A_358, %dma_wait3A_359] : memref<200704x16xf32, #tpu.memory_space<hbm>> -> memref<200704x16xf32, #tpu.memory_space<hbm>>
        tpu.wait_indirect_dma semaphore(%arg15 : memref<!tpu.dma_semaphore, #tpu.memory_space<semaphore_mem>>) src(%dma_wait3A_360 : memref<200704x16xf32, #tpu.memory_space<hbm>>) dst(%dma_wait3A_354 : memref<128x16xf32, #tpu.memory_space<vmem>>)
        %mul3A_361 = arith.constant 8 : i32
        %mul3A_362 = arith.muli %scan3A_120, %mul3A_361 : i32
        %add3A_363 = arith.constant 4 : i32
        %add3A_364 = arith.addi %mul3A_362, %add3A_363 : i32
        %dma_start3A_365 = arith.constant 4 : i32
        %dma_start3A_366 = arith.constant 0 : i32
        %dma_start3A_367 = arith.constant 0 : i32
        %dma_start3A_368 = tpu.memref_slice %arg9[%dma_start3A_365, %dma_start3A_366, %dma_start3A_367] : memref<8x128x16xf32, #tpu.memory_space<vmem>> -> memref<1x128x16xf32, #tpu.memory_space<vmem>>
        %dma_start3A_369 = tpu.memref_squeeze %dma_start3A_368 : memref<1x128x16xf32, #tpu.memory_space<vmem>> -> memref<128x16xf32, #tpu.memory_space<vmem>>
        %dma_start3A_370 = arith.constant 0 : i32
        %dma_start3A_371 = tpu.memref_slice %arg8[%add3A_364, %dma_start3A_370] : memref<32x128xi32, #tpu.memory_space<vmem>> -> memref<1x128xi32, #tpu.memory_space<vmem>>
        %dma_start3A_372 = tpu.memref_squeeze %dma_start3A_371 : memref<1x128xi32, #tpu.memory_space<vmem>> -> memref<128xi32, #tpu.memory_space<vmem>>
        %dma_start3A_373 = arith.constant 0 : i32
        %dma_start3A_374 = arith.constant 0 : i32
        %dma_start3A_375 = tpu.memref_slice %arg10[%dma_start3A_373, %dma_start3A_374] : memref<100352x16xf32, #tpu.memory_space<vmem_shared>> -> memref<100352x16xf32, #tpu.memory_space<vmem_shared>>
        tpu.enqueue_indirect_dma source(%dma_start3A_369 : memref<128x16xf32, #tpu.memory_space<vmem>>) target(%dma_start3A_375 : memref<100352x16xf32, #tpu.memory_space<vmem_shared>>) offsets(%dma_start3A_372 : memref<128xi32, #tpu.memory_space<vmem>>) semaphore(%arg23 : memref<!tpu.dma_semaphore, #tpu.memory_space<semaphore_mem>>) {add = true}
        %dma_wait3A_376 = arith.constant 5 : i32
        %dma_wait3A_377 = arith.constant 0 : i32
        %dma_wait3A_378 = arith.constant 0 : i32
        %dma_wait3A_379 = tpu.memref_slice %arg9[%dma_wait3A_376, %dma_wait3A_377, %dma_wait3A_378] : memref<8x128x16xf32, #tpu.memory_space<vmem>> -> memref<1x128x16xf32, #tpu.memory_space<vmem>>
        %dma_wait3A_380 = tpu.memref_squeeze %dma_wait3A_379 : memref<1x128x16xf32, #tpu.memory_space<vmem>> -> memref<128x16xf32, #tpu.memory_space<vmem>>
        %dma_wait3A_381 = arith.constant 0 : i32
        %dma_wait3A_382 = tpu.memref_slice %arg7[%add3A_204, %dma_wait3A_381] : memref<32x128xi32, #tpu.memory_space<vmem>> -> memref<1x128xi32, #tpu.memory_space<vmem>>
        %dma_wait3A_383 = tpu.memref_squeeze %dma_wait3A_382 : memref<1x128xi32, #tpu.memory_space<vmem>> -> memref<128xi32, #tpu.memory_space<vmem>>
        %dma_wait3A_384 = arith.constant 0 : i32
        %dma_wait3A_385 = arith.constant 0 : i32
        %dma_wait3A_386 = tpu.memref_slice %arg2[%dma_wait3A_384, %dma_wait3A_385] : memref<200704x16xf32, #tpu.memory_space<hbm>> -> memref<200704x16xf32, #tpu.memory_space<hbm>>
        tpu.wait_indirect_dma semaphore(%arg16 : memref<!tpu.dma_semaphore, #tpu.memory_space<semaphore_mem>>) src(%dma_wait3A_386 : memref<200704x16xf32, #tpu.memory_space<hbm>>) dst(%dma_wait3A_380 : memref<128x16xf32, #tpu.memory_space<vmem>>)
        %mul3A_387 = arith.constant 8 : i32
        %mul3A_388 = arith.muli %scan3A_120, %mul3A_387 : i32
        %add3A_389 = arith.constant 5 : i32
        %add3A_390 = arith.addi %mul3A_388, %add3A_389 : i32
        %dma_start3A_391 = arith.constant 5 : i32
        %dma_start3A_392 = arith.constant 0 : i32
        %dma_start3A_393 = arith.constant 0 : i32
        %dma_start3A_394 = tpu.memref_slice %arg9[%dma_start3A_391, %dma_start3A_392, %dma_start3A_393] : memref<8x128x16xf32, #tpu.memory_space<vmem>> -> memref<1x128x16xf32, #tpu.memory_space<vmem>>
        %dma_start3A_395 = tpu.memref_squeeze %dma_start3A_394 : memref<1x128x16xf32, #tpu.memory_space<vmem>> -> memref<128x16xf32, #tpu.memory_space<vmem>>
        %dma_start3A_396 = arith.constant 0 : i32
        %dma_start3A_397 = tpu.memref_slice %arg8[%add3A_390, %dma_start3A_396] : memref<32x128xi32, #tpu.memory_space<vmem>> -> memref<1x128xi32, #tpu.memory_space<vmem>>
        %dma_start3A_398 = tpu.memref_squeeze %dma_start3A_397 : memref<1x128xi32, #tpu.memory_space<vmem>> -> memref<128xi32, #tpu.memory_space<vmem>>
        %dma_start3A_399 = arith.constant 0 : i32
        %dma_start3A_400 = arith.constant 0 : i32
        %dma_start3A_401 = tpu.memref_slice %arg10[%dma_start3A_399, %dma_start3A_400] : memref<100352x16xf32, #tpu.memory_space<vmem_shared>> -> memref<100352x16xf32, #tpu.memory_space<vmem_shared>>
        tpu.enqueue_indirect_dma source(%dma_start3A_395 : memref<128x16xf32, #tpu.memory_space<vmem>>) target(%dma_start3A_401 : memref<100352x16xf32, #tpu.memory_space<vmem_shared>>) offsets(%dma_start3A_398 : memref<128xi32, #tpu.memory_space<vmem>>) semaphore(%arg24 : memref<!tpu.dma_semaphore, #tpu.memory_space<semaphore_mem>>) {add = true}
        %dma_wait3A_402 = arith.constant 6 : i32
        %dma_wait3A_403 = arith.constant 0 : i32
        %dma_wait3A_404 = arith.constant 0 : i32
        %dma_wait3A_405 = tpu.memref_slice %arg9[%dma_wait3A_402, %dma_wait3A_403, %dma_wait3A_404] : memref<8x128x16xf32, #tpu.memory_space<vmem>> -> memref<1x128x16xf32, #tpu.memory_space<vmem>>
        %dma_wait3A_406 = tpu.memref_squeeze %dma_wait3A_405 : memref<1x128x16xf32, #tpu.memory_space<vmem>> -> memref<128x16xf32, #tpu.memory_space<vmem>>
        %dma_wait3A_407 = arith.constant 0 : i32
        %dma_wait3A_408 = tpu.memref_slice %arg7[%add3A_219, %dma_wait3A_407] : memref<32x128xi32, #tpu.memory_space<vmem>> -> memref<1x128xi32, #tpu.memory_space<vmem>>
        %dma_wait3A_409 = tpu.memref_squeeze %dma_wait3A_408 : memref<1x128xi32, #tpu.memory_space<vmem>> -> memref<128xi32, #tpu.memory_space<vmem>>
        %dma_wait3A_410 = arith.constant 0 : i32
        %dma_wait3A_411 = arith.constant 0 : i32
        %dma_wait3A_412 = tpu.memref_slice %arg2[%dma_wait3A_410, %dma_wait3A_411] : memref<200704x16xf32, #tpu.memory_space<hbm>> -> memref<200704x16xf32, #tpu.memory_space<hbm>>
        tpu.wait_indirect_dma semaphore(%arg17 : memref<!tpu.dma_semaphore, #tpu.memory_space<semaphore_mem>>) src(%dma_wait3A_412 : memref<200704x16xf32, #tpu.memory_space<hbm>>) dst(%dma_wait3A_406 : memref<128x16xf32, #tpu.memory_space<vmem>>)
        %mul3A_413 = arith.constant 8 : i32
        %mul3A_414 = arith.muli %scan3A_120, %mul3A_413 : i32
        %add3A_415 = arith.constant 6 : i32
        %add3A_416 = arith.addi %mul3A_414, %add3A_415 : i32
        %dma_start3A_417 = arith.constant 6 : i32
        %dma_start3A_418 = arith.constant 0 : i32
        %dma_start3A_419 = arith.constant 0 : i32
        %dma_start3A_420 = tpu.memref_slice %arg9[%dma_start3A_417, %dma_start3A_418, %dma_start3A_419] : memref<8x128x16xf32, #tpu.memory_space<vmem>> -> memref<1x128x16xf32, #tpu.memory_space<vmem>>
        %dma_start3A_421 = tpu.memref_squeeze %dma_start3A_420 : memref<1x128x16xf32, #tpu.memory_space<vmem>> -> memref<128x16xf32, #tpu.memory_space<vmem>>
        %dma_start3A_422 = arith.constant 0 : i32
        %dma_start3A_423 = tpu.memref_slice %arg8[%add3A_416, %dma_start3A_422] : memref<32x128xi32, #tpu.memory_space<vmem>> -> memref<1x128xi32, #tpu.memory_space<vmem>>
        %dma_start3A_424 = tpu.memref_squeeze %dma_start3A_423 : memref<1x128xi32, #tpu.memory_space<vmem>> -> memref<128xi32, #tpu.memory_space<vmem>>
        %dma_start3A_425 = arith.constant 0 : i32
        %dma_start3A_426 = arith.constant 0 : i32
        %dma_start3A_427 = tpu.memref_slice %arg10[%dma_start3A_425, %dma_start3A_426] : memref<100352x16xf32, #tpu.memory_space<vmem_shared>> -> memref<100352x16xf32, #tpu.memory_space<vmem_shared>>
        tpu.enqueue_indirect_dma source(%dma_start3A_421 : memref<128x16xf32, #tpu.memory_space<vmem>>) target(%dma_start3A_427 : memref<100352x16xf32, #tpu.memory_space<vmem_shared>>) offsets(%dma_start3A_424 : memref<128xi32, #tpu.memory_space<vmem>>) semaphore(%arg25 : memref<!tpu.dma_semaphore, #tpu.memory_space<semaphore_mem>>) {add = true}
        %dma_wait3A_428 = arith.constant 7 : i32
        %dma_wait3A_429 = arith.constant 0 : i32
        %dma_wait3A_430 = arith.constant 0 : i32
        %dma_wait3A_431 = tpu.memref_slice %arg9[%dma_wait3A_428, %dma_wait3A_429, %dma_wait3A_430] : memref<8x128x16xf32, #tpu.memory_space<vmem>> -> memref<1x128x16xf32, #tpu.memory_space<vmem>>
        %dma_wait3A_432 = tpu.memref_squeeze %dma_wait3A_431 : memref<1x128x16xf32, #tpu.memory_space<vmem>> -> memref<128x16xf32, #tpu.memory_space<vmem>>
        %dma_wait3A_433 = arith.constant 0 : i32
        %dma_wait3A_434 = tpu.memref_slice %arg7[%add3A_234, %dma_wait3A_433] : memref<32x128xi32, #tpu.memory_space<vmem>> -> memref<1x128xi32, #tpu.memory_space<vmem>>
        %dma_wait3A_435 = tpu.memref_squeeze %dma_wait3A_434 : memref<1x128xi32, #tpu.memory_space<vmem>> -> memref<128xi32, #tpu.memory_space<vmem>>
        %dma_wait3A_436 = arith.constant 0 : i32
        %dma_wait3A_437 = arith.constant 0 : i32
        %dma_wait3A_438 = tpu.memref_slice %arg2[%dma_wait3A_436, %dma_wait3A_437] : memref<200704x16xf32, #tpu.memory_space<hbm>> -> memref<200704x16xf32, #tpu.memory_space<hbm>>
        tpu.wait_indirect_dma semaphore(%arg18 : memref<!tpu.dma_semaphore, #tpu.memory_space<semaphore_mem>>) src(%dma_wait3A_438 : memref<200704x16xf32, #tpu.memory_space<hbm>>) dst(%dma_wait3A_432 : memref<128x16xf32, #tpu.memory_space<vmem>>)
        %mul3A_439 = arith.constant 8 : i32
        %mul3A_440 = arith.muli %scan3A_120, %mul3A_439 : i32
        %add3A_441 = arith.constant 7 : i32
        %add3A_442 = arith.addi %mul3A_440, %add3A_441 : i32
        %dma_start3A_443 = arith.constant 7 : i32
        %dma_start3A_444 = arith.constant 0 : i32
        %dma_start3A_445 = arith.constant 0 : i32
        %dma_start3A_446 = tpu.memref_slice %arg9[%dma_start3A_443, %dma_start3A_444, %dma_start3A_445] : memref<8x128x16xf32, #tpu.memory_space<vmem>> -> memref<1x128x16xf32, #tpu.memory_space<vmem>>
        %dma_start3A_447 = tpu.memref_squeeze %dma_start3A_446 : memref<1x128x16xf32, #tpu.memory_space<vmem>> -> memref<128x16xf32, #tpu.memory_space<vmem>>
        %dma_start3A_448 = arith.constant 0 : i32
        %dma_start3A_449 = tpu.memref_slice %arg8[%add3A_442, %dma_start3A_448] : memref<32x128xi32, #tpu.memory_space<vmem>> -> memref<1x128xi32, #tpu.memory_space<vmem>>
        %dma_start3A_450 = tpu.memref_squeeze %dma_start3A_449 : memref<1x128xi32, #tpu.memory_space<vmem>> -> memref<128xi32, #tpu.memory_space<vmem>>
        %dma_start3A_451 = arith.constant 0 : i32
        %dma_start3A_452 = arith.constant 0 : i32
        %dma_start3A_453 = tpu.memref_slice %arg10[%dma_start3A_451, %dma_start3A_452] : memref<100352x16xf32, #tpu.memory_space<vmem_shared>> -> memref<100352x16xf32, #tpu.memory_space<vmem_shared>>
        tpu.enqueue_indirect_dma source(%dma_start3A_447 : memref<128x16xf32, #tpu.memory_space<vmem>>) target(%dma_start3A_453 : memref<100352x16xf32, #tpu.memory_space<vmem_shared>>) offsets(%dma_start3A_450 : memref<128xi32, #tpu.memory_space<vmem>>) semaphore(%arg26 : memref<!tpu.dma_semaphore, #tpu.memory_space<semaphore_mem>>) {add = true}
        %scan3A_454 = arith.constant 0 : i32
        scf.yield %scan3A_454 : i32
      }
      %scan3A_118 = arith.constant 4 : i32
      %scan3A_119 = arith.constant 0 : i32
      scf.yield %scan3A_119 : i32
    }
    %scan3A_8 = arith.constant 25 : i32
    %dma_wait3A = arith.constant 0 : i32
    %dma_wait3A_9 = arith.constant 31 : i32
    %dma_wait3A_10 = arith.constant 0 : i32
    %dma_wait3A_11 = arith.constant 0 : i32
    %dma_wait3A_12 = tpu.memref_slice %arg9[%dma_wait3A, %dma_wait3A_10, %dma_wait3A_11] : memref<8x128x16xf32, #tpu.memory_space<vmem>> -> memref<1x128x16xf32, #tpu.memory_space<vmem>>
    %dma_wait3A_13 = tpu.memref_squeeze %dma_wait3A_12 : memref<1x128x16xf32, #tpu.memory_space<vmem>> -> memref<128x16xf32, #tpu.memory_space<vmem>>
    %dma_wait3A_14 = arith.constant 0 : i32
    %dma_wait3A_15 = tpu.memref_slice %arg8[%dma_wait3A_9, %dma_wait3A_14] : memref<32x128xi32, #tpu.memory_space<vmem>> -> memref<1x128xi32, #tpu.memory_space<vmem>>
    %dma_wait3A_16 = tpu.memref_squeeze %dma_wait3A_15 : memref<1x128xi32, #tpu.memory_space<vmem>> -> memref<128xi32, #tpu.memory_space<vmem>>
    %dma_wait3A_17 = arith.constant 0 : i32
    %dma_wait3A_18 = arith.constant 0 : i32
    %dma_wait3A_19 = tpu.memref_slice %arg10[%dma_wait3A_17, %dma_wait3A_18] : memref<100352x16xf32, #tpu.memory_space<vmem_shared>> -> memref<100352x16xf32, #tpu.memory_space<vmem_shared>>
    tpu.wait_indirect_dma semaphore(%arg19 : memref<!tpu.dma_semaphore, #tpu.memory_space<semaphore_mem>>) src(%dma_wait3A_13 : memref<128x16xf32, #tpu.memory_space<vmem>>) dst(%dma_wait3A_19 : memref<100352x16xf32, #tpu.memory_space<vmem_shared>>)
    %dma_wait3A_20 = arith.constant 1 : i32
    %dma_wait3A_21 = arith.constant 31 : i32
    %dma_wait3A_22 = arith.constant 0 : i32
    %dma_wait3A_23 = arith.constant 0 : i32
    %dma_wait3A_24 = tpu.memref_slice %arg9[%dma_wait3A_20, %dma_wait3A_22, %dma_wait3A_23] : memref<8x128x16xf32, #tpu.memory_space<vmem>> -> memref<1x128x16xf32, #tpu.memory_space<vmem>>
    %dma_wait3A_25 = tpu.memref_squeeze %dma_wait3A_24 : memref<1x128x16xf32, #tpu.memory_space<vmem>> -> memref<128x16xf32, #tpu.memory_space<vmem>>
    %dma_wait3A_26 = arith.constant 0 : i32
    %dma_wait3A_27 = tpu.memref_slice %arg8[%dma_wait3A_21, %dma_wait3A_26] : memref<32x128xi32, #tpu.memory_space<vmem>> -> memref<1x128xi32, #tpu.memory_space<vmem>>
    %dma_wait3A_28 = tpu.memref_squeeze %dma_wait3A_27 : memref<1x128xi32, #tpu.memory_space<vmem>> -> memref<128xi32, #tpu.memory_space<vmem>>
    %dma_wait3A_29 = arith.constant 0 : i32
    %dma_wait3A_30 = arith.constant 0 : i32
    %dma_wait3A_31 = tpu.memref_slice %arg10[%dma_wait3A_29, %dma_wait3A_30] : memref<100352x16xf32, #tpu.memory_space<vmem_shared>> -> memref<100352x16xf32, #tpu.memory_space<vmem_shared>>
    tpu.wait_indirect_dma semaphore(%arg20 : memref<!tpu.dma_semaphore, #tpu.memory_space<semaphore_mem>>) src(%dma_wait3A_25 : memref<128x16xf32, #tpu.memory_space<vmem>>) dst(%dma_wait3A_31 : memref<100352x16xf32, #tpu.memory_space<vmem_shared>>)
    %dma_wait3A_32 = arith.constant 2 : i32
    %dma_wait3A_33 = arith.constant 31 : i32
    %dma_wait3A_34 = arith.constant 0 : i32
    %dma_wait3A_35 = arith.constant 0 : i32
    %dma_wait3A_36 = tpu.memref_slice %arg9[%dma_wait3A_32, %dma_wait3A_34, %dma_wait3A_35] : memref<8x128x16xf32, #tpu.memory_space<vmem>> -> memref<1x128x16xf32, #tpu.memory_space<vmem>>
    %dma_wait3A_37 = tpu.memref_squeeze %dma_wait3A_36 : memref<1x128x16xf32, #tpu.memory_space<vmem>> -> memref<128x16xf32, #tpu.memory_space<vmem>>
    %dma_wait3A_38 = arith.constant 0 : i32
    %dma_wait3A_39 = tpu.memref_slice %arg8[%dma_wait3A_33, %dma_wait3A_38] : memref<32x128xi32, #tpu.memory_space<vmem>> -> memref<1x128xi32, #tpu.memory_space<vmem>>
    %dma_wait3A_40 = tpu.memref_squeeze %dma_wait3A_39 : memref<1x128xi32, #tpu.memory_space<vmem>> -> memref<128xi32, #tpu.memory_space<vmem>>
    %dma_wait3A_41 = arith.constant 0 : i32
    %dma_wait3A_42 = arith.constant 0 : i32
    %dma_wait3A_43 = tpu.memref_slice %arg10[%dma_wait3A_41, %dma_wait3A_42] : memref<100352x16xf32, #tpu.memory_space<vmem_shared>> -> memref<100352x16xf32, #tpu.memory_space<vmem_shared>>
    tpu.wait_indirect_dma semaphore(%arg21 : memref<!tpu.dma_semaphore, #tpu.memory_space<semaphore_mem>>) src(%dma_wait3A_37 : memref<128x16xf32, #tpu.memory_space<vmem>>) dst(%dma_wait3A_43 : memref<100352x16xf32, #tpu.memory_space<vmem_shared>>)
    %dma_wait3A_44 = arith.constant 3 : i32
    %dma_wait3A_45 = arith.constant 31 : i32
    %dma_wait3A_46 = arith.constant 0 : i32
    %dma_wait3A_47 = arith.constant 0 : i32
    %dma_wait3A_48 = tpu.memref_slice %arg9[%dma_wait3A_44, %dma_wait3A_46, %dma_wait3A_47] : memref<8x128x16xf32, #tpu.memory_space<vmem>> -> memref<1x128x16xf32, #tpu.memory_space<vmem>>
    %dma_wait3A_49 = tpu.memref_squeeze %dma_wait3A_48 : memref<1x128x16xf32, #tpu.memory_space<vmem>> -> memref<128x16xf32, #tpu.memory_space<vmem>>
    %dma_wait3A_50 = arith.constant 0 : i32
    %dma_wait3A_51 = tpu.memref_slice %arg8[%dma_wait3A_45, %dma_wait3A_50] : memref<32x128xi32, #tpu.memory_space<vmem>> -> memref<1x128xi32, #tpu.memory_space<vmem>>
    %dma_wait3A_52 = tpu.memref_squeeze %dma_wait3A_51 : memref<1x128xi32, #tpu.memory_space<vmem>> -> memref<128xi32, #tpu.memory_space<vmem>>
    %dma_wait3A_53 = arith.constant 0 : i32
    %dma_wait3A_54 = arith.constant 0 : i32
    %dma_wait3A_55 = tpu.memref_slice %arg10[%dma_wait3A_53, %dma_wait3A_54] : memref<100352x16xf32, #tpu.memory_space<vmem_shared>> -> memref<100352x16xf32, #tpu.memory_space<vmem_shared>>
    tpu.wait_indirect_dma semaphore(%arg22 : memref<!tpu.dma_semaphore, #tpu.memory_space<semaphore_mem>>) src(%dma_wait3A_49 : memref<128x16xf32, #tpu.memory_space<vmem>>) dst(%dma_wait3A_55 : memref<100352x16xf32, #tpu.memory_space<vmem_shared>>)
    %dma_wait3A_56 = arith.constant 4 : i32
    %dma_wait3A_57 = arith.constant 31 : i32
    %dma_wait3A_58 = arith.constant 0 : i32
    %dma_wait3A_59 = arith.constant 0 : i32
    %dma_wait3A_60 = tpu.memref_slice %arg9[%dma_wait3A_56, %dma_wait3A_58, %dma_wait3A_59] : memref<8x128x16xf32, #tpu.memory_space<vmem>> -> memref<1x128x16xf32, #tpu.memory_space<vmem>>
    %dma_wait3A_61 = tpu.memref_squeeze %dma_wait3A_60 : memref<1x128x16xf32, #tpu.memory_space<vmem>> -> memref<128x16xf32, #tpu.memory_space<vmem>>
    %dma_wait3A_62 = arith.constant 0 : i32
    %dma_wait3A_63 = tpu.memref_slice %arg8[%dma_wait3A_57, %dma_wait3A_62] : memref<32x128xi32, #tpu.memory_space<vmem>> -> memref<1x128xi32, #tpu.memory_space<vmem>>
    %dma_wait3A_64 = tpu.memref_squeeze %dma_wait3A_63 : memref<1x128xi32, #tpu.memory_space<vmem>> -> memref<128xi32, #tpu.memory_space<vmem>>
    %dma_wait3A_65 = arith.constant 0 : i32
    %dma_wait3A_66 = arith.constant 0 : i32
    %dma_wait3A_67 = tpu.memref_slice %arg10[%dma_wait3A_65, %dma_wait3A_66] : memref<100352x16xf32, #tpu.memory_space<vmem_shared>> -> memref<100352x16xf32, #tpu.memory_space<vmem_shared>>
    tpu.wait_indirect_dma semaphore(%arg23 : memref<!tpu.dma_semaphore, #tpu.memory_space<semaphore_mem>>) src(%dma_wait3A_61 : memref<128x16xf32, #tpu.memory_space<vmem>>) dst(%dma_wait3A_67 : memref<100352x16xf32, #tpu.memory_space<vmem_shared>>)
    %dma_wait3A_68 = arith.constant 5 : i32
    %dma_wait3A_69 = arith.constant 31 : i32
    %dma_wait3A_70 = arith.constant 0 : i32
    %dma_wait3A_71 = arith.constant 0 : i32
    %dma_wait3A_72 = tpu.memref_slice %arg9[%dma_wait3A_68, %dma_wait3A_70, %dma_wait3A_71] : memref<8x128x16xf32, #tpu.memory_space<vmem>> -> memref<1x128x16xf32, #tpu.memory_space<vmem>>
    %dma_wait3A_73 = tpu.memref_squeeze %dma_wait3A_72 : memref<1x128x16xf32, #tpu.memory_space<vmem>> -> memref<128x16xf32, #tpu.memory_space<vmem>>
    %dma_wait3A_74 = arith.constant 0 : i32
    %dma_wait3A_75 = tpu.memref_slice %arg8[%dma_wait3A_69, %dma_wait3A_74] : memref<32x128xi32, #tpu.memory_space<vmem>> -> memref<1x128xi32, #tpu.memory_space<vmem>>
    %dma_wait3A_76 = tpu.memref_squeeze %dma_wait3A_75 : memref<1x128xi32, #tpu.memory_space<vmem>> -> memref<128xi32, #tpu.memory_space<vmem>>
    %dma_wait3A_77 = arith.constant 0 : i32
    %dma_wait3A_78 = arith.constant 0 : i32
    %dma_wait3A_79 = tpu.memref_slice %arg10[%dma_wait3A_77, %dma_wait3A_78] : memref<100352x16xf32, #tpu.memory_space<vmem_shared>> -> memref<100352x16xf32, #tpu.memory_space<vmem_shared>>
    tpu.wait_indirect_dma semaphore(%arg24 : memref<!tpu.dma_semaphore, #tpu.memory_space<semaphore_mem>>) src(%dma_wait3A_73 : memref<128x16xf32, #tpu.memory_space<vmem>>) dst(%dma_wait3A_79 : memref<100352x16xf32, #tpu.memory_space<vmem_shared>>)
    %dma_wait3A_80 = arith.constant 6 : i32
    %dma_wait3A_81 = arith.constant 31 : i32
    %dma_wait3A_82 = arith.constant 0 : i32
    %dma_wait3A_83 = arith.constant 0 : i32
    %dma_wait3A_84 = tpu.memref_slice %arg9[%dma_wait3A_80, %dma_wait3A_82, %dma_wait3A_83] : memref<8x128x16xf32, #tpu.memory_space<vmem>> -> memref<1x128x16xf32, #tpu.memory_space<vmem>>
    %dma_wait3A_85 = tpu.memref_squeeze %dma_wait3A_84 : memref<1x128x16xf32, #tpu.memory_space<vmem>> -> memref<128x16xf32, #tpu.memory_space<vmem>>
    %dma_wait3A_86 = arith.constant 0 : i32
    %dma_wait3A_87 = tpu.memref_slice %arg8[%dma_wait3A_81, %dma_wait3A_86] : memref<32x128xi32, #tpu.memory_space<vmem>> -> memref<1x128xi32, #tpu.memory_space<vmem>>
    %dma_wait3A_88 = tpu.memref_squeeze %dma_wait3A_87 : memref<1x128xi32, #tpu.memory_space<vmem>> -> memref<128xi32, #tpu.memory_space<vmem>>
    %dma_wait3A_89 = arith.constant 0 : i32
    %dma_wait3A_90 = arith.constant 0 : i32
    %dma_wait3A_91 = tpu.memref_slice %arg10[%dma_wait3A_89, %dma_wait3A_90] : memref<100352x16xf32, #tpu.memory_space<vmem_shared>> -> memref<100352x16xf32, #tpu.memory_space<vmem_shared>>
    tpu.wait_indirect_dma semaphore(%arg25 : memref<!tpu.dma_semaphore, #tpu.memory_space<semaphore_mem>>) src(%dma_wait3A_85 : memref<128x16xf32, #tpu.memory_space<vmem>>) dst(%dma_wait3A_91 : memref<100352x16xf32, #tpu.memory_space<vmem_shared>>)
    %dma_wait3A_92 = arith.constant 7 : i32
    %dma_wait3A_93 = arith.constant 31 : i32
    %dma_wait3A_94 = arith.constant 0 : i32
    %dma_wait3A_95 = arith.constant 0 : i32
    %dma_wait3A_96 = tpu.memref_slice %arg9[%dma_wait3A_92, %dma_wait3A_94, %dma_wait3A_95] : memref<8x128x16xf32, #tpu.memory_space<vmem>> -> memref<1x128x16xf32, #tpu.memory_space<vmem>>
    %dma_wait3A_97 = tpu.memref_squeeze %dma_wait3A_96 : memref<1x128x16xf32, #tpu.memory_space<vmem>> -> memref<128x16xf32, #tpu.memory_space<vmem>>
    %dma_wait3A_98 = arith.constant 0 : i32
    %dma_wait3A_99 = tpu.memref_slice %arg8[%dma_wait3A_93, %dma_wait3A_98] : memref<32x128xi32, #tpu.memory_space<vmem>> -> memref<1x128xi32, #tpu.memory_space<vmem>>
    %dma_wait3A_100 = tpu.memref_squeeze %dma_wait3A_99 : memref<1x128xi32, #tpu.memory_space<vmem>> -> memref<128xi32, #tpu.memory_space<vmem>>
    %dma_wait3A_101 = arith.constant 0 : i32
    %dma_wait3A_102 = arith.constant 0 : i32
    %dma_wait3A_103 = tpu.memref_slice %arg10[%dma_wait3A_101, %dma_wait3A_102] : memref<100352x16xf32, #tpu.memory_space<vmem_shared>> -> memref<100352x16xf32, #tpu.memory_space<vmem_shared>>
    tpu.wait_indirect_dma semaphore(%arg26 : memref<!tpu.dma_semaphore, #tpu.memory_space<semaphore_mem>>) src(%dma_wait3A_97 : memref<128x16xf32, #tpu.memory_space<vmem>>) dst(%dma_wait3A_103 : memref<100352x16xf32, #tpu.memory_space<vmem_shared>>)
    %barrier3A_104 = arith.constant 0 : index
    tpu.barrier barrier_id(%barrier3A_104)
    "tpu.region"() ({
      %run_scoped3A = tpu.sem_alloc : memref<!tpu.dma_semaphore, #tpu.memory_space<semaphore_mem>>
      %dma_start3A = arith.constant 0 : i32
      %dma_start3A_105 = tpu.memref_slice %arg6[%mul3A_0, %arg0, %dma_start3A] : memref<100352x2x16xf32, #tpu.memory_space<hbm>> -> memref<6272x1x16xf32, #tpu.memory_space<hbm>>
      %dma_start3A_106 = tpu.memref_squeeze %dma_start3A_105 : memref<6272x1x16xf32, #tpu.memory_space<hbm>> -> memref<6272x16xf32, #tpu.memory_space<hbm>>
      %dma_start3A_107 = arith.constant 0 : i32
      %dma_start3A_108 = tpu.memref_slice %arg10[%mul3A_0, %dma_start3A_107] : memref<100352x16xf32, #tpu.memory_space<vmem_shared>> -> memref<6272x16xf32, #tpu.memory_space<vmem_shared>>
      tpu.enqueue_dma source(%dma_start3A_108 : memref<6272x16xf32, #tpu.memory_space<vmem_shared>>) target(%dma_start3A_106 : memref<6272x16xf32, #tpu.memory_space<hbm>>) target_semaphore(%run_scoped3A : memref<!tpu.dma_semaphore, #tpu.memory_space<semaphore_mem>>)
      %dma_wait3A_109 = arith.constant 0 : i32
      %dma_wait3A_110 = tpu.memref_slice %arg6[%mul3A_0, %arg0, %dma_wait3A_109] : memref<100352x2x16xf32, #tpu.memory_space<hbm>> -> memref<6272x1x16xf32, #tpu.memory_space<hbm>>
      %dma_wait3A_111 = tpu.memref_squeeze %dma_wait3A_110 : memref<6272x1x16xf32, #tpu.memory_space<hbm>> -> memref<6272x16xf32, #tpu.memory_space<hbm>>
      %dma_wait3A_112 = arith.constant 0 : i32
      %dma_wait3A_113 = tpu.memref_slice %arg10[%mul3A_0, %dma_wait3A_112] : memref<100352x16xf32, #tpu.memory_space<vmem_shared>> -> memref<6272x16xf32, #tpu.memory_space<vmem_shared>>
      tpu.wait_dma2 semaphore(%run_scoped3A : memref<!tpu.dma_semaphore, #tpu.memory_space<semaphore_mem>>) src(%dma_wait3A_113 : memref<6272x16xf32, #tpu.memory_space<vmem_shared>>) dst(%dma_wait3A_111 : memref<6272x16xf32, #tpu.memory_space<hbm>>)
      tpu.yield
    }) : () -> ()
    return
  }
}

module attributes {stable_mosaic.version = 14 : i64} {
  func.func @_a_body(%arg0: i32, %arg1: memref<256x128xf32, #tpu.memory_space<vmem>>, %arg2: memref<256x128xf32, #tpu.memory_space<vmem>>, %arg3: memref<128x128xf32, #tpu.memory_space<vmem>>, %arg4: memref<128x128xf32, #tpu.memory_space<vmem>>, %arg5: memref<256x128xf32, #tpu.memory_space<vmem>>, %arg6: memref<256x128xf32, #tpu.memory_space<vmem>>) attributes {dimension_semantics = [#tpu.dimension_semantics<arbitrary>], iteration_bounds = array<i64: 98>, scalar_prefetch = 0 : i64, scratch_operands = 0 : i64, tpu.core_type = #tpu.core_type<tc>, window_params = [{transform_indices = @transform_0, window_bounds = array<i64: 256, 128>}, {transform_indices = @transform_1, window_bounds = array<i64: 256, 128>}, {pipeline_mode = #tpu.pipeline_mode<synchronous>, transform_indices = @transform_2, window_bounds = array<i64: 128, 128>}, {pipeline_mode = #tpu.pipeline_mode<synchronous>, transform_indices = @transform_3, window_bounds = array<i64: 128, 128>}, {transform_indices = @transform_4, window_bounds = array<i64: 256, 128>}, {transform_indices = @transform_5, window_bounds = array<i64: 256, 128>}]} {
    %get3A = arith.constant 0 : index
    %get3A_0 = arith.constant 0 : index
    %get3A_1 = vector.load %arg2[%get3A, %get3A_0] : memref<256x128xf32, #tpu.memory_space<vmem>>, vector<256x128xf32>
    %max3A = arith.constant 0.000000e+00 : f32
    %max3A_2 = vector.broadcast %max3A : f32 to vector<256x128xf32>
    %max3A_3 = arith.maximumf %get3A_1, %max3A_2 : vector<256x128xf32>
    %get3A_4 = arith.constant 0 : index
    %get3A_5 = arith.constant 0 : index
    %get3A_6 = vector.load %arg3[%get3A_4, %get3A_5] : memref<128x128xf32, #tpu.memory_space<vmem>>, vector<128x128xf32>
    %dot_general3A = arith.constant dense<0.000000e+00> : vector<256x128xf32>
    %dot_general3A_7 = tpu.matmul %max3A_3, %get3A_6, %dot_general3A {dimension_numbers = #tpu.dot_dimension_numbers<[1], [0], [0], [1], [0, 0, 1, 1], [], []>, transpose_lhs_hint = false} : vector<256x128xf32>, vector<128x128xf32>, vector<256x128xf32> -> vector<256x128xf32>
    %add3A = arith.constant 1.000000e+00 : f32
    %add3A_8 = vector.broadcast %add3A : f32 to vector<256x128xf32>
    %add3A_9 = arith.addf %add3A_8, %dot_general3A_7 : vector<256x128xf32>
    %rsqrt3A = math.rsqrt %add3A_9 : vector<256x128xf32>
    %get3A_10 = arith.constant 0 : index
    %get3A_11 = arith.constant 0 : index
    %get3A_12 = vector.load %arg1[%get3A_10, %get3A_11] : memref<256x128xf32, #tpu.memory_space<vmem>>, vector<256x128xf32>
    %get3A_13 = arith.constant 0 : index
    %get3A_14 = arith.constant 0 : index
    %get3A_15 = vector.load %arg4[%get3A_13, %get3A_14] : memref<128x128xf32, #tpu.memory_space<vmem>>, vector<128x128xf32>
    %dot_general3A_16 = arith.constant dense<0.000000e+00> : vector<256x128xf32>
    %dot_general3A_17 = tpu.matmul %get3A_12, %get3A_15, %dot_general3A_16 {dimension_numbers = #tpu.dot_dimension_numbers<[1], [0], [0], [1], [0, 0, 1, 1], [], []>, transpose_lhs_hint = false} : vector<256x128xf32>, vector<128x128xf32>, vector<256x128xf32> -> vector<256x128xf32>
    %mul3A = arith.mulf %dot_general3A_17, %rsqrt3A : vector<256x128xf32>
    %swap3A = arith.constant 0 : index
    %swap3A_18 = arith.constant 0 : index
    %swap3A_19 = vector.load %arg5[%swap3A, %swap3A_18] : memref<256x128xf32, #tpu.memory_space<vmem>>, vector<256x128xf32>
    tpu.vector_store %arg5[%swap3A, %swap3A_18], %mul3A {strides = array<i32>} : memref<256x128xf32, #tpu.memory_space<vmem>>, vector<256x128xf32>,
    %swap3A_20 = arith.constant 0 : index
    %swap3A_21 = arith.constant 0 : index
    %swap3A_22 = vector.load %arg6[%swap3A_20, %swap3A_21] : memref<256x128xf32, #tpu.memory_space<vmem>>, vector<256x128xf32>
    tpu.vector_store %arg6[%swap3A_20, %swap3A_21], %rsqrt3A {strides = array<i32>} : memref<256x128xf32, #tpu.memory_space<vmem>>, vector<256x128xf32>,
    return
  }
  func.func @transform_0(%arg0: i32) -> (i32, i32) {
    %c0_i32 = arith.constant 0 : i32
    %c0_i32_0 = arith.constant 0 : i32
    return %arg0, %c0_i32 : i32, i32
  }
  func.func @transform_1(%arg0: i32) -> (i32, i32) {
    %c0_i32 = arith.constant 0 : i32
    %c0_i32_0 = arith.constant 0 : i32
    return %arg0, %c0_i32 : i32, i32
  }
  func.func @transform_2(%arg0: i32) -> (i32, i32) {
    %c0_i32 = arith.constant 0 : i32
    %c0_i32_0 = arith.constant 0 : i32
    %c0_i32_1 = arith.constant 0 : i32
    return %c0_i32, %c0_i32_0 : i32, i32
  }
  func.func @transform_3(%arg0: i32) -> (i32, i32) {
    %c0_i32 = arith.constant 0 : i32
    %c0_i32_0 = arith.constant 0 : i32
    %c0_i32_1 = arith.constant 0 : i32
    return %c0_i32, %c0_i32_0 : i32, i32
  }
  func.func @transform_4(%arg0: i32) -> (i32, i32) {
    %c0_i32 = arith.constant 0 : i32
    %c0_i32_0 = arith.constant 0 : i32
    return %arg0, %c0_i32 : i32, i32
  }
  func.func @transform_5(%arg0: i32) -> (i32, i32) {
    %c0_i32 = arith.constant 0 : i32
    %c0_i32_0 = arith.constant 0 : i32
    return %arg0, %c0_i32 : i32, i32
  }
}

module attributes {stable_mosaic.version = 14 : i64} {
  func.func @_layer_body(%arg0: i32, %arg1: i32, %arg2: memref<256x128xf32, #tpu.memory_space<vmem>>, %arg3: memref<256x128xf32, #tpu.memory_space<vmem>>, %arg4: memref<256x128xf32, #tpu.memory_space<vmem>>, %arg5: memref<1x128xf32, #tpu.memory_space<vmem>>, %arg6: memref<1x128xf32, #tpu.memory_space<vmem>>, %arg7: memref<1x128xf32, #tpu.memory_space<vmem>>, %arg8: memref<128x128xf32, #tpu.memory_space<vmem>>, %arg9: memref<128x128xf32, #tpu.memory_space<vmem>>, %arg10: memref<256x128xf32, #tpu.memory_space<vmem>>, %arg11: memref<8x128xf32, #tpu.memory_space<vmem>>) attributes {dimension_semantics = [#tpu.dimension_semantics<arbitrary>, #tpu.dimension_semantics<arbitrary>], iteration_bounds = array<i64: 2, 98>, scalar_prefetch = 0 : i64, scratch_operands = 1 : i64, tpu.core_type = #tpu.core_type<tc>, window_params = [{transform_indices = @transform_0, window_bounds = array<i64: 256, 128>}, {transform_indices = @transform_1, window_bounds = array<i64: 256, 128>}, {transform_indices = @transform_2, window_bounds = array<i64: 256, 128>}, {pipeline_mode = #tpu.pipeline_mode<synchronous>, transform_indices = @transform_3, window_bounds = array<i64: 1, 128>}, {pipeline_mode = #tpu.pipeline_mode<synchronous>, transform_indices = @transform_4, window_bounds = array<i64: 1, 128>}, {pipeline_mode = #tpu.pipeline_mode<synchronous>, transform_indices = @transform_5, window_bounds = array<i64: 1, 128>}, {pipeline_mode = #tpu.pipeline_mode<synchronous>, transform_indices = @transform_6, window_bounds = array<i64: 128, 128>}, {pipeline_mode = #tpu.pipeline_mode<synchronous>, transform_indices = @transform_7, window_bounds = array<i64: 128, 128>}, {transform_indices = @transform_8, window_bounds = array<i64: 256, 128>}]} {
    %get3A = arith.constant 0 : index
    %get3A_0 = arith.constant 0 : index
    %get3A_1 = vector.load %arg4[%get3A, %get3A_0] : memref<256x128xf32, #tpu.memory_space<vmem>>, vector<256x128xf32>
    %get3A_2 = arith.constant 0 : index
    %get3A_3 = arith.constant 0 : index
    %get3A_4 = vector.load %arg2[%get3A_2, %get3A_3] : memref<256x128xf32, #tpu.memory_space<vmem>>, vector<256x128xf32>
    %get3A_5 = arith.constant 0 : index
    %get3A_6 = arith.constant 0 : index
    %get3A_7 = vector.load %arg3[%get3A_5, %get3A_6] : memref<256x128xf32, #tpu.memory_space<vmem>>, vector<256x128xf32>
    %add3A = arith.addf %get3A_4, %get3A_7 : vector<256x128xf32>
    %mul3A = arith.mulf %add3A, %get3A_1 : vector<256x128xf32>
    %get3A_8 = arith.constant 0 : index
    %get3A_9 = arith.constant 0 : index
    %get3A_10 = vector.load %arg5[%get3A_8, %get3A_9] : memref<1x128xf32, #tpu.memory_space<vmem>>, vector<1x128xf32>
    %add3A_11 = vector.broadcast %get3A_10 : vector<1x128xf32> to vector<256x128xf32>
    %add3A_12 = arith.addf %mul3A, %add3A_11 : vector<256x128xf32>
    %eq3A = arith.constant 0 : i32
    %eq3A_13 = arith.cmpi eq, %arg0, %eq3A : i32
    %convert_element_type3A = arith.extui %eq3A_13 : i1 to i32
    %cond3A = arith.constant 0 : i32
    %cond3A_14 = arith.cmpi ne, %convert_element_type3A, %cond3A : i32
    scf.if %cond3A_14 {
      %iota3A = tpu.iota {dimensions = array<i32: 0>} : vector<256x1xi32>
      %mul3A_20 = arith.constant 256 : i32
      %mul3A_21 = arith.muli %arg1, %mul3A_20 : i32
      %add3A_22 = vector.broadcast %mul3A_21 : i32 to vector<256x1xi32>
      %add3A_23 = arith.addi %iota3A, %add3A_22 : vector<256x1xi32>
      %lt3A = arith.constant 25000 : i32
      %lt3A_24 = vector.broadcast %lt3A : i32 to vector<256x1xi32>
      %lt3A_25 = arith.cmpi slt, %add3A_23, %lt3A_24 : vector<256x1xi32>
      %jit3A = arith.constant 0.000000e+00 : f32
      %broadcast_in_dim3A = vector.shape_cast %lt3A_25 : vector<256x1xi1> to vector<256x1xi1>
      %broadcast_in_dim3A_26 = vector.broadcast %broadcast_in_dim3A : vector<256x1xi1> to vector<256x128xi1>
      %broadcast_in_dim3A_27 = vector.broadcast %jit3A : f32 to vector<256x128xf32>
      %select_n3A = arith.select %broadcast_in_dim3A_26, %add3A_12, %broadcast_in_dim3A_27 : vector<256x128xi1>, vector<256x128xf32>
      %reduce_sum3A = arith.constant dense<0.000000e+00> : vector<128xf32>
      %reduce_sum3A_28 = vector.multi_reduction <add>, %select_n3A, %reduce_sum3A [0] : vector<256x128xf32> to vector<128xf32>
      %mul3A_29 = arith.mulf %select_n3A, %select_n3A : vector<256x128xf32>
      %reduce_sum3A_30 = arith.constant dense<0.000000e+00> : vector<128xf32>
      %reduce_sum3A_31 = vector.multi_reduction <add>, %mul3A_29, %reduce_sum3A_30 [0] : vector<256x128xf32> to vector<128xf32>
      %broadcast_in_dim3A_32 = vector.shape_cast %reduce_sum3A_28 : vector<128xf32> to vector<1x128xf32>
      %broadcast_in_dim3A_33 = vector.shape_cast %reduce_sum3A_31 : vector<128xf32> to vector<1x128xf32>
      %broadcast_in_dim3A_34 = arith.constant 0.000000e+00 : f32
      %broadcast_in_dim3A_35 = vector.broadcast %broadcast_in_dim3A_34 : f32 to vector<6x128xf32>
      %concatenate3A = tpu.concatenate %broadcast_in_dim3A_32, %broadcast_in_dim3A_33, %broadcast_in_dim3A_35 in 0 : vector<1x128xf32>, vector<1x128xf32>, vector<6x128xf32> -> vector<8x128xf32>
      %eq3A_36 = arith.constant 0 : i32
      %eq3A_37 = arith.cmpi eq, %arg1, %eq3A_36 : i32
      %convert_element_type3A_38 = arith.extui %eq3A_37 : i1 to i32
      %cond3A_39 = arith.constant 0 : i32
      %cond3A_40 = arith.cmpi ne, %convert_element_type3A_38, %cond3A_39 : i32
      scf.if %cond3A_40 {
        %broadcast_in_dim3A_51 = arith.constant 0.000000e+00 : f32
        %broadcast_in_dim3A_52 = vector.broadcast %broadcast_in_dim3A_51 : f32 to vector<8x128xf32>
        %swap3A_53 = arith.constant 0 : index
        %swap3A_54 = arith.constant 0 : index
        %swap3A_55 = vector.load %arg11[%swap3A_53, %swap3A_54] : memref<8x128xf32, #tpu.memory_space<vmem>>, vector<8x128xf32>
        tpu.vector_store %arg11[%swap3A_53, %swap3A_54], %broadcast_in_dim3A_52 {strides = array<i32>} : memref<8x128xf32, #tpu.memory_space<vmem>>, vector<8x128xf32>,
      } else {
      }
      %get3A_41 = arith.constant 0 : index
      %get3A_42 = arith.constant 0 : index
      %get3A_43 = vector.load %arg11[%get3A_41, %get3A_42] : memref<8x128xf32, #tpu.memory_space<vmem>>, vector<8x128xf32>
      %get3A_44 = arith.constant 0 : index
      %get3A_45 = arith.constant 0 : index
      %get3A_46 = vector.load %arg8[%get3A_44, %get3A_45] : memref<128x128xf32, #tpu.memory_space<vmem>>, vector<128x128xf32>
      %dot_general3A = arith.constant dense<0.000000e+00> : vector<8x128xf32>
      %dot_general3A_47 = tpu.matmul %concatenate3A, %get3A_46, %dot_general3A {dimension_numbers = #tpu.dot_dimension_numbers<[1], [0], [0], [1], [0, 0, 1, 1], [], []>, transpose_lhs_hint = false} : vector<8x128xf32>, vector<128x128xf32>, vector<8x128xf32> -> vector<8x128xf32>
      %add3A_48 = arith.addf %get3A_43, %dot_general3A_47 : vector<8x128xf32>
      %swap3A = arith.constant 0 : index
      %swap3A_49 = arith.constant 0 : index
      %swap3A_50 = vector.load %arg11[%swap3A, %swap3A_49] : memref<8x128xf32, #tpu.memory_space<vmem>>, vector<8x128xf32>
      tpu.vector_store %arg11[%swap3A, %swap3A_49], %add3A_48 {strides = array<i32>} : memref<8x128xf32, #tpu.memory_space<vmem>>, vector<8x128xf32>,
    } else {
    }
    %eq3A_15 = arith.constant 1 : i32
    %eq3A_16 = arith.cmpi eq, %arg0, %eq3A_15 : i32
    %convert_element_type3A_17 = arith.extui %eq3A_16 : i1 to i32
    %cond3A_18 = arith.constant 0 : i32
    %cond3A_19 = arith.cmpi ne, %convert_element_type3A_17, %cond3A_18 : i32
    scf.if %cond3A_19 {
      %get3A_20 = arith.constant 0 : index
      %get3A_21 = arith.constant 0 : index
      %get3A_22 = vector.load %arg11[%get3A_20, %get3A_21] : memref<8x128xf32, #tpu.memory_space<vmem>>, vector<1x128xf32>
      %div3A = arith.constant 1.000000e+05 : f32
      %div3A_23 = vector.broadcast %div3A : f32 to vector<1x128xf32>
      %div3A_24 = arith.divf %get3A_22, %div3A_23 : vector<1x128xf32>
      %get3A_25 = arith.constant 1 : index
      %get3A_26 = arith.constant 0 : index
      %get3A_27 = vector.load %arg11[%get3A_25, %get3A_26] : memref<8x128xf32, #tpu.memory_space<vmem>>, vector<1x128xf32>
      %div3A_28 = arith.constant 1.000000e+05 : f32
      %div3A_29 = vector.broadcast %div3A_28 : f32 to vector<1x128xf32>
      %div3A_30 = arith.divf %get3A_27, %div3A_29 : vector<1x128xf32>
      %mul3A_31 = arith.mulf %div3A_24, %div3A_24 : vector<1x128xf32>
      %sub3A = arith.subf %div3A_30, %mul3A_31 : vector<1x128xf32>
      %get3A_32 = arith.constant 0 : index
      %get3A_33 = arith.constant 0 : index
      %get3A_34 = vector.load %arg6[%get3A_32, %get3A_33] : memref<1x128xf32, #tpu.memory_space<vmem>>, vector<1x128xf32>
      %add3A_35 = arith.constant 9.99999974E-6 : f32
      %add3A_36 = vector.broadcast %add3A_35 : f32 to vector<1x128xf32>
      %add3A_37 = arith.addf %sub3A, %add3A_36 : vector<1x128xf32>
      %rsqrt3A = math.rsqrt %add3A_37 : vector<1x128xf32>
      %mul3A_38 = arith.mulf %get3A_34, %rsqrt3A : vector<1x128xf32>
      %sub3A_39 = vector.broadcast %div3A_24 : vector<1x128xf32> to vector<256x128xf32>
      %sub3A_40 = arith.subf %add3A_12, %sub3A_39 : vector<256x128xf32>
      %mul3A_41 = vector.broadcast %mul3A_38 : vector<1x128xf32> to vector<256x128xf32>
      %mul3A_42 = arith.mulf %sub3A_40, %mul3A_41 : vector<256x128xf32>
      %get3A_43 = arith.constant 0 : index
      %get3A_44 = arith.constant 0 : index
      %get3A_45 = vector.load %arg7[%get3A_43, %get3A_44] : memref<1x128xf32, #tpu.memory_space<vmem>>, vector<1x128xf32>
      %add3A_46 = vector.broadcast %get3A_45 : vector<1x128xf32> to vector<256x128xf32>
      %add3A_47 = arith.addf %mul3A_42, %add3A_46 : vector<256x128xf32>
      %max3A = arith.constant 0.000000e+00 : f32
      %max3A_48 = vector.broadcast %max3A : f32 to vector<256x128xf32>
      %max3A_49 = arith.maximumf %add3A_47, %max3A_48 : vector<256x128xf32>
      %get3A_50 = arith.constant 0 : index
      %get3A_51 = arith.constant 0 : index
      %get3A_52 = vector.load %arg9[%get3A_50, %get3A_51] : memref<128x128xf32, #tpu.memory_space<vmem>>, vector<128x128xf32>
      %dot_general3A = arith.constant dense<0.000000e+00> : vector<256x128xf32>
      %dot_general3A_53 = tpu.matmul %max3A_49, %get3A_52, %dot_general3A {dimension_numbers = #tpu.dot_dimension_numbers<[1], [0], [0], [1], [0, 0, 1, 1], [], []>, transpose_lhs_hint = false} : vector<256x128xf32>, vector<128x128xf32>, vector<256x128xf32> -> vector<256x128xf32>
      %mul3A_54 = arith.mulf %dot_general3A_53, %get3A_1 : vector<256x128xf32>
      %swap3A = arith.constant 0 : index
      %swap3A_55 = arith.constant 0 : index
      %swap3A_56 = vector.load %arg10[%swap3A, %swap3A_55] : memref<256x128xf32, #tpu.memory_space<vmem>>, vector<256x128xf32>
      tpu.vector_store %arg10[%swap3A, %swap3A_55], %mul3A_54 {strides = array<i32>} : memref<256x128xf32, #tpu.memory_space<vmem>>, vector<256x128xf32>,
    } else {
    }
    return
  }
  func.func @transform_0(%arg0: i32, %arg1: i32) -> (i32, i32) {
    %c0_i32 = arith.constant 0 : i32
    %c0_i32_0 = arith.constant 0 : i32
    return %arg1, %c0_i32 : i32, i32
  }
  func.func @transform_1(%arg0: i32, %arg1: i32) -> (i32, i32) {
    %c0_i32 = arith.constant 0 : i32
    %c0_i32_0 = arith.constant 0 : i32
    return %arg1, %c0_i32 : i32, i32
  }
  func.func @transform_2(%arg0: i32, %arg1: i32) -> (i32, i32) {
    %c0_i32 = arith.constant 0 : i32
    %c0_i32_0 = arith.constant 0 : i32
    return %arg1, %c0_i32 : i32, i32
  }
  func.func @transform_3(%arg0: i32, %arg1: i32) -> (i32, i32) {
    %c0_i32 = arith.constant 0 : i32
    %c0_i32_0 = arith.constant 0 : i32
    %c0_i32_1 = arith.constant 0 : i32
    return %c0_i32, %c0_i32_0 : i32, i32
  }
  func.func @transform_4(%arg0: i32, %arg1: i32) -> (i32, i32) {
    %c0_i32 = arith.constant 0 : i32
    %c0_i32_0 = arith.constant 0 : i32
    %c0_i32_1 = arith.constant 0 : i32
    return %c0_i32, %c0_i32_0 : i32, i32
  }
  func.func @transform_5(%arg0: i32, %arg1: i32) -> (i32, i32) {
    %c0_i32 = arith.constant 0 : i32
    %c0_i32_0 = arith.constant 0 : i32
    %c0_i32_1 = arith.constant 0 : i32
    return %c0_i32, %c0_i32_0 : i32, i32
  }
  func.func @transform_6(%arg0: i32, %arg1: i32) -> (i32, i32) {
    %c0_i32 = arith.constant 0 : i32
    %c0_i32_0 = arith.constant 0 : i32
    %c0_i32_1 = arith.constant 0 : i32
    return %c0_i32, %c0_i32_0 : i32, i32
  }
  func.func @transform_7(%arg0: i32, %arg1: i32) -> (i32, i32) {
    %c0_i32 = arith.constant 0 : i32
    %c0_i32_0 = arith.constant 0 : i32
    %c0_i32_1 = arith.constant 0 : i32
    return %c0_i32, %c0_i32_0 : i32, i32
  }
  func.func @transform_8(%arg0: i32, %arg1: i32) -> (i32, i32) {
    %c0_i32 = arith.constant 0 : i32
    %c0_i32_0 = arith.constant 0 : i32
    return %arg1, %c0_i32 : i32, i32
  }
}

module attributes {stable_mosaic.version = 14 : i64} {
  func.func @_tail_body(%arg0: i32, %arg1: memref<256x128xf32, #tpu.memory_space<vmem>>, %arg2: memref<256x128xf32, #tpu.memory_space<vmem>>, %arg3: memref<256x128xf32, #tpu.memory_space<vmem>>, %arg4: memref<1x128xf32, #tpu.memory_space<vmem>>, %arg5: memref<256x4xi32, #tpu.memory_space<vmem>>, %arg6: memref<128x16xf32, #tpu.memory_space<vmem>>, %arg7: memref<16x16xf32, #tpu.memory_space<vmem>>, %arg8: memref<1x16xf32, #tpu.memory_space<vmem>>, %arg9: memref<48x32xf32, #tpu.memory_space<vmem>>, %arg10: memref<1x32xf32, #tpu.memory_space<vmem>>, %arg11: memref<32x5xf32, #tpu.memory_space<vmem>>, %arg12: memref<1x5xf32, #tpu.memory_space<vmem>>, %arg13: memref<128x5xf32, #tpu.memory_space<vmem>>, %arg14: memref<128x32xf32, #tpu.memory_space<vmem>>, %arg15: memref<128x1xf32, #tpu.memory_space<vmem>>) attributes {dimension_semantics = [#tpu.dimension_semantics<arbitrary>], iteration_bounds = array<i64: 99>, scalar_prefetch = 0 : i64, scratch_operands = 2 : i64, tpu.core_type = #tpu.core_type<tc>, window_params = [{transform_indices = @transform_0, window_bounds = array<i64: 256, 128>}, {transform_indices = @transform_1, window_bounds = array<i64: 256, 128>}, {transform_indices = @transform_2, window_bounds = array<i64: 256, 128>}, {pipeline_mode = #tpu.pipeline_mode<synchronous>, transform_indices = @transform_3, window_bounds = array<i64: 1, 128>}, {transform_indices = @transform_4, window_bounds = array<i64: 256, 4>}, {pipeline_mode = #tpu.pipeline_mode<synchronous>, transform_indices = @transform_5, window_bounds = array<i64: 128, 16>}, {pipeline_mode = #tpu.pipeline_mode<synchronous>, transform_indices = @transform_6, window_bounds = array<i64: 16, 16>}, {pipeline_mode = #tpu.pipeline_mode<synchronous>, transform_indices = @transform_7, window_bounds = array<i64: 1, 16>}, {pipeline_mode = #tpu.pipeline_mode<synchronous>, transform_indices = @transform_8, window_bounds = array<i64: 48, 32>}, {pipeline_mode = #tpu.pipeline_mode<synchronous>, transform_indices = @transform_9, window_bounds = array<i64: 1, 32>}, {pipeline_mode = #tpu.pipeline_mode<synchronous>, transform_indices = @transform_10, window_bounds = array<i64: 32, 5>}, {pipeline_mode = #tpu.pipeline_mode<synchronous>, transform_indices = @transform_11, window_bounds = array<i64: 1, 5>}, {pipeline_mode = #tpu.pipeline_mode<synchronous>, transform_indices = @transform_12, window_bounds = array<i64: 128, 5>}]} {
    %lt3A = arith.constant 98 : i32
    %lt3A_0 = arith.cmpi slt, %arg0, %lt3A : i32
    %convert_element_type3A = arith.extui %lt3A_0 : i1 to i32
    %cond3A = arith.constant 0 : i32
    %cond3A_1 = arith.cmpi ne, %convert_element_type3A, %cond3A : i32
    scf.if %cond3A_1 {
      %get3A = arith.constant 0 : index
      %get3A_6 = arith.constant 0 : index
      %get3A_7 = vector.load %arg1[%get3A, %get3A_6] : memref<256x128xf32, #tpu.memory_space<vmem>>, vector<256x128xf32>
      %get3A_8 = arith.constant 0 : index
      %get3A_9 = arith.constant 0 : index
      %get3A_10 = vector.load %arg2[%get3A_8, %get3A_9] : memref<256x128xf32, #tpu.memory_space<vmem>>, vector<256x128xf32>
      %add3A = arith.addf %get3A_7, %get3A_10 : vector<256x128xf32>
      %get3A_11 = arith.constant 0 : index
      %get3A_12 = arith.constant 0 : index
      %get3A_13 = vector.load %arg3[%get3A_11, %get3A_12] : memref<256x128xf32, #tpu.memory_space<vmem>>, vector<256x128xf32>
      %mul3A = arith.mulf %add3A, %get3A_13 : vector<256x128xf32>
      %get3A_14 = arith.constant 0 : index
      %get3A_15 = arith.constant 0 : index
      %get3A_16 = vector.load %arg4[%get3A_14, %get3A_15] : memref<1x128xf32, #tpu.memory_space<vmem>>, vector<1x128xf32>
      %add3A_17 = vector.broadcast %get3A_16 : vector<1x128xf32> to vector<256x128xf32>
      %add3A_18 = arith.addf %mul3A, %add3A_17 : vector<256x128xf32>
      %iota3A = tpu.iota {dimensions = array<i32: 0>} : vector<256x1xi32>
      %mul3A_19 = arith.constant 256 : i32
      %mul3A_20 = arith.muli %arg0, %mul3A_19 : i32
      %add3A_21 = vector.broadcast %mul3A_20 : i32 to vector<256x1xi32>
      %add3A_22 = arith.addi %iota3A, %add3A_21 : vector<256x1xi32>
      %lt3A_23 = arith.constant 25000 : i32
      %lt3A_24 = vector.broadcast %lt3A_23 : i32 to vector<256x1xi32>
      %lt3A_25 = arith.cmpi slt, %add3A_22, %lt3A_24 : vector<256x1xi32>
      %jit3A = arith.constant 0.000000e+00 : f32
      %broadcast_in_dim3A = vector.shape_cast %lt3A_25 : vector<256x1xi1> to vector<256x1xi1>
      %broadcast_in_dim3A_26 = vector.broadcast %broadcast_in_dim3A : vector<256x1xi1> to vector<256x128xi1>
      %broadcast_in_dim3A_27 = vector.broadcast %jit3A : f32 to vector<256x128xf32>
      %select_n3A = arith.select %broadcast_in_dim3A_26, %add3A_18, %broadcast_in_dim3A_27 : vector<256x128xi1>, vector<256x128xf32>
      %eq3A_28 = arith.constant 0 : i32
      %eq3A_29 = arith.cmpi eq, %arg0, %eq3A_28 : i32
      %convert_element_type3A_30 = arith.extui %eq3A_29 : i1 to i32
      %cond3A_31 = arith.constant 0 : i32
      %cond3A_32 = arith.cmpi ne, %convert_element_type3A_30, %cond3A_31 : i32
      scf.if %cond3A_32 {
        %broadcast_in_dim3A_108 = arith.constant 0.000000e+00 : f32
        %broadcast_in_dim3A_109 = vector.broadcast %broadcast_in_dim3A_108 : f32 to vector<128x32xf32>
        %swap3A_110 = arith.constant 0 : index
        %swap3A_111 = arith.constant 0 : index
        %swap3A_112 = vector.load %arg14[%swap3A_110, %swap3A_111] : memref<128x32xf32, #tpu.memory_space<vmem>>, vector<128x32xf32>
        tpu.vector_store %arg14[%swap3A_110, %swap3A_111], %broadcast_in_dim3A_109 {strides = array<i32>} : memref<128x32xf32, #tpu.memory_space<vmem>>, vector<128x32xf32>,
        %broadcast_in_dim3A_113 = arith.constant 0.000000e+00 : f32
        %broadcast_in_dim3A_114 = vector.broadcast %broadcast_in_dim3A_113 : f32 to vector<128x1xf32>
        %swap3A_115 = arith.constant 0 : index
        %swap3A_116 = arith.constant 0 : index
        %swap3A_117 = vector.load %arg15[%swap3A_115, %swap3A_116] : memref<128x1xf32, #tpu.memory_space<vmem>>, vector<128x1xf32>
        tpu.vector_store %arg15[%swap3A_115, %swap3A_116], %broadcast_in_dim3A_114 {strides = array<i32>} : memref<128x1xf32, #tpu.memory_space<vmem>>, vector<128x1xf32>,
      } else {
      }
      %iota3A_33 = tpu.iota {dimensions = array<i32: 1>} : vector<256x128xi32>
      %broadcast_in_dim3A_34 = arith.constant 0.000000e+00 : f32
      %broadcast_in_dim3A_35 = vector.broadcast %broadcast_in_dim3A_34 : f32 to vector<128x32xf32>
      %broadcast_in_dim3A_36 = arith.constant 0.000000e+00 : f32
      %broadcast_in_dim3A_37 = vector.broadcast %broadcast_in_dim3A_36 : f32 to vector<128x1xf32>
      %get3A_38 = arith.constant 0 : index
      %get3A_39 = arith.constant 0 : index
      %get3A_40 = vector.load %arg5[%get3A_38, %get3A_39] : memref<256x4xi32, #tpu.memory_space<vmem>>, vector<256x1xi32>
      %eq3A_41 = vector.broadcast %get3A_40 : vector<256x1xi32> to vector<256x128xi32>
      %eq3A_42 = arith.cmpi eq, %eq3A_41, %iota3A_33 : vector<256x128xi32>
      %convert_element_type3A_43 = arith.extui %eq3A_42 : vector<256x128xi1> to vector<256x128xi32>
      %convert_element_type3A_44 = arith.sitofp %convert_element_type3A_43 : vector<256x128xi32> to vector<256x128xf32>
      %slice3A = vector.extract_strided_slice %select_n3A {offsets = [0, 0], sizes = [256, 32], strides = [1, 1]} : vector<256x128xf32> to vector<256x32xf32>
      %dot_general3A = arith.constant dense<0.000000e+00> : vector<128x32xf32>
      %dot_general3A_45 = tpu.matmul %convert_element_type3A_44, %slice3A, %dot_general3A {dimension_numbers = #tpu.dot_dimension_numbers<[0], [0], [1], [1], [0, 1, 1, 1], [], []>, transpose_lhs_hint = false} : vector<256x128xf32>, vector<256x32xf32>, vector<128x32xf32> -> vector<128x32xf32>
      %add3A_46 = arith.addf %broadcast_in_dim3A_35, %dot_general3A_45 : vector<128x32xf32>
      %reduce_sum3A = arith.constant dense<0.000000e+00> : vector<128xf32>
      %reduce_sum3A_47 = vector.multi_reduction <add>, %convert_element_type3A_44, %reduce_sum3A [0] : vector<256x128xf32> to vector<128xf32>
      %broadcast_in_dim3A_48 = vector.shape_cast %reduce_sum3A_47 : vector<128xf32> to vector<128x1xf32>
      %add3A_49 = arith.addf %broadcast_in_dim3A_37, %broadcast_in_dim3A_48 : vector<128x1xf32>
      %get3A_50 = arith.constant 0 : index
      %get3A_51 = arith.constant 1 : index
      %get3A_52 = vector.load %arg5[%get3A_50, %get3A_51] : memref<256x4xi32, #tpu.memory_space<vmem>>, vector<256x1xi32>
      %eq3A_53 = vector.broadcast %get3A_52 : vector<256x1xi32> to vector<256x128xi32>
      %eq3A_54 = arith.cmpi eq, %eq3A_53, %iota3A_33 : vector<256x128xi32>
      %convert_element_type3A_55 = arith.extui %eq3A_54 : vector<256x128xi1> to vector<256x128xi32>
      %convert_element_type3A_56 = arith.sitofp %convert_element_type3A_55 : vector<256x128xi32> to vector<256x128xf32>
      %slice3A_57 = vector.extract_strided_slice %select_n3A {offsets = [0, 32], sizes = [256, 32], strides = [1, 1]} : vector<256x128xf32> to vector<256x32xf32>
      %dot_general3A_58 = arith.constant dense<0.000000e+00> : vector<128x32xf32>
      %dot_general3A_59 = tpu.matmul %convert_element_type3A_56, %slice3A_57, %dot_general3A_58 {dimension_numbers = #tpu.dot_dimension_numbers<[0], [0], [1], [1], [0, 1, 1, 1], [], []>, transpose_lhs_hint = false} : vector<256x128xf32>, vector<256x32xf32>, vector<128x32xf32> -> vector<128x32xf32>
      %add3A_60 = arith.addf %add3A_46, %dot_general3A_59 : vector<128x32xf32>
      %reduce_sum3A_61 = arith.constant dense<0.000000e+00> : vector<128xf32>
      %reduce_sum3A_62 = vector.multi_reduction <add>, %convert_element_type3A_56, %reduce_sum3A_61 [0] : vector<256x128xf32> to vector<128xf32>
      %broadcast_in_dim3A_63 = vector.shape_cast %reduce_sum3A_62 : vector<128xf32> to vector<128x1xf32>
      %add3A_64 = arith.addf %add3A_49, %broadcast_in_dim3A_63 : vector<128x1xf32>
      %get3A_65 = arith.constant 0 : index
      %get3A_66 = arith.constant 2 : index
      %get3A_67 = vector.load %arg5[%get3A_65, %get3A_66] : memref<256x4xi32, #tpu.memory_space<vmem>>, vector<256x1xi32>
      %eq3A_68 = vector.broadcast %get3A_67 : vector<256x1xi32> to vector<256x128xi32>
      %eq3A_69 = arith.cmpi eq, %eq3A_68, %iota3A_33 : vector<256x128xi32>
      %convert_element_type3A_70 = arith.extui %eq3A_69 : vector<256x128xi1> to vector<256x128xi32>
      %convert_element_type3A_71 = arith.sitofp %convert_element_type3A_70 : vector<256x128xi32> to vector<256x128xf32>
      %slice3A_72 = vector.extract_strided_slice %select_n3A {offsets = [0, 64], sizes = [256, 32], strides = [1, 1]} : vector<256x128xf32> to vector<256x32xf32>
      %dot_general3A_73 = arith.constant dense<0.000000e+00> : vector<128x32xf32>
      %dot_general3A_74 = tpu.matmul %convert_element_type3A_71, %slice3A_72, %dot_general3A_73 {dimension_numbers = #tpu.dot_dimension_numbers<[0], [0], [1], [1], [0, 1, 1, 1], [], []>, transpose_lhs_hint = false} : vector<256x128xf32>, vector<256x32xf32>, vector<128x32xf32> -> vector<128x32xf32>
      %add3A_75 = arith.addf %add3A_60, %dot_general3A_74 : vector<128x32xf32>
      %reduce_sum3A_76 = arith.constant dense<0.000000e+00> : vector<128xf32>
      %reduce_sum3A_77 = vector.multi_reduction <add>, %convert_element_type3A_71, %reduce_sum3A_76 [0] : vector<256x128xf32> to vector<128xf32>
      %broadcast_in_dim3A_78 = vector.shape_cast %reduce_sum3A_77 : vector<128xf32> to vector<128x1xf32>
      %add3A_79 = arith.addf %add3A_64, %broadcast_in_dim3A_78 : vector<128x1xf32>
      %get3A_80 = arith.constant 0 : index
      %get3A_81 = arith.constant 3 : index
      %get3A_82 = vector.load %arg5[%get3A_80, %get3A_81] : memref<256x4xi32, #tpu.memory_space<vmem>>, vector<256x1xi32>
      %eq3A_83 = vector.broadcast %get3A_82 : vector<256x1xi32> to vector<256x128xi32>
      %eq3A_84 = arith.cmpi eq, %eq3A_83, %iota3A_33 : vector<256x128xi32>
      %convert_element_type3A_85 = arith.extui %eq3A_84 : vector<256x128xi1> to vector<256x128xi32>
      %convert_element_type3A_86 = arith.sitofp %convert_element_type3A_85 : vector<256x128xi32> to vector<256x128xf32>
      %slice3A_87 = vector.extract_strided_slice %select_n3A {offsets = [0, 96], sizes = [256, 32], strides = [1, 1]} : vector<256x128xf32> to vector<256x32xf32>
      %dot_general3A_88 = arith.constant dense<0.000000e+00> : vector<128x32xf32>
      %dot_general3A_89 = tpu.matmul %convert_element_type3A_86, %slice3A_87, %dot_general3A_88 {dimension_numbers = #tpu.dot_dimension_numbers<[0], [0], [1], [1], [0, 1, 1, 1], [], []>, transpose_lhs_hint = false} : vector<256x128xf32>, vector<256x32xf32>, vector<128x32xf32> -> vector<128x32xf32>
      %add3A_90 = arith.addf %add3A_75, %dot_general3A_89 : vector<128x32xf32>
      %reduce_sum3A_91 = arith.constant dense<0.000000e+00> : vector<128xf32>
      %reduce_sum3A_92 = vector.multi_reduction <add>, %convert_element_type3A_86, %reduce_sum3A_91 [0] : vector<256x128xf32> to vector<128xf32>
      %broadcast_in_dim3A_93 = vector.shape_cast %reduce_sum3A_92 : vector<128xf32> to vector<128x1xf32>
      %add3A_94 = arith.addf %add3A_79, %broadcast_in_dim3A_93 : vector<128x1xf32>
      %get3A_95 = arith.constant 0 : index
      %get3A_96 = arith.constant 0 : index
      %get3A_97 = vector.load %arg14[%get3A_95, %get3A_96] : memref<128x32xf32, #tpu.memory_space<vmem>>, vector<128x32xf32>
      %add3A_98 = arith.addf %get3A_97, %add3A_90 : vector<128x32xf32>
      %swap3A = arith.constant 0 : index
      %swap3A_99 = arith.constant 0 : index
      %swap3A_100 = vector.load %arg14[%swap3A, %swap3A_99] : memref<128x32xf32, #tpu.memory_space<vmem>>, vector<128x32xf32>
      tpu.vector_store %arg14[%swap3A, %swap3A_99], %add3A_98 {strides = array<i32>} : memref<128x32xf32, #tpu.memory_space<vmem>>, vector<128x32xf32>,
      %get3A_101 = arith.constant 0 : index
      %get3A_102 = arith.constant 0 : index
      %get3A_103 = vector.load %arg15[%get3A_101, %get3A_102] : memref<128x1xf32, #tpu.memory_space<vmem>>, vector<128x1xf32>
      %add3A_104 = arith.addf %get3A_103, %add3A_94 : vector<128x1xf32>
      %swap3A_105 = arith.constant 0 : index
      %swap3A_106 = arith.constant 0 : index
      %swap3A_107 = vector.load %arg15[%swap3A_105, %swap3A_106] : memref<128x1xf32, #tpu.memory_space<vmem>>, vector<128x1xf32>
      tpu.vector_store %arg15[%swap3A_105, %swap3A_106], %add3A_104 {strides = array<i32>} : memref<128x1xf32, #tpu.memory_space<vmem>>, vector<128x1xf32>,
    } else {
    }
    %eq3A = arith.constant 98 : i32
    %eq3A_2 = arith.cmpi eq, %arg0, %eq3A : i32
    %convert_element_type3A_3 = arith.extui %eq3A_2 : i1 to i32
    %cond3A_4 = arith.constant 0 : i32
    %cond3A_5 = arith.cmpi ne, %convert_element_type3A_3, %cond3A_4 : i32
    scf.if %cond3A_5 {
      %get3A = arith.constant 0 : index
      %get3A_6 = arith.constant 0 : index
      %get3A_7 = vector.load %arg14[%get3A, %get3A_6] : memref<128x32xf32, #tpu.memory_space<vmem>>, vector<128x32xf32>
      %get3A_8 = arith.constant 0 : index
      %get3A_9 = arith.constant 0 : index
      %get3A_10 = vector.load %arg15[%get3A_8, %get3A_9] : memref<128x1xf32, #tpu.memory_space<vmem>>, vector<128x1xf32>
      %max3A = arith.constant 1.000000e+00 : f32
      %max3A_11 = vector.broadcast %max3A : f32 to vector<128x1xf32>
      %max3A_12 = arith.maximumf %get3A_10, %max3A_11 : vector<128x1xf32>
      %div3A = vector.broadcast %max3A_12 : vector<128x1xf32> to vector<128x32xf32>
      %div3A_13 = arith.divf %get3A_7, %div3A : vector<128x32xf32>
      %get3A_14 = arith.constant 0 : index
      %get3A_15 = arith.constant 0 : index
      %get3A_16 = vector.load %arg6[%get3A_14, %get3A_15] : memref<128x16xf32, #tpu.memory_space<vmem>>, vector<128x16xf32>
      %get3A_17 = arith.constant 0 : index
      %get3A_18 = arith.constant 0 : index
      %get3A_19 = vector.load %arg7[%get3A_17, %get3A_18] : memref<16x16xf32, #tpu.memory_space<vmem>>, vector<16x16xf32>
      %dot_general3A = arith.constant dense<0.000000e+00> : vector<128x16xf32>
      %dot_general3A_20 = tpu.matmul %get3A_16, %get3A_19, %dot_general3A {dimension_numbers = #tpu.dot_dimension_numbers<[1], [0], [0], [1], [0, 0, 1, 1], [], []>, transpose_lhs_hint = false} : vector<128x16xf32>, vector<16x16xf32>, vector<128x16xf32> -> vector<128x16xf32>
      %get3A_21 = arith.constant 0 : index
      %get3A_22 = arith.constant 0 : index
      %get3A_23 = vector.load %arg8[%get3A_21, %get3A_22] : memref<1x16xf32, #tpu.memory_space<vmem>>, vector<1x16xf32>
      %add3A = vector.broadcast %get3A_23 : vector<1x16xf32> to vector<128x16xf32>
      %add3A_24 = arith.addf %dot_general3A_20, %add3A : vector<128x16xf32>
      %max3A_25 = arith.constant 0.000000e+00 : f32
      %max3A_26 = vector.broadcast %max3A_25 : f32 to vector<128x16xf32>
      %max3A_27 = arith.maximumf %add3A_24, %max3A_26 : vector<128x16xf32>
      %concatenate3A = tpu.concatenate %div3A_13, %max3A_27 in 1 : vector<128x32xf32>, vector<128x16xf32> -> vector<128x48xf32>
      %get3A_28 = arith.constant 0 : index
      %get3A_29 = arith.constant 0 : index
      %get3A_30 = vector.load %arg9[%get3A_28, %get3A_29] : memref<48x32xf32, #tpu.memory_space<vmem>>, vector<48x32xf32>
      %dot_general3A_31 = arith.constant dense<0.000000e+00> : vector<128x32xf32>
      %dot_general3A_32 = tpu.matmul %concatenate3A, %get3A_30, %dot_general3A_31 {dimension_numbers = #tpu.dot_dimension_numbers<[1], [0], [0], [1], [0, 0, 1, 1], [], []>, transpose_lhs_hint = false} : vector<128x48xf32>, vector<48x32xf32>, vector<128x32xf32> -> vector<128x32xf32>
      %get3A_33 = arith.constant 0 : index
      %get3A_34 = arith.constant 0 : index
      %get3A_35 = vector.load %arg10[%get3A_33, %get3A_34] : memref<1x32xf32, #tpu.memory_space<vmem>>, vector<1x32xf32>
      %add3A_36 = vector.broadcast %get3A_35 : vector<1x32xf32> to vector<128x32xf32>
      %add3A_37 = arith.addf %dot_general3A_32, %add3A_36 : vector<128x32xf32>
      %max3A_38 = arith.constant 0.000000e+00 : f32
      %max3A_39 = vector.broadcast %max3A_38 : f32 to vector<128x32xf32>
      %max3A_40 = arith.maximumf %add3A_37, %max3A_39 : vector<128x32xf32>
      %get3A_41 = arith.constant 0 : index
      %get3A_42 = arith.constant 0 : index
      %get3A_43 = vector.load %arg11[%get3A_41, %get3A_42] : memref<32x5xf32, #tpu.memory_space<vmem>>, vector<32x5xf32>
      %dot_general3A_44 = arith.constant dense<0.000000e+00> : vector<128x5xf32>
      %dot_general3A_45 = tpu.matmul %max3A_40, %get3A_43, %dot_general3A_44 {dimension_numbers = #tpu.dot_dimension_numbers<[1], [0], [0], [1], [0, 0, 1, 1], [], []>, transpose_lhs_hint = false} : vector<128x32xf32>, vector<32x5xf32>, vector<128x5xf32> -> vector<128x5xf32>
      %get3A_46 = arith.constant 0 : index
      %get3A_47 = arith.constant 0 : index
      %get3A_48 = vector.load %arg12[%get3A_46, %get3A_47] : memref<1x5xf32, #tpu.memory_space<vmem>>, vector<1x5xf32>
      %add3A_49 = vector.broadcast %get3A_48 : vector<1x5xf32> to vector<128x5xf32>
      %add3A_50 = arith.addf %dot_general3A_45, %add3A_49 : vector<128x5xf32>
      %swap3A = arith.constant 0 : index
      %swap3A_51 = arith.constant 0 : index
      %swap3A_52 = vector.load %arg13[%swap3A, %swap3A_51] : memref<128x5xf32, #tpu.memory_space<vmem>>, vector<128x5xf32>
      tpu.vector_store %arg13[%swap3A, %swap3A_51], %add3A_50 {strides = array<i32>} : memref<128x5xf32, #tpu.memory_space<vmem>>, vector<128x5xf32>,
    } else {
    }
    return
  }
  func.func @transform_0(%arg0: i32) -> (i32, i32) {
    %min3A = arith.constant 97 : i32
    %min3A_0 = arith.minsi %arg0, %min3A : i32
    %c0_i32 = arith.constant 0 : i32
    %c0_i32_1 = arith.constant 0 : i32
    return %min3A_0, %c0_i32 : i32, i32
  }
  func.func @transform_1(%arg0: i32) -> (i32, i32) {
    %min3A = arith.constant 97 : i32
    %min3A_0 = arith.minsi %arg0, %min3A : i32
    %c0_i32 = arith.constant 0 : i32
    %c0_i32_1 = arith.constant 0 : i32
    return %min3A_0, %c0_i32 : i32, i32
  }
  func.func @transform_2(%arg0: i32) -> (i32, i32) {
    %min3A = arith.constant 97 : i32
    %min3A_0 = arith.minsi %arg0, %min3A : i32
    %c0_i32 = arith.constant 0 : i32
    %c0_i32_1 = arith.constant 0 : i32
    return %min3A_0, %c0_i32 : i32, i32
  }
  func.func @transform_3(%arg0: i32) -> (i32, i32) {
    %c0_i32 = arith.constant 0 : i32
    %c0_i32_0 = arith.constant 0 : i32
    %c0_i32_1 = arith.constant 0 : i32
    return %c0_i32, %c0_i32_0 : i32, i32
  }
  func.func @transform_4(%arg0: i32) -> (i32, i32) {
    %min3A = arith.constant 97 : i32
    %min3A_0 = arith.minsi %arg0, %min3A : i32
    %c0_i32 = arith.constant 0 : i32
    %c0_i32_1 = arith.constant 0 : i32
    return %min3A_0, %c0_i32 : i32, i32
  }
  func.func @transform_5(%arg0: i32) -> (i32, i32) {
    %c0_i32 = arith.constant 0 : i32
    %c0_i32_0 = arith.constant 0 : i32
    %c0_i32_1 = arith.constant 0 : i32
    return %c0_i32, %c0_i32_0 : i32, i32
  }
  func.func @transform_6(%arg0: i32) -> (i32, i32) {
    %c0_i32 = arith.constant 0 : i32
    %c0_i32_0 = arith.constant 0 : i32
    %c0_i32_1 = arith.constant 0 : i32
    return %c0_i32, %c0_i32_0 : i32, i32
  }
  func.func @transform_7(%arg0: i32) -> (i32, i32) {
    %c0_i32 = arith.constant 0 : i32
    %c0_i32_0 = arith.constant 0 : i32
    %c0_i32_1 = arith.constant 0 : i32
    return %c0_i32, %c0_i32_0 : i32, i32
  }
  func.func @transform_8(%arg0: i32) -> (i32, i32) {
    %c0_i32 = arith.constant 0 : i32
    %c0_i32_0 = arith.constant 0 : i32
    %c0_i32_1 = arith.constant 0 : i32
    return %c0_i32, %c0_i32_0 : i32, i32
  }
  func.func @transform_9(%arg0: i32) -> (i32, i32) {
    %c0_i32 = arith.constant 0 : i32
    %c0_i32_0 = arith.constant 0 : i32
    %c0_i32_1 = arith.constant 0 : i32
    return %c0_i32, %c0_i32_0 : i32, i32
  }
  func.func @transform_10(%arg0: i32) -> (i32, i32) {
    %c0_i32 = arith.constant 0 : i32
    %c0_i32_0 = arith.constant 0 : i32
    %c0_i32_1 = arith.constant 0 : i32
    return %c0_i32, %c0_i32_0 : i32, i32
  }
  func.func @transform_11(%arg0: i32) -> (i32, i32) {
    %c0_i32 = arith.constant 0 : i32
    %c0_i32_0 = arith.constant 0 : i32
    %c0_i32_1 = arith.constant 0 : i32
    return %c0_i32, %c0_i32_0 : i32, i32
  }
  func.func @transform_12(%arg0: i32) -> (i32, i32) {
    %c0_i32 = arith.constant 0 : i32
    %c0_i32_0 = arith.constant 0 : i32
    %c0_i32_1 = arith.constant 0 : i32
    return %c0_i32, %c0_i32_0 : i32, i32
  }
}

</mosaic_0001>

<sc_bundles>
// kernel: kernel.10.cloned.1.call-start
scs
__scs_entry_jumppad:
0x0: {  	(pc) =	sbr.rel $0x88, $3  }
0x1: {  	(tag) =	ssettag $0x0;
	lr =	simm.s32 $0x1  }
0x2: {  	[smem:$0x3F8D] =	sst lr;
	_ =	strace $0xD0000000  }
0x3: {  	_ = 	snop  }
0x4: {  	_ = 	snop  }
0x5: {  	_ = 	snop  }
0x6: {  	_ = 	snop  }
0x7: {  	_ = 	snop  }
__scs_overlays_trampoline_lowered:
0x8: {  	[smem:$0x3F9C] =	sst s0  }
0x9: {  	[smem:$0x3F9D] =	sst s1  }
0xa: {  	[smem:$0x3F9E] =	sst s2  }
0xb: {  	[smem:$0x3F9F] =	sst s3  }
0xc: {  	[smem:$0x3FA0] =	sst s4  }
0xd: {  	[smem:$0x3FA1] =	sst s5  }
0xe: {  	[smem:$0x3FA2] =	sst s6  }
0xf: {  	[smem:$0x3FA3] =	sst s7  }
0x10: {  	[smem:$0x3FA4] =	sst s8  }
0x11: {  	[smem:$0x3FA5] =	sst s9;
	s0 =	simm.s32 @!p0 $0x0  }
0x12: {  	s1 =	sld [smem:$0x3F8B];
	s0 =	simm.s32 @p0 $0x1  }
0x13: {  	[smem:$0x3FA6] =	sst s0;
	s0 =	simm.s32 @!p1 $0x0  }
0x14: {  	s2 =	sld [smem:$0x3F8A];
	s0 =	simm.s32 @p1 $0x1  }
0x15: {  	[smem:$0x3FA7] =	sst s0;
	s0 =	simm.s32 @!p2 $0x0  }
0x16: {  	s3 =	sld [smem:$0x3FDB];
	s0 =	simm.s32 @p2 $0x1  }
0x17: {  	s4 =	simm.s32 $0x1BF5;
	[smem:$0x3FA9] =	sst s0  }
0x18: {  	s0 =	sld [smem:$0x3F8C];
	_ =	swait.ge [sflag:s4], $0x0  }
0x19: {  	s7 =	sld [smem:$0x3F8D]  }
0x1a: {  	s8 =	sadd.s32 $0xFFFFE003, lr  }
0x1b: {  	s9 =	sadd.s32 $0xFFFFFEF7, lr;
	s5 =	simm.s32 $0xFFFFFFFF;
	p2 =	slt.u32 s8, $0xFFFFF086  }
0x1c: {  	p1 =	slt.u32 s9, $0xF7A;
	s5 =	simm.s32 @!p2 $0x0  }
0x1d: {  	s5 =	simm.s32 @p1 $0x1;
	p0 =	seq.s32 s7, s2  }
0x1e: {  	s7 =	smul.u32 @!p0 $0xF7A, s2;
	p2 =	seq.s32 @!p0 s5, $0x0  }
0x1f: {  	s9 =	smul.u32 $0xF7A, s1;
	s8 =	simm.s32 @!p0 $0x1BF5;
	p2 =	por !p2, p0  }
0x20: {  	[sflag:s8] =	ssyncset.s32 @!p0 $0xFFFFF086;
	s6 =	sadd.s32 @!p0 s3, s7;
	s7 =	simm.s32 @!p0 $0x108  }
0x21: {  	s3 =	sadd.s32 s3, s9;
	s6 =	sadd.s32 @!p0 $0x88, s6;
	s7 =	simm.s32 @p2 $0x1082  }
0x22: {  	[simem:s7], [sflag:s8] =	dma.local @!p0 [hbm:s6], $0xF7A  }
0x23: {  	s9 =	sor.u32 $0xD0000000, s2;
	s6 =	simm.s32 $0x108;
	_ =	swait.ge @!p0 [sflag:s8], $0x0  }
0x24: {  	s3 =	sadd.s32 $0x88, s3;
	s6 =	simm.s32 @!p1 $0x1082;
	[sflag:s4] =	ssyncset.s32 $0xFFFFF086  }
0x25: {  	[simem:s6], [sflag:s4] =	dma.local [hbm:s3], $0xF7A  }
0x26: {  	[smem:$0x3F8D] =	sst s1;
	(tag) =	ssettag s2;
	_ =	strace s9  }
0x27: {  	s1 =	sld [smem:$0x3F9D]  }
0x28: {  	s2 =	sld [smem:$0x3F9E]  }
0x29: {  	s4 =	sld [smem:$0x3FA0]  }
0x2a: {  	p0 =	seq.s32 s5, $0x0;
	s5 =	sld [smem:$0x3FA1]  }
0x2b: {  	s6 =	sld [smem:$0x3FA2]  }
0x2c: {  	s7 =	sld [smem:$0x3FA3]  }
0x2d: {  	s3 =	simm.s32 $0x108;
	s8 =	sld [smem:$0x3FA4]  }
0x2e: {  	s3 =	simm.s32 @!p0 $0x1082;
	s9 =	sld [smem:$0x3FA5]  }
0x2f: {  	lr =	sadd.s32 s0, s3;
	s0 =	sld [smem:$0x3F9C]  }
0x30: {  	s3 =	sld [smem:$0x3F9F]  }
0x31: {  	[smem:$0x3FA8] =	sst s10  }
0x32: {  	s10 =	sld [smem:$0x3FA6];
	_ =	sdelay $0x3  }
0x33: {  	p0 =	seq.s32 s10, $0x1;
	s10 =	sld [smem:$0x3FA8];
	_ =	sdelay $0x3  }
0x34: {  	[smem:$0x3FA8] =	sst s10  }
0x35: {  	s10 =	sld [smem:$0x3FA7];
	_ =	sdelay $0x3  }
0x36: {  	p1 =	seq.s32 s10, $0x1;
	s10 =	sld [smem:$0x3FA8];
	_ =	sdelay $0x3  }
0x37: {  	[smem:$0x3FA8] =	sst s10  }
0x38: {  	s10 =	sld [smem:$0x3FA9]  }
0x39: {  	_ = 	snop;
	(pc) =	sbr.ind lr, $3  }
0x3a: {  	_ = 	snop  }
0x3b: {  	_ = 	snop  }
0x3c: {  	p2 =	seq.s32 s10, $0x1;
	s10 =	sld [smem:$0x3FA8]  }
0x3d: {  	_ =	shalt  }
0x3e: {  	_ =	shalt  }
0x3f: {  	_ =	shalt  }
0x40: {  	_ =	shalt  }
0x41: {  	_ =	shalt  }
0x42: {  	_ =	shalt  }
0x43: {  	_ =	shalt  }
0x44: {  	_ =	shalt  }
0x45: {  	_ =	shalt  }
0x46: {  	_ =	shalt  }
0x47: {  	_ =	shalt  }
0x48: {  	_ =	shalt  }
0x49: {  	_ =	shalt  }
0x4a: {  	_ =	shalt  }
0x4b: {  	_ =	shalt  }
0x4c: {  	_ =	shalt  }
0x4d: {  	_ =	shalt  }
0x4e: {  	_ =	shalt  }
0x4f: {  	_ =	shalt  }
0x50: {  	_ =	shalt  }
0x51: {  	_ =	shalt  }
0x52: {  	_ =	shalt  }
0x53: {  	_ =	shalt  }
0x54: {  	_ =	shalt  }
0x55: {  	_ =	shalt  }
0x56: {  	_ =	shalt  }
0x57: {  	_ =	shalt  }
0x58: {  	_ =	shalt  }
0x59: {  	_ =	shalt  }
0x5a: {  	_ =	shalt  }
0x5b: {  	_ =	shalt  }
0x5c: {  	_ =	shalt  }
0x5d: {  	_ =	shalt  }
0x5e: {  	_ =	shalt  }
0x5f: {  	_ =	shalt  }
0x60: {  	_ =	shalt  }
0x61: {  	_ =	shalt  }
0x62: {  	_ =	shalt  }
0x63: {  	_ =	shalt  }
0x64: {  	_ =	shalt  }
0x65: {  	_ =	shalt  }
0x66: {  	_ =	shalt  }
0x67: {  	_ =	shalt  }
0x68: {  	_ =	shalt  }
0x69: {  	_ =	shalt  }
0x6a: {  	_ =	shalt  }
0x6b: {  	_ =	shalt  }
0x6c: {  	_ =	shalt  }
0x6d: {  	_ =	shalt  }
0x6e: {  	_ =	shalt  }
0x6f: {  	_ =	shalt  }
0x70: {  	_ =	shalt  }
0x71: {  	_ =	shalt  }
0x72: {  	_ =	shalt  }
0x73: {  	_ =	shalt  }
0x74: {  	_ =	shalt  }
0x75: {  	_ =	shalt  }
0x76: {  	_ =	shalt  }
0x77: {  	_ =	shalt  }
0x78: {  	_ =	shalt  }
0x79: {  	_ =	shalt  }
0x7a: {  	_ =	shalt  }
0x7b: {  	_ =	shalt  }
0x7c: {  	_ =	shalt  }
0x7d: {  	_ =	shalt  }
0x7e: {  	_ =	shalt  }
0x7f: {  	_ =	shalt  }
0x80: {  	_ =	shalt  }
0x81: {  	_ =	shalt  }
0x82: {  	_ =	shalt  }
0x83: {  	_ =	shalt  }
0x84: {  	_ =	shalt  }
0x85: {  	_ =	shalt  }
0x86: {  	_ =	shalt  }
0x87: {  	_ =	shalt  }
.Lfunc_end0:
.L_simem_size_0:
called_computation_lowered:
.L_overlay_start_0:
0x88: {  	s2 =	sld [smem:$0x3FD9]  }
0x89: {  	s3 =	sld [smem:$0x3FFE];
	_ =	sdelay $0x1  }
0x8a: {  	s1 =	srdreg.scid  }
0x8b: {  	s0 =	sand.u32 $0x1, s1  }
0x8c: {  	s16 =	sshll.u32 s0, $0xA;
	s2 =	sadd.s32 s3, s2  }
0x8d: {  	s2 =	sadd.s32 s2, s16  }
0x8e: {  	[smem:$0x3FB4] =	sst s2  }
0x8f: {  	_ = 	snop  }
0x90: {  	(tm) =	ssettm $0x1  }
0x91: {  	s17 =	sld [smem:$0x3FFB];
	_ =	sdelay $0x3  }
0x92: {  	_ =	strace s17  }
0x93: {  	s2 =	sld [smem:$0x3FFC];
	_ =	sdelay $0x3  }
0x94: {  	_ =	strace s2  }
0x95: {  	s2 =	sld [smem:$0x3FFD];
	_ =	sdelay $0x3  }
0x96: {  	_ =	strace s2  }
0x97: {  	_ =	strace $0x8FFFFFFF  }
0x98: {  	s18 =	sld [smem:$0x3FDB];
	_ =	sdelay $0x1  }
0x99: {  	s19 =	simm.s32 $_scs_section_size  }
0x9a: {  	s4 =	simm.s32 $_size__tile_overlayer_lowered;
	s5 =	simm.s32 $_tile_overlayer_lowered  }
0x9b: {  	s22 =	simm.s32 $0x1BFF;
	s21 =	sshll.u32 s5, $0x1;
	s2 =	sadd.s32 s19, s18  }
0x9c: {  	s6 =	simm.s32 $0x0;
	s20 =	sshll.u32 s4, $0x1;
	s4 =	sadd.s32 s21, s2  }
0x9d: {  	[timem:s6], [sflag:s22] =	dma.local [hbm:s4], s20  }
0x9e: {  	_ =	swait.ge [sflag:s22], s20  }
0x9f: {  	s3 =	ssub.s32 $0x0, s20;
	[sflag:s22] =	ssyncset.done $0x0  }
0xa0: {  	[sflag:s22] =	ssyncadd.s32 s3;
	_ =	sdelay $0x1  }
0xa1: {  	s23 =	simm.s32 $0x1B8B  }
0xa2: {  	_ =	swait.ge [sflag:s23], $0x1  }
0xa3: {  	[sflag:s23] =	ssyncset.done $0x0  }
0xa4: {  	s25 =	simm.s32 $0x1B8E;
	s24 =	sld [smem:$0x3FFE];
	[sflag:s23] =	ssyncadd.s32 $0xFFFFFFFF  }
0xa5: {  	s26 =	simm.s32 $execute0_lowered;
	[smem:$0x3FD2] =	sst s25  }
0xa6: {  	s4 =	sshll.u32 s26, $0x1;
	_ =	strace $0x80000046;
	[dreg:$0x1] =	wrdreg $0xFFFFFFFF  }
0xa7: {  	s28 =	simm.s32 $_size_execute0_lowered;
	s2 =	sadd.s32 s2, s4;
	[dreg:$0x0] =	wrdreg $0x0  }
0xa8: {  	s4 =	sshll.u32 s28, $0x1;
	[dreg:$0x2] =	wrdreg s2  }
0xa9: {  	[dreg:$0x3] =	wrdreg s4  }
0xaa: {  	[dreg:$0x4] =	wrdreg $0xC0  }
0xab: {  	_ =	task [dreg:s6], $0x5FFFF  }
0xac: {  	[dreg:$0x1] =	wrdreg $0xFFFFFFFF  }
0xad: {  	[dreg:$0x0] =	wrdreg $0x60  }
0xae: {  	[dreg:$0x2] =	wrdreg s24  }
0xaf: {  	[dreg:$0x3] =	wrdreg $0x10000  }
0xb0: {  	[dreg:$0x4] =	wrdreg $0x9  }
0xb1: {  	_ =	task.clear_ibuf [dreg:s6], $0x5FFFF;
	_ =	strace $0x90000046  }
0xb2: {  	s29 =	simm.s32 $0x9;
	_ =	strace $0x80000048  }
0xb3: {  	_ =	swait.ge [sflag:s29], $0x1  }
0xb4: {  	[sflag:s29] =	ssyncadd.s32 $0xFFFFFFFF  }
0xb5: {  	_ =	strace $0x90000048  }
0xb6: {  	_ =	sfence  }
0xb7: {  	s30 =	sld [smem:$0x0];
	_ =	sdelay $0x2  }
0xb8: {  	s31 =	sshll.u32 s1, $0xD;
	s1 =	sshrl.u32 s1, $0x2  }
0xb9: {  	s3 =	sand.u32 $0x4000, s31;
	s1 =	sadd.s32 s1, s30  }
0xba: {  	s0 =	sor.u32 s3, s0;
	s1 =	sshll.u32 s1, $0x11  }
0xbb: {  	s0 =	sor.u32 s1, s0  }
0xbc: {  	s0 =	sadd.s32 $0x8F2B, s0  }
0xbd: {  	[sflag:s0] =	ssyncadd.remote.s32 $0x1  }
0xbe: {  	_ =	sfence.sel $0xFFFF  }
0xbf: {  	[dreg:$0x0] =	wrdreg $0xFFFFFFFF;
	(pc) =	sbr.abs _section_cstart, $3  }
0xc0: {  	[dreg:$0x1] =	wrdreg $0xFFFFFFFF  }
0xc1: {  	_ =	task.clear_ibuf [dreg:s6], $0x2FFFF;
	_ =	strace $0x9FFFFFFF  }
0xc2: {  	(tm) =	ssettm $0x7FFFFFFF  }
0xc3: {  	_ =	shalt  }
tec
execute0_lowered:
.L_overlay_start_1:
0x0: {  	(tag) =	ssettag $0x1  }
0x1: {  	s0 =	srdreg.scid;
	s1 =	rddreg [dreg:$0x0]  }
0x2: {  	s10 =	stileid.u32;
	s2 =	rddreg [dreg:$0x1];
	s3 =	simm.s32 $0x0  }
0x3: {  	s11 =	simm.s32 $0x2;
	s12 =	simm.s32 $0x800;
	s13 =	simm.s32 $0x80  }
0x4: {  	s14 =	simm.s32 $0x100;
	s15 =	simm.s32 $0x180;
	s16 =	simm.s32 $0x200  }
0x5: {  	s17 =	simm.s32 $0x280;
	s18 =	simm.s32 $0x300;
	s19 =	simm.s32 $0x380  }
0x6: {  	s20 =	simm.s32 $0x400;
	s21 =	simm.s32 $0x480;
	s28 =	simm.s32 $0x780  }
0x7: {  	s29 =	simm.s32 $0x1;
	s31 =	simm.s32 $0x0;
	s5 =	smul.u32 $0xC800, s10  }
0x8: {  	s0 =	sand.u32 $0x1, s0;
	[smem:$0x7FF] =	sst s3;
	s22 =	smul.u32 $0x18800, s10  }
0x9: {  	s6 =	smul.u32 $0x31000, s10;
	s24 =	sadd.s32 $0x68000, s1;
	s26 =	sshll.u32 s10, $0x6  }
0xa: {  	s4 =	smul.u32 $0xC8000, s0;
	_ =	strace $0x80000047;
	s7 =	sshll.u32 s0, $0x4  }
0xb: {  	s0 =	ssub.s32 $0x2, s0;
	[dreg:$0x3] =	wrdreg s24;
	s24 =	simm.s32 $0x600  }
0xc: {  	s23 =	sshrl.u32 s22, $0x3;
	s6 =	sor.u32 s7, s6;
	s25 =	sshrl.u32 s0, $0x1  }
0xd: {  	s30 =	sadd.s32 s22, s2;
	s22 =	simm.s32 $0x500;
	s4 =	sadd.s32 s5, s4  }
0xe: {  	s8 =	sadd.s32 s23, s1;
	s6 =	sshrl.u32 s6, $0x3;
	s0 =	ssub.s32 s0, s25  }
0xf: {  	s10 =	sshrl.u32 s30, $0x3;
	s23 =	simm.s32 $0x580;
	s25 =	simm.s32 $0x680  }
0x10: {  	s4 =	sshrl.u32 s4, $0x3;
	s5 =	sadd.s32 $0x37000, s8;
	s8 =	smax.u32 s0, $0x1  }
0x11: {  	s9 =	sadd.s32 s4, s1;
	s1 =	sadd.s32 s6, s1;
	s6 =	sor.u32 $0x1C02, s26  }
0x12: {  	s26 =	simm.s32 $0x700;
	s7 =	sadd.s32 $0x68200, s1;
	s9 =	sadd.s32 $0x5000, s9  }
.LBB2_1:
0x13: {  	[spmem:s10], [sflag:s6] =	dma.local [hbm:s5], $0x3100  }
0x14: {  	_ =	swait.ge [sflag:s11], $0x3100  }
0x15: {  	[sflag:s11] =	ssyncset.done $0x0  }
0x16: {  	s0 =	rddreg [dreg:$0x3];
	[sflag:s11] =	ssyncadd.s32 $0xFFFFCF00  }
0x17: {  	[tilespmem:s12], [sflag:$0x2] =	stream.linear.gather [hbm4b:s0+s3], $0x800, $0x38;
	[tilespmem:$0x19800] =	vst v63  }
0x18: {  	_ =	swait.ge [sflag:s11], $0x800  }
0x19: {  	[sflag:s11] =	ssyncset.done $0x0  }
0x1a: {  	[sflag:s11] =	ssyncadd.s32 $0xFFFFF800  }
0x1b: {  	s30 =	sadd.s32 $0x0, s9;
	[bflag:$0x0] =	sbarrier.arrive $0xFFFF  }
0x1c: {  	[tilespmem:s3], [sflag:$0x2] =	stream.linear.gather [hbm4b:s30+s3], $0x800, $0x38;
	[tilespmem:$0x19800] =	vst v63  }
0x1d: {  	_ =	swait.ge [sflag:s11], $0x800  }
0x1e: {  	[sflag:s11] =	ssyncset.done $0x0  }
0x1f: {  	[sflag:s11] =	ssyncadd.s32 $0xFFFFF800  }
0x20: {  	[spmem:s2] =	stream.indirect.scatter.add.f32 [tilespmem:s12], [sflag:$0x1], $0x10, s3, s13, $0xb8;
	[tilespmem:$0x19800] =	vst v63  }
0x21: {  	_ = 	snop  }
0x22: {  	[spmem:s2] =	stream.indirect.scatter.add.f32 [tilespmem:s12], [sflag:$0x1], $0x10, s13, s13, $0xb8;
	[tilespmem:$0x19800] =	vst v63  }
0x23: {  	_ = 	snop  }
0x24: {  	[spmem:s2] =	stream.indirect.scatter.add.f32 [tilespmem:s12], [sflag:$0x1], $0x10, s14, s13, $0xb8;
	[tilespmem:$0x19800] =	vst v63  }
0x25: {  	_ = 	snop  }
0x26: {  	[spmem:s2] =	stream.indirect.scatter.add.f32 [tilespmem:s12], [sflag:$0x1], $0x10, s15, s13, $0xb8;
	[tilespmem:$0x19800] =	vst v63  }
0x27: {  	_ = 	snop  }
0x28: {  	[spmem:s2] =	stream.indirect.scatter.add.f32 [tilespmem:s12], [sflag:$0x1], $0x10, s16, s13, $0xb8;
	[tilespmem:$0x19800] =	vst v63  }
0x29: {  	_ = 	snop  }
0x2a: {  	[spmem:s2] =	stream.indirect.scatter.add.f32 [tilespmem:s12], [sflag:$0x1], $0x10, s17, s13, $0xb8;
	[tilespmem:$0x19800] =	vst v63  }
0x2b: {  	_ = 	snop  }
0x2c: {  	[spmem:s2] =	stream.indirect.scatter.add.f32 [tilespmem:s12], [sflag:$0x1], $0x10, s18, s13, $0xb8;
	[tilespmem:$0x19800] =	vst v63  }
0x2d: {  	_ = 	snop  }
0x2e: {  	[spmem:s2] =	stream.indirect.scatter.add.f32 [tilespmem:s12], [sflag:$0x1], $0x10, s19, s13, $0xb8;
	[tilespmem:$0x19800] =	vst v63  }
0x2f: {  	_ = 	snop  }
0x30: {  	[spmem:s2] =	stream.indirect.scatter.add.f32 [tilespmem:s12], [sflag:$0x1], $0x10, s20, s13, $0xb8;
	[tilespmem:$0x19800] =	vst v63  }
0x31: {  	_ = 	snop  }
0x32: {  	[spmem:s2] =	stream.indirect.scatter.add.f32 [tilespmem:s12], [sflag:$0x1], $0x10, s21, s13, $0xb8;
	[tilespmem:$0x19800] =	vst v63  }
0x33: {  	_ = 	snop  }
0x34: {  	[spmem:s2] =	stream.indirect.scatter.add.f32 [tilespmem:s12], [sflag:$0x1], $0x10, s22, s13, $0xb8;
	[tilespmem:$0x19800] =	vst v63  }
0x35: {  	_ = 	snop  }
0x36: {  	[spmem:s2] =	stream.indirect.scatter.add.f32 [tilespmem:s12], [sflag:$0x1], $0x10, s23, s13, $0xb8;
	[tilespmem:$0x19800] =	vst v63  }
0x37: {  	_ = 	snop  }
0x38: {  	[spmem:s2] =	stream.indirect.scatter.add.f32 [tilespmem:s12], [sflag:$0x1], $0x10, s24, s13, $0xb8;
	[tilespmem:$0x19800] =	vst v63  }
0x39: {  	_ = 	snop  }
0x3a: {  	[spmem:s2] =	stream.indirect.scatter.add.f32 [tilespmem:s12], [sflag:$0x1], $0x10, s25, s13, $0xb8;
	[tilespmem:$0x19800] =	vst v63  }
0x3b: {  	_ = 	snop  }
0x3c: {  	[spmem:s2] =	stream.indirect.scatter.add.f32 [tilespmem:s12], [sflag:$0x1], $0x10, s26, s13, $0xb8;
	[tilespmem:$0x19800] =	vst v63  }
0x3d: {  	_ = 	snop  }
0x3e: {  	[spmem:s2] =	stream.indirect.scatter.add.f32 [tilespmem:s12], [sflag:$0x1], $0x10, s28, s13, $0xb8;
	[tilespmem:$0x19800] =	vst v63  }
0x3f: {  	_ =	swait.ge [sflag:s29], $0x800  }
0x40: {  	[sflag:s29] =	ssyncset.done $0x0  }
0x41: {  	[sflag:s29] =	ssyncadd.s32 $0xFFFFF800  }
0x42: {  	_ =	swait.ge [sflag:s29], $0x800  }
0x43: {  	[sflag:s29] =	ssyncset.done $0x0  }
0x44: {  	[sflag:s29] =	ssyncadd.s32 $0xFFFFF800  }
0x45: {  	_ =	swait.ge [sflag:s29], $0x800  }
0x46: {  	[sflag:s29] =	ssyncset.done $0x0  }
0x47: {  	[sflag:s29] =	ssyncadd.s32 $0xFFFFF800  }
0x48: {  	_ =	swait.ge [sflag:s29], $0x800  }
0x49: {  	[sflag:s29] =	ssyncset.done $0x0  }
0x4a: {  	[sflag:s29] =	ssyncadd.s32 $0xFFFFF800  }
0x4b: {  	_ =	swait.ge [sflag:s29], $0x800  }
0x4c: {  	[sflag:s29] =	ssyncset.done $0x0  }
0x4d: {  	[sflag:s29] =	ssyncadd.s32 $0xFFFFF800  }
0x4e: {  	_ =	swait.ge [sflag:s29], $0x800  }
0x4f: {  	[sflag:s29] =	ssyncset.done $0x0  }
0x50: {  	[sflag:s29] =	ssyncadd.s32 $0xFFFFF800  }
0x51: {  	_ =	swait.ge [sflag:s29], $0x800  }
0x52: {  	[sflag:s29] =	ssyncset.done $0x0  }
0x53: {  	[sflag:s29] =	ssyncadd.s32 $0xFFFFF800  }
0x54: {  	_ =	swait.ge [sflag:s29], $0x800  }
0x55: {  	[sflag:s29] =	ssyncset.done $0x0  }
0x56: {  	[sflag:s29] =	ssyncadd.s32 $0xFFFFF800  }
0x57: {  	_ =	swait.ge [sflag:s29], $0x800  }
0x58: {  	[sflag:s29] =	ssyncset.done $0x0  }
0x59: {  	[sflag:s29] =	ssyncadd.s32 $0xFFFFF800  }
0x5a: {  	_ =	swait.ge [sflag:s29], $0x800  }
0x5b: {  	[sflag:s29] =	ssyncset.done $0x0  }
0x5c: {  	[sflag:s29] =	ssyncadd.s32 $0xFFFFF800  }
0x5d: {  	_ =	swait.ge [sflag:s29], $0x800  }
0x5e: {  	[sflag:s29] =	ssyncset.done $0x0  }
0x5f: {  	[sflag:s29] =	ssyncadd.s32 $0xFFFFF800  }
0x60: {  	_ =	swait.ge [sflag:s29], $0x800  }
0x61: {  	[sflag:s29] =	ssyncset.done $0x0  }
0x62: {  	[sflag:s29] =	ssyncadd.s32 $0xFFFFF800  }
0x63: {  	_ =	swait.ge [sflag:s29], $0x800  }
0x64: {  	[sflag:s29] =	ssyncset.done $0x0  }
0x65: {  	[sflag:s29] =	ssyncadd.s32 $0xFFFFF800  }
0x66: {  	_ =	swait.ge [sflag:s29], $0x800  }
0x67: {  	[sflag:s29] =	ssyncset.done $0x0  }
0x68: {  	[sflag:s29] =	ssyncadd.s32 $0xFFFFF800  }
0x69: {  	_ =	swait.ge [sflag:s29], $0x800  }
0x6a: {  	[sflag:s29] =	ssyncset.done $0x0  }
0x6b: {  	[sflag:s29] =	ssyncadd.s32 $0xFFFFF800  }
0x6c: {  	_ =	swait.ge [sflag:s29], $0x800  }
0x6d: {  	s1 =	simm.s32 $0x100;
	s0 =	simm.s32 $0x200;
	[sflag:s29] =	ssyncset.done $0x0  }
.LBB2_2:
0x6e: {  	s4 =	sadd.s32 s1, s9  }
0x6f: {  	[sflag:s29] =	ssyncadd.s32 $0xFFFFF800;
	s1 =	smov.u32 s0;
	s30 =	sadd.s32 $0x100, s0  }
0x70: {  	[tilespmem:s3], [sflag:$0x2] =	stream.linear.gather [hbm4b:s4+s3], $0x800, $0x38;
	[tilespmem:$0x19800] =	vst v63  }
0x71: {  	p0 =	sne.s32 s0, $0x1800;
	_ =	swait.ge [sflag:s11], $0x800  }
0x72: {  	[sflag:s11] =	ssyncset.done $0x0  }
0x73: {  	[sflag:s11] =	ssyncadd.s32 $0xFFFFF800  }
0x74: {  	[spmem:s2] =	stream.indirect.scatter.add.f32 [tilespmem:s12], [sflag:$0x1], $0x10, s3, s13, $0xb8;
	[tilespmem:$0x19800] =	vst v63  }
0x75: {  	_ = 	snop  }
0x76: {  	[spmem:s2] =	stream.indirect.scatter.add.f32 [tilespmem:s12], [sflag:$0x1], $0x10, s13, s13, $0xb8;
	[tilespmem:$0x19800] =	vst v63  }
0x77: {  	_ = 	snop  }
0x78: {  	[spmem:s2] =	stream.indirect.scatter.add.f32 [tilespmem:s12], [sflag:$0x1], $0x10, s14, s13, $0xb8;
	[tilespmem:$0x19800] =	vst v63  }
0x79: {  	_ = 	snop  }
0x7a: {  	[spmem:s2] =	stream.indirect.scatter.add.f32 [tilespmem:s12], [sflag:$0x1], $0x10, s15, s13, $0xb8;
	[tilespmem:$0x19800] =	vst v63  }
0x7b: {  	_ = 	snop  }
0x7c: {  	[spmem:s2] =	stream.indirect.scatter.add.f32 [tilespmem:s12], [sflag:$0x1], $0x10, s16, s13, $0xb8;
	[tilespmem:$0x19800] =	vst v63  }
0x7d: {  	_ = 	snop  }
0x7e: {  	[spmem:s2] =	stream.indirect.scatter.add.f32 [tilespmem:s12], [sflag:$0x1], $0x10, s17, s13, $0xb8;
	[tilespmem:$0x19800] =	vst v63  }
0x7f: {  	_ = 	snop  }
0x80: {  	[spmem:s2] =	stream.indirect.scatter.add.f32 [tilespmem:s12], [sflag:$0x1], $0x10, s18, s13, $0xb8;
	[tilespmem:$0x19800] =	vst v63  }
0x81: {  	_ = 	snop  }
0x82: {  	[spmem:s2] =	stream.indirect.scatter.add.f32 [tilespmem:s12], [sflag:$0x1], $0x10, s19, s13, $0xb8;
	[tilespmem:$0x19800] =	vst v63  }
0x83: {  	_ = 	snop  }
0x84: {  	[spmem:s2] =	stream.indirect.scatter.add.f32 [tilespmem:s12], [sflag:$0x1], $0x10, s20, s13, $0xb8;
	[tilespmem:$0x19800] =	vst v63  }
0x85: {  	_ = 	snop  }
0x86: {  	[spmem:s2] =	stream.indirect.scatter.add.f32 [tilespmem:s12], [sflag:$0x1], $0x10, s21, s13, $0xb8;
	[tilespmem:$0x19800] =	vst v63  }
0x87: {  	_ = 	snop  }
0x88: {  	[spmem:s2] =	stream.indirect.scatter.add.f32 [tilespmem:s12], [sflag:$0x1], $0x10, s22, s13, $0xb8;
	[tilespmem:$0x19800] =	vst v63  }
0x89: {  	_ = 	snop  }
0x8a: {  	[spmem:s2] =	stream.indirect.scatter.add.f32 [tilespmem:s12], [sflag:$0x1], $0x10, s23, s13, $0xb8;
	[tilespmem:$0x19800] =	vst v63  }
0x8b: {  	_ = 	snop  }
0x8c: {  	[spmem:s2] =	stream.indirect.scatter.add.f32 [tilespmem:s12], [sflag:$0x1], $0x10, s24, s13, $0xb8;
	[tilespmem:$0x19800] =	vst v63  }
0x8d: {  	_ = 	snop  }
0x8e: {  	[spmem:s2] =	stream.indirect.scatter.add.f32 [tilespmem:s12], [sflag:$0x1], $0x10, s25, s13, $0xb8;
	[tilespmem:$0x19800] =	vst v63  }
0x8f: {  	_ = 	snop  }
0x90: {  	[spmem:s2] =	stream.indirect.scatter.add.f32 [tilespmem:s12], [sflag:$0x1], $0x10, s26, s13, $0xb8;
	[tilespmem:$0x19800] =	vst v63  }
0x91: {  	_ = 	snop  }
0x92: {  	[spmem:s2] =	stream.indirect.scatter.add.f32 [tilespmem:s12], [sflag:$0x1], $0x10, s28, s13, $0xb8;
	[tilespmem:$0x19800] =	vst v63  }
0x93: {  	_ =	swait.ge [sflag:s29], $0x800  }
0x94: {  	[sflag:s29] =	ssyncset.done $0x0  }
0x95: {  	[sflag:s29] =	ssyncadd.s32 $0xFFFFF800  }
0x96: {  	_ =	swait.ge [sflag:s29], $0x800  }
0x97: {  	[sflag:s29] =	ssyncset.done $0x0  }
0x98: {  	[sflag:s29] =	ssyncadd.s32 $0xFFFFF800  }
0x99: {  	_ =	swait.ge [sflag:s29], $0x800  }
0x9a: {  	[sflag:s29] =	ssyncset.done $0x0  }
0x9b: {  	[sflag:s29] =	ssyncadd.s32 $0xFFFFF800  }
0x9c: {  	_ =	swait.ge [sflag:s29], $0x800  }
0x9d: {  	[sflag:s29] =	ssyncset.done $0x0  }
0x9e: {  	[sflag:s29] =	ssyncadd.s32 $0xFFFFF800  }
0x9f: {  	_ =	swait.ge [sflag:s29], $0x800  }
0xa0: {  	[sflag:s29] =	ssyncset.done $0x0  }
0xa1: {  	[sflag:s29] =	ssyncadd.s32 $0xFFFFF800  }
0xa2: {  	_ =	swait.ge [sflag:s29], $0x800  }
0xa3: {  	[sflag:s29] =	ssyncset.done $0x0  }
0xa4: {  	[sflag:s29] =	ssyncadd.s32 $0xFFFFF800  }
0xa5: {  	_ =	swait.ge [sflag:s29], $0x800  }
0xa6: {  	[sflag:s29] =	ssyncset.done $0x0  }
0xa7: {  	[sflag:s29] =	ssyncadd.s32 $0xFFFFF800  }
0xa8: {  	_ =	swait.ge [sflag:s29], $0x800  }
0xa9: {  	[sflag:s29] =	ssyncset.done $0x0  }
0xaa: {  	[sflag:s29] =	ssyncadd.s32 $0xFFFFF800  }
0xab: {  	_ =	swait.ge [sflag:s29], $0x800  }
0xac: {  	[sflag:s29] =	ssyncset.done $0x0  }
0xad: {  	[sflag:s29] =	ssyncadd.s32 $0xFFFFF800  }
0xae: {  	_ =	swait.ge [sflag:s29], $0x800  }
0xaf: {  	[sflag:s29] =	ssyncset.done $0x0  }
0xb0: {  	[sflag:s29] =	ssyncadd.s32 $0xFFFFF800  }
0xb1: {  	_ =	swait.ge [sflag:s29], $0x800  }
0xb2: {  	[sflag:s29] =	ssyncset.done $0x0  }
0xb3: {  	[sflag:s29] =	ssyncadd.s32 $0xFFFFF800  }
0xb4: {  	_ =	swait.ge [sflag:s29], $0x800  }
0xb5: {  	[sflag:s29] =	ssyncset.done $0x0  }
0xb6: {  	[sflag:s29] =	ssyncadd.s32 $0xFFFFF800  }
0xb7: {  	_ =	swait.ge [sflag:s29], $0x800  }
0xb8: {  	[sflag:s29] =	ssyncset.done $0x0  }
0xb9: {  	[sflag:s29] =	ssyncadd.s32 $0xFFFFF800  }
0xba: {  	_ =	swait.ge [sflag:s29], $0x800  }
0xbb: {  	[sflag:s29] =	ssyncset.done $0x0  }
0xbc: {  	[sflag:s29] =	ssyncadd.s32 $0xFFFFF800  }
.Ltmp0:
0xbd: {  	_ =	swait.ge [sflag:s29], $0x800;
	(pc) =	sbr.rel @p0 .LBB2_2-.Ltmp0, $4  }
0xbe: {  	[sflag:s29] =	ssyncset.done $0x0  }
0xbf: {  	[sflag:s29] =	ssyncadd.s32 $0xFFFFF800  }
0xc0: {  	_ =	swait.ge [sflag:s29], $0x800  }
0xc1: {  	s0 =	smov.u32 s30;
	[sflag:s29] =	ssyncset.done $0x0  }
0xc2: {  	s0 =	sadd.s32 s1, s9;
	[sflag:s29] =	ssyncadd.s32 $0xFFFFF800  }
0xc3: {  	[tilespmem:s3], [sflag:$0x2] =	stream.linear.gather [hbm4b:s0+s3], $0x800, $0x38;
	[tilespmem:$0x19800] =	vst v63  }
0xc4: {  	_ =	swait.ge [sflag:s11], $0x800  }
0xc5: {  	[sflag:s11] =	ssyncset.done $0x0  }
0xc6: {  	[sflag:s11] =	ssyncadd.s32 $0xFFFFF800  }
0xc7: {  	[spmem:s2] =	stream.indirect.scatter.add.f32 [tilespmem:s12], [sflag:$0x1], $0x10, s3, s13, $0xb8;
	[tilespmem:$0x19800] =	vst v63  }
0xc8: {  	_ = 	snop  }
0xc9: {  	[spmem:s2] =	stream.indirect.scatter.add.f32 [tilespmem:s12], [sflag:$0x1], $0x10, s13, s13, $0xb8;
	[tilespmem:$0x19800] =	vst v63  }
0xca: {  	_ = 	snop  }
0xcb: {  	[spmem:s2] =	stream.indirect.scatter.add.f32 [tilespmem:s12], [sflag:$0x1], $0x10, s14, s13, $0xb8;
	[tilespmem:$0x19800] =	vst v63  }
0xcc: {  	_ = 	snop  }
0xcd: {  	[spmem:s2] =	stream.indirect.scatter.add.f32 [tilespmem:s12], [sflag:$0x1], $0x10, s15, s13, $0xb8;
	[tilespmem:$0x19800] =	vst v63  }
0xce: {  	_ = 	snop  }
0xcf: {  	[spmem:s2] =	stream.indirect.scatter.add.f32 [tilespmem:s12], [sflag:$0x1], $0x10, s16, s13, $0xb8;
	[tilespmem:$0x19800] =	vst v63  }
0xd0: {  	_ = 	snop  }
0xd1: {  	[spmem:s2] =	stream.indirect.scatter.add.f32 [tilespmem:s12], [sflag:$0x1], $0x10, s17, s13, $0xb8;
	[tilespmem:$0x19800] =	vst v63  }
0xd2: {  	_ = 	snop  }
0xd3: {  	[spmem:s2] =	stream.indirect.scatter.add.f32 [tilespmem:s12], [sflag:$0x1], $0x10, s18, s13, $0xb8;
	[tilespmem:$0x19800] =	vst v63  }
0xd4: {  	_ = 	snop  }
0xd5: {  	[spmem:s2] =	stream.indirect.scatter.add.f32 [tilespmem:s12], [sflag:$0x1], $0x10, s19, s13, $0xb8;
	[tilespmem:$0x19800] =	vst v63  }
0xd6: {  	_ = 	snop  }
0xd7: {  	[spmem:s2] =	stream.indirect.scatter.add.f32 [tilespmem:s12], [sflag:$0x1], $0x10, s20, s13, $0xb8;
	[tilespmem:$0x19800] =	vst v63  }
0xd8: {  	_ = 	snop  }
0xd9: {  	[spmem:s2] =	stream.indirect.scatter.add.f32 [tilespmem:s12], [sflag:$0x1], $0x10, s21, s13, $0xb8;
	[tilespmem:$0x19800] =	vst v63  }
0xda: {  	_ = 	snop  }
0xdb: {  	[spmem:s2] =	stream.indirect.scatter.add.f32 [tilespmem:s12], [sflag:$0x1], $0x10, s22, s13, $0xb8;
	[tilespmem:$0x19800] =	vst v63  }
0xdc: {  	_ = 	snop  }
0xdd: {  	[spmem:s2] =	stream.indirect.scatter.add.f32 [tilespmem:s12], [sflag:$0x1], $0x10, s23, s13, $0xb8;
	[tilespmem:$0x19800] =	vst v63  }
0xde: {  	_ = 	snop  }
0xdf: {  	[spmem:s2] =	stream.indirect.scatter.add.f32 [tilespmem:s12], [sflag:$0x1], $0x10, s24, s13, $0xb8;
	[tilespmem:$0x19800] =	vst v63  }
0xe0: {  	_ = 	snop  }
0xe1: {  	[spmem:s2] =	stream.indirect.scatter.add.f32 [tilespmem:s12], [sflag:$0x1], $0x10, s25, s13, $0xb8;
	[tilespmem:$0x19800] =	vst v63  }
0xe2: {  	_ = 	snop  }
0xe3: {  	[spmem:s2] =	stream.indirect.scatter.add.f32 [tilespmem:s12], [sflag:$0x1], $0x10, s26, s13, $0xb8;
	[tilespmem:$0x19800] =	vst v63  }
0xe4: {  	_ = 	snop  }
0xe5: {  	[spmem:s2] =	stream.indirect.scatter.add.f32 [tilespmem:s12], [sflag:$0x1], $0x10, s28, s13, $0xb8;
	[tilespmem:$0x19800] =	vst v63  }
0xe6: {  	_ =	swait.ge [sflag:s29], $0x800  }
0xe7: {  	[sflag:s29] =	ssyncset.done $0x0  }
0xe8: {  	[sflag:s29] =	ssyncadd.s32 $0xFFFFF800  }
0xe9: {  	_ =	swait.ge [sflag:s29], $0x800  }
0xea: {  	[sflag:s29] =	ssyncset.done $0x0  }
0xeb: {  	[sflag:s29] =	ssyncadd.s32 $0xFFFFF800  }
0xec: {  	_ =	swait.ge [sflag:s29], $0x800  }
0xed: {  	[sflag:s29] =	ssyncset.done $0x0  }
0xee: {  	[sflag:s29] =	ssyncadd.s32 $0xFFFFF800  }
0xef: {  	_ =	swait.ge [sflag:s29], $0x800  }
0xf0: {  	[sflag:s29] =	ssyncset.done $0x0  }
0xf1: {  	[sflag:s29] =	ssyncadd.s32 $0xFFFFF800  }
0xf2: {  	_ =	swait.ge [sflag:s29], $0x800  }
0xf3: {  	[sflag:s29] =	ssyncset.done $0x0  }
0xf4: {  	[sflag:s29] =	ssyncadd.s32 $0xFFFFF800  }
0xf5: {  	_ =	swait.ge [sflag:s29], $0x800  }
0xf6: {  	[sflag:s29] =	ssyncset.done $0x0  }
0xf7: {  	[sflag:s29] =	ssyncadd.s32 $0xFFFFF800  }
0xf8: {  	_ =	swait.ge [sflag:s29], $0x800  }
0xf9: {  	[sflag:s29] =	ssyncset.done $0x0  }
0xfa: {  	[sflag:s29] =	ssyncadd.s32 $0xFFFFF800  }
0xfb: {  	_ =	swait.ge [sflag:s29], $0x800  }
0xfc: {  	[sflag:s29] =	ssyncset.done $0x0  }
0xfd: {  	[sflag:s29] =	ssyncadd.s32 $0xFFFFF800  }
0xfe: {  	_ =	swait.ge [sflag:s29], $0x800  }
0xff: {  	[sflag:s29] =	ssyncset.done $0x0  }
0x100: {  	[sflag:s29] =	ssyncadd.s32 $0xFFFFF800  }
0x101: {  	_ =	swait.ge [sflag:s29], $0x800  }
0x102: {  	[sflag:s29] =	ssyncset.done $0x0  }
0x103: {  	[sflag:s29] =	ssyncadd.s32 $0xFFFFF800  }
0x104: {  	_ =	swait.ge [sflag:s29], $0x800  }
0x105: {  	[sflag:s29] =	ssyncset.done $0x0  }
0x106: {  	[sflag:s29] =	ssyncadd.s32 $0xFFFFF800  }
0x107: {  	_ =	swait.ge [sflag:s29], $0x800  }
0x108: {  	[sflag:s29] =	ssyncset.done $0x0  }
0x109: {  	[sflag:s29] =	ssyncadd.s32 $0xFFFFF800  }
0x10a: {  	_ =	swait.ge [sflag:s29], $0x800  }
0x10b: {  	[sflag:s29] =	ssyncset.done $0x0  }
0x10c: {  	[sflag:s29] =	ssyncadd.s32 $0xFFFFF800  }
0x10d: {  	_ =	swait.ge [sflag:s29], $0x800  }
0x10e: {  	[sflag:s29] =	ssyncset.done $0x0  }
0x10f: {  	[sflag:s29] =	ssyncadd.s32 $0xFFFFF800  }
0x110: {  	_ =	swait.ge [sflag:s29], $0x800  }
0x111: {  	[sflag:s29] =	ssyncset.done $0x0  }
0x112: {  	[sflag:s29] =	ssyncadd.s32 $0xFFFFF800  }
0x113: {  	_ =	swait.ge [sflag:s29], $0x800  }
0x114: {  	s31 =	sadd.s32 $0x1, s31;
	[sflag:s29] =	ssyncset.done $0x0  }
0x115: {  	p0 =	sne.s32 s31, s8;
	[sflag:s29] =	ssyncadd.s32 $0xFFFFF800  }
.Ltmp1:
0x116: {  	s30 =	simm.s32 $0x4;
	[bflag:$0x0] =	sbarrier.arrive $0xFFFF;
	(pc) =	sbr.rel @p0 .LBB2_1-.Ltmp1, $4  }
0x117: {  	[hbm:s7@s30], [sflag:s6] =	dma.strided [spmem:s10@s11], $0x3100, s29, $0x2   }
0x118: {  	_ =	swait.ge [sflag:s11], $0x3100  }
0x119: {  	[sflag:s11] =	ssyncset.done $0x0  }
0x11a: {  	[sflag:s11] =	ssyncadd.s32 $0xFFFFCF00  }
0x11b: {  	_ =	sfence.sel $0x180000  }
0x11c: {  	[bflag:$0x0] =	sbarrier.arrive $0xFFFF  }
0x11d: {  	_ =	strace $0x90000047  }
0x11e: {  	s0 =	stileid.u32;
	[bflag:$0x2] =	sbarrier.arrive $0xFFFF  }
0x11f: {  	p0 =	sne.s32 s0, $0x0;
	s0 =	rddreg [dreg:$0x2]  }
0x120: {  	s0 =	sadd.s32 @!p0 $0x100000, s0  }
0x121: {  	[sflag:s0] =	ssyncadd.tile.s32 @!p0 $0x1;
	_ =	shalt  }
.Lfunc_end2:
_tile_overlayer_lowered:
.L_overlay_start_2:
0x122: {  	(tag) =	ssettag $0x2  }
0x123: {  	s0 =	rddreg [dreg:$0x0];
	s2 =	stileid.u32  }
0x124: {  	s1 =	rddreg [dreg:$0x1];
	p0 =	sne.s32 s2, $0x0  }
0x125: {  	s3 =	rddreg [dreg:$0x2];
	[bflag:$0x3] =	sbarrier.arrive $0xFFFF;
	s2 =	simm.s32 @!p0 $0x1C02  }
0x126: {  	[timem:s3], [sflag:s2] =	dma.local @!p0 [hbm:s0], s1  }
0x127: {  	s0 =	simm.s32 @!p0 $0x2  }
0x128: {  	_ =	swait.ge @!p0 [sflag:s0], s1  }
0x129: {  	s1 =	ssub.s32 @!p0 $0x0, s1;
	[sflag:s0] =	ssyncset.done @!p0 $0x0  }
0x12a: {  	[sflag:s0] =	ssyncadd.s32 @!p0 s1  }
0x12b: {  	[bflag:$0x3] =	sbarrier.arrive $0xFFFF  }
0x12c: {  	_ =	shalt  }

// kernel: kernel.13.cloned.1.call-start
scs
__scs_entry_jumppad:
0x0: {  	(pc) =	sbr.rel $0x88, $3  }
0x1: {  	(tag) =	ssettag $0x0;
	lr =	simm.s32 $0x1  }
0x2: {  	[smem:$0x3F8D] =	sst lr;
	_ =	strace $0xD0000000  }
0x3: {  	_ = 	snop  }
0x4: {  	_ = 	snop  }
0x5: {  	_ = 	snop  }
0x6: {  	_ = 	snop  }
0x7: {  	_ = 	snop  }
__scs_overlays_trampoline_lowered:
0x8: {  	[smem:$0x3F9C] =	sst s0  }
0x9: {  	[smem:$0x3F9D] =	sst s1  }
0xa: {  	[smem:$0x3F9E] =	sst s2  }
0xb: {  	[smem:$0x3F9F] =	sst s3  }
0xc: {  	[smem:$0x3FA0] =	sst s4  }
0xd: {  	[smem:$0x3FA1] =	sst s5  }
0xe: {  	[smem:$0x3FA2] =	sst s6  }
0xf: {  	[smem:$0x3FA3] =	sst s7  }
0x10: {  	[smem:$0x3FA4] =	sst s8  }
0x11: {  	[smem:$0x3FA5] =	sst s9;
	s0 =	simm.s32 @!p0 $0x0  }
0x12: {  	s1 =	sld [smem:$0x3F8B];
	s0 =	simm.s32 @p0 $0x1  }
0x13: {  	[smem:$0x3FA6] =	sst s0;
	s0 =	simm.s32 @!p1 $0x0  }
0x14: {  	s2 =	sld [smem:$0x3F8A];
	s0 =	simm.s32 @p1 $0x1  }
0x15: {  	[smem:$0x3FA7] =	sst s0;
	s0 =	simm.s32 @!p2 $0x0  }
0x16: {  	s3 =	sld [smem:$0x3FDB];
	s0 =	simm.s32 @p2 $0x1  }
0x17: {  	s4 =	simm.s32 $0x1BF5;
	[smem:$0x3FA9] =	sst s0  }
0x18: {  	s0 =	sld [smem:$0x3F8C];
	_ =	swait.ge [sflag:s4], $0x0  }
0x19: {  	s7 =	sld [smem:$0x3F8D]  }
0x1a: {  	s8 =	sadd.s32 $0xFFFFE003, lr  }
0x1b: {  	s9 =	sadd.s32 $0xFFFFFEF7, lr;
	s5 =	simm.s32 $0xFFFFFFFF;
	p2 =	slt.u32 s8, $0xFFFFF086  }
0x1c: {  	p1 =	slt.u32 s9, $0xF7A;
	s5 =	simm.s32 @!p2 $0x0  }
0x1d: {  	s5 =	simm.s32 @p1 $0x1;
	p0 =	seq.s32 s7, s2  }
0x1e: {  	s7 =	smul.u32 @!p0 $0xF7A, s2;
	p2 =	seq.s32 @!p0 s5, $0x0  }
0x1f: {  	s9 =	smul.u32 $0xF7A, s1;
	s8 =	simm.s32 @!p0 $0x1BF5;
	p2 =	por !p2, p0  }
0x20: {  	[sflag:s8] =	ssyncset.s32 @!p0 $0xFFFFF086;
	s6 =	sadd.s32 @!p0 s3, s7;
	s7 =	simm.s32 @!p0 $0x108  }
0x21: {  	s3 =	sadd.s32 s3, s9;
	s6 =	sadd.s32 @!p0 $0x88, s6;
	s7 =	simm.s32 @p2 $0x1082  }
0x22: {  	[simem:s7], [sflag:s8] =	dma.local @!p0 [hbm:s6], $0xF7A  }
0x23: {  	s9 =	sor.u32 $0xD0000000, s2;
	s6 =	simm.s32 $0x108;
	_ =	swait.ge @!p0 [sflag:s8], $0x0  }
0x24: {  	s3 =	sadd.s32 $0x88, s3;
	s6 =	simm.s32 @!p1 $0x1082;
	[sflag:s4] =	ssyncset.s32 $0xFFFFF086  }
0x25: {  	[simem:s6], [sflag:s4] =	dma.local [hbm:s3], $0xF7A  }
0x26: {  	[smem:$0x3F8D] =	sst s1;
	(tag) =	ssettag s2;
	_ =	strace s9  }
0x27: {  	s1 =	sld [smem:$0x3F9D]  }
0x28: {  	s2 =	sld [smem:$0x3F9E]  }
0x29: {  	s4 =	sld [smem:$0x3FA0]  }
0x2a: {  	p0 =	seq.s32 s5, $0x0;
	s5 =	sld [smem:$0x3FA1]  }
0x2b: {  	s6 =	sld [smem:$0x3FA2]  }
0x2c: {  	s7 =	sld [smem:$0x3FA3]  }
0x2d: {  	s3 =	simm.s32 $0x108;
	s8 =	sld [smem:$0x3FA4]  }
0x2e: {  	s3 =	simm.s32 @!p0 $0x1082;
	s9 =	sld [smem:$0x3FA5]  }
0x2f: {  	lr =	sadd.s32 s0, s3;
	s0 =	sld [smem:$0x3F9C]  }
0x30: {  	s3 =	sld [smem:$0x3F9F]  }
0x31: {  	[smem:$0x3FA8] =	sst s10  }
0x32: {  	s10 =	sld [smem:$0x3FA6];
	_ =	sdelay $0x3  }
0x33: {  	p0 =	seq.s32 s10, $0x1;
	s10 =	sld [smem:$0x3FA8];
	_ =	sdelay $0x3  }
0x34: {  	[smem:$0x3FA8] =	sst s10  }
0x35: {  	s10 =	sld [smem:$0x3FA7];
	_ =	sdelay $0x3  }
0x36: {  	p1 =	seq.s32 s10, $0x1;
	s10 =	sld [smem:$0x3FA8];
	_ =	sdelay $0x3  }
0x37: {  	[smem:$0x3FA8] =	sst s10  }
0x38: {  	s10 =	sld [smem:$0x3FA9]  }
0x39: {  	_ = 	snop;
	(pc) =	sbr.ind lr, $3  }
0x3a: {  	_ = 	snop  }
0x3b: {  	_ = 	snop  }
0x3c: {  	p2 =	seq.s32 s10, $0x1;
	s10 =	sld [smem:$0x3FA8]  }
0x3d: {  	_ =	shalt  }
0x3e: {  	_ =	shalt  }
0x3f: {  	_ =	shalt  }
0x40: {  	_ =	shalt  }
0x41: {  	_ =	shalt  }
0x42: {  	_ =	shalt  }
0x43: {  	_ =	shalt  }
0x44: {  	_ =	shalt  }
0x45: {  	_ =	shalt  }
0x46: {  	_ =	shalt  }
0x47: {  	_ =	shalt  }
0x48: {  	_ =	shalt  }
0x49: {  	_ =	shalt  }
0x4a: {  	_ =	shalt  }
0x4b: {  	_ =	shalt  }
0x4c: {  	_ =	shalt  }
0x4d: {  	_ =	shalt  }
0x4e: {  	_ =	shalt  }
0x4f: {  	_ =	shalt  }
0x50: {  	_ =	shalt  }
0x51: {  	_ =	shalt  }
0x52: {  	_ =	shalt  }
0x53: {  	_ =	shalt  }
0x54: {  	_ =	shalt  }
0x55: {  	_ =	shalt  }
0x56: {  	_ =	shalt  }
0x57: {  	_ =	shalt  }
0x58: {  	_ =	shalt  }
0x59: {  	_ =	shalt  }
0x5a: {  	_ =	shalt  }
0x5b: {  	_ =	shalt  }
0x5c: {  	_ =	shalt  }
0x5d: {  	_ =	shalt  }
0x5e: {  	_ =	shalt  }
0x5f: {  	_ =	shalt  }
0x60: {  	_ =	shalt  }
0x61: {  	_ =	shalt  }
0x62: {  	_ =	shalt  }
0x63: {  	_ =	shalt  }
0x64: {  	_ =	shalt  }
0x65: {  	_ =	shalt  }
0x66: {  	_ =	shalt  }
0x67: {  	_ =	shalt  }
0x68: {  	_ =	shalt  }
0x69: {  	_ =	shalt  }
0x6a: {  	_ =	shalt  }
0x6b: {  	_ =	shalt  }
0x6c: {  	_ =	shalt  }
0x6d: {  	_ =	shalt  }
0x6e: {  	_ =	shalt  }
0x6f: {  	_ =	shalt  }
0x70: {  	_ =	shalt  }
0x71: {  	_ =	shalt  }
0x72: {  	_ =	shalt  }
0x73: {  	_ =	shalt  }
0x74: {  	_ =	shalt  }
0x75: {  	_ =	shalt  }
0x76: {  	_ =	shalt  }
0x77: {  	_ =	shalt  }
0x78: {  	_ =	shalt  }
0x79: {  	_ =	shalt  }
0x7a: {  	_ =	shalt  }
0x7b: {  	_ =	shalt  }
0x7c: {  	_ =	shalt  }
0x7d: {  	_ =	shalt  }
0x7e: {  	_ =	shalt  }
0x7f: {  	_ =	shalt  }
0x80: {  	_ =	shalt  }
0x81: {  	_ =	shalt  }
0x82: {  	_ =	shalt  }
0x83: {  	_ =	shalt  }
0x84: {  	_ =	shalt  }
0x85: {  	_ =	shalt  }
0x86: {  	_ =	shalt  }
0x87: {  	_ =	shalt  }
.Lfunc_end0:
.L_simem_size_0:
called_computation.1_lowered:
.L_overlay_start_0:
0x88: {  	s2 =	sld [smem:$0x3FD9]  }
0x89: {  	s3 =	sld [smem:$0x3FFE];
	_ =	sdelay $0x1  }
0x8a: {  	s1 =	srdreg.scid  }
0x8b: {  	s0 =	sand.u32 $0x1, s1  }
0x8c: {  	s16 =	sshll.u32 s0, $0xA;
	s2 =	sadd.s32 s3, s2  }
0x8d: {  	s2 =	sadd.s32 s2, s16  }
0x8e: {  	[smem:$0x3FB4] =	sst s2  }
0x8f: {  	_ = 	snop  }
0x90: {  	(tm) =	ssettm $0x1  }
0x91: {  	s17 =	sld [smem:$0x3FFB];
	_ =	sdelay $0x3  }
0x92: {  	_ =	strace s17  }
0x93: {  	s2 =	sld [smem:$0x3FFC];
	_ =	sdelay $0x3  }
0x94: {  	_ =	strace s2  }
0x95: {  	s2 =	sld [smem:$0x3FFD];
	_ =	sdelay $0x3  }
0x96: {  	_ =	strace s2  }
0x97: {  	_ =	strace $0x8FFFFFFF  }
0x98: {  	s18 =	sld [smem:$0x3FDB];
	_ =	sdelay $0x1  }
0x99: {  	s19 =	simm.s32 $_scs_section_size  }
0x9a: {  	s4 =	simm.s32 $_size__tile_overlayer_lowered;
	s5 =	simm.s32 $_tile_overlayer_lowered  }
0x9b: {  	s22 =	simm.s32 $0x1BFF;
	s21 =	sshll.u32 s5, $0x1;
	s2 =	sadd.s32 s19, s18  }
0x9c: {  	s6 =	simm.s32 $0x0;
	s20 =	sshll.u32 s4, $0x1;
	s4 =	sadd.s32 s21, s2  }
0x9d: {  	[timem:s6], [sflag:s22] =	dma.local [hbm:s4], s20  }
0x9e: {  	_ =	swait.ge [sflag:s22], s20  }
0x9f: {  	s3 =	ssub.s32 $0x0, s20;
	[sflag:s22] =	ssyncset.done $0x0  }
0xa0: {  	[sflag:s22] =	ssyncadd.s32 s3;
	_ =	sdelay $0x1  }
0xa1: {  	s23 =	simm.s32 $0x1B8B  }
0xa2: {  	_ =	swait.ge [sflag:s23], $0x1  }
0xa3: {  	[sflag:s23] =	ssyncset.done $0x0  }
0xa4: {  	s25 =	simm.s32 $0x1B8E;
	s24 =	sld [smem:$0x3FFE];
	[sflag:s23] =	ssyncadd.s32 $0xFFFFFFFF  }
0xa5: {  	s26 =	simm.s32 $execute0_lowered;
	[smem:$0x3FD2] =	sst s25  }
0xa6: {  	s4 =	sshll.u32 s26, $0x1;
	_ =	strace $0x80000049;
	[dreg:$0x1] =	wrdreg $0xFFFFFFFF  }
0xa7: {  	s28 =	simm.s32 $_size_execute0_lowered;
	s2 =	sadd.s32 s2, s4;
	[dreg:$0x0] =	wrdreg $0x0  }
0xa8: {  	s4 =	sshll.u32 s28, $0x1;
	[dreg:$0x2] =	wrdreg s2  }
0xa9: {  	[dreg:$0x3] =	wrdreg s4  }
0xaa: {  	[dreg:$0x4] =	wrdreg $0xC0  }
0xab: {  	_ =	task [dreg:s6], $0x5FFFF  }
0xac: {  	[dreg:$0x1] =	wrdreg $0xFFFFFFFF  }
0xad: {  	[dreg:$0x0] =	wrdreg $0x60  }
0xae: {  	[dreg:$0x2] =	wrdreg s24  }
0xaf: {  	[dreg:$0x3] =	wrdreg $0x60000  }
0xb0: {  	[dreg:$0x4] =	wrdreg $0x9  }
0xb1: {  	_ =	task.clear_ibuf [dreg:s6], $0x5FFFF;
	_ =	strace $0x90000049  }
0xb2: {  	s29 =	simm.s32 $0x9;
	_ =	strace $0x8000004B  }
0xb3: {  	_ =	swait.ge [sflag:s29], $0x1  }
0xb4: {  	[sflag:s29] =	ssyncadd.s32 $0xFFFFFFFF  }
0xb5: {  	_ =	strace $0x9000004B  }
0xb6: {  	_ =	sfence  }
0xb7: {  	s30 =	sld [smem:$0x0];
	_ =	sdelay $0x2  }
0xb8: {  	s31 =	sshll.u32 s1, $0xD;
	s1 =	sshrl.u32 s1, $0x2  }
0xb9: {  	s3 =	sand.u32 $0x4000, s31;
	s1 =	sadd.s32 s1, s30  }
0xba: {  	s0 =	sor.u32 s3, s0;
	s1 =	sshll.u32 s1, $0x11  }
0xbb: {  	s0 =	sor.u32 s1, s0  }
0xbc: {  	s0 =	sadd.s32 $0x8F2B, s0  }
0xbd: {  	[sflag:s0] =	ssyncadd.remote.s32 $0x1  }
0xbe: {  	_ =	sfence.sel $0xFFFF  }
0xbf: {  	[dreg:$0x0] =	wrdreg $0xFFFFFFFF;
	(pc) =	sbr.abs _section_cstart, $3  }
0xc0: {  	[dreg:$0x1] =	wrdreg $0xFFFFFFFF  }
0xc1: {  	_ =	task.clear_ibuf [dreg:s6], $0x2FFFF;
	_ =	strace $0x9FFFFFFF  }
0xc2: {  	(tm) =	ssettm $0x7FFFFFFF  }
0xc3: {  	_ =	shalt  }
tec
execute0_lowered:
.L_overlay_start_1:
0x0: {  	(tag) =	ssettag $0x1  }
0x1: {  	s0 =	rddreg [dreg:$0x0]  }
0x2: {  	s2 =	rddreg [dreg:$0x1]  }
0x3: {  	s11 =	simm.s32 $0x0;
	s3 =	stileid.u32;
	s5 =	srdreg.scid  }
0x4: {  	s13 =	simm.s32 $0x11;
	s14 =	simm.s32 $0x1000;
	s15 =	simm.s32 $0x80  }
0x5: {  	s16 =	simm.s32 $0x2000;
	s17 =	simm.s32 $0x2800;
	s18 =	simm.s32 $0x3000  }
0x6: {  	s19 =	simm.s32 $0x3800;
	s20 =	simm.s32 $0x4000;
	s21 =	simm.s32 $0x4800  }
0x7: {  	s22 =	simm.s32 $0x5000;
	s28 =	simm.s32 $0x4;
	s29 =	simm.s32 $0x5  }
0x8: {  	s30 =	simm.s32 $0x6;
	s31 =	simm.s32 $0x7;
	[smem:$0x7FF] =	sst s11  }
0x9: {  	s1 =	smul.u32 $0x18800, s3;
	s4 =	sadd.s32 $0x68000, s0;
	s5 =	sand.u32 $0x1, s5  }
0xa: {  	s6 =	smul.u32 $0x31000, s3;
	s25 =	sshll.u32 s3, $0x6;
	_ =	strace $0x8000004A  }
0xb: {  	s8 =	smul.u32 $0x32000, s5;
	s9 =	sshll.u32 s5, $0x4;
	s23 =	ssub.s32 $0x2, s5  }
0xc: {  	s5 =	sadd.s32 $0x5000, s0;
	s7 =	sshrl.u32 s1, $0x3;
	s6 =	sor.u32 s9, s6  }
0xd: {  	s10 =	sshrl.u32 s23, $0x1;
	s1 =	sadd.s32 s1, s2;
	s9 =	smul.u32 $0x19000, s3  }
0xe: {  	s7 =	sadd.s32 s7, s0;
	s8 =	sadd.s32 s8, s0;
	s6 =	sshrl.u32 s6, $0x3  }
0xf: {  	s24 =	ssub.s32 s23, s10;
	s3 =	sshrl.u32 s1, $0x3;
	s23 =	simm.s32 $0x5800  }
0x10: {  	s0 =	sadd.s32 s6, s0;
	s7 =	sadd.s32 $0x37000, s7;
	[dreg:$0x8] =	wrdreg s3  }
0x11: {  	s8 =	sadd.s32 $0x12C200, s8;
	s26 =	smax.u32 s24, $0x1;
	[dreg:$0x4] =	wrdreg s7  }
0x12: {  	s24 =	simm.s32 $0x1;
	s0 =	sadd.s32 $0xCA000, s0;
	[dreg:$0x7] =	wrdreg s26  }
0x13: {  	s7 =	sor.u32 $0x1C11, s25;
	s25 =	simm.s32 $0x2;
	[dreg:$0x6] =	wrdreg s0  }
0x14: {  	s26 =	simm.s32 $0x3;
	s0 =	simm.s32 $0x8;
	[dreg:$0x5] =	wrdreg s7  }
.LBB2_1:
0x15: {  	[dreg:$0x3] =	wrdreg s11  }
0x16: {  	s1 =	rddreg [dreg:$0x4]  }
0x17: {  	[spmem:s3], [sflag:s7] =	dma.local [hbm:s1], $0x3100  }
0x18: {  	_ =	swait.ge [sflag:s13], $0x3100  }
0x19: {  	[sflag:s13] =	ssyncset.done $0x0  }
0x1a: {  	[sflag:s13] =	ssyncadd.s32 $0xFFFFCF00  }
0x1b: {  	s1 =	simm.s32 $0x0;
	[bflag:$0x0] =	sbarrier.arrive $0xFFFF  }
.LBB2_2:
0x1c: {  	s6 =	sshll.u32 s1, $0xC  }
0x1d: {  	s6 =	sadd.s32 s9, s6  }
0x1e: {  	s6 =	sshrl.u32 s6, $0x3  }
0x1f: {  	s10 =	simm.s32 $0x0;
	s7 =	sadd.s32 s6, s8  }
0x20: {  	[tilespmem:s10], [sflag:$0x11] =	stream.linear.gather [hbm4b:s7+s10], $0x1000, $0x38;
	[tilespmem:$0x1E800] =	vst v63  }
0x21: {  	_ =	swait.ge [sflag:s13], $0x1000  }
0x22: {  	[sflag:s13] =	ssyncset.done $0x0  }
0x23: {  	s6 =	sadd.s32 s5, s6;
	[sflag:s13] =	ssyncadd.s32 $0xFFFFF000  }
0x24: {  	[tilespmem:s14], [sflag:$0x11] =	stream.linear.gather [hbm4b:s6+s10], $0x1000, $0x38;
	[tilespmem:$0x1E800] =	vst v63  }
0x25: {  	s11 =	sor.u32 s1, s10;
	_ =	swait.ge [sflag:s13], $0x1000  }
0x26: {  	p0 =	seq.s32 s11, $0x0;
	[sflag:s13] =	ssyncset.done $0x0  }
0x27: {  	s6 =	simm.s32 @!p0 $0x9;
	[sflag:s13] =	ssyncadd.s32 $0xFFFFF000  }
0x28: {  	_ =	swait.ge @!p0 [sflag:s6], $0x800  }
0x29: {  	[sflag:s6] =	ssyncset.done @!p0 $0x0  }
0x2a: {  	[sflag:s6] =	ssyncadd.s32 @!p0 $0xFFFFF800;
	s6 =	simm.s32 @!p0 $0xA  }
0x2b: {  	_ =	swait.ge @!p0 [sflag:s6], $0x800  }
0x2c: {  	[sflag:s6] =	ssyncset.done @!p0 $0x0  }
0x2d: {  	[sflag:s6] =	ssyncadd.s32 @!p0 $0xFFFFF800;
	s6 =	simm.s32 @!p0 $0xB  }
0x2e: {  	_ =	swait.ge @!p0 [sflag:s6], $0x800  }
0x2f: {  	[sflag:s6] =	ssyncset.done @!p0 $0x0  }
0x30: {  	[sflag:s6] =	ssyncadd.s32 @!p0 $0xFFFFF800;
	s6 =	simm.s32 @!p0 $0xC  }
0x31: {  	_ =	swait.ge @!p0 [sflag:s6], $0x800  }
0x32: {  	[sflag:s6] =	ssyncset.done @!p0 $0x0  }
0x33: {  	[sflag:s6] =	ssyncadd.s32 @!p0 $0xFFFFF800;
	s6 =	simm.s32 @!p0 $0xD  }
0x34: {  	_ =	swait.ge @!p0 [sflag:s6], $0x800  }
0x35: {  	[sflag:s6] =	ssyncset.done @!p0 $0x0  }
0x36: {  	[sflag:s6] =	ssyncadd.s32 @!p0 $0xFFFFF800;
	s6 =	simm.s32 @!p0 $0xE  }
0x37: {  	_ =	swait.ge @!p0 [sflag:s6], $0x800  }
0x38: {  	[sflag:s6] =	ssyncset.done @!p0 $0x0  }
0x39: {  	[sflag:s6] =	ssyncadd.s32 @!p0 $0xFFFFF800;
	s6 =	simm.s32 @!p0 $0xF  }
0x3a: {  	_ =	swait.ge @!p0 [sflag:s6], $0x800  }
0x3b: {  	[sflag:s6] =	ssyncset.done @!p0 $0x0  }
0x3c: {  	[sflag:s6] =	ssyncadd.s32 @!p0 $0xFFFFF800;
	s6 =	simm.s32 @!p0 $0x10  }
0x3d: {  	_ =	swait.ge @!p0 [sflag:s6], $0x800  }
0x3e: {  	[sflag:s6] =	ssyncset.done @!p0 $0x0  }
0x3f: {  	s12 =	simm.s32 $0x0;
	[sflag:s6] =	ssyncadd.s32 @!p0 $0xFFFFF800  }
0x40: {  	[tilespmem:s16], [sflag:$0x1] =	stream.indirect.gather [hbm4b:s4+s15], $0x10, s12, s15, $0xb8;
	[tilespmem:$0x1E800] =	vst v63  }
0x41: {  	s3 =	simm.s32 $0x80  }
0x42: {  	[tilespmem:s17], [sflag:$0x2] =	stream.indirect.gather [hbm4b:s4+s15], $0x10, s3, s15, $0xb8;
	[tilespmem:$0x1E800] =	vst v63  }
0x43: {  	s7 =	simm.s32 $0x100  }
0x44: {  	[tilespmem:s18], [sflag:$0x3] =	stream.indirect.gather [hbm4b:s4+s15], $0x10, s7, s15, $0xb8;
	[tilespmem:$0x1E800] =	vst v63  }
0x45: {  	s10 =	simm.s32 $0x180  }
0x46: {  	[tilespmem:s19], [sflag:$0x4] =	stream.indirect.gather [hbm4b:s4+s15], $0x10, s10, s15, $0xb8;
	[tilespmem:$0x1E800] =	vst v63  }
0x47: {  	s11 =	simm.s32 $0x200  }
0x48: {  	[tilespmem:s20], [sflag:$0x5] =	stream.indirect.gather [hbm4b:s4+s15], $0x10, s11, s15, $0xb8;
	[tilespmem:$0x1E800] =	vst v63  }
0x49: {  	s12 =	simm.s32 $0x280  }
0x4a: {  	[tilespmem:s21], [sflag:$0x6] =	stream.indirect.gather [hbm4b:s4+s15], $0x10, s12, s15, $0xb8;
	[tilespmem:$0x1E800] =	vst v63  }
0x4b: {  	s3 =	simm.s32 $0x300  }
0x4c: {  	[tilespmem:s22], [sflag:$0x7] =	stream.indirect.gather [hbm4b:s4+s15], $0x10, s3, s15, $0xb8;
	[tilespmem:$0x1E800] =	vst v63  }
0x4d: {  	s7 =	simm.s32 $0x380  }
0x4e: {  	[tilespmem:s23], [sflag:$0x8] =	stream.indirect.gather [hbm4b:s4+s15], $0x10, s7, s15, $0xb8;
	[tilespmem:$0x1E800] =	vst v63  }
0x4f: {  	_ =	swait.ge [sflag:s24], $0x800  }
0x50: {  	[sflag:s24] =	ssyncset.done $0x0  }
0x51: {  	s10 =	simm.s32 $0x1000;
	[sflag:s24] =	ssyncadd.s32 $0xFFFFF800  }
0x52: {  	[spmem:s2] =	stream.indirect.scatter.add.f32 [tilespmem:s16], [sflag:$0x9], $0x10, s10, s15, $0xb8;
	[tilespmem:$0x1E800] =	vst v63  }
0x53: {  	_ =	swait.ge [sflag:s25], $0x800  }
0x54: {  	[sflag:s25] =	ssyncset.done $0x0  }
0x55: {  	s11 =	simm.s32 $0x1080;
	[sflag:s25] =	ssyncadd.s32 $0xFFFFF800  }
0x56: {  	[spmem:s2] =	stream.indirect.scatter.add.f32 [tilespmem:s17], [sflag:$0xA], $0x10, s11, s15, $0xb8;
	[tilespmem:$0x1E800] =	vst v63  }
0x57: {  	_ =	swait.ge [sflag:s26], $0x800  }
0x58: {  	[sflag:s26] =	ssyncset.done $0x0  }
0x59: {  	s12 =	simm.s32 $0x1100;
	[sflag:s26] =	ssyncadd.s32 $0xFFFFF800  }
0x5a: {  	[spmem:s2] =	stream.indirect.scatter.add.f32 [tilespmem:s18], [sflag:$0xB], $0x10, s12, s15, $0xb8;
	[tilespmem:$0x1E800] =	vst v63  }
0x5b: {  	_ =	swait.ge [sflag:s28], $0x800  }
0x5c: {  	[sflag:s28] =	ssyncset.done $0x0  }
0x5d: {  	s3 =	simm.s32 $0x1180;
	[sflag:s28] =	ssyncadd.s32 $0xFFFFF800  }
0x5e: {  	[spmem:s2] =	stream.indirect.scatter.add.f32 [tilespmem:s19], [sflag:$0xC], $0x10, s3, s15, $0xb8;
	[tilespmem:$0x1E800] =	vst v63  }
0x5f: {  	_ =	swait.ge [sflag:s29], $0x800  }
0x60: {  	[sflag:s29] =	ssyncset.done $0x0  }
0x61: {  	s7 =	simm.s32 $0x1200;
	[sflag:s29] =	ssyncadd.s32 $0xFFFFF800  }
0x62: {  	[spmem:s2] =	stream.indirect.scatter.add.f32 [tilespmem:s20], [sflag:$0xD], $0x10, s7, s15, $0xb8;
	[tilespmem:$0x1E800] =	vst v63  }
0x63: {  	_ =	swait.ge [sflag:s30], $0x800  }
0x64: {  	[sflag:s30] =	ssyncset.done $0x0  }
0x65: {  	s10 =	simm.s32 $0x1280;
	[sflag:s30] =	ssyncadd.s32 $0xFFFFF800  }
0x66: {  	[spmem:s2] =	stream.indirect.scatter.add.f32 [tilespmem:s21], [sflag:$0xE], $0x10, s10, s15, $0xb8;
	[tilespmem:$0x1E800] =	vst v63  }
0x67: {  	_ =	swait.ge [sflag:s31], $0x800  }
0x68: {  	s6 =	simm.s32 $0x1000;
	[sflag:s31] =	ssyncset.done $0x0  }
0x69: {  	s11 =	simm.s32 $0x1300;
	s10 =	simm.s32 $0x1;
	[sflag:s31] =	ssyncadd.s32 $0xFFFFF800  }
0x6a: {  	[spmem:s2] =	stream.indirect.scatter.add.f32 [tilespmem:s22], [sflag:$0xF], $0x10, s11, s15, $0xb8;
	[tilespmem:$0x1E800] =	vst v63  }
0x6b: {  	s7 =	simm.s32 $0x1380;
	s12 =	sor.u32 s1, s10;
	_ =	swait.ge [sflag:s0], $0x800  }
0x6c: {  	p1 =	seq.s32 s12, $0x0;
	s11 =	simm.s32 $0x2000;
	[sflag:s0] =	ssyncset.done $0x0  }
.LBB2_3:
0x6d: {  	s12 =	simm.s32 @!p1 $0x9  }
0x6e: {  	[sflag:s0] =	ssyncadd.s32 $0xFFFFF800;
	s3 =	smov.u32 s11;
	s11 =	sadd.s32 $0x1000, s11  }
0x6f: {  	[spmem:s2] =	stream.indirect.scatter.add.f32 [tilespmem:s23], [sflag:$0x10], $0x10, s7, s15, $0xb8;
	[tilespmem:$0x1E800] =	vst v63  }
0x70: {  	p0 =	sne.s32 s11, $0x4000;
	_ =	swait.ge @!p1 [sflag:s12], $0x800  }
0x71: {  	[sflag:s12] =	ssyncset.done @!p1 $0x0  }
0x72: {  	s7 =	simm.s32 @!p1 $0xA;
	[sflag:s12] =	ssyncadd.s32 @!p1 $0xFFFFF800  }
0x73: {  	_ =	swait.ge @!p1 [sflag:s7], $0x800  }
0x74: {  	[sflag:s7] =	ssyncset.done @!p1 $0x0  }
0x75: {  	[sflag:s7] =	ssyncadd.s32 @!p1 $0xFFFFF800;
	s7 =	simm.s32 @!p1 $0xB  }
0x76: {  	_ =	swait.ge @!p1 [sflag:s7], $0x800  }
0x77: {  	[sflag:s7] =	ssyncset.done @!p1 $0x0  }
0x78: {  	[sflag:s7] =	ssyncadd.s32 @!p1 $0xFFFFF800;
	s7 =	simm.s32 @!p1 $0xC  }
0x79: {  	_ =	swait.ge @!p1 [sflag:s7], $0x800  }
0x7a: {  	[sflag:s7] =	ssyncset.done @!p1 $0x0  }
0x7b: {  	[sflag:s7] =	ssyncadd.s32 @!p1 $0xFFFFF800;
	s7 =	simm.s32 @!p1 $0xD  }
0x7c: {  	_ =	swait.ge @!p1 [sflag:s7], $0x800  }
0x7d: {  	[sflag:s7] =	ssyncset.done @!p1 $0x0  }
0x7e: {  	[sflag:s7] =	ssyncadd.s32 @!p1 $0xFFFFF800;
	s7 =	simm.s32 @!p1 $0xE  }
0x7f: {  	_ =	swait.ge @!p1 [sflag:s7], $0x800  }
0x80: {  	[sflag:s7] =	ssyncset.done @!p1 $0x0  }
0x81: {  	[sflag:s7] =	ssyncadd.s32 @!p1 $0xFFFFF800;
	s7 =	simm.s32 @!p1 $0xF  }
0x82: {  	_ =	swait.ge @!p1 [sflag:s7], $0x800  }
0x83: {  	[sflag:s7] =	ssyncset.done @!p1 $0x0  }
0x84: {  	[sflag:s7] =	ssyncadd.s32 @!p1 $0xFFFFF800;
	s7 =	simm.s32 @!p1 $0x10  }
0x85: {  	_ =	swait.ge @!p1 [sflag:s7], $0x800  }
0x86: {  	[sflag:s7] =	ssyncset.done @!p1 $0x0  }
0x87: {  	[sflag:s7] =	ssyncadd.s32 @!p1 $0xFFFFF800;
	s7 =	sshra.s32 s6, $0x2;
	s6 =	smov.u32 s3  }
0x88: {  	[tilespmem:s16], [sflag:$0x1] =	stream.indirect.gather [hbm4b:s4+s15], $0x10, s7, s15, $0xb8;
	[tilespmem:$0x1E800] =	vst v63  }
0x89: {  	s3 =	sadd.s32 $0x80, s7  }
0x8a: {  	[tilespmem:s17], [sflag:$0x2] =	stream.indirect.gather [hbm4b:s4+s15], $0x10, s3, s15, $0xb8;
	[tilespmem:$0x1E800] =	vst v63  }
0x8b: {  	s3 =	sadd.s32 $0x100, s7  }
0x8c: {  	[tilespmem:s18], [sflag:$0x3] =	stream.indirect.gather [hbm4b:s4+s15], $0x10, s3, s15, $0xb8;
	[tilespmem:$0x1E800] =	vst v63  }
0x8d: {  	s3 =	sadd.s32 $0x180, s7  }
0x8e: {  	[tilespmem:s19], [sflag:$0x4] =	stream.indirect.gather [hbm4b:s4+s15], $0x10, s3, s15, $0xb8;
	[tilespmem:$0x1E800] =	vst v63  }
0x8f: {  	s3 =	sadd.s32 $0x200, s7  }
0x90: {  	[tilespmem:s20], [sflag:$0x5] =	stream.indirect.gather [hbm4b:s4+s15], $0x10, s3, s15, $0xb8;
	[tilespmem:$0x1E800] =	vst v63  }
0x91: {  	s3 =	sadd.s32 $0x280, s7  }
0x92: {  	[tilespmem:s21], [sflag:$0x6] =	stream.indirect.gather [hbm4b:s4+s15], $0x10, s3, s15, $0xb8;
	[tilespmem:$0x1E800] =	vst v63  }
0x93: {  	s3 =	sadd.s32 $0x300, s7  }
0x94: {  	[tilespmem:s22], [sflag:$0x7] =	stream.indirect.gather [hbm4b:s4+s15], $0x10, s3, s15, $0xb8;
	[tilespmem:$0x1E800] =	vst v63  }
0x95: {  	s3 =	sadd.s32 $0x380, s7  }
0x96: {  	[tilespmem:s23], [sflag:$0x8] =	stream.indirect.gather [hbm4b:s4+s15], $0x10, s3, s15, $0xb8;
	[tilespmem:$0x1E800] =	vst v63  }
0x97: {  	_ =	swait.ge [sflag:s24], $0x800  }
0x98: {  	[sflag:s24] =	ssyncset.done $0x0  }
0x99: {  	s3 =	sadd.s32 $0x1000, s7;
	[sflag:s24] =	ssyncadd.s32 $0xFFFFF800  }
0x9a: {  	[spmem:s2] =	stream.indirect.scatter.add.f32 [tilespmem:s16], [sflag:$0x9], $0x10, s3, s15, $0xb8;
	[tilespmem:$0x1E800] =	vst v63  }
0x9b: {  	_ =	swait.ge [sflag:s25], $0x800  }
0x9c: {  	[sflag:s25] =	ssyncset.done $0x0  }
0x9d: {  	s3 =	sadd.s32 $0x1080, s7;
	[sflag:s25] =	ssyncadd.s32 $0xFFFFF800  }
0x9e: {  	[spmem:s2] =	stream.indirect.scatter.add.f32 [tilespmem:s17], [sflag:$0xA], $0x10, s3, s15, $0xb8;
	[tilespmem:$0x1E800] =	vst v63  }
0x9f: {  	_ =	swait.ge [sflag:s26], $0x800  }
0xa0: {  	[sflag:s26] =	ssyncset.done $0x0  }
0xa1: {  	s3 =	sadd.s32 $0x1100, s7;
	[sflag:s26] =	ssyncadd.s32 $0xFFFFF800  }
0xa2: {  	[spmem:s2] =	stream.indirect.scatter.add.f32 [tilespmem:s18], [sflag:$0xB], $0x10, s3, s15, $0xb8;
	[tilespmem:$0x1E800] =	vst v63  }
0xa3: {  	_ =	swait.ge [sflag:s28], $0x800  }
0xa4: {  	[sflag:s28] =	ssyncset.done $0x0  }
0xa5: {  	s3 =	sadd.s32 $0x1180, s7;
	[sflag:s28] =	ssyncadd.s32 $0xFFFFF800  }
0xa6: {  	[spmem:s2] =	stream.indirect.scatter.add.f32 [tilespmem:s19], [sflag:$0xC], $0x10, s3, s15, $0xb8;
	[tilespmem:$0x1E800] =	vst v63  }
0xa7: {  	_ =	swait.ge [sflag:s29], $0x800  }
0xa8: {  	[sflag:s29] =	ssyncset.done $0x0  }
0xa9: {  	s3 =	sadd.s32 $0x1200, s7;
	[sflag:s29] =	ssyncadd.s32 $0xFFFFF800  }
0xaa: {  	[spmem:s2] =	stream.indirect.scatter.add.f32 [tilespmem:s20], [sflag:$0xD], $0x10, s3, s15, $0xb8;
	[tilespmem:$0x1E800] =	vst v63  }
0xab: {  	_ =	swait.ge [sflag:s30], $0x800  }
0xac: {  	[sflag:s30] =	ssyncset.done $0x0  }
0xad: {  	s3 =	sadd.s32 $0x1280, s7;
	[sflag:s30] =	ssyncadd.s32 $0xFFFFF800  }
0xae: {  	[spmem:s2] =	stream.indirect.scatter.add.f32 [tilespmem:s21], [sflag:$0xE], $0x10, s3, s15, $0xb8;
	[tilespmem:$0x1E800] =	vst v63  }
0xaf: {  	_ =	swait.ge [sflag:s31], $0x800  }
.Ltmp0:
0xb0: {  	[sflag:s31] =	ssyncset.done $0x0;
	(pc) =	sbr.rel @p0 .LBB2_3-.Ltmp0, $4  }
0xb1: {  	s10 =	sadd.s32 $0x1, s10;
	s3 =	sadd.s32 $0x1300, s7;
	[sflag:s31] =	ssyncadd.s32 $0xFFFFF800  }
0xb2: {  	[spmem:s2] =	stream.indirect.scatter.add.f32 [tilespmem:s22], [sflag:$0xF], $0x10, s3, s15, $0xb8;
	[tilespmem:$0x1E800] =	vst v63  }
0xb3: {  	s3 =	sor.u32 s1, s10;
	_ =	swait.ge [sflag:s0], $0x800  }
0xb4: {  	s7 =	sadd.s32 $0x1380, s7;
	p1 =	seq.s32 s3, $0x0;
	[sflag:s0] =	ssyncset.done $0x0  }
0xb5: {  	s3 =	simm.s32 @!p1 $0x9;
	[sflag:s0] =	ssyncadd.s32 $0xFFFFF800  }
0xb6: {  	[spmem:s2] =	stream.indirect.scatter.add.f32 [tilespmem:s23], [sflag:$0x10], $0x10, s7, s15, $0xb8;
	[tilespmem:$0x1E800] =	vst v63  }
0xb7: {  	_ =	swait.ge @!p1 [sflag:s3], $0x800  }
0xb8: {  	[sflag:s3] =	ssyncset.done @!p1 $0x0  }
0xb9: {  	[sflag:s3] =	ssyncadd.s32 @!p1 $0xFFFFF800;
	s3 =	simm.s32 @!p1 $0xA  }
0xba: {  	_ =	swait.ge @!p1 [sflag:s3], $0x800  }
0xbb: {  	[sflag:s3] =	ssyncset.done @!p1 $0x0  }
0xbc: {  	[sflag:s3] =	ssyncadd.s32 @!p1 $0xFFFFF800;
	s3 =	simm.s32 @!p1 $0xB  }
0xbd: {  	_ =	swait.ge @!p1 [sflag:s3], $0x800  }
0xbe: {  	[sflag:s3] =	ssyncset.done @!p1 $0x0  }
0xbf: {  	[sflag:s3] =	ssyncadd.s32 @!p1 $0xFFFFF800;
	s3 =	simm.s32 @!p1 $0xC  }
0xc0: {  	_ =	swait.ge @!p1 [sflag:s3], $0x800  }
0xc1: {  	[sflag:s3] =	ssyncset.done @!p1 $0x0  }
0xc2: {  	[sflag:s3] =	ssyncadd.s32 @!p1 $0xFFFFF800;
	s3 =	simm.s32 @!p1 $0xD  }
0xc3: {  	_ =	swait.ge @!p1 [sflag:s3], $0x800  }
0xc4: {  	[sflag:s3] =	ssyncset.done @!p1 $0x0  }
0xc5: {  	[sflag:s3] =	ssyncadd.s32 @!p1 $0xFFFFF800;
	s3 =	simm.s32 @!p1 $0xE  }
0xc6: {  	_ =	swait.ge @!p1 [sflag:s3], $0x800  }
0xc7: {  	[sflag:s3] =	ssyncset.done @!p1 $0x0  }
0xc8: {  	[sflag:s3] =	ssyncadd.s32 @!p1 $0xFFFFF800;
	s3 =	simm.s32 @!p1 $0xF  }
0xc9: {  	_ =	swait.ge @!p1 [sflag:s3], $0x800  }
0xca: {  	[sflag:s3] =	ssyncset.done @!p1 $0x0  }
0xcb: {  	[sflag:s3] =	ssyncadd.s32 @!p1 $0xFFFFF800;
	s3 =	simm.s32 @!p1 $0x10  }
0xcc: {  	_ =	swait.ge @!p1 [sflag:s3], $0x800  }
0xcd: {  	[sflag:s3] =	ssyncset.done @!p1 $0x0  }
0xce: {  	[sflag:s3] =	ssyncadd.s32 @!p1 $0xFFFFF800;
	s3 =	sshra.s32 s6, $0x2  }
0xcf: {  	[tilespmem:s16], [sflag:$0x1] =	stream.indirect.gather [hbm4b:s4+s15], $0x10, s3, s15, $0xb8;
	[tilespmem:$0x1E800] =	vst v63  }
0xd0: {  	s6 =	sadd.s32 $0x80, s3  }
0xd1: {  	[tilespmem:s17], [sflag:$0x2] =	stream.indirect.gather [hbm4b:s4+s15], $0x10, s6, s15, $0xb8;
	[tilespmem:$0x1E800] =	vst v63  }
0xd2: {  	s12 =	sadd.s32 $0x100, s3  }
0xd3: {  	[tilespmem:s18], [sflag:$0x3] =	stream.indirect.gather [hbm4b:s4+s15], $0x10, s12, s15, $0xb8;
	[tilespmem:$0x1E800] =	vst v63  }
0xd4: {  	s7 =	sadd.s32 $0x180, s3  }
0xd5: {  	[tilespmem:s19], [sflag:$0x4] =	stream.indirect.gather [hbm4b:s4+s15], $0x10, s7, s15, $0xb8;
	[tilespmem:$0x1E800] =	vst v63  }
0xd6: {  	s10 =	sadd.s32 $0x200, s3  }
0xd7: {  	[tilespmem:s20], [sflag:$0x5] =	stream.indirect.gather [hbm4b:s4+s15], $0x10, s10, s15, $0xb8;
	[tilespmem:$0x1E800] =	vst v63  }
0xd8: {  	s11 =	sadd.s32 $0x280, s3  }
0xd9: {  	[tilespmem:s21], [sflag:$0x6] =	stream.indirect.gather [hbm4b:s4+s15], $0x10, s11, s15, $0xb8;
	[tilespmem:$0x1E800] =	vst v63  }
0xda: {  	s12 =	sadd.s32 $0x300, s3  }
0xdb: {  	[tilespmem:s22], [sflag:$0x7] =	stream.indirect.gather [hbm4b:s4+s15], $0x10, s12, s15, $0xb8;
	[tilespmem:$0x1E800] =	vst v63  }
0xdc: {  	s7 =	sadd.s32 $0x380, s3  }
0xdd: {  	[tilespmem:s23], [sflag:$0x8] =	stream.indirect.gather [hbm4b:s4+s15], $0x10, s7, s15, $0xb8;
	[tilespmem:$0x1E800] =	vst v63  }
0xde: {  	_ =	swait.ge [sflag:s24], $0x800  }
0xdf: {  	[sflag:s24] =	ssyncset.done $0x0  }
0xe0: {  	s10 =	sadd.s32 $0x1000, s3;
	[sflag:s24] =	ssyncadd.s32 $0xFFFFF800  }
0xe1: {  	[spmem:s2] =	stream.indirect.scatter.add.f32 [tilespmem:s16], [sflag:$0x9], $0x10, s10, s15, $0xb8;
	[tilespmem:$0x1E800] =	vst v63  }
0xe2: {  	_ =	swait.ge [sflag:s25], $0x800  }
0xe3: {  	[sflag:s25] =	ssyncset.done $0x0  }
0xe4: {  	s11 =	sadd.s32 $0x1080, s3;
	[sflag:s25] =	ssyncadd.s32 $0xFFFFF800  }
0xe5: {  	[spmem:s2] =	stream.indirect.scatter.add.f32 [tilespmem:s17], [sflag:$0xA], $0x10, s11, s15, $0xb8;
	[tilespmem:$0x1E800] =	vst v63  }
0xe6: {  	_ =	swait.ge [sflag:s26], $0x800  }
0xe7: {  	[sflag:s26] =	ssyncset.done $0x0  }
0xe8: {  	s12 =	sadd.s32 $0x1100, s3;
	[sflag:s26] =	ssyncadd.s32 $0xFFFFF800  }
0xe9: {  	[spmem:s2] =	stream.indirect.scatter.add.f32 [tilespmem:s18], [sflag:$0xB], $0x10, s12, s15, $0xb8;
	[tilespmem:$0x1E800] =	vst v63  }
0xea: {  	_ =	swait.ge [sflag:s28], $0x800  }
0xeb: {  	[sflag:s28] =	ssyncset.done $0x0  }
0xec: {  	s7 =	sadd.s32 $0x1180, s3;
	[sflag:s28] =	ssyncadd.s32 $0xFFFFF800  }
0xed: {  	[spmem:s2] =	stream.indirect.scatter.add.f32 [tilespmem:s19], [sflag:$0xC], $0x10, s7, s15, $0xb8;
	[tilespmem:$0x1E800] =	vst v63  }
0xee: {  	_ =	swait.ge [sflag:s29], $0x800  }
0xef: {  	[sflag:s29] =	ssyncset.done $0x0  }
0xf0: {  	s10 =	sadd.s32 $0x1200, s3;
	[sflag:s29] =	ssyncadd.s32 $0xFFFFF800  }
0xf1: {  	[spmem:s2] =	stream.indirect.scatter.add.f32 [tilespmem:s20], [sflag:$0xD], $0x10, s10, s15, $0xb8;
	[tilespmem:$0x1E800] =	vst v63  }
0xf2: {  	_ =	swait.ge [sflag:s30], $0x800  }
0xf3: {  	[sflag:s30] =	ssyncset.done $0x0  }
0xf4: {  	s11 =	sadd.s32 $0x1280, s3;
	[sflag:s30] =	ssyncadd.s32 $0xFFFFF800  }
0xf5: {  	[spmem:s2] =	stream.indirect.scatter.add.f32 [tilespmem:s21], [sflag:$0xE], $0x10, s11, s15, $0xb8;
	[tilespmem:$0x1E800] =	vst v63  }
0xf6: {  	_ =	swait.ge [sflag:s31], $0x800  }
0xf7: {  	s1 =	sadd.s32 $0x1, s1;
	[sflag:s31] =	ssyncset.done $0x0  }
0xf8: {  	p0 =	sne.s32 s1, $0x19;
	s12 =	sadd.s32 $0x1300, s3;
	[sflag:s31] =	ssyncadd.s32 $0xFFFFF800  }
0xf9: {  	[spmem:s2] =	stream.indirect.scatter.add.f32 [tilespmem:s22], [sflag:$0xF], $0x10, s12, s15, $0xb8;
	[tilespmem:$0x1E800] =	vst v63  }
.Ltmp1:
0xfa: {  	_ = 	snop;
	(pc) =	sbr.rel @p0 .LBB2_2-.Ltmp1, $4  }
0xfb: {  	_ =	swait.ge [sflag:s0], $0x800  }
0xfc: {  	[sflag:s0] =	ssyncset.done $0x0  }
0xfd: {  	s3 =	sadd.s32 $0x1380, s3;
	[sflag:s0] =	ssyncadd.s32 $0xFFFFF800  }
0xfe: {  	[spmem:s2] =	stream.indirect.scatter.add.f32 [tilespmem:s23], [sflag:$0x10], $0x10, s3, s15, $0xb8;
	[tilespmem:$0x1E800] =	vst v63  }
0xff: {  	s1 =	simm.s32 $0x9  }
0x100: {  	_ =	swait.ge [sflag:s1], $0x800  }
0x101: {  	[sflag:s1] =	ssyncset.done $0x0  }
0x102: {  	s10 =	simm.s32 $0xA;
	[sflag:s1] =	ssyncadd.s32 $0xFFFFF800  }
0x103: {  	_ =	swait.ge [sflag:s10], $0x800  }
0x104: {  	[sflag:s10] =	ssyncset.done $0x0  }
0x105: {  	s11 =	simm.s32 $0xB;
	[sflag:s10] =	ssyncadd.s32 $0xFFFFF800  }
0x106: {  	_ =	swait.ge [sflag:s11], $0x800  }
0x107: {  	[sflag:s11] =	ssyncset.done $0x0  }
0x108: {  	s12 =	simm.s32 $0xC;
	[sflag:s11] =	ssyncadd.s32 $0xFFFFF800  }
0x109: {  	_ =	swait.ge [sflag:s12], $0x800  }
0x10a: {  	[sflag:s12] =	ssyncset.done $0x0  }
0x10b: {  	s3 =	simm.s32 $0xD;
	[sflag:s12] =	ssyncadd.s32 $0xFFFFF800  }
0x10c: {  	_ =	swait.ge [sflag:s3], $0x800  }
0x10d: {  	[sflag:s3] =	ssyncset.done $0x0  }
0x10e: {  	s6 =	simm.s32 $0xE;
	[sflag:s3] =	ssyncadd.s32 $0xFFFFF800  }
0x10f: {  	_ =	swait.ge [sflag:s6], $0x800  }
0x110: {  	[sflag:s6] =	ssyncset.done $0x0  }
0x111: {  	s7 =	simm.s32 $0xF;
	[sflag:s6] =	ssyncadd.s32 $0xFFFFF800  }
0x112: {  	_ =	swait.ge [sflag:s7], $0x800  }
0x113: {  	[sflag:s7] =	ssyncset.done $0x0  }
0x114: {  	s10 =	simm.s32 $0x10;
	[sflag:s7] =	ssyncadd.s32 $0xFFFFF800  }
0x115: {  	_ =	swait.ge [sflag:s10], $0x800  }
0x116: {  	[sflag:s10] =	ssyncset.done $0x0  }
0x117: {  	[sflag:s10] =	ssyncadd.s32 $0xFFFFF800  }
0x118: {  	[bflag:$0x0] =	sbarrier.arrive $0xFFFF  }
0x119: {  	s7 =	rddreg [dreg:$0x5]  }
0x11a: {  	s11 =	rddreg [dreg:$0x6]  }
0x11b: {  	s3 =	rddreg [dreg:$0x8]  }
0x11c: {  	[hbm:s11@s28], [sflag:s7] =	dma.strided [spmem:s3@s25], $0x3100, s24, $0x2   }
0x11d: {  	_ =	swait.ge [sflag:s13], $0x3100  }
0x11e: {  	s11 =	rddreg [dreg:$0x3]  }
0x11f: {  	s12 =	rddreg [dreg:$0x7];
	s11 =	sadd.s32 $0x1, s11  }
0x120: {  	p0 =	sne.s32 s11, s12  }
.Ltmp2:
0x121: {  	_ = 	snop;
	(pc) =	sbr.rel @p0 .LBB2_1-.Ltmp2, $3  }
0x122: {  	_ =	sdelay $0x1  }
0x123: {  	[sflag:s13] =	ssyncset.done $0x0  }
0x124: {  	[sflag:s13] =	ssyncadd.s32 $0xFFFFCF00  }
0x125: {  	_ =	sfence.sel $0x180000  }
0x126: {  	[bflag:$0x0] =	sbarrier.arrive $0xFFFF  }
0x127: {  	_ =	strace $0x9000004A  }
0x128: {  	s0 =	stileid.u32;
	[bflag:$0x2] =	sbarrier.arrive $0xFFFF  }
0x129: {  	p0 =	sne.s32 s0, $0x0;
	s0 =	rddreg [dreg:$0x2]  }
0x12a: {  	s0 =	sadd.s32 @!p0 $0x100000, s0  }
0x12b: {  	[sflag:s0] =	ssyncadd.tile.s32 @!p0 $0x1;
	_ =	shalt  }
.Lfunc_end2:
_tile_overlayer_lowered:
.L_overlay_start_2:
0x12c: {  	(tag) =	ssettag $0x2  }
0x12d: {  	s0 =	rddreg [dreg:$0x0];
	s2 =	stileid.u32  }
0x12e: {  	s1 =	rddreg [dreg:$0x1];
	p0 =	sne.s32 s2, $0x0  }
0x12f: {  	s3 =	rddreg [dreg:$0x2];
	[bflag:$0x3] =	sbarrier.arrive $0xFFFF;
	s2 =	simm.s32 @!p0 $0x1C11  }
0x130: {  	[timem:s3], [sflag:s2] =	dma.local @!p0 [hbm:s0], s1  }
0x131: {  	s0 =	simm.s32 @!p0 $0x11  }
0x132: {  	_ =	swait.ge @!p0 [sflag:s0], s1  }
0x133: {  	s1 =	ssub.s32 @!p0 $0x0, s1;
	[sflag:s0] =	ssyncset.done @!p0 $0x0  }
0x134: {  	[sflag:s0] =	ssyncadd.s32 @!p0 s1  }
0x135: {  	[bflag:$0x3] =	sbarrier.arrive $0xFFFF  }
0x136: {  	_ =	shalt  }

// kernel: kernel.16.cloned.1.call-start
scs
__scs_entry_jumppad:
0x0: {  	(pc) =	sbr.rel $0x88, $3  }
0x1: {  	(tag) =	ssettag $0x0;
	lr =	simm.s32 $0x1  }
0x2: {  	[smem:$0x3F8D] =	sst lr;
	_ =	strace $0xD0000000  }
0x3: {  	_ = 	snop  }
0x4: {  	_ = 	snop  }
0x5: {  	_ = 	snop  }
0x6: {  	_ = 	snop  }
0x7: {  	_ = 	snop  }
__scs_overlays_trampoline_lowered:
0x8: {  	[smem:$0x3F9C] =	sst s0  }
0x9: {  	[smem:$0x3F9D] =	sst s1  }
0xa: {  	[smem:$0x3F9E] =	sst s2  }
0xb: {  	[smem:$0x3F9F] =	sst s3  }
0xc: {  	[smem:$0x3FA0] =	sst s4  }
0xd: {  	[smem:$0x3FA1] =	sst s5  }
0xe: {  	[smem:$0x3FA2] =	sst s6  }
0xf: {  	[smem:$0x3FA3] =	sst s7  }
0x10: {  	[smem:$0x3FA4] =	sst s8  }
0x11: {  	[smem:$0x3FA5] =	sst s9;
	s0 =	simm.s32 @!p0 $0x0  }
0x12: {  	s1 =	sld [smem:$0x3F8B];
	s0 =	simm.s32 @p0 $0x1  }
0x13: {  	[smem:$0x3FA6] =	sst s0;
	s0 =	simm.s32 @!p1 $0x0  }
0x14: {  	s2 =	sld [smem:$0x3F8A];
	s0 =	simm.s32 @p1 $0x1  }
0x15: {  	[smem:$0x3FA7] =	sst s0;
	s0 =	simm.s32 @!p2 $0x0  }
0x16: {  	s3 =	sld [smem:$0x3FDB];
	s0 =	simm.s32 @p2 $0x1  }
0x17: {  	s4 =	simm.s32 $0x1BF5;
	[smem:$0x3FA9] =	sst s0  }
0x18: {  	s0 =	sld [smem:$0x3F8C];
	_ =	swait.ge [sflag:s4], $0x0  }
0x19: {  	s7 =	sld [smem:$0x3F8D]  }
0x1a: {  	s8 =	sadd.s32 $0xFFFFE003, lr  }
0x1b: {  	s9 =	sadd.s32 $0xFFFFFEF7, lr;
	s5 =	simm.s32 $0xFFFFFFFF;
	p2 =	slt.u32 s8, $0xFFFFF086  }
0x1c: {  	p1 =	slt.u32 s9, $0xF7A;
	s5 =	simm.s32 @!p2 $0x0  }
0x1d: {  	s5 =	simm.s32 @p1 $0x1;
	p0 =	seq.s32 s7, s2  }
0x1e: {  	s7 =	smul.u32 @!p0 $0xF7A, s2;
	p2 =	seq.s32 @!p0 s5, $0x0  }
0x1f: {  	s9 =	smul.u32 $0xF7A, s1;
	s8 =	simm.s32 @!p0 $0x1BF5;
	p2 =	por !p2, p0  }
0x20: {  	[sflag:s8] =	ssyncset.s32 @!p0 $0xFFFFF086;
	s6 =	sadd.s32 @!p0 s3, s7;
	s7 =	simm.s32 @!p0 $0x108  }
0x21: {  	s3 =	sadd.s32 s3, s9;
	s6 =	sadd.s32 @!p0 $0x88, s6;
	s7 =	simm.s32 @p2 $0x1082  }
0x22: {  	[simem:s7], [sflag:s8] =	dma.local @!p0 [hbm:s6], $0xF7A  }
0x23: {  	s9 =	sor.u32 $0xD0000000, s2;
	s6 =	simm.s32 $0x108;
	_ =	swait.ge @!p0 [sflag:s8], $0x0  }
0x24: {  	s3 =	sadd.s32 $0x88, s3;
	s6 =	simm.s32 @!p1 $0x1082;
	[sflag:s4] =	ssyncset.s32 $0xFFFFF086  }
0x25: {  	[simem:s6], [sflag:s4] =	dma.local [hbm:s3], $0xF7A  }
0x26: {  	[smem:$0x3F8D] =	sst s1;
	(tag) =	ssettag s2;
	_ =	strace s9  }
0x27: {  	s1 =	sld [smem:$0x3F9D]  }
0x28: {  	s2 =	sld [smem:$0x3F9E]  }
0x29: {  	s4 =	sld [smem:$0x3FA0]  }
0x2a: {  	p0 =	seq.s32 s5, $0x0;
	s5 =	sld [smem:$0x3FA1]  }
0x2b: {  	s6 =	sld [smem:$0x3FA2]  }
0x2c: {  	s7 =	sld [smem:$0x3FA3]  }
0x2d: {  	s3 =	simm.s32 $0x108;
	s8 =	sld [smem:$0x3FA4]  }
0x2e: {  	s3 =	simm.s32 @!p0 $0x1082;
	s9 =	sld [smem:$0x3FA5]  }
0x2f: {  	lr =	sadd.s32 s0, s3;
	s0 =	sld [smem:$0x3F9C]  }
0x30: {  	s3 =	sld [smem:$0x3F9F]  }
0x31: {  	[smem:$0x3FA8] =	sst s10  }
0x32: {  	s10 =	sld [smem:$0x3FA6];
	_ =	sdelay $0x3  }
0x33: {  	p0 =	seq.s32 s10, $0x1;
	s10 =	sld [smem:$0x3FA8];
	_ =	sdelay $0x3  }
0x34: {  	[smem:$0x3FA8] =	sst s10  }
0x35: {  	s10 =	sld [smem:$0x3FA7];
	_ =	sdelay $0x3  }
0x36: {  	p1 =	seq.s32 s10, $0x1;
	s10 =	sld [smem:$0x3FA8];
	_ =	sdelay $0x3  }
0x37: {  	[smem:$0x3FA8] =	sst s10  }
0x38: {  	s10 =	sld [smem:$0x3FA9]  }
0x39: {  	_ = 	snop;
	(pc) =	sbr.ind lr, $3  }
0x3a: {  	_ = 	snop  }
0x3b: {  	_ = 	snop  }
0x3c: {  	p2 =	seq.s32 s10, $0x1;
	s10 =	sld [smem:$0x3FA8]  }
0x3d: {  	_ =	shalt  }
0x3e: {  	_ =	shalt  }
0x3f: {  	_ =	shalt  }
0x40: {  	_ =	shalt  }
0x41: {  	_ =	shalt  }
0x42: {  	_ =	shalt  }
0x43: {  	_ =	shalt  }
0x44: {  	_ =	shalt  }
0x45: {  	_ =	shalt  }
0x46: {  	_ =	shalt  }
0x47: {  	_ =	shalt  }
0x48: {  	_ =	shalt  }
0x49: {  	_ =	shalt  }
0x4a: {  	_ =	shalt  }
0x4b: {  	_ =	shalt  }
0x4c: {  	_ =	shalt  }
0x4d: {  	_ =	shalt  }
0x4e: {  	_ =	shalt  }
0x4f: {  	_ =	shalt  }
0x50: {  	_ =	shalt  }
0x51: {  	_ =	shalt  }
0x52: {  	_ =	shalt  }
0x53: {  	_ =	shalt  }
0x54: {  	_ =	shalt  }
0x55: {  	_ =	shalt  }
0x56: {  	_ =	shalt  }
0x57: {  	_ =	shalt  }
0x58: {  	_ =	shalt  }
0x59: {  	_ =	shalt  }
0x5a: {  	_ =	shalt  }
0x5b: {  	_ =	shalt  }
0x5c: {  	_ =	shalt  }
0x5d: {  	_ =	shalt  }
0x5e: {  	_ =	shalt  }
0x5f: {  	_ =	shalt  }
0x60: {  	_ =	shalt  }
0x61: {  	_ =	shalt  }
0x62: {  	_ =	shalt  }
0x63: {  	_ =	shalt  }
0x64: {  	_ =	shalt  }
0x65: {  	_ =	shalt  }
0x66: {  	_ =	shalt  }
0x67: {  	_ =	shalt  }
0x68: {  	_ =	shalt  }
0x69: {  	_ =	shalt  }
0x6a: {  	_ =	shalt  }
0x6b: {  	_ =	shalt  }
0x6c: {  	_ =	shalt  }
0x6d: {  	_ =	shalt  }
0x6e: {  	_ =	shalt  }
0x6f: {  	_ =	shalt  }
0x70: {  	_ =	shalt  }
0x71: {  	_ =	shalt  }
0x72: {  	_ =	shalt  }
0x73: {  	_ =	shalt  }
0x74: {  	_ =	shalt  }
0x75: {  	_ =	shalt  }
0x76: {  	_ =	shalt  }
0x77: {  	_ =	shalt  }
0x78: {  	_ =	shalt  }
0x79: {  	_ =	shalt  }
0x7a: {  	_ =	shalt  }
0x7b: {  	_ =	shalt  }
0x7c: {  	_ =	shalt  }
0x7d: {  	_ =	shalt  }
0x7e: {  	_ =	shalt  }
0x7f: {  	_ =	shalt  }
0x80: {  	_ =	shalt  }
0x81: {  	_ =	shalt  }
0x82: {  	_ =	shalt  }
0x83: {  	_ =	shalt  }
0x84: {  	_ =	shalt  }
0x85: {  	_ =	shalt  }
0x86: {  	_ =	shalt  }
0x87: {  	_ =	shalt  }
.Lfunc_end0:
.L_simem_size_0:
called_computation.2_lowered:
.L_overlay_start_0:
0x88: {  	s2 =	sld [smem:$0x3FD9]  }
0x89: {  	s3 =	sld [smem:$0x3FFE];
	_ =	sdelay $0x1  }
0x8a: {  	s1 =	srdreg.scid  }
0x8b: {  	s0 =	sand.u32 $0x1, s1  }
0x8c: {  	s16 =	sshll.u32 s0, $0xA;
	s2 =	sadd.s32 s3, s2  }
0x8d: {  	s2 =	sadd.s32 s2, s16  }
0x8e: {  	[smem:$0x3FB4] =	sst s2  }
0x8f: {  	_ = 	snop  }
0x90: {  	(tm) =	ssettm $0x1  }
0x91: {  	s17 =	sld [smem:$0x3FFB];
	_ =	sdelay $0x3  }
0x92: {  	_ =	strace s17  }
0x93: {  	s2 =	sld [smem:$0x3FFC];
	_ =	sdelay $0x3  }
0x94: {  	_ =	strace s2  }
0x95: {  	s2 =	sld [smem:$0x3FFD];
	_ =	sdelay $0x3  }
0x96: {  	_ =	strace s2  }
0x97: {  	_ =	strace $0x8FFFFFFF  }
0x98: {  	s18 =	sld [smem:$0x3FDB];
	_ =	sdelay $0x1  }
0x99: {  	s19 =	simm.s32 $_scs_section_size  }
0x9a: {  	s4 =	simm.s32 $_size__tile_overlayer_lowered;
	s5 =	simm.s32 $_tile_overlayer_lowered  }
0x9b: {  	s22 =	simm.s32 $0x1BFF;
	s21 =	sshll.u32 s5, $0x1;
	s2 =	sadd.s32 s19, s18  }
0x9c: {  	s6 =	simm.s32 $0x0;
	s20 =	sshll.u32 s4, $0x1;
	s4 =	sadd.s32 s21, s2  }
0x9d: {  	[timem:s6], [sflag:s22] =	dma.local [hbm:s4], s20  }
0x9e: {  	_ =	swait.ge [sflag:s22], s20  }
0x9f: {  	s3 =	ssub.s32 $0x0, s20;
	[sflag:s22] =	ssyncset.done $0x0  }
0xa0: {  	[sflag:s22] =	ssyncadd.s32 s3;
	_ =	sdelay $0x1  }
0xa1: {  	s23 =	simm.s32 $0x1B8B  }
0xa2: {  	_ =	swait.ge [sflag:s23], $0x1  }
0xa3: {  	[sflag:s23] =	ssyncset.done $0x0  }
0xa4: {  	s25 =	simm.s32 $0x1B8E;
	s24 =	sld [smem:$0x3FFE];
	[sflag:s23] =	ssyncadd.s32 $0xFFFFFFFF  }
0xa5: {  	s26 =	simm.s32 $execute0_lowered;
	[smem:$0x3FD2] =	sst s25  }
0xa6: {  	s4 =	sshll.u32 s26, $0x1;
	_ =	strace $0x8000004C;
	[dreg:$0x1] =	wrdreg $0xFFFFFFFF  }
0xa7: {  	s28 =	simm.s32 $_size_execute0_lowered;
	s2 =	sadd.s32 s2, s4;
	[dreg:$0x0] =	wrdreg $0x0  }
0xa8: {  	s4 =	sshll.u32 s28, $0x1;
	[dreg:$0x2] =	wrdreg s2  }
0xa9: {  	[dreg:$0x3] =	wrdreg s4  }
0xaa: {  	[dreg:$0x4] =	wrdreg $0xC0  }
0xab: {  	_ =	task [dreg:s6], $0x5FFFF  }
0xac: {  	[dreg:$0x1] =	wrdreg $0xFFFFFFFF  }
0xad: {  	[dreg:$0x0] =	wrdreg $0x60  }
0xae: {  	[dreg:$0x2] =	wrdreg s24  }
0xaf: {  	[dreg:$0x3] =	wrdreg $0x60000  }
0xb0: {  	[dreg:$0x4] =	wrdreg $0x9  }
0xb1: {  	_ =	task.clear_ibuf [dreg:s6], $0x5FFFF;
	_ =	strace $0x9000004C  }
0xb2: {  	s29 =	simm.s32 $0x9;
	_ =	strace $0x8000004E  }
0xb3: {  	_ =	swait.ge [sflag:s29], $0x1  }
0xb4: {  	[sflag:s29] =	ssyncadd.s32 $0xFFFFFFFF  }
0xb5: {  	_ =	strace $0x9000004E  }
0xb6: {  	_ =	sfence  }
0xb7: {  	s30 =	sld [smem:$0x0];
	_ =	sdelay $0x2  }
0xb8: {  	s31 =	sshll.u32 s1, $0xD;
	s1 =	sshrl.u32 s1, $0x2  }
0xb9: {  	s3 =	sand.u32 $0x4000, s31;
	s1 =	sadd.s32 s1, s30  }
0xba: {  	s0 =	sor.u32 s3, s0;
	s1 =	sshll.u32 s1, $0x11  }
0xbb: {  	s0 =	sor.u32 s1, s0  }
0xbc: {  	s0 =	sadd.s32 $0x8F2B, s0  }
0xbd: {  	[sflag:s0] =	ssyncadd.remote.s32 $0x1  }
0xbe: {  	_ =	sfence.sel $0xFFFF  }
0xbf: {  	[dreg:$0x0] =	wrdreg $0xFFFFFFFF;
	(pc) =	sbr.abs _section_cstart, $3  }
0xc0: {  	[dreg:$0x1] =	wrdreg $0xFFFFFFFF  }
0xc1: {  	_ =	task.clear_ibuf [dreg:s6], $0x2FFFF;
	_ =	strace $0x9FFFFFFF  }
0xc2: {  	(tm) =	ssettm $0x7FFFFFFF  }
0xc3: {  	_ =	shalt  }
tec
execute0_lowered:
.L_overlay_start_1:
0x0: {  	(tag) =	ssettag $0x1  }
0x1: {  	s0 =	rddreg [dreg:$0x0]  }
0x2: {  	s2 =	rddreg [dreg:$0x1]  }
0x3: {  	s11 =	simm.s32 $0x0;
	s3 =	stileid.u32;
	s5 =	srdreg.scid  }
0x4: {  	s13 =	simm.s32 $0x11;
	s14 =	simm.s32 $0x1000;
	s15 =	simm.s32 $0x80  }
0x5: {  	s16 =	simm.s32 $0x2000;
	s17 =	simm.s32 $0x2800;
	s18 =	simm.s32 $0x3000  }
0x6: {  	s19 =	simm.s32 $0x3800;
	s20 =	simm.s32 $0x4000;
	s21 =	simm.s32 $0x4800  }
0x7: {  	s22 =	simm.s32 $0x5000;
	s28 =	simm.s32 $0x4;
	s29 =	simm.s32 $0x5  }
0x8: {  	s30 =	simm.s32 $0x6;
	s31 =	simm.s32 $0x7;
	[smem:$0x7FF] =	sst s11  }
0x9: {  	s1 =	smul.u32 $0x18800, s3;
	s4 =	sadd.s32 $0x68000, s0;
	s5 =	sand.u32 $0x1, s5  }
0xa: {  	s6 =	smul.u32 $0x31000, s3;
	s25 =	sshll.u32 s3, $0x6;
	_ =	strace $0x8000004D  }
0xb: {  	s8 =	smul.u32 $0x32000, s5;
	s9 =	sshll.u32 s5, $0x4;
	s23 =	ssub.s32 $0x2, s5  }
0xc: {  	s5 =	sadd.s32 $0x5000, s0;
	s7 =	sshrl.u32 s1, $0x3;
	s6 =	sor.u32 s9, s6  }
0xd: {  	s10 =	sshrl.u32 s23, $0x1;
	s1 =	sadd.s32 s1, s2;
	s9 =	smul.u32 $0x19000, s3  }
0xe: {  	s7 =	sadd.s32 s7, s0;
	s8 =	sadd.s32 s8, s0;
	s6 =	sshrl.u32 s6, $0x3  }
0xf: {  	s24 =	ssub.s32 s23, s10;
	s3 =	sshrl.u32 s1, $0x3;
	s23 =	simm.s32 $0x5800  }
0x10: {  	s0 =	sadd.s32 s6, s0;
	s7 =	sadd.s32 $0x37000, s7;
	[dreg:$0x8] =	wrdreg s3  }
0x11: {  	s8 =	sadd.s32 $0x12C200, s8;
	s26 =	smax.u32 s24, $0x1;
	[dreg:$0x4] =	wrdreg s7  }
0x12: {  	s24 =	simm.s32 $0x1;
	s0 =	sadd.s32 $0xCA000, s0;
	[dreg:$0x7] =	wrdreg s26  }
0x13: {  	s7 =	sor.u32 $0x1C11, s25;
	s25 =	simm.s32 $0x2;
	[dreg:$0x6] =	wrdreg s0  }
0x14: {  	s26 =	simm.s32 $0x3;
	s0 =	simm.s32 $0x8;
	[dreg:$0x5] =	wrdreg s7  }
.LBB2_1:
0x15: {  	[dreg:$0x3] =	wrdreg s11  }
0x16: {  	s1 =	rddreg [dreg:$0x4]  }
0x17: {  	[spmem:s3], [sflag:s7] =	dma.local [hbm:s1], $0x3100  }
0x18: {  	_ =	swait.ge [sflag:s13], $0x3100  }
0x19: {  	[sflag:s13] =	ssyncset.done $0x0  }
0x1a: {  	[sflag:s13] =	ssyncadd.s32 $0xFFFFCF00  }
0x1b: {  	s1 =	simm.s32 $0x0;
	[bflag:$0x0] =	sbarrier.arrive $0xFFFF  }
.LBB2_2:
0x1c: {  	s6 =	sshll.u32 s1, $0xC  }
0x1d: {  	s6 =	sadd.s32 s9, s6  }
0x1e: {  	s6 =	sshrl.u32 s6, $0x3  }
0x1f: {  	s10 =	simm.s32 $0x0;
	s7 =	sadd.s32 s6, s8  }
0x20: {  	[tilespmem:s10], [sflag:$0x11] =	stream.linear.gather [hbm4b:s7+s10], $0x1000, $0x38;
	[tilespmem:$0x1E800] =	vst v63  }
0x21: {  	_ =	swait.ge [sflag:s13], $0x1000  }
0x22: {  	[sflag:s13] =	ssyncset.done $0x0  }
0x23: {  	s6 =	sadd.s32 s5, s6;
	[sflag:s13] =	ssyncadd.s32 $0xFFFFF000  }
0x24: {  	[tilespmem:s14], [sflag:$0x11] =	stream.linear.gather [hbm4b:s6+s10], $0x1000, $0x38;
	[tilespmem:$0x1E800] =	vst v63  }
0x25: {  	s11 =	sor.u32 s1, s10;
	_ =	swait.ge [sflag:s13], $0x1000  }
0x26: {  	p0 =	seq.s32 s11, $0x0;
	[sflag:s13] =	ssyncset.done $0x0  }
0x27: {  	s6 =	simm.s32 @!p0 $0x9;
	[sflag:s13] =	ssyncadd.s32 $0xFFFFF000  }
0x28: {  	_ =	swait.ge @!p0 [sflag:s6], $0x800  }
0x29: {  	[sflag:s6] =	ssyncset.done @!p0 $0x0  }
0x2a: {  	[sflag:s6] =	ssyncadd.s32 @!p0 $0xFFFFF800;
	s6 =	simm.s32 @!p0 $0xA  }
0x2b: {  	_ =	swait.ge @!p0 [sflag:s6], $0x800  }
0x2c: {  	[sflag:s6] =	ssyncset.done @!p0 $0x0  }
0x2d: {  	[sflag:s6] =	ssyncadd.s32 @!p0 $0xFFFFF800;
	s6 =	simm.s32 @!p0 $0xB  }
0x2e: {  	_ =	swait.ge @!p0 [sflag:s6], $0x800  }
0x2f: {  	[sflag:s6] =	ssyncset.done @!p0 $0x0  }
0x30: {  	[sflag:s6] =	ssyncadd.s32 @!p0 $0xFFFFF800;
	s6 =	simm.s32 @!p0 $0xC  }
0x31: {  	_ =	swait.ge @!p0 [sflag:s6], $0x800  }
0x32: {  	[sflag:s6] =	ssyncset.done @!p0 $0x0  }
0x33: {  	[sflag:s6] =	ssyncadd.s32 @!p0 $0xFFFFF800;
	s6 =	simm.s32 @!p0 $0xD  }
0x34: {  	_ =	swait.ge @!p0 [sflag:s6], $0x800  }
0x35: {  	[sflag:s6] =	ssyncset.done @!p0 $0x0  }
0x36: {  	[sflag:s6] =	ssyncadd.s32 @!p0 $0xFFFFF800;
	s6 =	simm.s32 @!p0 $0xE  }
0x37: {  	_ =	swait.ge @!p0 [sflag:s6], $0x800  }
0x38: {  	[sflag:s6] =	ssyncset.done @!p0 $0x0  }
0x39: {  	[sflag:s6] =	ssyncadd.s32 @!p0 $0xFFFFF800;
	s6 =	simm.s32 @!p0 $0xF  }
0x3a: {  	_ =	swait.ge @!p0 [sflag:s6], $0x800  }
0x3b: {  	[sflag:s6] =	ssyncset.done @!p0 $0x0  }
0x3c: {  	[sflag:s6] =	ssyncadd.s32 @!p0 $0xFFFFF800;
	s6 =	simm.s32 @!p0 $0x10  }
0x3d: {  	_ =	swait.ge @!p0 [sflag:s6], $0x800  }
0x3e: {  	[sflag:s6] =	ssyncset.done @!p0 $0x0  }
0x3f: {  	s12 =	simm.s32 $0x0;
	[sflag:s6] =	ssyncadd.s32 @!p0 $0xFFFFF800  }
0x40: {  	[tilespmem:s16], [sflag:$0x1] =	stream.indirect.gather [hbm4b:s4+s15], $0x10, s12, s15, $0xb8;
	[tilespmem:$0x1E800] =	vst v63  }
0x41: {  	s3 =	simm.s32 $0x80  }
0x42: {  	[tilespmem:s17], [sflag:$0x2] =	stream.indirect.gather [hbm4b:s4+s15], $0x10, s3, s15, $0xb8;
	[tilespmem:$0x1E800] =	vst v63  }
0x43: {  	s7 =	simm.s32 $0x100  }
0x44: {  	[tilespmem:s18], [sflag:$0x3] =	stream.indirect.gather [hbm4b:s4+s15], $0x10, s7, s15, $0xb8;
	[tilespmem:$0x1E800] =	vst v63  }
0x45: {  	s10 =	simm.s32 $0x180  }
0x46: {  	[tilespmem:s19], [sflag:$0x4] =	stream.indirect.gather [hbm4b:s4+s15], $0x10, s10, s15, $0xb8;
	[tilespmem:$0x1E800] =	vst v63  }
0x47: {  	s11 =	simm.s32 $0x200  }
0x48: {  	[tilespmem:s20], [sflag:$0x5] =	stream.indirect.gather [hbm4b:s4+s15], $0x10, s11, s15, $0xb8;
	[tilespmem:$0x1E800] =	vst v63  }
0x49: {  	s12 =	simm.s32 $0x280  }
0x4a: {  	[tilespmem:s21], [sflag:$0x6] =	stream.indirect.gather [hbm4b:s4+s15], $0x10, s12, s15, $0xb8;
	[tilespmem:$0x1E800] =	vst v63  }
0x4b: {  	s3 =	simm.s32 $0x300  }
0x4c: {  	[tilespmem:s22], [sflag:$0x7] =	stream.indirect.gather [hbm4b:s4+s15], $0x10, s3, s15, $0xb8;
	[tilespmem:$0x1E800] =	vst v63  }
0x4d: {  	s7 =	simm.s32 $0x380  }
0x4e: {  	[tilespmem:s23], [sflag:$0x8] =	stream.indirect.gather [hbm4b:s4+s15], $0x10, s7, s15, $0xb8;
	[tilespmem:$0x1E800] =	vst v63  }
0x4f: {  	_ =	swait.ge [sflag:s24], $0x800  }
0x50: {  	[sflag:s24] =	ssyncset.done $0x0  }
0x51: {  	s10 =	simm.s32 $0x1000;
	[sflag:s24] =	ssyncadd.s32 $0xFFFFF800  }
0x52: {  	[spmem:s2] =	stream.indirect.scatter.add.f32 [tilespmem:s16], [sflag:$0x9], $0x10, s10, s15, $0xb8;
	[tilespmem:$0x1E800] =	vst v63  }
0x53: {  	_ =	swait.ge [sflag:s25], $0x800  }
0x54: {  	[sflag:s25] =	ssyncset.done $0x0  }
0x55: {  	s11 =	simm.s32 $0x1080;
	[sflag:s25] =	ssyncadd.s32 $0xFFFFF800  }
0x56: {  	[spmem:s2] =	stream.indirect.scatter.add.f32 [tilespmem:s17], [sflag:$0xA], $0x10, s11, s15, $0xb8;
	[tilespmem:$0x1E800] =	vst v63  }
0x57: {  	_ =	swait.ge [sflag:s26], $0x800  }
0x58: {  	[sflag:s26] =	ssyncset.done $0x0  }
0x59: {  	s12 =	simm.s32 $0x1100;
	[sflag:s26] =	ssyncadd.s32 $0xFFFFF800  }
0x5a: {  	[spmem:s2] =	stream.indirect.scatter.add.f32 [tilespmem:s18], [sflag:$0xB], $0x10, s12, s15, $0xb8;
	[tilespmem:$0x1E800] =	vst v63  }
0x5b: {  	_ =	swait.ge [sflag:s28], $0x800  }
0x5c: {  	[sflag:s28] =	ssyncset.done $0x0  }
0x5d: {  	s3 =	simm.s32 $0x1180;
	[sflag:s28] =	ssyncadd.s32 $0xFFFFF800  }
0x5e: {  	[spmem:s2] =	stream.indirect.scatter.add.f32 [tilespmem:s19], [sflag:$0xC], $0x10, s3, s15, $0xb8;
	[tilespmem:$0x1E800] =	vst v63  }
0x5f: {  	_ =	swait.ge [sflag:s29], $0x800  }
0x60: {  	[sflag:s29] =	ssyncset.done $0x0  }
0x61: {  	s7 =	simm.s32 $0x1200;
	[sflag:s29] =	ssyncadd.s32 $0xFFFFF800  }
0x62: {  	[spmem:s2] =	stream.indirect.scatter.add.f32 [tilespmem:s20], [sflag:$0xD], $0x10, s7, s15, $0xb8;
	[tilespmem:$0x1E800] =	vst v63  }
0x63: {  	_ =	swait.ge [sflag:s30], $0x800  }
0x64: {  	[sflag:s30] =	ssyncset.done $0x0  }
0x65: {  	s10 =	simm.s32 $0x1280;
	[sflag:s30] =	ssyncadd.s32 $0xFFFFF800  }
0x66: {  	[spmem:s2] =	stream.indirect.scatter.add.f32 [tilespmem:s21], [sflag:$0xE], $0x10, s10, s15, $0xb8;
	[tilespmem:$0x1E800] =	vst v63  }
0x67: {  	_ =	swait.ge [sflag:s31], $0x800  }
0x68: {  	s6 =	simm.s32 $0x1000;
	[sflag:s31] =	ssyncset.done $0x0  }
0x69: {  	s11 =	simm.s32 $0x1300;
	s10 =	simm.s32 $0x1;
	[sflag:s31] =	ssyncadd.s32 $0xFFFFF800  }
0x6a: {  	[spmem:s2] =	stream.indirect.scatter.add.f32 [tilespmem:s22], [sflag:$0xF], $0x10, s11, s15, $0xb8;
	[tilespmem:$0x1E800] =	vst v63  }
0x6b: {  	s7 =	simm.s32 $0x1380;
	s12 =	sor.u32 s1, s10;
	_ =	swait.ge [sflag:s0], $0x800  }
0x6c: {  	p1 =	seq.s32 s12, $0x0;
	s11 =	simm.s32 $0x2000;
	[sflag:s0] =	ssyncset.done $0x0  }
.LBB2_3:
0x6d: {  	s12 =	simm.s32 @!p1 $0x9  }
0x6e: {  	[sflag:s0] =	ssyncadd.s32 $0xFFFFF800;
	s3 =	smov.u32 s11;
	s11 =	sadd.s32 $0x1000, s11  }
0x6f: {  	[spmem:s2] =	stream.indirect.scatter.add.f32 [tilespmem:s23], [sflag:$0x10], $0x10, s7, s15, $0xb8;
	[tilespmem:$0x1E800] =	vst v63  }
0x70: {  	p0 =	sne.s32 s11, $0x4000;
	_ =	swait.ge @!p1 [sflag:s12], $0x800  }
0x71: {  	[sflag:s12] =	ssyncset.done @!p1 $0x0  }
0x72: {  	s7 =	simm.s32 @!p1 $0xA;
	[sflag:s12] =	ssyncadd.s32 @!p1 $0xFFFFF800  }
0x73: {  	_ =	swait.ge @!p1 [sflag:s7], $0x800  }
0x74: {  	[sflag:s7] =	ssyncset.done @!p1 $0x0  }
0x75: {  	[sflag:s7] =	ssyncadd.s32 @!p1 $0xFFFFF800;
	s7 =	simm.s32 @!p1 $0xB  }
0x76: {  	_ =	swait.ge @!p1 [sflag:s7], $0x800  }
0x77: {  	[sflag:s7] =	ssyncset.done @!p1 $0x0  }
0x78: {  	[sflag:s7] =	ssyncadd.s32 @!p1 $0xFFFFF800;
	s7 =	simm.s32 @!p1 $0xC  }
0x79: {  	_ =	swait.ge @!p1 [sflag:s7], $0x800  }
0x7a: {  	[sflag:s7] =	ssyncset.done @!p1 $0x0  }
0x7b: {  	[sflag:s7] =	ssyncadd.s32 @!p1 $0xFFFFF800;
	s7 =	simm.s32 @!p1 $0xD  }
0x7c: {  	_ =	swait.ge @!p1 [sflag:s7], $0x800  }
0x7d: {  	[sflag:s7] =	ssyncset.done @!p1 $0x0  }
0x7e: {  	[sflag:s7] =	ssyncadd.s32 @!p1 $0xFFFFF800;
	s7 =	simm.s32 @!p1 $0xE  }
0x7f: {  	_ =	swait.ge @!p1 [sflag:s7], $0x800  }
0x80: {  	[sflag:s7] =	ssyncset.done @!p1 $0x0  }
0x81: {  	[sflag:s7] =	ssyncadd.s32 @!p1 $0xFFFFF800;
	s7 =	simm.s32 @!p1 $0xF  }
0x82: {  	_ =	swait.ge @!p1 [sflag:s7], $0x800  }
0x83: {  	[sflag:s7] =	ssyncset.done @!p1 $0x0  }
0x84: {  	[sflag:s7] =	ssyncadd.s32 @!p1 $0xFFFFF800;
	s7 =	simm.s32 @!p1 $0x10  }
0x85: {  	_ =	swait.ge @!p1 [sflag:s7], $0x800  }
0x86: {  	[sflag:s7] =	ssyncset.done @!p1 $0x0  }
0x87: {  	[sflag:s7] =	ssyncadd.s32 @!p1 $0xFFFFF800;
	s7 =	sshra.s32 s6, $0x2;
	s6 =	smov.u32 s3  }
0x88: {  	[tilespmem:s16], [sflag:$0x1] =	stream.indirect.gather [hbm4b:s4+s15], $0x10, s7, s15, $0xb8;
	[tilespmem:$0x1E800] =	vst v63  }
0x89: {  	s3 =	sadd.s32 $0x80, s7  }
0x8a: {  	[tilespmem:s17], [sflag:$0x2] =	stream.indirect.gather [hbm4b:s4+s15], $0x10, s3, s15, $0xb8;
	[tilespmem:$0x1E800] =	vst v63  }
0x8b: {  	s3 =	sadd.s32 $0x100, s7  }
0x8c: {  	[tilespmem:s18], [sflag:$0x3] =	stream.indirect.gather [hbm4b:s4+s15], $0x10, s3, s15, $0xb8;
	[tilespmem:$0x1E800] =	vst v63  }
0x8d: {  	s3 =	sadd.s32 $0x180, s7  }
0x8e: {  	[tilespmem:s19], [sflag:$0x4] =	stream.indirect.gather [hbm4b:s4+s15], $0x10, s3, s15, $0xb8;
	[tilespmem:$0x1E800] =	vst v63  }
0x8f: {  	s3 =	sadd.s32 $0x200, s7  }
0x90: {  	[tilespmem:s20], [sflag:$0x5] =	stream.indirect.gather [hbm4b:s4+s15], $0x10, s3, s15, $0xb8;
	[tilespmem:$0x1E800] =	vst v63  }
0x91: {  	s3 =	sadd.s32 $0x280, s7  }
0x92: {  	[tilespmem:s21], [sflag:$0x6] =	stream.indirect.gather [hbm4b:s4+s15], $0x10, s3, s15, $0xb8;
	[tilespmem:$0x1E800] =	vst v63  }
0x93: {  	s3 =	sadd.s32 $0x300, s7  }
0x94: {  	[tilespmem:s22], [sflag:$0x7] =	stream.indirect.gather [hbm4b:s4+s15], $0x10, s3, s15, $0xb8;
	[tilespmem:$0x1E800] =	vst v63  }
0x95: {  	s3 =	sadd.s32 $0x380, s7  }
0x96: {  	[tilespmem:s23], [sflag:$0x8] =	stream.indirect.gather [hbm4b:s4+s15], $0x10, s3, s15, $0xb8;
	[tilespmem:$0x1E800] =	vst v63  }
0x97: {  	_ =	swait.ge [sflag:s24], $0x800  }
0x98: {  	[sflag:s24] =	ssyncset.done $0x0  }
0x99: {  	s3 =	sadd.s32 $0x1000, s7;
	[sflag:s24] =	ssyncadd.s32 $0xFFFFF800  }
0x9a: {  	[spmem:s2] =	stream.indirect.scatter.add.f32 [tilespmem:s16], [sflag:$0x9], $0x10, s3, s15, $0xb8;
	[tilespmem:$0x1E800] =	vst v63  }
0x9b: {  	_ =	swait.ge [sflag:s25], $0x800  }
0x9c: {  	[sflag:s25] =	ssyncset.done $0x0  }
0x9d: {  	s3 =	sadd.s32 $0x1080, s7;
	[sflag:s25] =	ssyncadd.s32 $0xFFFFF800  }
0x9e: {  	[spmem:s2] =	stream.indirect.scatter.add.f32 [tilespmem:s17], [sflag:$0xA], $0x10, s3, s15, $0xb8;
	[tilespmem:$0x1E800] =	vst v63  }
0x9f: {  	_ =	swait.ge [sflag:s26], $0x800  }
0xa0: {  	[sflag:s26] =	ssyncset.done $0x0  }
0xa1: {  	s3 =	sadd.s32 $0x1100, s7;
	[sflag:s26] =	ssyncadd.s32 $0xFFFFF800  }
0xa2: {  	[spmem:s2] =	stream.indirect.scatter.add.f32 [tilespmem:s18], [sflag:$0xB], $0x10, s3, s15, $0xb8;
	[tilespmem:$0x1E800] =	vst v63  }
0xa3: {  	_ =	swait.ge [sflag:s28], $0x800  }
0xa4: {  	[sflag:s28] =	ssyncset.done $0x0  }
0xa5: {  	s3 =	sadd.s32 $0x1180, s7;
	[sflag:s28] =	ssyncadd.s32 $0xFFFFF800  }
0xa6: {  	[spmem:s2] =	stream.indirect.scatter.add.f32 [tilespmem:s19], [sflag:$0xC], $0x10, s3, s15, $0xb8;
	[tilespmem:$0x1E800] =	vst v63  }
0xa7: {  	_ =	swait.ge [sflag:s29], $0x800  }
0xa8: {  	[sflag:s29] =	ssyncset.done $0x0  }
0xa9: {  	s3 =	sadd.s32 $0x1200, s7;
	[sflag:s29] =	ssyncadd.s32 $0xFFFFF800  }
0xaa: {  	[spmem:s2] =	stream.indirect.scatter.add.f32 [tilespmem:s20], [sflag:$0xD], $0x10, s3, s15, $0xb8;
	[tilespmem:$0x1E800] =	vst v63  }
0xab: {  	_ =	swait.ge [sflag:s30], $0x800  }
0xac: {  	[sflag:s30] =	ssyncset.done $0x0  }
0xad: {  	s3 =	sadd.s32 $0x1280, s7;
	[sflag:s30] =	ssyncadd.s32 $0xFFFFF800  }
0xae: {  	[spmem:s2] =	stream.indirect.scatter.add.f32 [tilespmem:s21], [sflag:$0xE], $0x10, s3, s15, $0xb8;
	[tilespmem:$0x1E800] =	vst v63  }
0xaf: {  	_ =	swait.ge [sflag:s31], $0x800  }
.Ltmp0:
0xb0: {  	[sflag:s31] =	ssyncset.done $0x0;
	(pc) =	sbr.rel @p0 .LBB2_3-.Ltmp0, $4  }
0xb1: {  	s10 =	sadd.s32 $0x1, s10;
	s3 =	sadd.s32 $0x1300, s7;
	[sflag:s31] =	ssyncadd.s32 $0xFFFFF800  }
0xb2: {  	[spmem:s2] =	stream.indirect.scatter.add.f32 [tilespmem:s22], [sflag:$0xF], $0x10, s3, s15, $0xb8;
	[tilespmem:$0x1E800] =	vst v63  }
0xb3: {  	s3 =	sor.u32 s1, s10;
	_ =	swait.ge [sflag:s0], $0x800  }
0xb4: {  	s7 =	sadd.s32 $0x1380, s7;
	p1 =	seq.s32 s3, $0x0;
	[sflag:s0] =	ssyncset.done $0x0  }
0xb5: {  	s3 =	simm.s32 @!p1 $0x9;
	[sflag:s0] =	ssyncadd.s32 $0xFFFFF800  }
0xb6: {  	[spmem:s2] =	stream.indirect.scatter.add.f32 [tilespmem:s23], [sflag:$0x10], $0x10, s7, s15, $0xb8;
	[tilespmem:$0x1E800] =	vst v63  }
0xb7: {  	_ =	swait.ge @!p1 [sflag:s3], $0x800  }
0xb8: {  	[sflag:s3] =	ssyncset.done @!p1 $0x0  }
0xb9: {  	[sflag:s3] =	ssyncadd.s32 @!p1 $0xFFFFF800;
	s3 =	simm.s32 @!p1 $0xA  }
0xba: {  	_ =	swait.ge @!p1 [sflag:s3], $0x800  }
0xbb: {  	[sflag:s3] =	ssyncset.done @!p1 $0x0  }
0xbc: {  	[sflag:s3] =	ssyncadd.s32 @!p1 $0xFFFFF800;
	s3 =	simm.s32 @!p1 $0xB  }
0xbd: {  	_ =	swait.ge @!p1 [sflag:s3], $0x800  }
0xbe: {  	[sflag:s3] =	ssyncset.done @!p1 $0x0  }
0xbf: {  	[sflag:s3] =	ssyncadd.s32 @!p1 $0xFFFFF800;
	s3 =	simm.s32 @!p1 $0xC  }
0xc0: {  	_ =	swait.ge @!p1 [sflag:s3], $0x800  }
0xc1: {  	[sflag:s3] =	ssyncset.done @!p1 $0x0  }
0xc2: {  	[sflag:s3] =	ssyncadd.s32 @!p1 $0xFFFFF800;
	s3 =	simm.s32 @!p1 $0xD  }
0xc3: {  	_ =	swait.ge @!p1 [sflag:s3], $0x800  }
0xc4: {  	[sflag:s3] =	ssyncset.done @!p1 $0x0  }
0xc5: {  	[sflag:s3] =	ssyncadd.s32 @!p1 $0xFFFFF800;
	s3 =	simm.s32 @!p1 $0xE  }
0xc6: {  	_ =	swait.ge @!p1 [sflag:s3], $0x800  }
0xc7: {  	[sflag:s3] =	ssyncset.done @!p1 $0x0  }
0xc8: {  	[sflag:s3] =	ssyncadd.s32 @!p1 $0xFFFFF800;
	s3 =	simm.s32 @!p1 $0xF  }
0xc9: {  	_ =	swait.ge @!p1 [sflag:s3], $0x800  }
0xca: {  	[sflag:s3] =	ssyncset.done @!p1 $0x0  }
0xcb: {  	[sflag:s3] =	ssyncadd.s32 @!p1 $0xFFFFF800;
	s3 =	simm.s32 @!p1 $0x10  }
0xcc: {  	_ =	swait.ge @!p1 [sflag:s3], $0x800  }
0xcd: {  	[sflag:s3] =	ssyncset.done @!p1 $0x0  }
0xce: {  	[sflag:s3] =	ssyncadd.s32 @!p1 $0xFFFFF800;
	s3 =	sshra.s32 s6, $0x2  }
0xcf: {  	[tilespmem:s16], [sflag:$0x1] =	stream.indirect.gather [hbm4b:s4+s15], $0x10, s3, s15, $0xb8;
	[tilespmem:$0x1E800] =	vst v63  }
0xd0: {  	s6 =	sadd.s32 $0x80, s3  }
0xd1: {  	[tilespmem:s17], [sflag:$0x2] =	stream.indirect.gather [hbm4b:s4+s15], $0x10, s6, s15, $0xb8;
	[tilespmem:$0x1E800] =	vst v63  }
0xd2: {  	s12 =	sadd.s32 $0x100, s3  }
0xd3: {  	[tilespmem:s18], [sflag:$0x3] =	stream.indirect.gather [hbm4b:s4+s15], $0x10, s12, s15, $0xb8;
	[tilespmem:$0x1E800] =	vst v63  }
0xd4: {  	s7 =	sadd.s32 $0x180, s3  }
0xd5: {  	[tilespmem:s19], [sflag:$0x4] =	stream.indirect.gather [hbm4b:s4+s15], $0x10, s7, s15, $0xb8;
	[tilespmem:$0x1E800] =	vst v63  }
0xd6: {  	s10 =	sadd.s32 $0x200, s3  }
0xd7: {  	[tilespmem:s20], [sflag:$0x5] =	stream.indirect.gather [hbm4b:s4+s15], $0x10, s10, s15, $0xb8;
	[tilespmem:$0x1E800] =	vst v63  }
0xd8: {  	s11 =	sadd.s32 $0x280, s3  }
0xd9: {  	[tilespmem:s21], [sflag:$0x6] =	stream.indirect.gather [hbm4b:s4+s15], $0x10, s11, s15, $0xb8;
	[tilespmem:$0x1E800] =	vst v63  }
0xda: {  	s12 =	sadd.s32 $0x300, s3  }
0xdb: {  	[tilespmem:s22], [sflag:$0x7] =	stream.indirect.gather [hbm4b:s4+s15], $0x10, s12, s15, $0xb8;
	[tilespmem:$0x1E800] =	vst v63  }
0xdc: {  	s7 =	sadd.s32 $0x380, s3  }
0xdd: {  	[tilespmem:s23], [sflag:$0x8] =	stream.indirect.gather [hbm4b:s4+s15], $0x10, s7, s15, $0xb8;
	[tilespmem:$0x1E800] =	vst v63  }
0xde: {  	_ =	swait.ge [sflag:s24], $0x800  }
0xdf: {  	[sflag:s24] =	ssyncset.done $0x0  }
0xe0: {  	s10 =	sadd.s32 $0x1000, s3;
	[sflag:s24] =	ssyncadd.s32 $0xFFFFF800  }
0xe1: {  	[spmem:s2] =	stream.indirect.scatter.add.f32 [tilespmem:s16], [sflag:$0x9], $0x10, s10, s15, $0xb8;
	[tilespmem:$0x1E800] =	vst v63  }
0xe2: {  	_ =	swait.ge [sflag:s25], $0x800  }
0xe3: {  	[sflag:s25] =	ssyncset.done $0x0  }
0xe4: {  	s11 =	sadd.s32 $0x1080, s3;
	[sflag:s25] =	ssyncadd.s32 $0xFFFFF800  }
0xe5: {  	[spmem:s2] =	stream.indirect.scatter.add.f32 [tilespmem:s17], [sflag:$0xA], $0x10, s11, s15, $0xb8;
	[tilespmem:$0x1E800] =	vst v63  }
0xe6: {  	_ =	swait.ge [sflag:s26], $0x800  }
0xe7: {  	[sflag:s26] =	ssyncset.done $0x0  }
0xe8: {  	s12 =	sadd.s32 $0x1100, s3;
	[sflag:s26] =	ssyncadd.s32 $0xFFFFF800  }
0xe9: {  	[spmem:s2] =	stream.indirect.scatter.add.f32 [tilespmem:s18], [sflag:$0xB], $0x10, s12, s15, $0xb8;
	[tilespmem:$0x1E800] =	vst v63  }
0xea: {  	_ =	swait.ge [sflag:s28], $0x800  }
0xeb: {  	[sflag:s28] =	ssyncset.done $0x0  }
0xec: {  	s7 =	sadd.s32 $0x1180, s3;
	[sflag:s28] =	ssyncadd.s32 $0xFFFFF800  }
0xed: {  	[spmem:s2] =	stream.indirect.scatter.add.f32 [tilespmem:s19], [sflag:$0xC], $0x10, s7, s15, $0xb8;
	[tilespmem:$0x1E800] =	vst v63  }
0xee: {  	_ =	swait.ge [sflag:s29], $0x800  }
0xef: {  	[sflag:s29] =	ssyncset.done $0x0  }
0xf0: {  	s10 =	sadd.s32 $0x1200, s3;
	[sflag:s29] =	ssyncadd.s32 $0xFFFFF800  }
0xf1: {  	[spmem:s2] =	stream.indirect.scatter.add.f32 [tilespmem:s20], [sflag:$0xD], $0x10, s10, s15, $0xb8;
	[tilespmem:$0x1E800] =	vst v63  }
0xf2: {  	_ =	swait.ge [sflag:s30], $0x800  }
0xf3: {  	[sflag:s30] =	ssyncset.done $0x0  }
0xf4: {  	s11 =	sadd.s32 $0x1280, s3;
	[sflag:s30] =	ssyncadd.s32 $0xFFFFF800  }
0xf5: {  	[spmem:s2] =	stream.indirect.scatter.add.f32 [tilespmem:s21], [sflag:$0xE], $0x10, s11, s15, $0xb8;
	[tilespmem:$0x1E800] =	vst v63  }
0xf6: {  	_ =	swait.ge [sflag:s31], $0x800  }
0xf7: {  	s1 =	sadd.s32 $0x1, s1;
	[sflag:s31] =	ssyncset.done $0x0  }
0xf8: {  	p0 =	sne.s32 s1, $0x19;
	s12 =	sadd.s32 $0x1300, s3;
	[sflag:s31] =	ssyncadd.s32 $0xFFFFF800  }
0xf9: {  	[spmem:s2] =	stream.indirect.scatter.add.f32 [tilespmem:s22], [sflag:$0xF], $0x10, s12, s15, $0xb8;
	[tilespmem:$0x1E800] =	vst v63  }
.Ltmp1:
0xfa: {  	_ = 	snop;
	(pc) =	sbr.rel @p0 .LBB2_2-.Ltmp1, $4  }
0xfb: {  	_ =	swait.ge [sflag:s0], $0x800  }
0xfc: {  	[sflag:s0] =	ssyncset.done $0x0  }
0xfd: {  	s3 =	sadd.s32 $0x1380, s3;
	[sflag:s0] =	ssyncadd.s32 $0xFFFFF800  }
0xfe: {  	[spmem:s2] =	stream.indirect.scatter.add.f32 [tilespmem:s23], [sflag:$0x10], $0x10, s3, s15, $0xb8;
	[tilespmem:$0x1E800] =	vst v63  }
0xff: {  	s1 =	simm.s32 $0x9  }
0x100: {  	_ =	swait.ge [sflag:s1], $0x800  }
0x101: {  	[sflag:s1] =	ssyncset.done $0x0  }
0x102: {  	s10 =	simm.s32 $0xA;
	[sflag:s1] =	ssyncadd.s32 $0xFFFFF800  }
0x103: {  	_ =	swait.ge [sflag:s10], $0x800  }
0x104: {  	[sflag:s10] =	ssyncset.done $0x0  }
0x105: {  	s11 =	simm.s32 $0xB;
	[sflag:s10] =	ssyncadd.s32 $0xFFFFF800  }
0x106: {  	_ =	swait.ge [sflag:s11], $0x800  }
0x107: {  	[sflag:s11] =	ssyncset.done $0x0  }
0x108: {  	s12 =	simm.s32 $0xC;
	[sflag:s11] =	ssyncadd.s32 $0xFFFFF800  }
0x109: {  	_ =	swait.ge [sflag:s12], $0x800  }
0x10a: {  	[sflag:s12] =	ssyncset.done $0x0  }
0x10b: {  	s3 =	simm.s32 $0xD;
	[sflag:s12] =	ssyncadd.s32 $0xFFFFF800  }
0x10c: {  	_ =	swait.ge [sflag:s3], $0x800  }
0x10d: {  	[sflag:s3] =	ssyncset.done $0x0  }
0x10e: {  	s6 =	simm.s32 $0xE;
	[sflag:s3] =	ssyncadd.s32 $0xFFFFF800  }
0x10f: {  	_ =	swait.ge [sflag:s6], $0x800  }
0x110: {  	[sflag:s6] =	ssyncset.done $0x0  }
0x111: {  	s7 =	simm.s32 $0xF;
	[sflag:s6] =	ssyncadd.s32 $0xFFFFF800  }
0x112: {  	_ =	swait.ge [sflag:s7], $0x800  }
0x113: {  	[sflag:s7] =	ssyncset.done $0x0  }
0x114: {  	s10 =	simm.s32 $0x10;
	[sflag:s7] =	ssyncadd.s32 $0xFFFFF800  }
0x115: {  	_ =	swait.ge [sflag:s10], $0x800  }
0x116: {  	[sflag:s10] =	ssyncset.done $0x0  }
0x117: {  	[sflag:s10] =	ssyncadd.s32 $0xFFFFF800  }
0x118: {  	[bflag:$0x0] =	sbarrier.arrive $0xFFFF  }
0x119: {  	s7 =	rddreg [dreg:$0x5]  }
0x11a: {  	s11 =	rddreg [dreg:$0x6]  }
0x11b: {  	s3 =	rddreg [dreg:$0x8]  }
0x11c: {  	[hbm:s11@s28], [sflag:s7] =	dma.strided [spmem:s3@s25], $0x3100, s24, $0x2   }
0x11d: {  	_ =	swait.ge [sflag:s13], $0x3100  }
0x11e: {  	s11 =	rddreg [dreg:$0x3]  }
0x11f: {  	s12 =	rddreg [dreg:$0x7];
	s11 =	sadd.s32 $0x1, s11  }
0x120: {  	p0 =	sne.s32 s11, s12  }
.Ltmp2:
0x121: {  	_ = 	snop;
	(pc) =	sbr.rel @p0 .LBB2_1-.Ltmp2, $3  }
0x122: {  	_ =	sdelay $0x1  }
0x123: {  	[sflag:s13] =	ssyncset.done $0x0  }
0x124: {  	[sflag:s13] =	ssyncadd.s32 $0xFFFFCF00  }
0x125: {  	_ =	sfence.sel $0x180000  }
0x126: {  	[bflag:$0x0] =	sbarrier.arrive $0xFFFF  }
0x127: {  	_ =	strace $0x9000004D  }
0x128: {  	s0 =	stileid.u32;
	[bflag:$0x2] =	sbarrier.arrive $0xFFFF  }
0x129: {  	p0 =	sne.s32 s0, $0x0;
	s0 =	rddreg [dreg:$0x2]  }
0x12a: {  	s0 =	sadd.s32 @!p0 $0x100000, s0  }
0x12b: {  	[sflag:s0] =	ssyncadd.tile.s32 @!p0 $0x1;
	_ =	shalt  }
.Lfunc_end2:
_tile_overlayer_lowered:
.L_overlay_start_2:
0x12c: {  	(tag) =	ssettag $0x2  }
0x12d: {  	s0 =	rddreg [dreg:$0x0];
	s2 =	stileid.u32  }
0x12e: {  	s1 =	rddreg [dreg:$0x1];
	p0 =	sne.s32 s2, $0x0  }
0x12f: {  	s3 =	rddreg [dreg:$0x2];
	[bflag:$0x3] =	sbarrier.arrive $0xFFFF;
	s2 =	simm.s32 @!p0 $0x1C11  }
0x130: {  	[timem:s3], [sflag:s2] =	dma.local @!p0 [hbm:s0], s1  }
0x131: {  	s0 =	simm.s32 @!p0 $0x11  }
0x132: {  	_ =	swait.ge @!p0 [sflag:s0], s1  }
0x133: {  	s1 =	ssub.s32 @!p0 $0x0, s1;
	[sflag:s0] =	ssyncset.done @!p0 $0x0  }
0x134: {  	[sflag:s0] =	ssyncadd.s32 @!p0 s1  }
0x135: {  	[bflag:$0x3] =	sbarrier.arrive $0xFFFF  }
0x136: {  	_ =	shalt  }

// kernel: kernel.19.cloned.1.call-start
scs
__scs_entry_jumppad:
0x0: {  	(pc) =	sbr.rel $0x88, $3  }
0x1: {  	(tag) =	ssettag $0x0;
	lr =	simm.s32 $0x1  }
0x2: {  	[smem:$0x3F8D] =	sst lr;
	_ =	strace $0xD0000000  }
0x3: {  	_ = 	snop  }
0x4: {  	_ = 	snop  }
0x5: {  	_ = 	snop  }
0x6: {  	_ = 	snop  }
0x7: {  	_ = 	snop  }
__scs_overlays_trampoline_lowered:
0x8: {  	[smem:$0x3F9C] =	sst s0  }
0x9: {  	[smem:$0x3F9D] =	sst s1  }
0xa: {  	[smem:$0x3F9E] =	sst s2  }
0xb: {  	[smem:$0x3F9F] =	sst s3  }
0xc: {  	[smem:$0x3FA0] =	sst s4  }
0xd: {  	[smem:$0x3FA1] =	sst s5  }
0xe: {  	[smem:$0x3FA2] =	sst s6  }
0xf: {  	[smem:$0x3FA3] =	sst s7  }
0x10: {  	[smem:$0x3FA4] =	sst s8  }
0x11: {  	[smem:$0x3FA5] =	sst s9;
	s0 =	simm.s32 @!p0 $0x0  }
0x12: {  	s1 =	sld [smem:$0x3F8B];
	s0 =	simm.s32 @p0 $0x1  }
0x13: {  	[smem:$0x3FA6] =	sst s0;
	s0 =	simm.s32 @!p1 $0x0  }
0x14: {  	s2 =	sld [smem:$0x3F8A];
	s0 =	simm.s32 @p1 $0x1  }
0x15: {  	[smem:$0x3FA7] =	sst s0;
	s0 =	simm.s32 @!p2 $0x0  }
0x16: {  	s3 =	sld [smem:$0x3FDB];
	s0 =	simm.s32 @p2 $0x1  }
0x17: {  	s4 =	simm.s32 $0x1BF5;
	[smem:$0x3FA9] =	sst s0  }
0x18: {  	s0 =	sld [smem:$0x3F8C];
	_ =	swait.ge [sflag:s4], $0x0  }
0x19: {  	s7 =	sld [smem:$0x3F8D]  }
0x1a: {  	s8 =	sadd.s32 $0xFFFFE003, lr  }
0x1b: {  	s9 =	sadd.s32 $0xFFFFFEF7, lr;
	s5 =	simm.s32 $0xFFFFFFFF;
	p2 =	slt.u32 s8, $0xFFFFF086  }
0x1c: {  	p1 =	slt.u32 s9, $0xF7A;
	s5 =	simm.s32 @!p2 $0x0  }
0x1d: {  	s5 =	simm.s32 @p1 $0x1;
	p0 =	seq.s32 s7, s2  }
0x1e: {  	s7 =	smul.u32 @!p0 $0xF7A, s2;
	p2 =	seq.s32 @!p0 s5, $0x0  }
0x1f: {  	s9 =	smul.u32 $0xF7A, s1;
	s8 =	simm.s32 @!p0 $0x1BF5;
	p2 =	por !p2, p0  }
0x20: {  	[sflag:s8] =	ssyncset.s32 @!p0 $0xFFFFF086;
	s6 =	sadd.s32 @!p0 s3, s7;
	s7 =	simm.s32 @!p0 $0x108  }
0x21: {  	s3 =	sadd.s32 s3, s9;
	s6 =	sadd.s32 @!p0 $0x88, s6;
	s7 =	simm.s32 @p2 $0x1082  }
0x22: {  	[simem:s7], [sflag:s8] =	dma.local @!p0 [hbm:s6], $0xF7A  }
0x23: {  	s9 =	sor.u32 $0xD0000000, s2;
	s6 =	simm.s32 $0x108;
	_ =	swait.ge @!p0 [sflag:s8], $0x0  }
0x24: {  	s3 =	sadd.s32 $0x88, s3;
	s6 =	simm.s32 @!p1 $0x1082;
	[sflag:s4] =	ssyncset.s32 $0xFFFFF086  }
0x25: {  	[simem:s6], [sflag:s4] =	dma.local [hbm:s3], $0xF7A  }
0x26: {  	[smem:$0x3F8D] =	sst s1;
	(tag) =	ssettag s2;
	_ =	strace s9  }
0x27: {  	s1 =	sld [smem:$0x3F9D]  }
0x28: {  	s2 =	sld [smem:$0x3F9E]  }
0x29: {  	s4 =	sld [smem:$0x3FA0]  }
0x2a: {  	p0 =	seq.s32 s5, $0x0;
	s5 =	sld [smem:$0x3FA1]  }
0x2b: {  	s6 =	sld [smem:$0x3FA2]  }
0x2c: {  	s7 =	sld [smem:$0x3FA3]  }
0x2d: {  	s3 =	simm.s32 $0x108;
	s8 =	sld [smem:$0x3FA4]  }
0x2e: {  	s3 =	simm.s32 @!p0 $0x1082;
	s9 =	sld [smem:$0x3FA5]  }
0x2f: {  	lr =	sadd.s32 s0, s3;
	s0 =	sld [smem:$0x3F9C]  }
0x30: {  	s3 =	sld [smem:$0x3F9F]  }
0x31: {  	[smem:$0x3FA8] =	sst s10  }
0x32: {  	s10 =	sld [smem:$0x3FA6];
	_ =	sdelay $0x3  }
0x33: {  	p0 =	seq.s32 s10, $0x1;
	s10 =	sld [smem:$0x3FA8];
	_ =	sdelay $0x3  }
0x34: {  	[smem:$0x3FA8] =	sst s10  }
0x35: {  	s10 =	sld [smem:$0x3FA7];
	_ =	sdelay $0x3  }
0x36: {  	p1 =	seq.s32 s10, $0x1;
	s10 =	sld [smem:$0x3FA8];
	_ =	sdelay $0x3  }
0x37: {  	[smem:$0x3FA8] =	sst s10  }
0x38: {  	s10 =	sld [smem:$0x3FA9]  }
0x39: {  	_ = 	snop;
	(pc) =	sbr.ind lr, $3  }
0x3a: {  	_ = 	snop  }
0x3b: {  	_ = 	snop  }
0x3c: {  	p2 =	seq.s32 s10, $0x1;
	s10 =	sld [smem:$0x3FA8]  }
0x3d: {  	_ =	shalt  }
0x3e: {  	_ =	shalt  }
0x3f: {  	_ =	shalt  }
0x40: {  	_ =	shalt  }
0x41: {  	_ =	shalt  }
0x42: {  	_ =	shalt  }
0x43: {  	_ =	shalt  }
0x44: {  	_ =	shalt  }
0x45: {  	_ =	shalt  }
0x46: {  	_ =	shalt  }
0x47: {  	_ =	shalt  }
0x48: {  	_ =	shalt  }
0x49: {  	_ =	shalt  }
0x4a: {  	_ =	shalt  }
0x4b: {  	_ =	shalt  }
0x4c: {  	_ =	shalt  }
0x4d: {  	_ =	shalt  }
0x4e: {  	_ =	shalt  }
0x4f: {  	_ =	shalt  }
0x50: {  	_ =	shalt  }
0x51: {  	_ =	shalt  }
0x52: {  	_ =	shalt  }
0x53: {  	_ =	shalt  }
0x54: {  	_ =	shalt  }
0x55: {  	_ =	shalt  }
0x56: {  	_ =	shalt  }
0x57: {  	_ =	shalt  }
0x58: {  	_ =	shalt  }
0x59: {  	_ =	shalt  }
0x5a: {  	_ =	shalt  }
0x5b: {  	_ =	shalt  }
0x5c: {  	_ =	shalt  }
0x5d: {  	_ =	shalt  }
0x5e: {  	_ =	shalt  }
0x5f: {  	_ =	shalt  }
0x60: {  	_ =	shalt  }
0x61: {  	_ =	shalt  }
0x62: {  	_ =	shalt  }
0x63: {  	_ =	shalt  }
0x64: {  	_ =	shalt  }
0x65: {  	_ =	shalt  }
0x66: {  	_ =	shalt  }
0x67: {  	_ =	shalt  }
0x68: {  	_ =	shalt  }
0x69: {  	_ =	shalt  }
0x6a: {  	_ =	shalt  }
0x6b: {  	_ =	shalt  }
0x6c: {  	_ =	shalt  }
0x6d: {  	_ =	shalt  }
0x6e: {  	_ =	shalt  }
0x6f: {  	_ =	shalt  }
0x70: {  	_ =	shalt  }
0x71: {  	_ =	shalt  }
0x72: {  	_ =	shalt  }
0x73: {  	_ =	shalt  }
0x74: {  	_ =	shalt  }
0x75: {  	_ =	shalt  }
0x76: {  	_ =	shalt  }
0x77: {  	_ =	shalt  }
0x78: {  	_ =	shalt  }
0x79: {  	_ =	shalt  }
0x7a: {  	_ =	shalt  }
0x7b: {  	_ =	shalt  }
0x7c: {  	_ =	shalt  }
0x7d: {  	_ =	shalt  }
0x7e: {  	_ =	shalt  }
0x7f: {  	_ =	shalt  }
0x80: {  	_ =	shalt  }
0x81: {  	_ =	shalt  }
0x82: {  	_ =	shalt  }
0x83: {  	_ =	shalt  }
0x84: {  	_ =	shalt  }
0x85: {  	_ =	shalt  }
0x86: {  	_ =	shalt  }
0x87: {  	_ =	shalt  }
.Lfunc_end0:
.L_simem_size_0:
called_computation.3_lowered:
.L_overlay_start_0:
0x88: {  	s2 =	sld [smem:$0x3FD9]  }
0x89: {  	s3 =	sld [smem:$0x3FFE];
	_ =	sdelay $0x1  }
0x8a: {  	s1 =	srdreg.scid  }
0x8b: {  	s0 =	sand.u32 $0x1, s1  }
0x8c: {  	s16 =	sshll.u32 s0, $0xA;
	s2 =	sadd.s32 s3, s2  }
0x8d: {  	s2 =	sadd.s32 s2, s16  }
0x8e: {  	[smem:$0x3FB4] =	sst s2  }
0x8f: {  	_ = 	snop  }
0x90: {  	(tm) =	ssettm $0x1  }
0x91: {  	s17 =	sld [smem:$0x3FFB];
	_ =	sdelay $0x3  }
0x92: {  	_ =	strace s17  }
0x93: {  	s2 =	sld [smem:$0x3FFC];
	_ =	sdelay $0x3  }
0x94: {  	_ =	strace s2  }
0x95: {  	s2 =	sld [smem:$0x3FFD];
	_ =	sdelay $0x3  }
0x96: {  	_ =	strace s2  }
0x97: {  	_ =	strace $0x8FFFFFFF  }
0x98: {  	s18 =	sld [smem:$0x3FDB];
	_ =	sdelay $0x1  }
0x99: {  	s19 =	simm.s32 $_scs_section_size  }
0x9a: {  	s4 =	simm.s32 $_size__tile_overlayer_lowered;
	s5 =	simm.s32 $_tile_overlayer_lowered  }
0x9b: {  	s22 =	simm.s32 $0x1BFF;
	s21 =	sshll.u32 s5, $0x1;
	s2 =	sadd.s32 s19, s18  }
0x9c: {  	s6 =	simm.s32 $0x0;
	s20 =	sshll.u32 s4, $0x1;
	s4 =	sadd.s32 s21, s2  }
0x9d: {  	[timem:s6], [sflag:s22] =	dma.local [hbm:s4], s20  }
0x9e: {  	_ =	swait.ge [sflag:s22], s20  }
0x9f: {  	s3 =	ssub.s32 $0x0, s20;
	[sflag:s22] =	ssyncset.done $0x0  }
0xa0: {  	[sflag:s22] =	ssyncadd.s32 s3;
	_ =	sdelay $0x1  }
0xa1: {  	s23 =	simm.s32 $0x1B8B  }
0xa2: {  	_ =	swait.ge [sflag:s23], $0x1  }
0xa3: {  	[sflag:s23] =	ssyncset.done $0x0  }
0xa4: {  	s25 =	simm.s32 $0x1B8E;
	s24 =	sld [smem:$0x3FFE];
	[sflag:s23] =	ssyncadd.s32 $0xFFFFFFFF  }
0xa5: {  	s26 =	simm.s32 $execute0_lowered;
	[smem:$0x3FD2] =	sst s25  }
0xa6: {  	s4 =	sshll.u32 s26, $0x1;
	_ =	strace $0x8000004F;
	[dreg:$0x1] =	wrdreg $0xFFFFFFFF  }
0xa7: {  	s28 =	simm.s32 $_size_execute0_lowered;
	s2 =	sadd.s32 s2, s4;
	[dreg:$0x0] =	wrdreg $0x0  }
0xa8: {  	s4 =	sshll.u32 s28, $0x1;
	[dreg:$0x2] =	wrdreg s2  }
0xa9: {  	[dreg:$0x3] =	wrdreg s4  }
0xaa: {  	[dreg:$0x4] =	wrdreg $0xC0  }
0xab: {  	_ =	task [dreg:s6], $0x5FFFF  }
0xac: {  	[dreg:$0x1] =	wrdreg $0xFFFFFFFF  }
0xad: {  	[dreg:$0x0] =	wrdreg $0x60  }
0xae: {  	[dreg:$0x2] =	wrdreg s24  }
0xaf: {  	[dreg:$0x3] =	wrdreg $0x60000  }
0xb0: {  	[dreg:$0x4] =	wrdreg $0x9  }
0xb1: {  	_ =	task.clear_ibuf [dreg:s6], $0x5FFFF;
	_ =	strace $0x9000004F  }
0xb2: {  	s29 =	simm.s32 $0x9;
	_ =	strace $0x80000051  }
0xb3: {  	_ =	swait.ge [sflag:s29], $0x1  }
0xb4: {  	[sflag:s29] =	ssyncadd.s32 $0xFFFFFFFF  }
0xb5: {  	_ =	strace $0x90000051  }
0xb6: {  	_ =	sfence  }
0xb7: {  	s30 =	sld [smem:$0x0];
	_ =	sdelay $0x2  }
0xb8: {  	s31 =	sshll.u32 s1, $0xD;
	s1 =	sshrl.u32 s1, $0x2  }
0xb9: {  	s3 =	sand.u32 $0x4000, s31;
	s1 =	sadd.s32 s1, s30  }
0xba: {  	s0 =	sor.u32 s3, s0;
	s1 =	sshll.u32 s1, $0x11  }
0xbb: {  	s0 =	sor.u32 s1, s0  }
0xbc: {  	s0 =	sadd.s32 $0x8F2B, s0  }
0xbd: {  	[sflag:s0] =	ssyncadd.remote.s32 $0x1  }
0xbe: {  	_ =	sfence.sel $0xFFFF  }
0xbf: {  	[dreg:$0x0] =	wrdreg $0xFFFFFFFF;
	(pc) =	sbr.abs _section_cstart, $3  }
0xc0: {  	[dreg:$0x1] =	wrdreg $0xFFFFFFFF  }
0xc1: {  	_ =	task.clear_ibuf [dreg:s6], $0x2FFFF;
	_ =	strace $0x9FFFFFFF  }
0xc2: {  	(tm) =	ssettm $0x7FFFFFFF  }
0xc3: {  	_ =	shalt  }
tec
execute0_lowered:
.L_overlay_start_1:
0x0: {  	(tag) =	ssettag $0x1  }
0x1: {  	s0 =	rddreg [dreg:$0x0]  }
0x2: {  	s2 =	rddreg [dreg:$0x1]  }
0x3: {  	s11 =	simm.s32 $0x0;
	s3 =	stileid.u32;
	s5 =	srdreg.scid  }
0x4: {  	s13 =	simm.s32 $0x11;
	s14 =	simm.s32 $0x1000;
	s15 =	simm.s32 $0x80  }
0x5: {  	s16 =	simm.s32 $0x2000;
	s17 =	simm.s32 $0x2800;
	s18 =	simm.s32 $0x3000  }
0x6: {  	s19 =	simm.s32 $0x3800;
	s20 =	simm.s32 $0x4000;
	s21 =	simm.s32 $0x4800  }
0x7: {  	s22 =	simm.s32 $0x5000;
	s28 =	simm.s32 $0x4;
	s29 =	simm.s32 $0x5  }
0x8: {  	s30 =	simm.s32 $0x6;
	s31 =	simm.s32 $0x7;
	[smem:$0x7FF] =	sst s11  }
0x9: {  	s1 =	smul.u32 $0x18800, s3;
	s4 =	sadd.s32 $0x68000, s0;
	s5 =	sand.u32 $0x1, s5  }
0xa: {  	s6 =	smul.u32 $0x31000, s3;
	s25 =	sshll.u32 s3, $0x6;
	_ =	strace $0x80000050  }
0xb: {  	s8 =	smul.u32 $0x32000, s5;
	s9 =	sshll.u32 s5, $0x4;
	s23 =	ssub.s32 $0x2, s5  }
0xc: {  	s5 =	sadd.s32 $0x5000, s0;
	s7 =	sshrl.u32 s1, $0x3;
	s6 =	sor.u32 s9, s6  }
0xd: {  	s10 =	sshrl.u32 s23, $0x1;
	s1 =	sadd.s32 s1, s2;
	s9 =	smul.u32 $0x19000, s3  }
0xe: {  	s7 =	sadd.s32 s7, s0;
	s8 =	sadd.s32 s8, s0;
	s6 =	sshrl.u32 s6, $0x3  }
0xf: {  	s24 =	ssub.s32 s23, s10;
	s3 =	sshrl.u32 s1, $0x3;
	s23 =	simm.s32 $0x5800  }
0x10: {  	s0 =	sadd.s32 s6, s0;
	s7 =	sadd.s32 $0x37000, s7;
	[dreg:$0x8] =	wrdreg s3  }
0x11: {  	s8 =	sadd.s32 $0x12C200, s8;
	s26 =	smax.u32 s24, $0x1;
	[dreg:$0x4] =	wrdreg s7  }
0x12: {  	s24 =	simm.s32 $0x1;
	s0 =	sadd.s32 $0xCA000, s0;
	[dreg:$0x7] =	wrdreg s26  }
0x13: {  	s7 =	sor.u32 $0x1C11, s25;
	s25 =	simm.s32 $0x2;
	[dreg:$0x6] =	wrdreg s0  }
0x14: {  	s26 =	simm.s32 $0x3;
	s0 =	simm.s32 $0x8;
	[dreg:$0x5] =	wrdreg s7  }
.LBB2_1:
0x15: {  	[dreg:$0x3] =	wrdreg s11  }
0x16: {  	s1 =	rddreg [dreg:$0x4]  }
0x17: {  	[spmem:s3], [sflag:s7] =	dma.local [hbm:s1], $0x3100  }
0x18: {  	_ =	swait.ge [sflag:s13], $0x3100  }
0x19: {  	[sflag:s13] =	ssyncset.done $0x0  }
0x1a: {  	[sflag:s13] =	ssyncadd.s32 $0xFFFFCF00  }
0x1b: {  	s1 =	simm.s32 $0x0;
	[bflag:$0x0] =	sbarrier.arrive $0xFFFF  }
.LBB2_2:
0x1c: {  	s6 =	sshll.u32 s1, $0xC  }
0x1d: {  	s6 =	sadd.s32 s9, s6  }
0x1e: {  	s6 =	sshrl.u32 s6, $0x3  }
0x1f: {  	s10 =	simm.s32 $0x0;
	s7 =	sadd.s32 s6, s8  }
0x20: {  	[tilespmem:s10], [sflag:$0x11] =	stream.linear.gather [hbm4b:s7+s10], $0x1000, $0x38;
	[tilespmem:$0x1E800] =	vst v63  }
0x21: {  	_ =	swait.ge [sflag:s13], $0x1000  }
0x22: {  	[sflag:s13] =	ssyncset.done $0x0  }
0x23: {  	s6 =	sadd.s32 s5, s6;
	[sflag:s13] =	ssyncadd.s32 $0xFFFFF000  }
0x24: {  	[tilespmem:s14], [sflag:$0x11] =	stream.linear.gather [hbm4b:s6+s10], $0x1000, $0x38;
	[tilespmem:$0x1E800] =	vst v63  }
0x25: {  	s11 =	sor.u32 s1, s10;
	_ =	swait.ge [sflag:s13], $0x1000  }
0x26: {  	p0 =	seq.s32 s11, $0x0;
	[sflag:s13] =	ssyncset.done $0x0  }
0x27: {  	s6 =	simm.s32 @!p0 $0x9;
	[sflag:s13] =	ssyncadd.s32 $0xFFFFF000  }
0x28: {  	_ =	swait.ge @!p0 [sflag:s6], $0x800  }
0x29: {  	[sflag:s6] =	ssyncset.done @!p0 $0x0  }
0x2a: {  	[sflag:s6] =	ssyncadd.s32 @!p0 $0xFFFFF800;
	s6 =	simm.s32 @!p0 $0xA  }
0x2b: {  	_ =	swait.ge @!p0 [sflag:s6], $0x800  }
0x2c: {  	[sflag:s6] =	ssyncset.done @!p0 $0x0  }
0x2d: {  	[sflag:s6] =	ssyncadd.s32 @!p0 $0xFFFFF800;
	s6 =	simm.s32 @!p0 $0xB  }
0x2e: {  	_ =	swait.ge @!p0 [sflag:s6], $0x800  }
0x2f: {  	[sflag:s6] =	ssyncset.done @!p0 $0x0  }
0x30: {  	[sflag:s6] =	ssyncadd.s32 @!p0 $0xFFFFF800;
	s6 =	simm.s32 @!p0 $0xC  }
0x31: {  	_ =	swait.ge @!p0 [sflag:s6], $0x800  }
0x32: {  	[sflag:s6] =	ssyncset.done @!p0 $0x0  }
0x33: {  	[sflag:s6] =	ssyncadd.s32 @!p0 $0xFFFFF800;
	s6 =	simm.s32 @!p0 $0xD  }
0x34: {  	_ =	swait.ge @!p0 [sflag:s6], $0x800  }
0x35: {  	[sflag:s6] =	ssyncset.done @!p0 $0x0  }
0x36: {  	[sflag:s6] =	ssyncadd.s32 @!p0 $0xFFFFF800;
	s6 =	simm.s32 @!p0 $0xE  }
0x37: {  	_ =	swait.ge @!p0 [sflag:s6], $0x800  }
0x38: {  	[sflag:s6] =	ssyncset.done @!p0 $0x0  }
0x39: {  	[sflag:s6] =	ssyncadd.s32 @!p0 $0xFFFFF800;
	s6 =	simm.s32 @!p0 $0xF  }
0x3a: {  	_ =	swait.ge @!p0 [sflag:s6], $0x800  }
0x3b: {  	[sflag:s6] =	ssyncset.done @!p0 $0x0  }
0x3c: {  	[sflag:s6] =	ssyncadd.s32 @!p0 $0xFFFFF800;
	s6 =	simm.s32 @!p0 $0x10  }
0x3d: {  	_ =	swait.ge @!p0 [sflag:s6], $0x800  }
0x3e: {  	[sflag:s6] =	ssyncset.done @!p0 $0x0  }
0x3f: {  	s12 =	simm.s32 $0x0;
	[sflag:s6] =	ssyncadd.s32 @!p0 $0xFFFFF800  }
0x40: {  	[tilespmem:s16], [sflag:$0x1] =	stream.indirect.gather [hbm4b:s4+s15], $0x10, s12, s15, $0xb8;
	[tilespmem:$0x1E800] =	vst v63  }
0x41: {  	s3 =	simm.s32 $0x80  }
0x42: {  	[tilespmem:s17], [sflag:$0x2] =	stream.indirect.gather [hbm4b:s4+s15], $0x10, s3, s15, $0xb8;
	[tilespmem:$0x1E800] =	vst v63  }
0x43: {  	s7 =	simm.s32 $0x100  }
0x44: {  	[tilespmem:s18], [sflag:$0x3] =	stream.indirect.gather [hbm4b:s4+s15], $0x10, s7, s15, $0xb8;
	[tilespmem:$0x1E800] =	vst v63  }
0x45: {  	s10 =	simm.s32 $0x180  }
0x46: {  	[tilespmem:s19], [sflag:$0x4] =	stream.indirect.gather [hbm4b:s4+s15], $0x10, s10, s15, $0xb8;
	[tilespmem:$0x1E800] =	vst v63  }
0x47: {  	s11 =	simm.s32 $0x200  }
0x48: {  	[tilespmem:s20], [sflag:$0x5] =	stream.indirect.gather [hbm4b:s4+s15], $0x10, s11, s15, $0xb8;
	[tilespmem:$0x1E800] =	vst v63  }
0x49: {  	s12 =	simm.s32 $0x280  }
0x4a: {  	[tilespmem:s21], [sflag:$0x6] =	stream.indirect.gather [hbm4b:s4+s15], $0x10, s12, s15, $0xb8;
	[tilespmem:$0x1E800] =	vst v63  }
0x4b: {  	s3 =	simm.s32 $0x300  }
0x4c: {  	[tilespmem:s22], [sflag:$0x7] =	stream.indirect.gather [hbm4b:s4+s15], $0x10, s3, s15, $0xb8;
	[tilespmem:$0x1E800] =	vst v63  }
0x4d: {  	s7 =	simm.s32 $0x380  }
0x4e: {  	[tilespmem:s23], [sflag:$0x8] =	stream.indirect.gather [hbm4b:s4+s15], $0x10, s7, s15, $0xb8;
	[tilespmem:$0x1E800] =	vst v63  }
0x4f: {  	_ =	swait.ge [sflag:s24], $0x800  }
0x50: {  	[sflag:s24] =	ssyncset.done $0x0  }
0x51: {  	s10 =	simm.s32 $0x1000;
	[sflag:s24] =	ssyncadd.s32 $0xFFFFF800  }
0x52: {  	[spmem:s2] =	stream.indirect.scatter.add.f32 [tilespmem:s16], [sflag:$0x9], $0x10, s10, s15, $0xb8;
	[tilespmem:$0x1E800] =	vst v63  }
0x53: {  	_ =	swait.ge [sflag:s25], $0x800  }
0x54: {  	[sflag:s25] =	ssyncset.done $0x0  }
0x55: {  	s11 =	simm.s32 $0x1080;
	[sflag:s25] =	ssyncadd.s32 $0xFFFFF800  }
0x56: {  	[spmem:s2] =	stream.indirect.scatter.add.f32 [tilespmem:s17], [sflag:$0xA], $0x10, s11, s15, $0xb8;
	[tilespmem:$0x1E800] =	vst v63  }
0x57: {  	_ =	swait.ge [sflag:s26], $0x800  }
0x58: {  	[sflag:s26] =	ssyncset.done $0x0  }
0x59: {  	s12 =	simm.s32 $0x1100;
	[sflag:s26] =	ssyncadd.s32 $0xFFFFF800  }
0x5a: {  	[spmem:s2] =	stream.indirect.scatter.add.f32 [tilespmem:s18], [sflag:$0xB], $0x10, s12, s15, $0xb8;
	[tilespmem:$0x1E800] =	vst v63  }
0x5b: {  	_ =	swait.ge [sflag:s28], $0x800  }
0x5c: {  	[sflag:s28] =	ssyncset.done $0x0  }
0x5d: {  	s3 =	simm.s32 $0x1180;
	[sflag:s28] =	ssyncadd.s32 $0xFFFFF800  }
0x5e: {  	[spmem:s2] =	stream.indirect.scatter.add.f32 [tilespmem:s19], [sflag:$0xC], $0x10, s3, s15, $0xb8;
	[tilespmem:$0x1E800] =	vst v63  }
0x5f: {  	_ =	swait.ge [sflag:s29], $0x800  }
0x60: {  	[sflag:s29] =	ssyncset.done $0x0  }
0x61: {  	s7 =	simm.s32 $0x1200;
	[sflag:s29] =	ssyncadd.s32 $0xFFFFF800  }
0x62: {  	[spmem:s2] =	stream.indirect.scatter.add.f32 [tilespmem:s20], [sflag:$0xD], $0x10, s7, s15, $0xb8;
	[tilespmem:$0x1E800] =	vst v63  }
0x63: {  	_ =	swait.ge [sflag:s30], $0x800  }
0x64: {  	[sflag:s30] =	ssyncset.done $0x0  }
0x65: {  	s10 =	simm.s32 $0x1280;
	[sflag:s30] =	ssyncadd.s32 $0xFFFFF800  }
0x66: {  	[spmem:s2] =	stream.indirect.scatter.add.f32 [tilespmem:s21], [sflag:$0xE], $0x10, s10, s15, $0xb8;
	[tilespmem:$0x1E800] =	vst v63  }
0x67: {  	_ =	swait.ge [sflag:s31], $0x800  }
0x68: {  	s6 =	simm.s32 $0x1000;
	[sflag:s31] =	ssyncset.done $0x0  }
0x69: {  	s11 =	simm.s32 $0x1300;
	s10 =	simm.s32 $0x1;
	[sflag:s31] =	ssyncadd.s32 $0xFFFFF800  }
0x6a: {  	[spmem:s2] =	stream.indirect.scatter.add.f32 [tilespmem:s22], [sflag:$0xF], $0x10, s11, s15, $0xb8;
	[tilespmem:$0x1E800] =	vst v63  }
0x6b: {  	s7 =	simm.s32 $0x1380;
	s12 =	sor.u32 s1, s10;
	_ =	swait.ge [sflag:s0], $0x800  }
0x6c: {  	p1 =	seq.s32 s12, $0x0;
	s11 =	simm.s32 $0x2000;
	[sflag:s0] =	ssyncset.done $0x0  }
.LBB2_3:
0x6d: {  	s12 =	simm.s32 @!p1 $0x9  }
0x6e: {  	[sflag:s0] =	ssyncadd.s32 $0xFFFFF800;
	s3 =	smov.u32 s11;
	s11 =	sadd.s32 $0x1000, s11  }
0x6f: {  	[spmem:s2] =	stream.indirect.scatter.add.f32 [tilespmem:s23], [sflag:$0x10], $0x10, s7, s15, $0xb8;
	[tilespmem:$0x1E800] =	vst v63  }
0x70: {  	p0 =	sne.s32 s11, $0x4000;
	_ =	swait.ge @!p1 [sflag:s12], $0x800  }
0x71: {  	[sflag:s12] =	ssyncset.done @!p1 $0x0  }
0x72: {  	s7 =	simm.s32 @!p1 $0xA;
	[sflag:s12] =	ssyncadd.s32 @!p1 $0xFFFFF800  }
0x73: {  	_ =	swait.ge @!p1 [sflag:s7], $0x800  }
0x74: {  	[sflag:s7] =	ssyncset.done @!p1 $0x0  }
0x75: {  	[sflag:s7] =	ssyncadd.s32 @!p1 $0xFFFFF800;
	s7 =	simm.s32 @!p1 $0xB  }
0x76: {  	_ =	swait.ge @!p1 [sflag:s7], $0x800  }
0x77: {  	[sflag:s7] =	ssyncset.done @!p1 $0x0  }
0x78: {  	[sflag:s7] =	ssyncadd.s32 @!p1 $0xFFFFF800;
	s7 =	simm.s32 @!p1 $0xC  }
0x79: {  	_ =	swait.ge @!p1 [sflag:s7], $0x800  }
0x7a: {  	[sflag:s7] =	ssyncset.done @!p1 $0x0  }
0x7b: {  	[sflag:s7] =	ssyncadd.s32 @!p1 $0xFFFFF800;
	s7 =	simm.s32 @!p1 $0xD  }
0x7c: {  	_ =	swait.ge @!p1 [sflag:s7], $0x800  }
0x7d: {  	[sflag:s7] =	ssyncset.done @!p1 $0x0  }
0x7e: {  	[sflag:s7] =	ssyncadd.s32 @!p1 $0xFFFFF800;
	s7 =	simm.s32 @!p1 $0xE  }
0x7f: {  	_ =	swait.ge @!p1 [sflag:s7], $0x800  }
0x80: {  	[sflag:s7] =	ssyncset.done @!p1 $0x0  }
0x81: {  	[sflag:s7] =	ssyncadd.s32 @!p1 $0xFFFFF800;
	s7 =	simm.s32 @!p1 $0xF  }
0x82: {  	_ =	swait.ge @!p1 [sflag:s7], $0x800  }
0x83: {  	[sflag:s7] =	ssyncset.done @!p1 $0x0  }
0x84: {  	[sflag:s7] =	ssyncadd.s32 @!p1 $0xFFFFF800;
	s7 =	simm.s32 @!p1 $0x10  }
0x85: {  	_ =	swait.ge @!p1 [sflag:s7], $0x800  }
0x86: {  	[sflag:s7] =	ssyncset.done @!p1 $0x0  }
0x87: {  	[sflag:s7] =	ssyncadd.s32 @!p1 $0xFFFFF800;
	s7 =	sshra.s32 s6, $0x2;
	s6 =	smov.u32 s3  }
0x88: {  	[tilespmem:s16], [sflag:$0x1] =	stream.indirect.gather [hbm4b:s4+s15], $0x10, s7, s15, $0xb8;
	[tilespmem:$0x1E800] =	vst v63  }
0x89: {  	s3 =	sadd.s32 $0x80, s7  }
0x8a: {  	[tilespmem:s17], [sflag:$0x2] =	stream.indirect.gather [hbm4b:s4+s15], $0x10, s3, s15, $0xb8;
	[tilespmem:$0x1E800] =	vst v63  }
0x8b: {  	s3 =	sadd.s32 $0x100, s7  }
0x8c: {  	[tilespmem:s18], [sflag:$0x3] =	stream.indirect.gather [hbm4b:s4+s15], $0x10, s3, s15, $0xb8;
	[tilespmem:$0x1E800] =	vst v63  }
0x8d: {  	s3 =	sadd.s32 $0x180, s7  }
0x8e: {  	[tilespmem:s19], [sflag:$0x4] =	stream.indirect.gather [hbm4b:s4+s15], $0x10, s3, s15, $0xb8;
	[tilespmem:$0x1E800] =	vst v63  }
0x8f: {  	s3 =	sadd.s32 $0x200, s7  }
0x90: {  	[tilespmem:s20], [sflag:$0x5] =	stream.indirect.gather [hbm4b:s4+s15], $0x10, s3, s15, $0xb8;
	[tilespmem:$0x1E800] =	vst v63  }
0x91: {  	s3 =	sadd.s32 $0x280, s7  }
0x92: {  	[tilespmem:s21], [sflag:$0x6] =	stream.indirect.gather [hbm4b:s4+s15], $0x10, s3, s15, $0xb8;
	[tilespmem:$0x1E800] =	vst v63  }
0x93: {  	s3 =	sadd.s32 $0x300, s7  }
0x94: {  	[tilespmem:s22], [sflag:$0x7] =	stream.indirect.gather [hbm4b:s4+s15], $0x10, s3, s15, $0xb8;
	[tilespmem:$0x1E800] =	vst v63  }
0x95: {  	s3 =	sadd.s32 $0x380, s7  }
0x96: {  	[tilespmem:s23], [sflag:$0x8] =	stream.indirect.gather [hbm4b:s4+s15], $0x10, s3, s15, $0xb8;
	[tilespmem:$0x1E800] =	vst v63  }
0x97: {  	_ =	swait.ge [sflag:s24], $0x800  }
0x98: {  	[sflag:s24] =	ssyncset.done $0x0  }
0x99: {  	s3 =	sadd.s32 $0x1000, s7;
	[sflag:s24] =	ssyncadd.s32 $0xFFFFF800  }
0x9a: {  	[spmem:s2] =	stream.indirect.scatter.add.f32 [tilespmem:s16], [sflag:$0x9], $0x10, s3, s15, $0xb8;
	[tilespmem:$0x1E800] =	vst v63  }
0x9b: {  	_ =	swait.ge [sflag:s25], $0x800  }
0x9c: {  	[sflag:s25] =	ssyncset.done $0x0  }
0x9d: {  	s3 =	sadd.s32 $0x1080, s7;
	[sflag:s25] =	ssyncadd.s32 $0xFFFFF800  }
0x9e: {  	[spmem:s2] =	stream.indirect.scatter.add.f32 [tilespmem:s17], [sflag:$0xA], $0x10, s3, s15, $0xb8;
	[tilespmem:$0x1E800] =	vst v63  }
0x9f: {  	_ =	swait.ge [sflag:s26], $0x800  }
0xa0: {  	[sflag:s26] =	ssyncset.done $0x0  }
0xa1: {  	s3 =	sadd.s32 $0x1100, s7;
	[sflag:s26] =	ssyncadd.s32 $0xFFFFF800  }
0xa2: {  	[spmem:s2] =	stream.indirect.scatter.add.f32 [tilespmem:s18], [sflag:$0xB], $0x10, s3, s15, $0xb8;
	[tilespmem:$0x1E800] =	vst v63  }
0xa3: {  	_ =	swait.ge [sflag:s28], $0x800  }
0xa4: {  	[sflag:s28] =	ssyncset.done $0x0  }
0xa5: {  	s3 =	sadd.s32 $0x1180, s7;
	[sflag:s28] =	ssyncadd.s32 $0xFFFFF800  }
0xa6: {  	[spmem:s2] =	stream.indirect.scatter.add.f32 [tilespmem:s19], [sflag:$0xC], $0x10, s3, s15, $0xb8;
	[tilespmem:$0x1E800] =	vst v63  }
0xa7: {  	_ =	swait.ge [sflag:s29], $0x800  }
0xa8: {  	[sflag:s29] =	ssyncset.done $0x0  }
0xa9: {  	s3 =	sadd.s32 $0x1200, s7;
	[sflag:s29] =	ssyncadd.s32 $0xFFFFF800  }
0xaa: {  	[spmem:s2] =	stream.indirect.scatter.add.f32 [tilespmem:s20], [sflag:$0xD], $0x10, s3, s15, $0xb8;
	[tilespmem:$0x1E800] =	vst v63  }
0xab: {  	_ =	swait.ge [sflag:s30], $0x800  }
0xac: {  	[sflag:s30] =	ssyncset.done $0x0  }
0xad: {  	s3 =	sadd.s32 $0x1280, s7;
	[sflag:s30] =	ssyncadd.s32 $0xFFFFF800  }
0xae: {  	[spmem:s2] =	stream.indirect.scatter.add.f32 [tilespmem:s21], [sflag:$0xE], $0x10, s3, s15, $0xb8;
	[tilespmem:$0x1E800] =	vst v63  }
0xaf: {  	_ =	swait.ge [sflag:s31], $0x800  }
.Ltmp0:
0xb0: {  	[sflag:s31] =	ssyncset.done $0x0;
	(pc) =	sbr.rel @p0 .LBB2_3-.Ltmp0, $4  }
0xb1: {  	s10 =	sadd.s32 $0x1, s10;
	s3 =	sadd.s32 $0x1300, s7;
	[sflag:s31] =	ssyncadd.s32 $0xFFFFF800  }
0xb2: {  	[spmem:s2] =	stream.indirect.scatter.add.f32 [tilespmem:s22], [sflag:$0xF], $0x10, s3, s15, $0xb8;
	[tilespmem:$0x1E800] =	vst v63  }
0xb3: {  	s3 =	sor.u32 s1, s10;
	_ =	swait.ge [sflag:s0], $0x800  }
0xb4: {  	s7 =	sadd.s32 $0x1380, s7;
	p1 =	seq.s32 s3, $0x0;
	[sflag:s0] =	ssyncset.done $0x0  }
0xb5: {  	s3 =	simm.s32 @!p1 $0x9;
	[sflag:s0] =	ssyncadd.s32 $0xFFFFF800  }
0xb6: {  	[spmem:s2] =	stream.indirect.scatter.add.f32 [tilespmem:s23], [sflag:$0x10], $0x10, s7, s15, $0xb8;
	[tilespmem:$0x1E800] =	vst v63  }
0xb7: {  	_ =	swait.ge @!p1 [sflag:s3], $0x800  }
0xb8: {  	[sflag:s3] =	ssyncset.done @!p1 $0x0  }
0xb9: {  	[sflag:s3] =	ssyncadd.s32 @!p1 $0xFFFFF800;
	s3 =	simm.s32 @!p1 $0xA  }
0xba: {  	_ =	swait.ge @!p1 [sflag:s3], $0x800  }
0xbb: {  	[sflag:s3] =	ssyncset.done @!p1 $0x0  }
0xbc: {  	[sflag:s3] =	ssyncadd.s32 @!p1 $0xFFFFF800;
	s3 =	simm.s32 @!p1 $0xB  }
0xbd: {  	_ =	swait.ge @!p1 [sflag:s3], $0x800  }
0xbe: {  	[sflag:s3] =	ssyncset.done @!p1 $0x0  }
0xbf: {  	[sflag:s3] =	ssyncadd.s32 @!p1 $0xFFFFF800;
	s3 =	simm.s32 @!p1 $0xC  }
0xc0: {  	_ =	swait.ge @!p1 [sflag:s3], $0x800  }
0xc1: {  	[sflag:s3] =	ssyncset.done @!p1 $0x0  }
0xc2: {  	[sflag:s3] =	ssyncadd.s32 @!p1 $0xFFFFF800;
	s3 =	simm.s32 @!p1 $0xD  }
0xc3: {  	_ =	swait.ge @!p1 [sflag:s3], $0x800  }
0xc4: {  	[sflag:s3] =	ssyncset.done @!p1 $0x0  }
0xc5: {  	[sflag:s3] =	ssyncadd.s32 @!p1 $0xFFFFF800;
	s3 =	simm.s32 @!p1 $0xE  }
0xc6: {  	_ =	swait.ge @!p1 [sflag:s3], $0x800  }
0xc7: {  	[sflag:s3] =	ssyncset.done @!p1 $0x0  }
0xc8: {  	[sflag:s3] =	ssyncadd.s32 @!p1 $0xFFFFF800;
	s3 =	simm.s32 @!p1 $0xF  }
0xc9: {  	_ =	swait.ge @!p1 [sflag:s3], $0x800  }
0xca: {  	[sflag:s3] =	ssyncset.done @!p1 $0x0  }
0xcb: {  	[sflag:s3] =	ssyncadd.s32 @!p1 $0xFFFFF800;
	s3 =	simm.s32 @!p1 $0x10  }
0xcc: {  	_ =	swait.ge @!p1 [sflag:s3], $0x800  }
0xcd: {  	[sflag:s3] =	ssyncset.done @!p1 $0x0  }
0xce: {  	[sflag:s3] =	ssyncadd.s32 @!p1 $0xFFFFF800;
	s3 =	sshra.s32 s6, $0x2  }
0xcf: {  	[tilespmem:s16], [sflag:$0x1] =	stream.indirect.gather [hbm4b:s4+s15], $0x10, s3, s15, $0xb8;
	[tilespmem:$0x1E800] =	vst v63  }
0xd0: {  	s6 =	sadd.s32 $0x80, s3  }
0xd1: {  	[tilespmem:s17], [sflag:$0x2] =	stream.indirect.gather [hbm4b:s4+s15], $0x10, s6, s15, $0xb8;
	[tilespmem:$0x1E800] =	vst v63  }
0xd2: {  	s12 =	sadd.s32 $0x100, s3  }
0xd3: {  	[tilespmem:s18], [sflag:$0x3] =	stream.indirect.gather [hbm4b:s4+s15], $0x10, s12, s15, $0xb8;
	[tilespmem:$0x1E800] =	vst v63  }
0xd4: {  	s7 =	sadd.s32 $0x180, s3  }
0xd5: {  	[tilespmem:s19], [sflag:$0x4] =	stream.indirect.gather [hbm4b:s4+s15], $0x10, s7, s15, $0xb8;
	[tilespmem:$0x1E800] =	vst v63  }
0xd6: {  	s10 =	sadd.s32 $0x200, s3  }
0xd7: {  	[tilespmem:s20], [sflag:$0x5] =	stream.indirect.gather [hbm4b:s4+s15], $0x10, s10, s15, $0xb8;
	[tilespmem:$0x1E800] =	vst v63  }
0xd8: {  	s11 =	sadd.s32 $0x280, s3  }
0xd9: {  	[tilespmem:s21], [sflag:$0x6] =	stream.indirect.gather [hbm4b:s4+s15], $0x10, s11, s15, $0xb8;
	[tilespmem:$0x1E800] =	vst v63  }
0xda: {  	s12 =	sadd.s32 $0x300, s3  }
0xdb: {  	[tilespmem:s22], [sflag:$0x7] =	stream.indirect.gather [hbm4b:s4+s15], $0x10, s12, s15, $0xb8;
	[tilespmem:$0x1E800] =	vst v63  }
0xdc: {  	s7 =	sadd.s32 $0x380, s3  }
0xdd: {  	[tilespmem:s23], [sflag:$0x8] =	stream.indirect.gather [hbm4b:s4+s15], $0x10, s7, s15, $0xb8;
	[tilespmem:$0x1E800] =	vst v63  }
0xde: {  	_ =	swait.ge [sflag:s24], $0x800  }
0xdf: {  	[sflag:s24] =	ssyncset.done $0x0  }
0xe0: {  	s10 =	sadd.s32 $0x1000, s3;
	[sflag:s24] =	ssyncadd.s32 $0xFFFFF800  }
0xe1: {  	[spmem:s2] =	stream.indirect.scatter.add.f32 [tilespmem:s16], [sflag:$0x9], $0x10, s10, s15, $0xb8;
	[tilespmem:$0x1E800] =	vst v63  }
0xe2: {  	_ =	swait.ge [sflag:s25], $0x800  }
0xe3: {  	[sflag:s25] =	ssyncset.done $0x0  }
0xe4: {  	s11 =	sadd.s32 $0x1080, s3;
	[sflag:s25] =	ssyncadd.s32 $0xFFFFF800  }
0xe5: {  	[spmem:s2] =	stream.indirect.scatter.add.f32 [tilespmem:s17], [sflag:$0xA], $0x10, s11, s15, $0xb8;
	[tilespmem:$0x1E800] =	vst v63  }
0xe6: {  	_ =	swait.ge [sflag:s26], $0x800  }
0xe7: {  	[sflag:s26] =	ssyncset.done $0x0  }
0xe8: {  	s12 =	sadd.s32 $0x1100, s3;
	[sflag:s26] =	ssyncadd.s32 $0xFFFFF800  }
0xe9: {  	[spmem:s2] =	stream.indirect.scatter.add.f32 [tilespmem:s18], [sflag:$0xB], $0x10, s12, s15, $0xb8;
	[tilespmem:$0x1E800] =	vst v63  }
0xea: {  	_ =	swait.ge [sflag:s28], $0x800  }
0xeb: {  	[sflag:s28] =	ssyncset.done $0x0  }
0xec: {  	s7 =	sadd.s32 $0x1180, s3;
	[sflag:s28] =	ssyncadd.s32 $0xFFFFF800  }
0xed: {  	[spmem:s2] =	stream.indirect.scatter.add.f32 [tilespmem:s19], [sflag:$0xC], $0x10, s7, s15, $0xb8;
	[tilespmem:$0x1E800] =	vst v63  }
0xee: {  	_ =	swait.ge [sflag:s29], $0x800  }
0xef: {  	[sflag:s29] =	ssyncset.done $0x0  }
0xf0: {  	s10 =	sadd.s32 $0x1200, s3;
	[sflag:s29] =	ssyncadd.s32 $0xFFFFF800  }
0xf1: {  	[spmem:s2] =	stream.indirect.scatter.add.f32 [tilespmem:s20], [sflag:$0xD], $0x10, s10, s15, $0xb8;
	[tilespmem:$0x1E800] =	vst v63  }
0xf2: {  	_ =	swait.ge [sflag:s30], $0x800  }
0xf3: {  	[sflag:s30] =	ssyncset.done $0x0  }
0xf4: {  	s11 =	sadd.s32 $0x1280, s3;
	[sflag:s30] =	ssyncadd.s32 $0xFFFFF800  }
0xf5: {  	[spmem:s2] =	stream.indirect.scatter.add.f32 [tilespmem:s21], [sflag:$0xE], $0x10, s11, s15, $0xb8;
	[tilespmem:$0x1E800] =	vst v63  }
0xf6: {  	_ =	swait.ge [sflag:s31], $0x800  }
0xf7: {  	s1 =	sadd.s32 $0x1, s1;
	[sflag:s31] =	ssyncset.done $0x0  }
0xf8: {  	p0 =	sne.s32 s1, $0x19;
	s12 =	sadd.s32 $0x1300, s3;
	[sflag:s31] =	ssyncadd.s32 $0xFFFFF800  }
0xf9: {  	[spmem:s2] =	stream.indirect.scatter.add.f32 [tilespmem:s22], [sflag:$0xF], $0x10, s12, s15, $0xb8;
	[tilespmem:$0x1E800] =	vst v63  }
.Ltmp1:
0xfa: {  	_ = 	snop;
	(pc) =	sbr.rel @p0 .LBB2_2-.Ltmp1, $4  }
0xfb: {  	_ =	swait.ge [sflag:s0], $0x800  }
0xfc: {  	[sflag:s0] =	ssyncset.done $0x0  }
0xfd: {  	s3 =	sadd.s32 $0x1380, s3;
	[sflag:s0] =	ssyncadd.s32 $0xFFFFF800  }
0xfe: {  	[spmem:s2] =	stream.indirect.scatter.add.f32 [tilespmem:s23], [sflag:$0x10], $0x10, s3, s15, $0xb8;
	[tilespmem:$0x1E800] =	vst v63  }
0xff: {  	s1 =	simm.s32 $0x9  }
0x100: {  	_ =	swait.ge [sflag:s1], $0x800  }
0x101: {  	[sflag:s1] =	ssyncset.done $0x0  }
0x102: {  	s10 =	simm.s32 $0xA;
	[sflag:s1] =	ssyncadd.s32 $0xFFFFF800  }
0x103: {  	_ =	swait.ge [sflag:s10], $0x800  }
0x104: {  	[sflag:s10] =	ssyncset.done $0x0  }
0x105: {  	s11 =	simm.s32 $0xB;
	[sflag:s10] =	ssyncadd.s32 $0xFFFFF800  }
0x106: {  	_ =	swait.ge [sflag:s11], $0x800  }
0x107: {  	[sflag:s11] =	ssyncset.done $0x0  }
0x108: {  	s12 =	simm.s32 $0xC;
	[sflag:s11] =	ssyncadd.s32 $0xFFFFF800  }
0x109: {  	_ =	swait.ge [sflag:s12], $0x800  }
0x10a: {  	[sflag:s12] =	ssyncset.done $0x0  }
0x10b: {  	s3 =	simm.s32 $0xD;
	[sflag:s12] =	ssyncadd.s32 $0xFFFFF800  }
0x10c: {  	_ =	swait.ge [sflag:s3], $0x800  }
0x10d: {  	[sflag:s3] =	ssyncset.done $0x0  }
0x10e: {  	s6 =	simm.s32 $0xE;
	[sflag:s3] =	ssyncadd.s32 $0xFFFFF800  }
0x10f: {  	_ =	swait.ge [sflag:s6], $0x800  }
0x110: {  	[sflag:s6] =	ssyncset.done $0x0  }
0x111: {  	s7 =	simm.s32 $0xF;
	[sflag:s6] =	ssyncadd.s32 $0xFFFFF800  }
0x112: {  	_ =	swait.ge [sflag:s7], $0x800  }
0x113: {  	[sflag:s7] =	ssyncset.done $0x0  }
0x114: {  	s10 =	simm.s32 $0x10;
	[sflag:s7] =	ssyncadd.s32 $0xFFFFF800  }
0x115: {  	_ =	swait.ge [sflag:s10], $0x800  }
0x116: {  	[sflag:s10] =	ssyncset.done $0x0  }
0x117: {  	[sflag:s10] =	ssyncadd.s32 $0xFFFFF800  }
0x118: {  	[bflag:$0x0] =	sbarrier.arrive $0xFFFF  }
0x119: {  	s7 =	rddreg [dreg:$0x5]  }
0x11a: {  	s11 =	rddreg [dreg:$0x6]  }
0x11b: {  	s3 =	rddreg [dreg:$0x8]  }
0x11c: {  	[hbm:s11@s28], [sflag:s7] =	dma.strided [spmem:s3@s25], $0x3100, s24, $0x2   }
0x11d: {  	_ =	swait.ge [sflag:s13], $0x3100  }
0x11e: {  	s11 =	rddreg [dreg:$0x3]  }
0x11f: {  	s12 =	rddreg [dreg:$0x7];
	s11 =	sadd.s32 $0x1, s11  }
0x120: {  	p0 =	sne.s32 s11, s12  }
.Ltmp2:
0x121: {  	_ = 	snop;
	(pc) =	sbr.rel @p0 .LBB2_1-.Ltmp2, $3  }
0x122: {  	_ =	sdelay $0x1  }
0x123: {  	[sflag:s13] =	ssyncset.done $0x0  }
0x124: {  	[sflag:s13] =	ssyncadd.s32 $0xFFFFCF00  }
0x125: {  	_ =	sfence.sel $0x180000  }
0x126: {  	[bflag:$0x0] =	sbarrier.arrive $0xFFFF  }
0x127: {  	_ =	strace $0x90000050  }
0x128: {  	s0 =	stileid.u32;
	[bflag:$0x2] =	sbarrier.arrive $0xFFFF  }
0x129: {  	p0 =	sne.s32 s0, $0x0;
	s0 =	rddreg [dreg:$0x2]  }
0x12a: {  	s0 =	sadd.s32 @!p0 $0x100000, s0  }
0x12b: {  	[sflag:s0] =	ssyncadd.tile.s32 @!p0 $0x1;
	_ =	shalt  }
.Lfunc_end2:
_tile_overlayer_lowered:
.L_overlay_start_2:
0x12c: {  	(tag) =	ssettag $0x2  }
0x12d: {  	s0 =	rddreg [dreg:$0x0];
	s2 =	stileid.u32  }
0x12e: {  	s1 =	rddreg [dreg:$0x1];
	p0 =	sne.s32 s2, $0x0  }
0x12f: {  	s3 =	rddreg [dreg:$0x2];
	[bflag:$0x3] =	sbarrier.arrive $0xFFFF;
	s2 =	simm.s32 @!p0 $0x1C11  }
0x130: {  	[timem:s3], [sflag:s2] =	dma.local @!p0 [hbm:s0], s1  }
0x131: {  	s0 =	simm.s32 @!p0 $0x11  }
0x132: {  	_ =	swait.ge @!p0 [sflag:s0], s1  }
0x133: {  	s1 =	ssub.s32 @!p0 $0x0, s1;
	[sflag:s0] =	ssyncset.done @!p0 $0x0  }
0x134: {  	[sflag:s0] =	ssyncadd.s32 @!p0 s1  }
0x135: {  	[bflag:$0x3] =	sbarrier.arrive $0xFFFF  }
0x136: {  	_ =	shalt  }

</sc_bundles>
